<compile_context>
chip_gen: v7x
topology: tpu7x:2x2x1
jax: 0.10.2.dev20260603
libtpu: 0.0.44.dev20260713+nightly
codegen_flags: <defaults>
</compile_context>

<pallas_src>
import functools

import jax
import jax.numpy as jnp
from jax import lax
from jax.experimental import pallas as pl
from jax.experimental.pallas import tpu as pltpu
from jax.experimental.pallas import tpu_sc as plsc

D = 64
SEQ = 200
BATCH = 4096
VOCAB = 1000000

NC = 2
NS = 16
NW = NC * NS
BPW = BATCH // NW
DT = D // 8
NBG = 4
LOOK = 3
NBS = 2

FCH = 384
NFCH = (VOCAB // 128) // 3
TAIL = VOCAB - NFCH * FCH
FPW_MAX = (NFCH + NW - 1) // NW


def _fmt_body(tokt_hbm, tail_hbm, s_hbm, tail_v, bi0, bi1, bo0, bo1,
              sr0, sr1, sw0, sw1):
    bin_ = [bi0, bi1]
    bout = [bo0, bo1]
    sem_r = [sr0, sr1]
    sem_w = [sw0, sw1]
    wid = lax.axis_index("s") * NC + lax.axis_index("c")

    @pl.when(wid == 0)
    def _():
        pltpu.sync_copy(tail_hbm, tail_v)
        pltpu.sync_copy(tail_v, s_hbm.at[pl.ds(NFCH * FCH * D, TAIL * D)])

    iota = lax.iota(jnp.int32, 16)
    d_q = [16 * q + iota for q in range(4)]
    n_w = (NFCH - 1 - wid) // NW + 1

    def fire_read(i, b):
        j = wid + NW * i
        pltpu.async_copy(tokt_hbm.at[pl.ds(0, D), pl.ds(FCH * j, FCH)],
                         bin_[b], sem_r[b])

    def wait_read(b):
        pltpu.make_async_copy(tokt_hbm.at[pl.ds(0, D), pl.ds(0, FCH)],
                              bin_[b], sem_r[b]).wait()

    def wait_write(b):
        pltpu.make_async_copy(bout[b], s_hbm.at[pl.ds(0, FCH * D)],
                              sem_w[b]).wait()

    fire_read(0, 0)

    def outer(gi, carry):
        for b in range(2):
            i = gi * 2 + b
            rb = b % 2
            wb = b % 2

            @pl.when(i < n_w)
            def _():
                @pl.when(i + 1 < n_w)
                def _():
                    fire_read(i + 1, (b + 1) % 2)

                wait_read(rb)

                @pl.when(i >= 2)
                def _():
                    wait_write(wb)

                @plsc.parallel_loop(0, FCH, unroll=4)
                def trans(it, rb=rb, wb=wb):
                    t = it & 15
                    c0 = (it >> 4) * 16
                    patc = (iota + t) & 15
                    cv = patc + c0
                    ps = (patc << 6) + iota + (c0 << 6)
                    for q in range(4):
                        val = plsc.load_gather(bin_[rb], [d_q[q], cv])
                        plsc.store_scatter(bout[wb], [ps + (16 * q)], val)

                j = wid + NW * i
                pltpu.async_copy(bout[wb],
                                 s_hbm.at[pl.ds(FCH * D * j, FCH * D)],
                                 sem_w[wb])
        return carry

    lax.fori_loop(0, (FPW_MAX + 1) // 2, outer, 0)

    wait_write(0)
    wait_write(1)


def _body(xt_hbm, tok_hbm, pos_hbm, out_hbm, idx_v, pos_v,
          rg0, rg1, rg2, rg3, bk0, bk1,
          sg0, sg1, sg2, sg3, ss0, ss1):
    rows = [rg0, rg1, rg2, rg3]
    blk = [bk0, bk1]
    sem_g = [sg0, sg1, sg2, sg3]
    sem_s = [ss0, ss1]
    wid = lax.axis_index("s") * NC + lax.axis_index("c")

    pltpu.sync_copy(xt_hbm.at[pl.ds(0, SEQ), pl.ds(wid * BPW, BPW)], idx_v)
    pltpu.sync_copy(pos_hbm, pos_v)

    iota = lax.iota(jnp.int32, 16)
    iota128 = iota * 128
    d_q = [16 * q + iota for q in range(4)]

    def fire_gather(s, g):
        pltpu.async_copy(tok_hbm.at[idx_v.at[s]], rows[g], sem_g[g])

    def wait_gather(g):
        pltpu.make_async_copy(tok_hbm.at[idx_v.at[0]], rows[g],
                              sem_g[g]).wait()

    def fire_store(s, k):
        for tr in range(DT):
            pltpu.async_copy(blk[k].at[pl.ds(tr * 1024, 1024)],
                             out_hbm.at[s, tr, wid], sem_s[k])

    def wait_store(k):
        for tr in range(DT):
            pltpu.make_async_copy(blk[k].at[pl.ds(tr * 1024, 1024)],
                                  out_hbm.at[0, tr, wid], sem_s[k]).wait()

    for f in range(LOOK):
        fire_gather(f, f)

    def outer(gq, carry):
        for b in range(NBG):
            s = gq * NBG + b
            g = b
            k = b % NBS

            @pl.when(s < SEQ)
            def _():
                @pl.when(s + LOOK < SEQ)
                def _():
                    fire_gather(s + LOOK, (b + LOOK) % NBG)

                wait_gather(g)

                @pl.when(s >= NBS)
                def _():
                    wait_store(k)

                p = [pos_v[s, pl.ds(16 * q, 16)] for q in range(4)]

                @plsc.parallel_loop(0, BPW, unroll=4)
                def trans(it, k=k, g=g):
                    t = it & 15
                    c0 = (it >> 4) * 16
                    patc = (iota + t) & 15
                    pats = iota128 + (patc + c0)
                    cv = patc + c0
                    for q in range(4):
                        val = plsc.load_gather(rows[g], [cv, d_q[q]]) + p[q]
                        plsc.store_scatter(blk[k], [pats + (2048 * q)], val)

                fire_store(s, k)
        return carry

    lax.fori_loop(0, (SEQ + NBG - 1) // NBG, outer, 0)
    for k in range(NBS):
        wait_store(k)


@jax.jit
def _emb(xt, tokt, tail, pos):
    mesh = plsc.VectorSubcoreMesh(core_axis_name="c", subcore_axis_name="s")
    fmt = functools.partial(
        pl.kernel,
        mesh=mesh,
        out_type=jax.ShapeDtypeStruct((VOCAB * D,), jnp.float32),
        scratch_types=(
            [pltpu.VMEM((TAIL * D,), jnp.float32)]
            + [pltpu.VMEM((D, FCH), jnp.float32)] * 2
            + [pltpu.VMEM((FCH * D,), jnp.float32)] * 2
            + [pltpu.SemaphoreType.DMA] * 4
        ),
        compiler_params=pltpu.CompilerParams(use_tc_tiling_on_sc=True,
                                             needs_layout_passes=False),
    )(_fmt_body)
    s1d = fmt(tokt, tail)
    tok = s1d.reshape(VOCAB, D)
    kfn = functools.partial(
        pl.kernel,
        mesh=mesh,
        out_type=jax.ShapeDtypeStruct((SEQ, DT, NW, 1024), jnp.float32),
        scratch_types=(
            [pltpu.VMEM((SEQ, BPW), jnp.int32),
             pltpu.VMEM((SEQ, D), jnp.float32)]
            + [pltpu.VMEM((BPW, D), jnp.float32)] * NBG
            + [pltpu.VMEM((DT * 1024,), jnp.float32)] * NBS
            + [pltpu.SemaphoreType.DMA] * (NBG + NBS)
        ),
        compiler_params=pltpu.CompilerParams(use_tc_tiling_on_sc=False,
                                             needs_layout_passes=False),
    )(_body)
    return kfn(xt, tok, pos)


def kernel(x, token_embeddings, position_embeddings):
    xt = x.astype(jnp.int32).T
    tokt = token_embeddings.T
    tail = token_embeddings[NFCH * FCH:, :].reshape(TAIL * D)
    y = _emb(xt, tokt, tail, position_embeddings)
    y5 = y.reshape(SEQ, DT, NW, 8, 128)
    out = y5.transpose(2, 4, 0, 1, 3).reshape(BATCH, SEQ, D)
    return out

# --- scband reference (transcript-rebuilt; emitter-appended) ---
"""Pipeline reference for scband-embeddings-10282151707430 (READ-ONLY COPY).

The authoritative reference and input builder live on the scoring server;
editing this copy changes nothing except your own understanding.
"""

import jax, jax.numpy as jnp
import numpy as np

VOCAB = 1000000
D_MODEL = 64
MAX_LEN = 200
BATCH = 4096
SEQ = 200


def setup_inputs(seed: int = 0) -> dict:
    key = jax.random.key(seed)
    k1, k2, k3 = jax.random.split(key, 3)
    x = jax.random.randint(k1, (BATCH, SEQ), 0, VOCAB, dtype=jnp.int64)
    token_embeddings = jax.random.normal(k2, (VOCAB, D_MODEL), dtype=jnp.float32)
    position_embeddings = jax.random.normal(k3, (MAX_LEN, D_MODEL), dtype=jnp.float32)
    return {"x": x, "token_embeddings": token_embeddings, "position_embeddings": position_embeddings}


def reference(x, token_embeddings, position_embeddings):
    x = x.astype(jnp.int32)
    seq_len = x.shape[-1]
    return token_embeddings[x] + position_embeddings[jnp.arange(seq_len)]

if __name__ == "__main__":
    import jax
    _d = setup_inputs()
    print(jax.jit(kernel)(*tuple(_d.values())))

</pallas_src>

<mosaic_0001>
#map = affine_map<(d0, d1) -> (0, 0)>
#map1 = affine_map<(d0, d1) -> (0)>
module attributes {stable_mosaic.version = 14 : i64} {
  func.func @_fmt_body(%arg0: i32, %arg1: i32, %arg2: memref<64x1000000xf32, #tpu.memory_space<hbm>>, %arg3: memref<4096xf32, #tpu.memory_space<hbm>>, %arg4: memref<64000000xf32, #tpu.memory_space<hbm>>, %arg5: memref<4096xf32, #tpu.memory_space<vmem>>, %arg6: memref<64x384xf32, #tpu.memory_space<vmem>>, %arg7: memref<64x384xf32, #tpu.memory_space<vmem>>, %arg8: memref<24576xf32, #tpu.memory_space<vmem>>, %arg9: memref<24576xf32, #tpu.memory_space<vmem>>, %arg10: memref<!tpu.dma_semaphore, #tpu.memory_space<semaphore_mem>>, %arg11: memref<!tpu.dma_semaphore, #tpu.memory_space<semaphore_mem>>, %arg12: memref<!tpu.dma_semaphore, #tpu.memory_space<semaphore_mem>>, %arg13: memref<!tpu.dma_semaphore, #tpu.memory_space<semaphore_mem>>) attributes {dimension_semantics = [#tpu.dimension_semantics<core_parallel>, #tpu.dimension_semantics<subcore_parallel>], iteration_bounds = array<i64: 2, 16>, scalar_prefetch = 0 : i64, scratch_operands = 9 : i64, tpu.core_type = #tpu.core_type<sc_vector_subcore>, window_params = [{transform_indices = #map}, {transform_indices = #map1}, {transform_indices = #map1}]} {
    %mul3A = arith.constant 2 : i32
    %mul3A_0 = arith.muli %arg1, %mul3A : i32
    %add3A = arith.addi %mul3A_0, %arg0 : i32
    %eq3A = arith.constant 0 : i32
    %eq3A_1 = arith.cmpi eq, %add3A, %eq3A : i32
    %convert_element_type3A = arith.extui %eq3A_1 : i1 to i32
    %cond3A = arith.constant 0 : i32
    %cond3A_2 = arith.cmpi ne, %convert_element_type3A, %cond3A : i32
    scf.if %cond3A_2 {
      "tpu.region"() ({
        %run_scoped3A = tpu.sem_alloc : memref<!tpu.dma_semaphore, #tpu.memory_space<semaphore_mem>>
        tpu.enqueue_dma source(%arg3 : memref<4096xf32, #tpu.memory_space<hbm>>) target(%arg5 : memref<4096xf32, #tpu.memory_space<vmem>>) target_semaphore(%run_scoped3A : memref<!tpu.dma_semaphore, #tpu.memory_space<semaphore_mem>>)
        tpu.wait_dma2 semaphore(%run_scoped3A : memref<!tpu.dma_semaphore, #tpu.memory_space<semaphore_mem>>) src(%arg3 : memref<4096xf32, #tpu.memory_space<hbm>>) dst(%arg5 : memref<4096xf32, #tpu.memory_space<vmem>>)
        tpu.yield
      }) : () -> ()
      "tpu.region"() ({
        %run_scoped3A = tpu.sem_alloc : memref<!tpu.dma_semaphore, #tpu.memory_space<semaphore_mem>>
        %dma_start3A_54 = arith.constant 63995904 : i32
        %dma_start3A_55 = tpu.memref_slice %arg4[%dma_start3A_54] : memref<64000000xf32, #tpu.memory_space<hbm>> -> memref<4096xf32, #tpu.memory_space<hbm>>
        %dma_start3A_56 = arith.constant 63995904 : i32
        %dma_start3A_57 = tpu.memref_slice %arg4[%dma_start3A_56] : memref<64000000xf32, #tpu.memory_space<hbm>> -> memref<4096xf32, #tpu.memory_space<hbm>>
        tpu.enqueue_dma source(%arg5 : memref<4096xf32, #tpu.memory_space<vmem>>) target(%dma_start3A_57 : memref<4096xf32, #tpu.memory_space<hbm>>) target_semaphore(%run_scoped3A : memref<!tpu.dma_semaphore, #tpu.memory_space<semaphore_mem>>)
        %dma_wait3A_58 = arith.constant 63995904 : i32
        %dma_wait3A_59 = tpu.memref_slice %arg4[%dma_wait3A_58] : memref<64000000xf32, #tpu.memory_space<hbm>> -> memref<4096xf32, #tpu.memory_space<hbm>>
        %dma_wait3A_60 = arith.constant 63995904 : i32
        %dma_wait3A_61 = tpu.memref_slice %arg4[%dma_wait3A_60] : memref<64000000xf32, #tpu.memory_space<hbm>> -> memref<4096xf32, #tpu.memory_space<hbm>>
        tpu.wait_dma2 semaphore(%run_scoped3A : memref<!tpu.dma_semaphore, #tpu.memory_space<semaphore_mem>>) src(%arg5 : memref<4096xf32, #tpu.memory_space<vmem>>) dst(%dma_wait3A_61 : memref<4096xf32, #tpu.memory_space<hbm>>)
        tpu.yield
      }) : () -> ()
    } else {
    }
    %iota3A = tpu.iota {dimensions = array<i32: 0>} : vector<16xi32>
    %add3A_3 = arith.constant 0 : i32
    %add3A_4 = vector.broadcast %add3A_3 : i32 to vector<16xi32>
    %add3A_5 = arith.addi %add3A_4, %iota3A : vector<16xi32>
    %add3A_6 = arith.constant 16 : i32
    %add3A_7 = vector.broadcast %add3A_6 : i32 to vector<16xi32>
    %add3A_8 = arith.addi %add3A_7, %iota3A : vector<16xi32>
    %add3A_9 = arith.constant 32 : i32
    %add3A_10 = vector.broadcast %add3A_9 : i32 to vector<16xi32>
    %add3A_11 = arith.addi %add3A_10, %iota3A : vector<16xi32>
    %add3A_12 = arith.constant 48 : i32
    %add3A_13 = vector.broadcast %add3A_12 : i32 to vector<16xi32>
    %add3A_14 = arith.addi %add3A_13, %iota3A : vector<16xi32>
    %sub3A = arith.constant 2603 : i32
    %sub3A_15 = arith.subi %sub3A, %add3A : i32
    %jit3A = arith.constant 32 : i32
    %div3A = arith.divsi %sub3A_15, %jit3A : i32
    %sign3A = arith.constant 0 : i32
    %sign3A_16 = arith.cmpi sgt, %sub3A_15, %sign3A : i32
    %sign3A_17 = arith.extui %sign3A_16 : i1 to i32
    %sign3A_18 = arith.constant 0 : i32
    %sign3A_19 = arith.cmpi slt, %sub3A_15, %sign3A_18 : i32
    %sign3A_20 = arith.extui %sign3A_19 : i1 to i32
    %sign3A_21 = arith.subi %sign3A_17, %sign3A_20 : i32
    %sign3A_22 = arith.constant 0 : i32
    %sign3A_23 = arith.cmpi sgt, %jit3A, %sign3A_22 : i32
    %sign3A_24 = arith.extui %sign3A_23 : i1 to i32
    %sign3A_25 = arith.constant 0 : i32
    %sign3A_26 = arith.cmpi slt, %jit3A, %sign3A_25 : i32
    %sign3A_27 = arith.extui %sign3A_26 : i1 to i32
    %sign3A_28 = arith.subi %sign3A_24, %sign3A_27 : i32
    %ne3A = arith.cmpi ne, %sign3A_21, %sign3A_28 : i32
    %rem3A = arith.remsi %sub3A_15, %jit3A : i32
    %ne3A_29 = arith.constant 0 : i32
    %ne3A_30 = arith.cmpi ne, %rem3A, %ne3A_29 : i32
    %and3A = arith.andi %ne3A, %ne3A_30 : i1
    %sub3A_31 = arith.constant 1 : i32
    %sub3A_32 = arith.subi %div3A, %sub3A_31 : i32
    %select_n3A = arith.select %and3A, %sub3A_32, %div3A : i32
    %add3A_33 = arith.constant 1 : i32
    %add3A_34 = arith.addi %select_n3A, %add3A_33 : i32
    %add3A_35 = arith.constant 0 : i32
    %add3A_36 = arith.addi %add3A, %add3A_35 : i32
    %mul3A_37 = arith.constant 384 : i32
    %mul3A_38 = arith.muli %mul3A_37, %add3A_36 : i32
    %dma_start3A = arith.constant 0 : i32
    %dma_start3A_39 = tpu.memref_slice %arg2[%dma_start3A, %mul3A_38] : memref<64x1000000xf32, #tpu.memory_space<hbm>> -> memref<64x384xf32, #tpu.memory_space<hbm>>
    %dma_start3A_40 = arith.constant 0 : i32
    %dma_start3A_41 = tpu.memref_slice %arg2[%dma_start3A_40, %mul3A_38] : memref<64x1000000xf32, #tpu.memory_space<hbm>> -> memref<64x384xf32, #tpu.memory_space<hbm>>
    tpu.enqueue_dma source(%dma_start3A_41 : memref<64x384xf32, #tpu.memory_space<hbm>>) target(%arg6 : memref<64x384xf32, #tpu.memory_space<vmem>>) target_semaphore(%arg10 : memref<!tpu.dma_semaphore, #tpu.memory_space<semaphore_mem>>)
    %scan3A = arith.constant 0 : i32
    %scan3A_42 = arith.constant 0 : i32
    %scan3A_43 = arith.constant 41 : i32
    %scan3A_44 = arith.addi %scan3A_42, %scan3A_43 : i32
    %scan3A_45 = arith.constant 1 : i32
    scf.for %scan3A_54 = %scan3A_42 to %scan3A_44 step %scan3A_45  : i32 {
      %mul3A_55 = arith.constant 2 : i32
      %mul3A_56 = arith.muli %scan3A_54, %mul3A_55 : i32
      %add3A_57 = arith.constant 0 : i32
      %add3A_58 = arith.addi %mul3A_56, %add3A_57 : i32
      %lt3A = arith.cmpi slt, %add3A_58, %add3A_34 : i32
      %convert_element_type3A_59 = arith.extui %lt3A : i1 to i32
      %cond3A_60 = arith.constant 0 : i32
      %cond3A_61 = arith.cmpi ne, %convert_element_type3A_59, %cond3A_60 : i32
      scf.if %cond3A_61 {
        %add3A_70 = arith.constant 1 : i32
        %add3A_71 = arith.addi %add3A_58, %add3A_70 : i32
        %lt3A_72 = arith.cmpi slt, %add3A_71, %add3A_34 : i32
        %convert_element_type3A_73 = arith.extui %lt3A_72 : i1 to i32
        %cond3A_74 = arith.constant 0 : i32
        %cond3A_75 = arith.cmpi ne, %convert_element_type3A_73, %cond3A_74 : i32
        scf.if %cond3A_75 {
          %add3A_95 = arith.constant 1 : i32
          %add3A_96 = arith.addi %add3A_58, %add3A_95 : i32
          %mul3A_97 = arith.constant 32 : i32
          %mul3A_98 = arith.muli %mul3A_97, %add3A_96 : i32
          %add3A_99 = arith.addi %add3A, %mul3A_98 : i32
          %mul3A_100 = arith.constant 384 : i32
          %mul3A_101 = arith.muli %mul3A_100, %add3A_99 : i32
          %dma_start3A_102 = arith.constant 0 : i32
          %dma_start3A_103 = tpu.memref_slice %arg2[%dma_start3A_102, %mul3A_101] : memref<64x1000000xf32, #tpu.memory_space<hbm>> -> memref<64x384xf32, #tpu.memory_space<hbm>>
          %dma_start3A_104 = arith.constant 0 : i32
          %dma_start3A_105 = tpu.memref_slice %arg2[%dma_start3A_104, %mul3A_101] : memref<64x1000000xf32, #tpu.memory_space<hbm>> -> memref<64x384xf32, #tpu.memory_space<hbm>>
          tpu.enqueue_dma source(%dma_start3A_105 : memref<64x384xf32, #tpu.memory_space<hbm>>) target(%arg7 : memref<64x384xf32, #tpu.memory_space<vmem>>) target_semaphore(%arg11 : memref<!tpu.dma_semaphore, #tpu.memory_space<semaphore_mem>>)
        } else {
        }
        %dma_wait3A_76 = arith.constant 0 : i32
        %dma_wait3A_77 = arith.constant 0 : i32
        %dma_wait3A_78 = tpu.memref_slice %arg2[%dma_wait3A_76, %dma_wait3A_77] : memref<64x1000000xf32, #tpu.memory_space<hbm>> -> memref<64x384xf32, #tpu.memory_space<hbm>>
        %dma_wait3A_79 = arith.constant 0 : i32
        %dma_wait3A_80 = arith.constant 0 : i32
        %dma_wait3A_81 = tpu.memref_slice %arg2[%dma_wait3A_79, %dma_wait3A_80] : memref<64x1000000xf32, #tpu.memory_space<hbm>> -> memref<64x384xf32, #tpu.memory_space<hbm>>
        tpu.wait_dma2 semaphore(%arg10 : memref<!tpu.dma_semaphore, #tpu.memory_space<semaphore_mem>>) src(%dma_wait3A_81 : memref<64x384xf32, #tpu.memory_space<hbm>>) dst(%arg6 : memref<64x384xf32, #tpu.memory_space<vmem>>)
        %ge3A = arith.constant 2 : i32
        %ge3A_82 = arith.cmpi sge, %add3A_58, %ge3A : i32
        %convert_element_type3A_83 = arith.extui %ge3A_82 : i1 to i32
        %cond3A_84 = arith.constant 0 : i32
        %cond3A_85 = arith.cmpi ne, %convert_element_type3A_83, %cond3A_84 : i32
        scf.if %cond3A_85 {
          %dma_wait3A_95 = arith.constant 0 : i32
          %dma_wait3A_96 = tpu.memref_slice %arg4[%dma_wait3A_95] : memref<64000000xf32, #tpu.memory_space<hbm>> -> memref<24576xf32, #tpu.memory_space<hbm>>
          %dma_wait3A_97 = arith.constant 0 : i32
          %dma_wait3A_98 = tpu.memref_slice %arg4[%dma_wait3A_97] : memref<64000000xf32, #tpu.memory_space<hbm>> -> memref<24576xf32, #tpu.memory_space<hbm>>
          tpu.wait_dma2 semaphore(%arg12 : memref<!tpu.dma_semaphore, #tpu.memory_space<semaphore_mem>>) src(%arg8 : memref<24576xf32, #tpu.memory_space<vmem>>) dst(%dma_wait3A_98 : memref<24576xf32, #tpu.memory_space<hbm>>)
        } else {
        }
        %parallel_loop3A = arith.constant 0 : i32
        %parallel_loop3A_86 = arith.constant 384 : i32
        %parallel_loop3A_87 = arith.constant 1 : i32
        scf.for %parallel_loop3A_95 = %parallel_loop3A to %parallel_loop3A_86 step %parallel_loop3A_87  : i32 {
          %parallel_loop3A_96 = arith.constant 15 : i32
          %parallel_loop3A_97 = arith.andi %parallel_loop3A_95, %parallel_loop3A_96 : i32
          %parallel_loop3A_98 = arith.constant 4 : i32
          %parallel_loop3A_99 = arith.shrsi %parallel_loop3A_95, %parallel_loop3A_98 : i32
          %parallel_loop3A_100 = arith.constant 16 : i32
          %parallel_loop3A_101 = arith.muli %parallel_loop3A_99, %parallel_loop3A_100 : i32
          %parallel_loop3A_102 = vector.broadcast %parallel_loop3A_97 : i32 to vector<16xi32>
          %parallel_loop3A_103 = arith.addi %iota3A, %parallel_loop3A_102 : vector<16xi32>
          %parallel_loop3A_104 = arith.constant 15 : i32
          %parallel_loop3A_105 = vector.broadcast %parallel_loop3A_104 : i32 to vector<16xi32>
          %parallel_loop3A_106 = arith.andi %parallel_loop3A_103, %parallel_loop3A_105 : vector<16xi32>
          %parallel_loop3A_107 = vector.broadcast %parallel_loop3A_101 : i32 to vector<16xi32>
          %parallel_loop3A_108 = arith.addi %parallel_loop3A_106, %parallel_loop3A_107 : vector<16xi32>
          %parallel_loop3A_109 = arith.constant 6 : i32
          %parallel_loop3A_110 = vector.broadcast %parallel_loop3A_109 : i32 to vector<16xi32>
          %parallel_loop3A_111 = arith.shli %parallel_loop3A_106, %parallel_loop3A_110 : vector<16xi32>
          %parallel_loop3A_112 = arith.addi %parallel_loop3A_111, %iota3A : vector<16xi32>
          %parallel_loop3A_113 = arith.constant 6 : i32
          %parallel_loop3A_114 = arith.shli %parallel_loop3A_101, %parallel_loop3A_113 : i32
          %parallel_loop3A_115 = vector.broadcast %parallel_loop3A_114 : i32 to vector<16xi32>
          %parallel_loop3A_116 = arith.addi %parallel_loop3A_112, %parallel_loop3A_115 : vector<16xi32>
          %parallel_loop3A_117 = tpu.vector_load_idx %arg6[%add3A_5, %parallel_loop3A_108] : memref<64x384xf32, #tpu.memory_space<vmem>>[vector<16xi32>, vector<16xi32>], vector<16xf32>,
          %parallel_loop3A_118 = arith.constant 0 : i32
          %parallel_loop3A_119 = vector.broadcast %parallel_loop3A_118 : i32 to vector<16xi32>
          %parallel_loop3A_120 = arith.addi %parallel_loop3A_116, %parallel_loop3A_119 : vector<16xi32>
          tpu.vector_store_idx %arg8[%parallel_loop3A_120], %parallel_loop3A_117 : memref<24576xf32, #tpu.memory_space<vmem>>[vector<16xi32>], vector<16xf32>,
          %parallel_loop3A_121 = tpu.vector_load_idx %arg6[%add3A_8, %parallel_loop3A_108] : memref<64x384xf32, #tpu.memory_space<vmem>>[vector<16xi32>, vector<16xi32>], vector<16xf32>,
          %parallel_loop3A_122 = arith.constant 16 : i32
          %parallel_loop3A_123 = vector.broadcast %parallel_loop3A_122 : i32 to vector<16xi32>
          %parallel_loop3A_124 = arith.addi %parallel_loop3A_116, %parallel_loop3A_123 : vector<16xi32>
          tpu.vector_store_idx %arg8[%parallel_loop3A_124], %parallel_loop3A_121 : memref<24576xf32, #tpu.memory_space<vmem>>[vector<16xi32>], vector<16xf32>,
          %parallel_loop3A_125 = tpu.vector_load_idx %arg6[%add3A_11, %parallel_loop3A_108] : memref<64x384xf32, #tpu.memory_space<vmem>>[vector<16xi32>, vector<16xi32>], vector<16xf32>,
          %parallel_loop3A_126 = arith.constant 32 : i32
          %parallel_loop3A_127 = vector.broadcast %parallel_loop3A_126 : i32 to vector<16xi32>
          %parallel_loop3A_128 = arith.addi %parallel_loop3A_116, %parallel_loop3A_127 : vector<16xi32>
          tpu.vector_store_idx %arg8[%parallel_loop3A_128], %parallel_loop3A_125 : memref<24576xf32, #tpu.memory_space<vmem>>[vector<16xi32>], vector<16xf32>,
          %parallel_loop3A_129 = tpu.vector_load_idx %arg6[%add3A_14, %parallel_loop3A_108] : memref<64x384xf32, #tpu.memory_space<vmem>>[vector<16xi32>, vector<16xi32>], vector<16xf32>,
          %parallel_loop3A_130 = arith.constant 48 : i32
          %parallel_loop3A_131 = vector.broadcast %parallel_loop3A_130 : i32 to vector<16xi32>
          %parallel_loop3A_132 = arith.addi %parallel_loop3A_116, %parallel_loop3A_131 : vector<16xi32>
          tpu.vector_store_idx %arg8[%parallel_loop3A_132], %parallel_loop3A_129 : memref<24576xf32, #tpu.memory_space<vmem>>[vector<16xi32>], vector<16xf32>,
        } {sc.loop_unroll_factor = 4 : i64, sc.parallel_access}
        %mul3A_88 = arith.constant 32 : i32
        %mul3A_89 = arith.muli %mul3A_88, %add3A_58 : i32
        %add3A_90 = arith.addi %add3A, %mul3A_89 : i32
        %mul3A_91 = arith.constant 24576 : i32
        %mul3A_92 = arith.muli %mul3A_91, %add3A_90 : i32
        %dma_start3A_93 = tpu.memref_slice %arg4[%mul3A_92] : memref<64000000xf32, #tpu.memory_space<hbm>> -> memref<24576xf32, #tpu.memory_space<hbm>>
        %dma_start3A_94 = tpu.memref_slice %arg4[%mul3A_92] : memref<64000000xf32, #tpu.memory_space<hbm>> -> memref<24576xf32, #tpu.memory_space<hbm>>
        tpu.enqueue_dma source(%arg8 : memref<24576xf32, #tpu.memory_space<vmem>>) target(%dma_start3A_94 : memref<24576xf32, #tpu.memory_space<hbm>>) target_semaphore(%arg12 : memref<!tpu.dma_semaphore, #tpu.memory_space<semaphore_mem>>)
      } else {
      }
      %mul3A_62 = arith.constant 2 : i32
      %mul3A_63 = arith.muli %scan3A_54, %mul3A_62 : i32
      %add3A_64 = arith.constant 1 : i32
      %add3A_65 = arith.addi %mul3A_63, %add3A_64 : i32
      %lt3A_66 = arith.cmpi slt, %add3A_65, %add3A_34 : i32
      %convert_element_type3A_67 = arith.extui %lt3A_66 : i1 to i32
      %cond3A_68 = arith.constant 0 : i32
      %cond3A_69 = arith.cmpi ne, %convert_element_type3A_67, %cond3A_68 : i32
      scf.if %cond3A_69 {
        %add3A_70 = arith.constant 1 : i32
        %add3A_71 = arith.addi %add3A_65, %add3A_70 : i32
        %lt3A_72 = arith.cmpi slt, %add3A_71, %add3A_34 : i32
        %convert_element_type3A_73 = arith.extui %lt3A_72 : i1 to i32
        %cond3A_74 = arith.constant 0 : i32
        %cond3A_75 = arith.cmpi ne, %convert_element_type3A_73, %cond3A_74 : i32
        scf.if %cond3A_75 {
          %add3A_95 = arith.constant 1 : i32
          %add3A_96 = arith.addi %add3A_65, %add3A_95 : i32
          %mul3A_97 = arith.constant 32 : i32
          %mul3A_98 = arith.muli %mul3A_97, %add3A_96 : i32
          %add3A_99 = arith.addi %add3A, %mul3A_98 : i32
          %mul3A_100 = arith.constant 384 : i32
          %mul3A_101 = arith.muli %mul3A_100, %add3A_99 : i32
          %dma_start3A_102 = arith.constant 0 : i32
          %dma_start3A_103 = tpu.memref_slice %arg2[%dma_start3A_102, %mul3A_101] : memref<64x1000000xf32, #tpu.memory_space<hbm>> -> memref<64x384xf32, #tpu.memory_space<hbm>>
          %dma_start3A_104 = arith.constant 0 : i32
          %dma_start3A_105 = tpu.memref_slice %arg2[%dma_start3A_104, %mul3A_101] : memref<64x1000000xf32, #tpu.memory_space<hbm>> -> memref<64x384xf32, #tpu.memory_space<hbm>>
          tpu.enqueue_dma source(%dma_start3A_105 : memref<64x384xf32, #tpu.memory_space<hbm>>) target(%arg6 : memref<64x384xf32, #tpu.memory_space<vmem>>) target_semaphore(%arg10 : memref<!tpu.dma_semaphore, #tpu.memory_space<semaphore_mem>>)
        } else {
        }
        %dma_wait3A_76 = arith.constant 0 : i32
        %dma_wait3A_77 = arith.constant 0 : i32
        %dma_wait3A_78 = tpu.memref_slice %arg2[%dma_wait3A_76, %dma_wait3A_77] : memref<64x1000000xf32, #tpu.memory_space<hbm>> -> memref<64x384xf32, #tpu.memory_space<hbm>>
        %dma_wait3A_79 = arith.constant 0 : i32
        %dma_wait3A_80 = arith.constant 0 : i32
        %dma_wait3A_81 = tpu.memref_slice %arg2[%dma_wait3A_79, %dma_wait3A_80] : memref<64x1000000xf32, #tpu.memory_space<hbm>> -> memref<64x384xf32, #tpu.memory_space<hbm>>
        tpu.wait_dma2 semaphore(%arg11 : memref<!tpu.dma_semaphore, #tpu.memory_space<semaphore_mem>>) src(%dma_wait3A_81 : memref<64x384xf32, #tpu.memory_space<hbm>>) dst(%arg7 : memref<64x384xf32, #tpu.memory_space<vmem>>)
        %ge3A = arith.constant 2 : i32
        %ge3A_82 = arith.cmpi sge, %add3A_65, %ge3A : i32
        %convert_element_type3A_83 = arith.extui %ge3A_82 : i1 to i32
        %cond3A_84 = arith.constant 0 : i32
        %cond3A_85 = arith.cmpi ne, %convert_element_type3A_83, %cond3A_84 : i32
        scf.if %cond3A_85 {
          %dma_wait3A_95 = arith.constant 0 : i32
          %dma_wait3A_96 = tpu.memref_slice %arg4[%dma_wait3A_95] : memref<64000000xf32, #tpu.memory_space<hbm>> -> memref<24576xf32, #tpu.memory_space<hbm>>
          %dma_wait3A_97 = arith.constant 0 : i32
          %dma_wait3A_98 = tpu.memref_slice %arg4[%dma_wait3A_97] : memref<64000000xf32, #tpu.memory_space<hbm>> -> memref<24576xf32, #tpu.memory_space<hbm>>
          tpu.wait_dma2 semaphore(%arg13 : memref<!tpu.dma_semaphore, #tpu.memory_space<semaphore_mem>>) src(%arg9 : memref<24576xf32, #tpu.memory_space<vmem>>) dst(%dma_wait3A_98 : memref<24576xf32, #tpu.memory_space<hbm>>)
        } else {
        }
        %parallel_loop3A = arith.constant 0 : i32
        %parallel_loop3A_86 = arith.constant 384 : i32
        %parallel_loop3A_87 = arith.constant 1 : i32
        scf.for %parallel_loop3A_95 = %parallel_loop3A to %parallel_loop3A_86 step %parallel_loop3A_87  : i32 {
          %parallel_loop3A_96 = arith.constant 15 : i32
          %parallel_loop3A_97 = arith.andi %parallel_loop3A_95, %parallel_loop3A_96 : i32
          %parallel_loop3A_98 = arith.constant 4 : i32
          %parallel_loop3A_99 = arith.shrsi %parallel_loop3A_95, %parallel_loop3A_98 : i32
          %parallel_loop3A_100 = arith.constant 16 : i32
          %parallel_loop3A_101 = arith.muli %parallel_loop3A_99, %parallel_loop3A_100 : i32
          %parallel_loop3A_102 = vector.broadcast %parallel_loop3A_97 : i32 to vector<16xi32>
          %parallel_loop3A_103 = arith.addi %iota3A, %parallel_loop3A_102 : vector<16xi32>
          %parallel_loop3A_104 = arith.constant 15 : i32
          %parallel_loop3A_105 = vector.broadcast %parallel_loop3A_104 : i32 to vector<16xi32>
          %parallel_loop3A_106 = arith.andi %parallel_loop3A_103, %parallel_loop3A_105 : vector<16xi32>
          %parallel_loop3A_107 = vector.broadcast %parallel_loop3A_101 : i32 to vector<16xi32>
          %parallel_loop3A_108 = arith.addi %parallel_loop3A_106, %parallel_loop3A_107 : vector<16xi32>
          %parallel_loop3A_109 = arith.constant 6 : i32
          %parallel_loop3A_110 = vector.broadcast %parallel_loop3A_109 : i32 to vector<16xi32>
          %parallel_loop3A_111 = arith.shli %parallel_loop3A_106, %parallel_loop3A_110 : vector<16xi32>
          %parallel_loop3A_112 = arith.addi %parallel_loop3A_111, %iota3A : vector<16xi32>
          %parallel_loop3A_113 = arith.constant 6 : i32
          %parallel_loop3A_114 = arith.shli %parallel_loop3A_101, %parallel_loop3A_113 : i32
          %parallel_loop3A_115 = vector.broadcast %parallel_loop3A_114 : i32 to vector<16xi32>
          %parallel_loop3A_116 = arith.addi %parallel_loop3A_112, %parallel_loop3A_115 : vector<16xi32>
          %parallel_loop3A_117 = tpu.vector_load_idx %arg7[%add3A_5, %parallel_loop3A_108] : memref<64x384xf32, #tpu.memory_space<vmem>>[vector<16xi32>, vector<16xi32>], vector<16xf32>,
          %parallel_loop3A_118 = arith.constant 0 : i32
          %parallel_loop3A_119 = vector.broadcast %parallel_loop3A_118 : i32 to vector<16xi32>
          %parallel_loop3A_120 = arith.addi %parallel_loop3A_116, %parallel_loop3A_119 : vector<16xi32>
          tpu.vector_store_idx %arg9[%parallel_loop3A_120], %parallel_loop3A_117 : memref<24576xf32, #tpu.memory_space<vmem>>[vector<16xi32>], vector<16xf32>,
          %parallel_loop3A_121 = tpu.vector_load_idx %arg7[%add3A_8, %parallel_loop3A_108] : memref<64x384xf32, #tpu.memory_space<vmem>>[vector<16xi32>, vector<16xi32>], vector<16xf32>,
          %parallel_loop3A_122 = arith.constant 16 : i32
          %parallel_loop3A_123 = vector.broadcast %parallel_loop3A_122 : i32 to vector<16xi32>
          %parallel_loop3A_124 = arith.addi %parallel_loop3A_116, %parallel_loop3A_123 : vector<16xi32>
          tpu.vector_store_idx %arg9[%parallel_loop3A_124], %parallel_loop3A_121 : memref<24576xf32, #tpu.memory_space<vmem>>[vector<16xi32>], vector<16xf32>,
          %parallel_loop3A_125 = tpu.vector_load_idx %arg7[%add3A_11, %parallel_loop3A_108] : memref<64x384xf32, #tpu.memory_space<vmem>>[vector<16xi32>, vector<16xi32>], vector<16xf32>,
          %parallel_loop3A_126 = arith.constant 32 : i32
          %parallel_loop3A_127 = vector.broadcast %parallel_loop3A_126 : i32 to vector<16xi32>
          %parallel_loop3A_128 = arith.addi %parallel_loop3A_116, %parallel_loop3A_127 : vector<16xi32>
          tpu.vector_store_idx %arg9[%parallel_loop3A_128], %parallel_loop3A_125 : memref<24576xf32, #tpu.memory_space<vmem>>[vector<16xi32>], vector<16xf32>,
          %parallel_loop3A_129 = tpu.vector_load_idx %arg7[%add3A_14, %parallel_loop3A_108] : memref<64x384xf32, #tpu.memory_space<vmem>>[vector<16xi32>, vector<16xi32>], vector<16xf32>,
          %parallel_loop3A_130 = arith.constant 48 : i32
          %parallel_loop3A_131 = vector.broadcast %parallel_loop3A_130 : i32 to vector<16xi32>
          %parallel_loop3A_132 = arith.addi %parallel_loop3A_116, %parallel_loop3A_131 : vector<16xi32>
          tpu.vector_store_idx %arg9[%parallel_loop3A_132], %parallel_loop3A_129 : memref<24576xf32, #tpu.memory_space<vmem>>[vector<16xi32>], vector<16xf32>,
        } {sc.loop_unroll_factor = 4 : i64, sc.parallel_access}
        %mul3A_88 = arith.constant 32 : i32
        %mul3A_89 = arith.muli %mul3A_88, %add3A_65 : i32
        %add3A_90 = arith.addi %add3A, %mul3A_89 : i32
        %mul3A_91 = arith.constant 24576 : i32
        %mul3A_92 = arith.muli %mul3A_91, %add3A_90 : i32
        %dma_start3A_93 = tpu.memref_slice %arg4[%mul3A_92] : memref<64000000xf32, #tpu.memory_space<hbm>> -> memref<24576xf32, #tpu.memory_space<hbm>>
        %dma_start3A_94 = tpu.memref_slice %arg4[%mul3A_92] : memref<64000000xf32, #tpu.memory_space<hbm>> -> memref<24576xf32, #tpu.memory_space<hbm>>
        tpu.enqueue_dma source(%arg9 : memref<24576xf32, #tpu.memory_space<vmem>>) target(%dma_start3A_94 : memref<24576xf32, #tpu.memory_space<hbm>>) target_semaphore(%arg13 : memref<!tpu.dma_semaphore, #tpu.memory_space<semaphore_mem>>)
      } else {
      }
    }
    %scan3A_46 = arith.constant 41 : i32
    %dma_wait3A = arith.constant 0 : i32
    %dma_wait3A_47 = tpu.memref_slice %arg4[%dma_wait3A] : memref<64000000xf32, #tpu.memory_space<hbm>> -> memref<24576xf32, #tpu.memory_space<hbm>>
    %dma_wait3A_48 = arith.constant 0 : i32
    %dma_wait3A_49 = tpu.memref_slice %arg4[%dma_wait3A_48] : memref<64000000xf32, #tpu.memory_space<hbm>> -> memref<24576xf32, #tpu.memory_space<hbm>>
    tpu.wait_dma2 semaphore(%arg12 : memref<!tpu.dma_semaphore, #tpu.memory_space<semaphore_mem>>) src(%arg8 : memref<24576xf32, #tpu.memory_space<vmem>>) dst(%dma_wait3A_49 : memref<24576xf32, #tpu.memory_space<hbm>>)
    %dma_wait3A_50 = arith.constant 0 : i32
    %dma_wait3A_51 = tpu.memref_slice %arg4[%dma_wait3A_50] : memref<64000000xf32, #tpu.memory_space<hbm>> -> memref<24576xf32, #tpu.memory_space<hbm>>
    %dma_wait3A_52 = arith.constant 0 : i32
    %dma_wait3A_53 = tpu.memref_slice %arg4[%dma_wait3A_52] : memref<64000000xf32, #tpu.memory_space<hbm>> -> memref<24576xf32, #tpu.memory_space<hbm>>
    tpu.wait_dma2 semaphore(%arg13 : memref<!tpu.dma_semaphore, #tpu.memory_space<semaphore_mem>>) src(%arg9 : memref<24576xf32, #tpu.memory_space<vmem>>) dst(%dma_wait3A_53 : memref<24576xf32, #tpu.memory_space<hbm>>)
    return
  }
}

#map = affine_map<(d0, d1) -> (0, 0)>
#map1 = affine_map<(d0, d1) -> (0, 0, 0, 0)>
module attributes {stable_mosaic.version = 14 : i64} {
  func.func @_body(%arg0: i32, %arg1: i32, %arg2: memref<200x4096xi32, #tpu.memory_space<hbm>>, %arg3: memref<1000000x64xf32, #tpu.memory_space<hbm>>, %arg4: memref<200x64xf32, #tpu.memory_space<hbm>>, %arg5: memref<200x8x32x1024xf32, #tpu.memory_space<hbm>>, %arg6: memref<200x128xi32, #tpu.memory_space<vmem>>, %arg7: memref<200x64xf32, #tpu.memory_space<vmem>>, %arg8: memref<128x64xf32, #tpu.memory_space<vmem>>, %arg9: memref<128x64xf32, #tpu.memory_space<vmem>>, %arg10: memref<128x64xf32, #tpu.memory_space<vmem>>, %arg11: memref<128x64xf32, #tpu.memory_space<vmem>>, %arg12: memref<8192xf32, #tpu.memory_space<vmem>>, %arg13: memref<8192xf32, #tpu.memory_space<vmem>>, %arg14: memref<!tpu.dma_semaphore, #tpu.memory_space<semaphore_mem>>, %arg15: memref<!tpu.dma_semaphore, #tpu.memory_space<semaphore_mem>>, %arg16: memref<!tpu.dma_semaphore, #tpu.memory_space<semaphore_mem>>, %arg17: memref<!tpu.dma_semaphore, #tpu.memory_space<semaphore_mem>>, %arg18: memref<!tpu.dma_semaphore, #tpu.memory_space<semaphore_mem>>, %arg19: memref<!tpu.dma_semaphore, #tpu.memory_space<semaphore_mem>>) attributes {dimension_semantics = [#tpu.dimension_semantics<core_parallel>, #tpu.dimension_semantics<subcore_parallel>], iteration_bounds = array<i64: 2, 16>, scalar_prefetch = 0 : i64, scratch_operands = 14 : i64, tpu.core_type = #tpu.core_type<sc_vector_subcore>, window_params = [{transform_indices = #map}, {transform_indices = #map}, {transform_indices = #map}, {transform_indices = #map1}]} {
    %mul3A = arith.constant 2 : i32
    %mul3A_0 = arith.muli %arg1, %mul3A : i32
    %add3A = arith.addi %mul3A_0, %arg0 : i32
    %mul3A_1 = arith.constant 128 : i32
    %mul3A_2 = arith.muli %add3A, %mul3A_1 : i32
    "tpu.region"() ({
      %run_scoped3A = tpu.sem_alloc : memref<!tpu.dma_semaphore, #tpu.memory_space<semaphore_mem>>
      %dma_start3A_234 = arith.constant 0 : i32
      %dma_start3A_235 = tpu.memref_slice %arg2[%dma_start3A_234, %mul3A_2] : memref<200x4096xi32, #tpu.memory_space<hbm>> -> memref<200x128xi32, #tpu.memory_space<hbm>>
      %dma_start3A_236 = arith.constant 0 : i32
      %dma_start3A_237 = tpu.memref_slice %arg2[%dma_start3A_236, %mul3A_2] : memref<200x4096xi32, #tpu.memory_space<hbm>> -> memref<200x128xi32, #tpu.memory_space<hbm>>
      tpu.enqueue_dma source(%dma_start3A_237 : memref<200x128xi32, #tpu.memory_space<hbm>>) target(%arg6 : memref<200x128xi32, #tpu.memory_space<vmem>>) target_semaphore(%run_scoped3A : memref<!tpu.dma_semaphore, #tpu.memory_space<semaphore_mem>>)
      %dma_wait3A_238 = arith.constant 0 : i32
      %dma_wait3A_239 = tpu.memref_slice %arg2[%dma_wait3A_238, %mul3A_2] : memref<200x4096xi32, #tpu.memory_space<hbm>> -> memref<200x128xi32, #tpu.memory_space<hbm>>
      %dma_wait3A_240 = arith.constant 0 : i32
      %dma_wait3A_241 = tpu.memref_slice %arg2[%dma_wait3A_240, %mul3A_2] : memref<200x4096xi32, #tpu.memory_space<hbm>> -> memref<200x128xi32, #tpu.memory_space<hbm>>
      tpu.wait_dma2 semaphore(%run_scoped3A : memref<!tpu.dma_semaphore, #tpu.memory_space<semaphore_mem>>) src(%dma_wait3A_241 : memref<200x128xi32, #tpu.memory_space<hbm>>) dst(%arg6 : memref<200x128xi32, #tpu.memory_space<vmem>>)
      tpu.yield
    }) : () -> ()
    "tpu.region"() ({
      %run_scoped3A = tpu.sem_alloc : memref<!tpu.dma_semaphore, #tpu.memory_space<semaphore_mem>>
      tpu.enqueue_dma source(%arg4 : memref<200x64xf32, #tpu.memory_space<hbm>>) target(%arg7 : memref<200x64xf32, #tpu.memory_space<vmem>>) target_semaphore(%run_scoped3A : memref<!tpu.dma_semaphore, #tpu.memory_space<semaphore_mem>>)
      tpu.wait_dma2 semaphore(%run_scoped3A : memref<!tpu.dma_semaphore, #tpu.memory_space<semaphore_mem>>) src(%arg4 : memref<200x64xf32, #tpu.memory_space<hbm>>) dst(%arg7 : memref<200x64xf32, #tpu.memory_space<vmem>>)
      tpu.yield
    }) : () -> ()
    %iota3A = tpu.iota {dimensions = array<i32: 0>} : vector<16xi32>
    %mul3A_3 = arith.constant 128 : i32
    %mul3A_4 = vector.broadcast %mul3A_3 : i32 to vector<16xi32>
    %mul3A_5 = arith.muli %iota3A, %mul3A_4 : vector<16xi32>
    %add3A_6 = arith.constant 0 : i32
    %add3A_7 = vector.broadcast %add3A_6 : i32 to vector<16xi32>
    %add3A_8 = arith.addi %add3A_7, %iota3A : vector<16xi32>
    %add3A_9 = arith.constant 16 : i32
    %add3A_10 = vector.broadcast %add3A_9 : i32 to vector<16xi32>
    %add3A_11 = arith.addi %add3A_10, %iota3A : vector<16xi32>
    %add3A_12 = arith.constant 32 : i32
    %add3A_13 = vector.broadcast %add3A_12 : i32 to vector<16xi32>
    %add3A_14 = arith.addi %add3A_13, %iota3A : vector<16xi32>
    %add3A_15 = arith.constant 48 : i32
    %add3A_16 = vector.broadcast %add3A_15 : i32 to vector<16xi32>
    %add3A_17 = arith.addi %add3A_16, %iota3A : vector<16xi32>
    %dma_start3A = arith.constant 0 : i32
    %dma_start3A_18 = arith.constant 0 : i32
    %dma_start3A_19 = tpu.memref_slice %arg6[%dma_start3A, %dma_start3A_18] : memref<200x128xi32, #tpu.memory_space<vmem>> -> memref<1x128xi32, #tpu.memory_space<vmem>>
    %dma_start3A_20 = tpu.memref_squeeze %dma_start3A_19 : memref<1x128xi32, #tpu.memory_space<vmem>> -> memref<128xi32, #tpu.memory_space<vmem>>
    %dma_start3A_21 = arith.constant 0 : i32
    %dma_start3A_22 = arith.constant 0 : i32
    %dma_start3A_23 = tpu.memref_slice %arg3[%dma_start3A_21, %dma_start3A_22] : memref<1000000x64xf32, #tpu.memory_space<hbm>> -> memref<1000000x64xf32, #tpu.memory_space<hbm>>
    tpu.enqueue_indirect_dma source(%dma_start3A_23 : memref<1000000x64xf32, #tpu.memory_space<hbm>>) target(%arg8 : memref<128x64xf32, #tpu.memory_space<vmem>>) offsets(%dma_start3A_20 : memref<128xi32, #tpu.memory_space<vmem>>) semaphore(%arg14 : memref<!tpu.dma_semaphore, #tpu.memory_space<semaphore_mem>>)
    %dma_start3A_24 = arith.constant 1 : i32
    %dma_start3A_25 = arith.constant 0 : i32
    %dma_start3A_26 = tpu.memref_slice %arg6[%dma_start3A_24, %dma_start3A_25] : memref<200x128xi32, #tpu.memory_space<vmem>> -> memref<1x128xi32, #tpu.memory_space<vmem>>
    %dma_start3A_27 = tpu.memref_squeeze %dma_start3A_26 : memref<1x128xi32, #tpu.memory_space<vmem>> -> memref<128xi32, #tpu.memory_space<vmem>>
    %dma_start3A_28 = arith.constant 0 : i32
    %dma_start3A_29 = arith.constant 0 : i32
    %dma_start3A_30 = tpu.memref_slice %arg3[%dma_start3A_28, %dma_start3A_29] : memref<1000000x64xf32, #tpu.memory_space<hbm>> -> memref<1000000x64xf32, #tpu.memory_space<hbm>>
    tpu.enqueue_indirect_dma source(%dma_start3A_30 : memref<1000000x64xf32, #tpu.memory_space<hbm>>) target(%arg9 : memref<128x64xf32, #tpu.memory_space<vmem>>) offsets(%dma_start3A_27 : memref<128xi32, #tpu.memory_space<vmem>>) semaphore(%arg15 : memref<!tpu.dma_semaphore, #tpu.memory_space<semaphore_mem>>)
    %dma_start3A_31 = arith.constant 2 : i32
    %dma_start3A_32 = arith.constant 0 : i32
    %dma_start3A_33 = tpu.memref_slice %arg6[%dma_start3A_31, %dma_start3A_32] : memref<200x128xi32, #tpu.memory_space<vmem>> -> memref<1x128xi32, #tpu.memory_space<vmem>>
    %dma_start3A_34 = tpu.memref_squeeze %dma_start3A_33 : memref<1x128xi32, #tpu.memory_space<vmem>> -> memref<128xi32, #tpu.memory_space<vmem>>
    %dma_start3A_35 = arith.constant 0 : i32
    %dma_start3A_36 = arith.constant 0 : i32
    %dma_start3A_37 = tpu.memref_slice %arg3[%dma_start3A_35, %dma_start3A_36] : memref<1000000x64xf32, #tpu.memory_space<hbm>> -> memref<1000000x64xf32, #tpu.memory_space<hbm>>
    tpu.enqueue_indirect_dma source(%dma_start3A_37 : memref<1000000x64xf32, #tpu.memory_space<hbm>>) target(%arg10 : memref<128x64xf32, #tpu.memory_space<vmem>>) offsets(%dma_start3A_34 : memref<128xi32, #tpu.memory_space<vmem>>) semaphore(%arg16 : memref<!tpu.dma_semaphore, #tpu.memory_space<semaphore_mem>>)
    %scan3A = arith.constant 0 : i32
    %scan3A_38 = arith.constant 0 : i32
    %scan3A_39 = arith.constant 50 : i32
    %scan3A_40 = arith.addi %scan3A_38, %scan3A_39 : i32
    %scan3A_41 = arith.constant 1 : i32
    scf.for %scan3A_234 = %scan3A_38 to %scan3A_40 step %scan3A_41  : i32 {
      %mul3A_235 = arith.constant 4 : i32
      %mul3A_236 = arith.muli %scan3A_234, %mul3A_235 : i32
      %add3A_237 = arith.constant 0 : i32
      %add3A_238 = arith.addi %mul3A_236, %add3A_237 : i32
      %lt3A = arith.constant 200 : i32
      %lt3A_239 = arith.cmpi slt, %add3A_238, %lt3A : i32
      %convert_element_type3A = arith.extui %lt3A_239 : i1 to i32
      %cond3A = arith.constant 0 : i32
      %cond3A_240 = arith.cmpi ne, %convert_element_type3A, %cond3A : i32
      scf.if %cond3A_240 {
        %add3A_268 = arith.constant 3 : i32
        %add3A_269 = arith.addi %add3A_238, %add3A_268 : i32
        %lt3A_270 = arith.constant 200 : i32
        %lt3A_271 = arith.cmpi slt, %add3A_269, %lt3A_270 : i32
        %convert_element_type3A_272 = arith.extui %lt3A_271 : i1 to i32
        %cond3A_273 = arith.constant 0 : i32
        %cond3A_274 = arith.cmpi ne, %convert_element_type3A_272, %cond3A_273 : i32
        scf.if %cond3A_274 {
          %add3A_387 = arith.constant 3 : i32
          %add3A_388 = arith.addi %add3A_238, %add3A_387 : i32
          %dma_start3A_389 = arith.constant 0 : i32
          %dma_start3A_390 = tpu.memref_slice %arg6[%add3A_388, %dma_start3A_389] : memref<200x128xi32, #tpu.memory_space<vmem>> -> memref<1x128xi32, #tpu.memory_space<vmem>>
          %dma_start3A_391 = tpu.memref_squeeze %dma_start3A_390 : memref<1x128xi32, #tpu.memory_space<vmem>> -> memref<128xi32, #tpu.memory_space<vmem>>
          %dma_start3A_392 = arith.constant 0 : i32
          %dma_start3A_393 = arith.constant 0 : i32
          %dma_start3A_394 = tpu.memref_slice %arg3[%dma_start3A_392, %dma_start3A_393] : memref<1000000x64xf32, #tpu.memory_space<hbm>> -> memref<1000000x64xf32, #tpu.memory_space<hbm>>
          tpu.enqueue_indirect_dma source(%dma_start3A_394 : memref<1000000x64xf32, #tpu.memory_space<hbm>>) target(%arg11 : memref<128x64xf32, #tpu.memory_space<vmem>>) offsets(%dma_start3A_391 : memref<128xi32, #tpu.memory_space<vmem>>) semaphore(%arg17 : memref<!tpu.dma_semaphore, #tpu.memory_space<semaphore_mem>>)
        } else {
        }
        %dma_wait3A_275 = arith.constant 0 : i32
        %dma_wait3A_276 = arith.constant 0 : i32
        %dma_wait3A_277 = tpu.memref_slice %arg6[%dma_wait3A_275, %dma_wait3A_276] : memref<200x128xi32, #tpu.memory_space<vmem>> -> memref<1x128xi32, #tpu.memory_space<vmem>>
        %dma_wait3A_278 = tpu.memref_squeeze %dma_wait3A_277 : memref<1x128xi32, #tpu.memory_space<vmem>> -> memref<128xi32, #tpu.memory_space<vmem>>
        %dma_wait3A_279 = arith.constant 0 : i32
        %dma_wait3A_280 = arith.constant 0 : i32
        %dma_wait3A_281 = tpu.memref_slice %arg3[%dma_wait3A_279, %dma_wait3A_280] : memref<1000000x64xf32, #tpu.memory_space<hbm>> -> memref<1000000x64xf32, #tpu.memory_space<hbm>>
        tpu.wait_indirect_dma semaphore(%arg14 : memref<!tpu.dma_semaphore, #tpu.memory_space<semaphore_mem>>) src(%dma_wait3A_281 : memref<1000000x64xf32, #tpu.memory_space<hbm>>) dst(%arg8 : memref<128x64xf32, #tpu.memory_space<vmem>>)
        %ge3A = arith.constant 2 : i32
        %ge3A_282 = arith.cmpi sge, %add3A_238, %ge3A : i32
        %convert_element_type3A_283 = arith.extui %ge3A_282 : i1 to i32
        %cond3A_284 = arith.constant 0 : i32
        %cond3A_285 = arith.cmpi ne, %convert_element_type3A_283, %cond3A_284 : i32
        scf.if %cond3A_285 {
          %dma_wait3A_387 = arith.constant 0 : i32
          %dma_wait3A_388 = arith.constant 0 : i32
          %dma_wait3A_389 = arith.constant 0 : i32
          %dma_wait3A_390 = tpu.memref_slice %arg12[%dma_wait3A_389] : memref<8192xf32, #tpu.memory_space<vmem>> -> memref<1024xf32, #tpu.memory_space<vmem>>
          %dma_wait3A_391 = arith.constant 0 : i32
          %dma_wait3A_392 = tpu.memref_slice %arg5[%dma_wait3A_387, %dma_wait3A_388, %add3A, %dma_wait3A_391] : memref<200x8x32x1024xf32, #tpu.memory_space<hbm>> -> memref<1x1x1x1024xf32, #tpu.memory_space<hbm>>
          %dma_wait3A_393 = tpu.memref_squeeze %dma_wait3A_392 : memref<1x1x1x1024xf32, #tpu.memory_space<hbm>> -> memref<1024xf32, #tpu.memory_space<hbm>>
          %dma_wait3A_394 = arith.constant 0 : i32
          %dma_wait3A_395 = tpu.memref_slice %arg5[%dma_wait3A_387, %dma_wait3A_388, %add3A, %dma_wait3A_394] : memref<200x8x32x1024xf32, #tpu.memory_space<hbm>> -> memref<1x1x1x1024xf32, #tpu.memory_space<hbm>>
          %dma_wait3A_396 = tpu.memref_squeeze %dma_wait3A_395 : memref<1x1x1x1024xf32, #tpu.memory_space<hbm>> -> memref<1024xf32, #tpu.memory_space<hbm>>
          %dma_wait3A_397 = arith.constant 0 : i32
          %dma_wait3A_398 = tpu.memref_slice %arg12[%dma_wait3A_397] : memref<8192xf32, #tpu.memory_space<vmem>> -> memref<1024xf32, #tpu.memory_space<vmem>>
          tpu.wait_dma2 semaphore(%arg18 : memref<!tpu.dma_semaphore, #tpu.memory_space<semaphore_mem>>) src(%dma_wait3A_398 : memref<1024xf32, #tpu.memory_space<vmem>>) dst(%dma_wait3A_396 : memref<1024xf32, #tpu.memory_space<hbm>>)
          %dma_wait3A_399 = arith.constant 0 : i32
          %dma_wait3A_400 = arith.constant 1 : i32
          %dma_wait3A_401 = arith.constant 1024 : i32
          %dma_wait3A_402 = tpu.memref_slice %arg12[%dma_wait3A_401] : memref<8192xf32, #tpu.memory_space<vmem>> -> memref<1024xf32, #tpu.memory_space<vmem>>
          %dma_wait3A_403 = arith.constant 0 : i32
          %dma_wait3A_404 = tpu.memref_slice %arg5[%dma_wait3A_399, %dma_wait3A_400, %add3A, %dma_wait3A_403] : memref<200x8x32x1024xf32, #tpu.memory_space<hbm>> -> memref<1x1x1x1024xf32, #tpu.memory_space<hbm>>
          %dma_wait3A_405 = tpu.memref_squeeze %dma_wait3A_404 : memref<1x1x1x1024xf32, #tpu.memory_space<hbm>> -> memref<1024xf32, #tpu.memory_space<hbm>>
          %dma_wait3A_406 = arith.constant 0 : i32
          %dma_wait3A_407 = tpu.memref_slice %arg5[%dma_wait3A_399, %dma_wait3A_400, %add3A, %dma_wait3A_406] : memref<200x8x32x1024xf32, #tpu.memory_space<hbm>> -> memref<1x1x1x1024xf32, #tpu.memory_space<hbm>>
          %dma_wait3A_408 = tpu.memref_squeeze %dma_wait3A_407 : memref<1x1x1x1024xf32, #tpu.memory_space<hbm>> -> memref<1024xf32, #tpu.memory_space<hbm>>
          %dma_wait3A_409 = arith.constant 1024 : i32
          %dma_wait3A_410 = tpu.memref_slice %arg12[%dma_wait3A_409] : memref<8192xf32, #tpu.memory_space<vmem>> -> memref<1024xf32, #tpu.memory_space<vmem>>
          tpu.wait_dma2 semaphore(%arg18 : memref<!tpu.dma_semaphore, #tpu.memory_space<semaphore_mem>>) src(%dma_wait3A_410 : memref<1024xf32, #tpu.memory_space<vmem>>) dst(%dma_wait3A_408 : memref<1024xf32, #tpu.memory_space<hbm>>)
          %dma_wait3A_411 = arith.constant 0 : i32
          %dma_wait3A_412 = arith.constant 2 : i32
          %dma_wait3A_413 = arith.constant 2048 : i32
          %dma_wait3A_414 = tpu.memref_slice %arg12[%dma_wait3A_413] : memref<8192xf32, #tpu.memory_space<vmem>> -> memref<1024xf32, #tpu.memory_space<vmem>>
          %dma_wait3A_415 = arith.constant 0 : i32
          %dma_wait3A_416 = tpu.memref_slice %arg5[%dma_wait3A_411, %dma_wait3A_412, %add3A, %dma_wait3A_415] : memref<200x8x32x1024xf32, #tpu.memory_space<hbm>> -> memref<1x1x1x1024xf32, #tpu.memory_space<hbm>>
          %dma_wait3A_417 = tpu.memref_squeeze %dma_wait3A_416 : memref<1x1x1x1024xf32, #tpu.memory_space<hbm>> -> memref<1024xf32, #tpu.memory_space<hbm>>
          %dma_wait3A_418 = arith.constant 0 : i32
          %dma_wait3A_419 = tpu.memref_slice %arg5[%dma_wait3A_411, %dma_wait3A_412, %add3A, %dma_wait3A_418] : memref<200x8x32x1024xf32, #tpu.memory_space<hbm>> -> memref<1x1x1x1024xf32, #tpu.memory_space<hbm>>
          %dma_wait3A_420 = tpu.memref_squeeze %dma_wait3A_419 : memref<1x1x1x1024xf32, #tpu.memory_space<hbm>> -> memref<1024xf32, #tpu.memory_space<hbm>>
          %dma_wait3A_421 = arith.constant 2048 : i32
          %dma_wait3A_422 = tpu.memref_slice %arg12[%dma_wait3A_421] : memref<8192xf32, #tpu.memory_space<vmem>> -> memref<1024xf32, #tpu.memory_space<vmem>>
          tpu.wait_dma2 semaphore(%arg18 : memref<!tpu.dma_semaphore, #tpu.memory_space<semaphore_mem>>) src(%dma_wait3A_422 : memref<1024xf32, #tpu.memory_space<vmem>>) dst(%dma_wait3A_420 : memref<1024xf32, #tpu.memory_space<hbm>>)
          %dma_wait3A_423 = arith.constant 0 : i32
          %dma_wait3A_424 = arith.constant 3 : i32
          %dma_wait3A_425 = arith.constant 3072 : i32
          %dma_wait3A_426 = tpu.memref_slice %arg12[%dma_wait3A_425] : memref<8192xf32, #tpu.memory_space<vmem>> -> memref<1024xf32, #tpu.memory_space<vmem>>
          %dma_wait3A_427 = arith.constant 0 : i32
          %dma_wait3A_428 = tpu.memref_slice %arg5[%dma_wait3A_423, %dma_wait3A_424, %add3A, %dma_wait3A_427] : memref<200x8x32x1024xf32, #tpu.memory_space<hbm>> -> memref<1x1x1x1024xf32, #tpu.memory_space<hbm>>
          %dma_wait3A_429 = tpu.memref_squeeze %dma_wait3A_428 : memref<1x1x1x1024xf32, #tpu.memory_space<hbm>> -> memref<1024xf32, #tpu.memory_space<hbm>>
          %dma_wait3A_430 = arith.constant 0 : i32
          %dma_wait3A_431 = tpu.memref_slice %arg5[%dma_wait3A_423, %dma_wait3A_424, %add3A, %dma_wait3A_430] : memref<200x8x32x1024xf32, #tpu.memory_space<hbm>> -> memref<1x1x1x1024xf32, #tpu.memory_space<hbm>>
          %dma_wait3A_432 = tpu.memref_squeeze %dma_wait3A_431 : memref<1x1x1x1024xf32, #tpu.memory_space<hbm>> -> memref<1024xf32, #tpu.memory_space<hbm>>
          %dma_wait3A_433 = arith.constant 3072 : i32
          %dma_wait3A_434 = tpu.memref_slice %arg12[%dma_wait3A_433] : memref<8192xf32, #tpu.memory_space<vmem>> -> memref<1024xf32, #tpu.memory_space<vmem>>
          tpu.wait_dma2 semaphore(%arg18 : memref<!tpu.dma_semaphore, #tpu.memory_space<semaphore_mem>>) src(%dma_wait3A_434 : memref<1024xf32, #tpu.memory_space<vmem>>) dst(%dma_wait3A_432 : memref<1024xf32, #tpu.memory_space<hbm>>)
          %dma_wait3A_435 = arith.constant 0 : i32
          %dma_wait3A_436 = arith.constant 4 : i32
          %dma_wait3A_437 = arith.constant 4096 : i32
          %dma_wait3A_438 = tpu.memref_slice %arg12[%dma_wait3A_437] : memref<8192xf32, #tpu.memory_space<vmem>> -> memref<1024xf32, #tpu.memory_space<vmem>>
          %dma_wait3A_439 = arith.constant 0 : i32
          %dma_wait3A_440 = tpu.memref_slice %arg5[%dma_wait3A_435, %dma_wait3A_436, %add3A, %dma_wait3A_439] : memref<200x8x32x1024xf32, #tpu.memory_space<hbm>> -> memref<1x1x1x1024xf32, #tpu.memory_space<hbm>>
          %dma_wait3A_441 = tpu.memref_squeeze %dma_wait3A_440 : memref<1x1x1x1024xf32, #tpu.memory_space<hbm>> -> memref<1024xf32, #tpu.memory_space<hbm>>
          %dma_wait3A_442 = arith.constant 0 : i32
          %dma_wait3A_443 = tpu.memref_slice %arg5[%dma_wait3A_435, %dma_wait3A_436, %add3A, %dma_wait3A_442] : memref<200x8x32x1024xf32, #tpu.memory_space<hbm>> -> memref<1x1x1x1024xf32, #tpu.memory_space<hbm>>
          %dma_wait3A_444 = tpu.memref_squeeze %dma_wait3A_443 : memref<1x1x1x1024xf32, #tpu.memory_space<hbm>> -> memref<1024xf32, #tpu.memory_space<hbm>>
          %dma_wait3A_445 = arith.constant 4096 : i32
          %dma_wait3A_446 = tpu.memref_slice %arg12[%dma_wait3A_445] : memref<8192xf32, #tpu.memory_space<vmem>> -> memref<1024xf32, #tpu.memory_space<vmem>>
          tpu.wait_dma2 semaphore(%arg18 : memref<!tpu.dma_semaphore, #tpu.memory_space<semaphore_mem>>) src(%dma_wait3A_446 : memref<1024xf32, #tpu.memory_space<vmem>>) dst(%dma_wait3A_444 : memref<1024xf32, #tpu.memory_space<hbm>>)
          %dma_wait3A_447 = arith.constant 0 : i32
          %dma_wait3A_448 = arith.constant 5 : i32
          %dma_wait3A_449 = arith.constant 5120 : i32
          %dma_wait3A_450 = tpu.memref_slice %arg12[%dma_wait3A_449] : memref<8192xf32, #tpu.memory_space<vmem>> -> memref<1024xf32, #tpu.memory_space<vmem>>
          %dma_wait3A_451 = arith.constant 0 : i32
          %dma_wait3A_452 = tpu.memref_slice %arg5[%dma_wait3A_447, %dma_wait3A_448, %add3A, %dma_wait3A_451] : memref<200x8x32x1024xf32, #tpu.memory_space<hbm>> -> memref<1x1x1x1024xf32, #tpu.memory_space<hbm>>
          %dma_wait3A_453 = tpu.memref_squeeze %dma_wait3A_452 : memref<1x1x1x1024xf32, #tpu.memory_space<hbm>> -> memref<1024xf32, #tpu.memory_space<hbm>>
          %dma_wait3A_454 = arith.constant 0 : i32
          %dma_wait3A_455 = tpu.memref_slice %arg5[%dma_wait3A_447, %dma_wait3A_448, %add3A, %dma_wait3A_454] : memref<200x8x32x1024xf32, #tpu.memory_space<hbm>> -> memref<1x1x1x1024xf32, #tpu.memory_space<hbm>>
          %dma_wait3A_456 = tpu.memref_squeeze %dma_wait3A_455 : memref<1x1x1x1024xf32, #tpu.memory_space<hbm>> -> memref<1024xf32, #tpu.memory_space<hbm>>
          %dma_wait3A_457 = arith.constant 5120 : i32
          %dma_wait3A_458 = tpu.memref_slice %arg12[%dma_wait3A_457] : memref<8192xf32, #tpu.memory_space<vmem>> -> memref<1024xf32, #tpu.memory_space<vmem>>
          tpu.wait_dma2 semaphore(%arg18 : memref<!tpu.dma_semaphore, #tpu.memory_space<semaphore_mem>>) src(%dma_wait3A_458 : memref<1024xf32, #tpu.memory_space<vmem>>) dst(%dma_wait3A_456 : memref<1024xf32, #tpu.memory_space<hbm>>)
          %dma_wait3A_459 = arith.constant 0 : i32
          %dma_wait3A_460 = arith.constant 6 : i32
          %dma_wait3A_461 = arith.constant 6144 : i32
          %dma_wait3A_462 = tpu.memref_slice %arg12[%dma_wait3A_461] : memref<8192xf32, #tpu.memory_space<vmem>> -> memref<1024xf32, #tpu.memory_space<vmem>>
          %dma_wait3A_463 = arith.constant 0 : i32
          %dma_wait3A_464 = tpu.memref_slice %arg5[%dma_wait3A_459, %dma_wait3A_460, %add3A, %dma_wait3A_463] : memref<200x8x32x1024xf32, #tpu.memory_space<hbm>> -> memref<1x1x1x1024xf32, #tpu.memory_space<hbm>>
          %dma_wait3A_465 = tpu.memref_squeeze %dma_wait3A_464 : memref<1x1x1x1024xf32, #tpu.memory_space<hbm>> -> memref<1024xf32, #tpu.memory_space<hbm>>
          %dma_wait3A_466 = arith.constant 0 : i32
          %dma_wait3A_467 = tpu.memref_slice %arg5[%dma_wait3A_459, %dma_wait3A_460, %add3A, %dma_wait3A_466] : memref<200x8x32x1024xf32, #tpu.memory_space<hbm>> -> memref<1x1x1x1024xf32, #tpu.memory_space<hbm>>
          %dma_wait3A_468 = tpu.memref_squeeze %dma_wait3A_467 : memref<1x1x1x1024xf32, #tpu.memory_space<hbm>> -> memref<1024xf32, #tpu.memory_space<hbm>>
          %dma_wait3A_469 = arith.constant 6144 : i32
          %dma_wait3A_470 = tpu.memref_slice %arg12[%dma_wait3A_469] : memref<8192xf32, #tpu.memory_space<vmem>> -> memref<1024xf32, #tpu.memory_space<vmem>>
          tpu.wait_dma2 semaphore(%arg18 : memref<!tpu.dma_semaphore, #tpu.memory_space<semaphore_mem>>) src(%dma_wait3A_470 : memref<1024xf32, #tpu.memory_space<vmem>>) dst(%dma_wait3A_468 : memref<1024xf32, #tpu.memory_space<hbm>>)
          %dma_wait3A_471 = arith.constant 0 : i32
          %dma_wait3A_472 = arith.constant 7 : i32
          %dma_wait3A_473 = arith.constant 7168 : i32
          %dma_wait3A_474 = tpu.memref_slice %arg12[%dma_wait3A_473] : memref<8192xf32, #tpu.memory_space<vmem>> -> memref<1024xf32, #tpu.memory_space<vmem>>
          %dma_wait3A_475 = arith.constant 0 : i32
          %dma_wait3A_476 = tpu.memref_slice %arg5[%dma_wait3A_471, %dma_wait3A_472, %add3A, %dma_wait3A_475] : memref<200x8x32x1024xf32, #tpu.memory_space<hbm>> -> memref<1x1x1x1024xf32, #tpu.memory_space<hbm>>
          %dma_wait3A_477 = tpu.memref_squeeze %dma_wait3A_476 : memref<1x1x1x1024xf32, #tpu.memory_space<hbm>> -> memref<1024xf32, #tpu.memory_space<hbm>>
          %dma_wait3A_478 = arith.constant 0 : i32
          %dma_wait3A_479 = tpu.memref_slice %arg5[%dma_wait3A_471, %dma_wait3A_472, %add3A, %dma_wait3A_478] : memref<200x8x32x1024xf32, #tpu.memory_space<hbm>> -> memref<1x1x1x1024xf32, #tpu.memory_space<hbm>>
          %dma_wait3A_480 = tpu.memref_squeeze %dma_wait3A_479 : memref<1x1x1x1024xf32, #tpu.memory_space<hbm>> -> memref<1024xf32, #tpu.memory_space<hbm>>
          %dma_wait3A_481 = arith.constant 7168 : i32
          %dma_wait3A_482 = tpu.memref_slice %arg12[%dma_wait3A_481] : memref<8192xf32, #tpu.memory_space<vmem>> -> memref<1024xf32, #tpu.memory_space<vmem>>
          tpu.wait_dma2 semaphore(%arg18 : memref<!tpu.dma_semaphore, #tpu.memory_space<semaphore_mem>>) src(%dma_wait3A_482 : memref<1024xf32, #tpu.memory_space<vmem>>) dst(%dma_wait3A_480 : memref<1024xf32, #tpu.memory_space<hbm>>)
        } else {
        }
        %get3A = arith.index_cast %add3A_238 : i32 to index
        %get3A_286 = arith.constant 0 : index
        %get3A_287 = tpu.vector_load %arg7[%get3A, %get3A_286] {strides = array<i32>} : memref<200x64xf32, #tpu.memory_space<vmem>>, vector<16xf32>,
        %get3A_288 = arith.index_cast %add3A_238 : i32 to index
        %get3A_289 = arith.constant 16 : index
        %get3A_290 = tpu.vector_load %arg7[%get3A_288, %get3A_289] {strides = array<i32>} : memref<200x64xf32, #tpu.memory_space<vmem>>, vector<16xf32>,
        %get3A_291 = arith.index_cast %add3A_238 : i32 to index
        %get3A_292 = arith.constant 32 : index
        %get3A_293 = tpu.vector_load %arg7[%get3A_291, %get3A_292] {strides = array<i32>} : memref<200x64xf32, #tpu.memory_space<vmem>>, vector<16xf32>,
        %get3A_294 = arith.index_cast %add3A_238 : i32 to index
        %get3A_295 = arith.constant 48 : index
        %get3A_296 = tpu.vector_load %arg7[%get3A_294, %get3A_295] {strides = array<i32>} : memref<200x64xf32, #tpu.memory_space<vmem>>, vector<16xf32>,
        %parallel_loop3A = arith.constant 0 : i32
        %parallel_loop3A_297 = arith.constant 128 : i32
        %parallel_loop3A_298 = arith.constant 1 : i32
        scf.for %parallel_loop3A_387 = %parallel_loop3A to %parallel_loop3A_297 step %parallel_loop3A_298  : i32 {
          %parallel_loop3A_388 = arith.constant 15 : i32
          %parallel_loop3A_389 = arith.andi %parallel_loop3A_387, %parallel_loop3A_388 : i32
          %parallel_loop3A_390 = arith.constant 4 : i32
          %parallel_loop3A_391 = arith.shrsi %parallel_loop3A_387, %parallel_loop3A_390 : i32
          %parallel_loop3A_392 = arith.constant 16 : i32
          %parallel_loop3A_393 = arith.muli %parallel_loop3A_391, %parallel_loop3A_392 : i32
          %parallel_loop3A_394 = vector.broadcast %parallel_loop3A_389 : i32 to vector<16xi32>
          %parallel_loop3A_395 = arith.addi %iota3A, %parallel_loop3A_394 : vector<16xi32>
          %parallel_loop3A_396 = arith.constant 15 : i32
          %parallel_loop3A_397 = vector.broadcast %parallel_loop3A_396 : i32 to vector<16xi32>
          %parallel_loop3A_398 = arith.andi %parallel_loop3A_395, %parallel_loop3A_397 : vector<16xi32>
          %parallel_loop3A_399 = vector.broadcast %parallel_loop3A_393 : i32 to vector<16xi32>
          %parallel_loop3A_400 = arith.addi %parallel_loop3A_398, %parallel_loop3A_399 : vector<16xi32>
          %parallel_loop3A_401 = arith.addi %mul3A_5, %parallel_loop3A_400 : vector<16xi32>
          %parallel_loop3A_402 = vector.broadcast %parallel_loop3A_393 : i32 to vector<16xi32>
          %parallel_loop3A_403 = arith.addi %parallel_loop3A_398, %parallel_loop3A_402 : vector<16xi32>
          %parallel_loop3A_404 = tpu.vector_load_idx %arg8[%parallel_loop3A_403, %add3A_8] : memref<128x64xf32, #tpu.memory_space<vmem>>[vector<16xi32>, vector<16xi32>], vector<16xf32>,
          %parallel_loop3A_405 = arith.addf %parallel_loop3A_404, %get3A_287 : vector<16xf32>
          %parallel_loop3A_406 = arith.constant 0 : i32
          %parallel_loop3A_407 = vector.broadcast %parallel_loop3A_406 : i32 to vector<16xi32>
          %parallel_loop3A_408 = arith.addi %parallel_loop3A_401, %parallel_loop3A_407 : vector<16xi32>
          tpu.vector_store_idx %arg12[%parallel_loop3A_408], %parallel_loop3A_405 : memref<8192xf32, #tpu.memory_space<vmem>>[vector<16xi32>], vector<16xf32>,
          %parallel_loop3A_409 = tpu.vector_load_idx %arg8[%parallel_loop3A_403, %add3A_11] : memref<128x64xf32, #tpu.memory_space<vmem>>[vector<16xi32>, vector<16xi32>], vector<16xf32>,
          %parallel_loop3A_410 = arith.addf %parallel_loop3A_409, %get3A_290 : vector<16xf32>
          %parallel_loop3A_411 = arith.constant 2048 : i32
          %parallel_loop3A_412 = vector.broadcast %parallel_loop3A_411 : i32 to vector<16xi32>
          %parallel_loop3A_413 = arith.addi %parallel_loop3A_401, %parallel_loop3A_412 : vector<16xi32>
          tpu.vector_store_idx %arg12[%parallel_loop3A_413], %parallel_loop3A_410 : memref<8192xf32, #tpu.memory_space<vmem>>[vector<16xi32>], vector<16xf32>,
          %parallel_loop3A_414 = tpu.vector_load_idx %arg8[%parallel_loop3A_403, %add3A_14] : memref<128x64xf32, #tpu.memory_space<vmem>>[vector<16xi32>, vector<16xi32>], vector<16xf32>,
          %parallel_loop3A_415 = arith.addf %parallel_loop3A_414, %get3A_293 : vector<16xf32>
          %parallel_loop3A_416 = arith.constant 4096 : i32
          %parallel_loop3A_417 = vector.broadcast %parallel_loop3A_416 : i32 to vector<16xi32>
          %parallel_loop3A_418 = arith.addi %parallel_loop3A_401, %parallel_loop3A_417 : vector<16xi32>
          tpu.vector_store_idx %arg12[%parallel_loop3A_418], %parallel_loop3A_415 : memref<8192xf32, #tpu.memory_space<vmem>>[vector<16xi32>], vector<16xf32>,
          %parallel_loop3A_419 = tpu.vector_load_idx %arg8[%parallel_loop3A_403, %add3A_17] : memref<128x64xf32, #tpu.memory_space<vmem>>[vector<16xi32>, vector<16xi32>], vector<16xf32>,
          %parallel_loop3A_420 = arith.addf %parallel_loop3A_419, %get3A_296 : vector<16xf32>
          %parallel_loop3A_421 = arith.constant 6144 : i32
          %parallel_loop3A_422 = vector.broadcast %parallel_loop3A_421 : i32 to vector<16xi32>
          %parallel_loop3A_423 = arith.addi %parallel_loop3A_401, %parallel_loop3A_422 : vector<16xi32>
          tpu.vector_store_idx %arg12[%parallel_loop3A_423], %parallel_loop3A_420 : memref<8192xf32, #tpu.memory_space<vmem>>[vector<16xi32>], vector<16xf32>,
        } {sc.loop_unroll_factor = 4 : i64, sc.parallel_access}
        %dma_start3A_299 = arith.constant 0 : i32
        %dma_start3A_300 = arith.constant 0 : i32
        %dma_start3A_301 = tpu.memref_slice %arg12[%dma_start3A_300] : memref<8192xf32, #tpu.memory_space<vmem>> -> memref<1024xf32, #tpu.memory_space<vmem>>
        %dma_start3A_302 = arith.constant 0 : i32
        %dma_start3A_303 = tpu.memref_slice %arg5[%add3A_238, %dma_start3A_299, %add3A, %dma_start3A_302] : memref<200x8x32x1024xf32, #tpu.memory_space<hbm>> -> memref<1x1x1x1024xf32, #tpu.memory_space<hbm>>
        %dma_start3A_304 = tpu.memref_squeeze %dma_start3A_303 : memref<1x1x1x1024xf32, #tpu.memory_space<hbm>> -> memref<1024xf32, #tpu.memory_space<hbm>>
        %dma_start3A_305 = arith.constant 0 : i32
        %dma_start3A_306 = tpu.memref_slice %arg5[%add3A_238, %dma_start3A_299, %add3A, %dma_start3A_305] : memref<200x8x32x1024xf32, #tpu.memory_space<hbm>> -> memref<1x1x1x1024xf32, #tpu.memory_space<hbm>>
        %dma_start3A_307 = tpu.memref_squeeze %dma_start3A_306 : memref<1x1x1x1024xf32, #tpu.memory_space<hbm>> -> memref<1024xf32, #tpu.memory_space<hbm>>
        %dma_start3A_308 = arith.constant 0 : i32
        %dma_start3A_309 = tpu.memref_slice %arg12[%dma_start3A_308] : memref<8192xf32, #tpu.memory_space<vmem>> -> memref<1024xf32, #tpu.memory_space<vmem>>
        tpu.enqueue_dma source(%dma_start3A_309 : memref<1024xf32, #tpu.memory_space<vmem>>) target(%dma_start3A_307 : memref<1024xf32, #tpu.memory_space<hbm>>) target_semaphore(%arg18 : memref<!tpu.dma_semaphore, #tpu.memory_space<semaphore_mem>>)
        %dma_start3A_310 = arith.constant 1 : i32
        %dma_start3A_311 = arith.constant 1024 : i32
        %dma_start3A_312 = tpu.memref_slice %arg12[%dma_start3A_311] : memref<8192xf32, #tpu.memory_space<vmem>> -> memref<1024xf32, #tpu.memory_space<vmem>>
        %dma_start3A_313 = arith.constant 0 : i32
        %dma_start3A_314 = tpu.memref_slice %arg5[%add3A_238, %dma_start3A_310, %add3A, %dma_start3A_313] : memref<200x8x32x1024xf32, #tpu.memory_space<hbm>> -> memref<1x1x1x1024xf32, #tpu.memory_space<hbm>>
        %dma_start3A_315 = tpu.memref_squeeze %dma_start3A_314 : memref<1x1x1x1024xf32, #tpu.memory_space<hbm>> -> memref<1024xf32, #tpu.memory_space<hbm>>
        %dma_start3A_316 = arith.constant 0 : i32
        %dma_start3A_317 = tpu.memref_slice %arg5[%add3A_238, %dma_start3A_310, %add3A, %dma_start3A_316] : memref<200x8x32x1024xf32, #tpu.memory_space<hbm>> -> memref<1x1x1x1024xf32, #tpu.memory_space<hbm>>
        %dma_start3A_318 = tpu.memref_squeeze %dma_start3A_317 : memref<1x1x1x1024xf32, #tpu.memory_space<hbm>> -> memref<1024xf32, #tpu.memory_space<hbm>>
        %dma_start3A_319 = arith.constant 1024 : i32
        %dma_start3A_320 = tpu.memref_slice %arg12[%dma_start3A_319] : memref<8192xf32, #tpu.memory_space<vmem>> -> memref<1024xf32, #tpu.memory_space<vmem>>
        tpu.enqueue_dma source(%dma_start3A_320 : memref<1024xf32, #tpu.memory_space<vmem>>) target(%dma_start3A_318 : memref<1024xf32, #tpu.memory_space<hbm>>) target_semaphore(%arg18 : memref<!tpu.dma_semaphore, #tpu.memory_space<semaphore_mem>>)
        %dma_start3A_321 = arith.constant 2 : i32
        %dma_start3A_322 = arith.constant 2048 : i32
        %dma_start3A_323 = tpu.memref_slice %arg12[%dma_start3A_322] : memref<8192xf32, #tpu.memory_space<vmem>> -> memref<1024xf32, #tpu.memory_space<vmem>>
        %dma_start3A_324 = arith.constant 0 : i32
        %dma_start3A_325 = tpu.memref_slice %arg5[%add3A_238, %dma_start3A_321, %add3A, %dma_start3A_324] : memref<200x8x32x1024xf32, #tpu.memory_space<hbm>> -> memref<1x1x1x1024xf32, #tpu.memory_space<hbm>>
        %dma_start3A_326 = tpu.memref_squeeze %dma_start3A_325 : memref<1x1x1x1024xf32, #tpu.memory_space<hbm>> -> memref<1024xf32, #tpu.memory_space<hbm>>
        %dma_start3A_327 = arith.constant 0 : i32
        %dma_start3A_328 = tpu.memref_slice %arg5[%add3A_238, %dma_start3A_321, %add3A, %dma_start3A_327] : memref<200x8x32x1024xf32, #tpu.memory_space<hbm>> -> memref<1x1x1x1024xf32, #tpu.memory_space<hbm>>
        %dma_start3A_329 = tpu.memref_squeeze %dma_start3A_328 : memref<1x1x1x1024xf32, #tpu.memory_space<hbm>> -> memref<1024xf32, #tpu.memory_space<hbm>>
        %dma_start3A_330 = arith.constant 2048 : i32
        %dma_start3A_331 = tpu.memref_slice %arg12[%dma_start3A_330] : memref<8192xf32, #tpu.memory_space<vmem>> -> memref<1024xf32, #tpu.memory_space<vmem>>
        tpu.enqueue_dma source(%dma_start3A_331 : memref<1024xf32, #tpu.memory_space<vmem>>) target(%dma_start3A_329 : memref<1024xf32, #tpu.memory_space<hbm>>) target_semaphore(%arg18 : memref<!tpu.dma_semaphore, #tpu.memory_space<semaphore_mem>>)
        %dma_start3A_332 = arith.constant 3 : i32
        %dma_start3A_333 = arith.constant 3072 : i32
        %dma_start3A_334 = tpu.memref_slice %arg12[%dma_start3A_333] : memref<8192xf32, #tpu.memory_space<vmem>> -> memref<1024xf32, #tpu.memory_space<vmem>>
        %dma_start3A_335 = arith.constant 0 : i32
        %dma_start3A_336 = tpu.memref_slice %arg5[%add3A_238, %dma_start3A_332, %add3A, %dma_start3A_335] : memref<200x8x32x1024xf32, #tpu.memory_space<hbm>> -> memref<1x1x1x1024xf32, #tpu.memory_space<hbm>>
        %dma_start3A_337 = tpu.memref_squeeze %dma_start3A_336 : memref<1x1x1x1024xf32, #tpu.memory_space<hbm>> -> memref<1024xf32, #tpu.memory_space<hbm>>
        %dma_start3A_338 = arith.constant 0 : i32
        %dma_start3A_339 = tpu.memref_slice %arg5[%add3A_238, %dma_start3A_332, %add3A, %dma_start3A_338] : memref<200x8x32x1024xf32, #tpu.memory_space<hbm>> -> memref<1x1x1x1024xf32, #tpu.memory_space<hbm>>
        %dma_start3A_340 = tpu.memref_squeeze %dma_start3A_339 : memref<1x1x1x1024xf32, #tpu.memory_space<hbm>> -> memref<1024xf32, #tpu.memory_space<hbm>>
        %dma_start3A_341 = arith.constant 3072 : i32
        %dma_start3A_342 = tpu.memref_slice %arg12[%dma_start3A_341] : memref<8192xf32, #tpu.memory_space<vmem>> -> memref<1024xf32, #tpu.memory_space<vmem>>
        tpu.enqueue_dma source(%dma_start3A_342 : memref<1024xf32, #tpu.memory_space<vmem>>) target(%dma_start3A_340 : memref<1024xf32, #tpu.memory_space<hbm>>) target_semaphore(%arg18 : memref<!tpu.dma_semaphore, #tpu.memory_space<semaphore_mem>>)
        %dma_start3A_343 = arith.constant 4 : i32
        %dma_start3A_344 = arith.constant 4096 : i32
        %dma_start3A_345 = tpu.memref_slice %arg12[%dma_start3A_344] : memref<8192xf32, #tpu.memory_space<vmem>> -> memref<1024xf32, #tpu.memory_space<vmem>>
        %dma_start3A_346 = arith.constant 0 : i32
        %dma_start3A_347 = tpu.memref_slice %arg5[%add3A_238, %dma_start3A_343, %add3A, %dma_start3A_346] : memref<200x8x32x1024xf32, #tpu.memory_space<hbm>> -> memref<1x1x1x1024xf32, #tpu.memory_space<hbm>>
        %dma_start3A_348 = tpu.memref_squeeze %dma_start3A_347 : memref<1x1x1x1024xf32, #tpu.memory_space<hbm>> -> memref<1024xf32, #tpu.memory_space<hbm>>
        %dma_start3A_349 = arith.constant 0 : i32
        %dma_start3A_350 = tpu.memref_slice %arg5[%add3A_238, %dma_start3A_343, %add3A, %dma_start3A_349] : memref<200x8x32x1024xf32, #tpu.memory_space<hbm>> -> memref<1x1x1x1024xf32, #tpu.memory_space<hbm>>
        %dma_start3A_351 = tpu.memref_squeeze %dma_start3A_350 : memref<1x1x1x1024xf32, #tpu.memory_space<hbm>> -> memref<1024xf32, #tpu.memory_space<hbm>>
        %dma_start3A_352 = arith.constant 4096 : i32
        %dma_start3A_353 = tpu.memref_slice %arg12[%dma_start3A_352] : memref<8192xf32, #tpu.memory_space<vmem>> -> memref<1024xf32, #tpu.memory_space<vmem>>
        tpu.enqueue_dma source(%dma_start3A_353 : memref<1024xf32, #tpu.memory_space<vmem>>) target(%dma_start3A_351 : memref<1024xf32, #tpu.memory_space<hbm>>) target_semaphore(%arg18 : memref<!tpu.dma_semaphore, #tpu.memory_space<semaphore_mem>>)
        %dma_start3A_354 = arith.constant 5 : i32
        %dma_start3A_355 = arith.constant 5120 : i32
        %dma_start3A_356 = tpu.memref_slice %arg12[%dma_start3A_355] : memref<8192xf32, #tpu.memory_space<vmem>> -> memref<1024xf32, #tpu.memory_space<vmem>>
        %dma_start3A_357 = arith.constant 0 : i32
        %dma_start3A_358 = tpu.memref_slice %arg5[%add3A_238, %dma_start3A_354, %add3A, %dma_start3A_357] : memref<200x8x32x1024xf32, #tpu.memory_space<hbm>> -> memref<1x1x1x1024xf32, #tpu.memory_space<hbm>>
        %dma_start3A_359 = tpu.memref_squeeze %dma_start3A_358 : memref<1x1x1x1024xf32, #tpu.memory_space<hbm>> -> memref<1024xf32, #tpu.memory_space<hbm>>
        %dma_start3A_360 = arith.constant 0 : i32
        %dma_start3A_361 = tpu.memref_slice %arg5[%add3A_238, %dma_start3A_354, %add3A, %dma_start3A_360] : memref<200x8x32x1024xf32, #tpu.memory_space<hbm>> -> memref<1x1x1x1024xf32, #tpu.memory_space<hbm>>
        %dma_start3A_362 = tpu.memref_squeeze %dma_start3A_361 : memref<1x1x1x1024xf32, #tpu.memory_space<hbm>> -> memref<1024xf32, #tpu.memory_space<hbm>>
        %dma_start3A_363 = arith.constant 5120 : i32
        %dma_start3A_364 = tpu.memref_slice %arg12[%dma_start3A_363] : memref<8192xf32, #tpu.memory_space<vmem>> -> memref<1024xf32, #tpu.memory_space<vmem>>
        tpu.enqueue_dma source(%dma_start3A_364 : memref<1024xf32, #tpu.memory_space<vmem>>) target(%dma_start3A_362 : memref<1024xf32, #tpu.memory_space<hbm>>) target_semaphore(%arg18 : memref<!tpu.dma_semaphore, #tpu.memory_space<semaphore_mem>>)
        %dma_start3A_365 = arith.constant 6 : i32
        %dma_start3A_366 = arith.constant 6144 : i32
        %dma_start3A_367 = tpu.memref_slice %arg12[%dma_start3A_366] : memref<8192xf32, #tpu.memory_space<vmem>> -> memref<1024xf32, #tpu.memory_space<vmem>>
        %dma_start3A_368 = arith.constant 0 : i32
        %dma_start3A_369 = tpu.memref_slice %arg5[%add3A_238, %dma_start3A_365, %add3A, %dma_start3A_368] : memref<200x8x32x1024xf32, #tpu.memory_space<hbm>> -> memref<1x1x1x1024xf32, #tpu.memory_space<hbm>>
        %dma_start3A_370 = tpu.memref_squeeze %dma_start3A_369 : memref<1x1x1x1024xf32, #tpu.memory_space<hbm>> -> memref<1024xf32, #tpu.memory_space<hbm>>
        %dma_start3A_371 = arith.constant 0 : i32
        %dma_start3A_372 = tpu.memref_slice %arg5[%add3A_238, %dma_start3A_365, %add3A, %dma_start3A_371] : memref<200x8x32x1024xf32, #tpu.memory_space<hbm>> -> memref<1x1x1x1024xf32, #tpu.memory_space<hbm>>
        %dma_start3A_373 = tpu.memref_squeeze %dma_start3A_372 : memref<1x1x1x1024xf32, #tpu.memory_space<hbm>> -> memref<1024xf32, #tpu.memory_space<hbm>>
        %dma_start3A_374 = arith.constant 6144 : i32
        %dma_start3A_375 = tpu.memref_slice %arg12[%dma_start3A_374] : memref<8192xf32, #tpu.memory_space<vmem>> -> memref<1024xf32, #tpu.memory_space<vmem>>
        tpu.enqueue_dma source(%dma_start3A_375 : memref<1024xf32, #tpu.memory_space<vmem>>) target(%dma_start3A_373 : memref<1024xf32, #tpu.memory_space<hbm>>) target_semaphore(%arg18 : memref<!tpu.dma_semaphore, #tpu.memory_space<semaphore_mem>>)
        %dma_start3A_376 = arith.constant 7 : i32
        %dma_start3A_377 = arith.constant 7168 : i32
        %dma_start3A_378 = tpu.memref_slice %arg12[%dma_start3A_377] : memref<8192xf32, #tpu.memory_space<vmem>> -> memref<1024xf32, #tpu.memory_space<vmem>>
        %dma_start3A_379 = arith.constant 0 : i32
        %dma_start3A_380 = tpu.memref_slice %arg5[%add3A_238, %dma_start3A_376, %add3A, %dma_start3A_379] : memref<200x8x32x1024xf32, #tpu.memory_space<hbm>> -> memref<1x1x1x1024xf32, #tpu.memory_space<hbm>>
        %dma_start3A_381 = tpu.memref_squeeze %dma_start3A_380 : memref<1x1x1x1024xf32, #tpu.memory_space<hbm>> -> memref<1024xf32, #tpu.memory_space<hbm>>
        %dma_start3A_382 = arith.constant 0 : i32
        %dma_start3A_383 = tpu.memref_slice %arg5[%add3A_238, %dma_start3A_376, %add3A, %dma_start3A_382] : memref<200x8x32x1024xf32, #tpu.memory_space<hbm>> -> memref<1x1x1x1024xf32, #tpu.memory_space<hbm>>
        %dma_start3A_384 = tpu.memref_squeeze %dma_start3A_383 : memref<1x1x1x1024xf32, #tpu.memory_space<hbm>> -> memref<1024xf32, #tpu.memory_space<hbm>>
        %dma_start3A_385 = arith.constant 7168 : i32
        %dma_start3A_386 = tpu.memref_slice %arg12[%dma_start3A_385] : memref<8192xf32, #tpu.memory_space<vmem>> -> memref<1024xf32, #tpu.memory_space<vmem>>
        tpu.enqueue_dma source(%dma_start3A_386 : memref<1024xf32, #tpu.memory_space<vmem>>) target(%dma_start3A_384 : memref<1024xf32, #tpu.memory_space<hbm>>) target_semaphore(%arg18 : memref<!tpu.dma_semaphore, #tpu.memory_space<semaphore_mem>>)
      } else {
      }
      %mul3A_241 = arith.constant 4 : i32
      %mul3A_242 = arith.muli %scan3A_234, %mul3A_241 : i32
      %add3A_243 = arith.constant 1 : i32
      %add3A_244 = arith.addi %mul3A_242, %add3A_243 : i32
      %lt3A_245 = arith.constant 200 : i32
      %lt3A_246 = arith.cmpi slt, %add3A_244, %lt3A_245 : i32
      %convert_element_type3A_247 = arith.extui %lt3A_246 : i1 to i32
      %cond3A_248 = arith.constant 0 : i32
      %cond3A_249 = arith.cmpi ne, %convert_element_type3A_247, %cond3A_248 : i32
      scf.if %cond3A_249 {
        %add3A_268 = arith.constant 3 : i32
        %add3A_269 = arith.addi %add3A_244, %add3A_268 : i32
        %lt3A_270 = arith.constant 200 : i32
        %lt3A_271 = arith.cmpi slt, %add3A_269, %lt3A_270 : i32
        %convert_element_type3A_272 = arith.extui %lt3A_271 : i1 to i32
        %cond3A_273 = arith.constant 0 : i32
        %cond3A_274 = arith.cmpi ne, %convert_element_type3A_272, %cond3A_273 : i32
        scf.if %cond3A_274 {
          %add3A_387 = arith.constant 3 : i32
          %add3A_388 = arith.addi %add3A_244, %add3A_387 : i32
          %dma_start3A_389 = arith.constant 0 : i32
          %dma_start3A_390 = tpu.memref_slice %arg6[%add3A_388, %dma_start3A_389] : memref<200x128xi32, #tpu.memory_space<vmem>> -> memref<1x128xi32, #tpu.memory_space<vmem>>
          %dma_start3A_391 = tpu.memref_squeeze %dma_start3A_390 : memref<1x128xi32, #tpu.memory_space<vmem>> -> memref<128xi32, #tpu.memory_space<vmem>>
          %dma_start3A_392 = arith.constant 0 : i32
          %dma_start3A_393 = arith.constant 0 : i32
          %dma_start3A_394 = tpu.memref_slice %arg3[%dma_start3A_392, %dma_start3A_393] : memref<1000000x64xf32, #tpu.memory_space<hbm>> -> memref<1000000x64xf32, #tpu.memory_space<hbm>>
          tpu.enqueue_indirect_dma source(%dma_start3A_394 : memref<1000000x64xf32, #tpu.memory_space<hbm>>) target(%arg8 : memref<128x64xf32, #tpu.memory_space<vmem>>) offsets(%dma_start3A_391 : memref<128xi32, #tpu.memory_space<vmem>>) semaphore(%arg14 : memref<!tpu.dma_semaphore, #tpu.memory_space<semaphore_mem>>)
        } else {
        }
        %dma_wait3A_275 = arith.constant 0 : i32
        %dma_wait3A_276 = arith.constant 0 : i32
        %dma_wait3A_277 = tpu.memref_slice %arg6[%dma_wait3A_275, %dma_wait3A_276] : memref<200x128xi32, #tpu.memory_space<vmem>> -> memref<1x128xi32, #tpu.memory_space<vmem>>
        %dma_wait3A_278 = tpu.memref_squeeze %dma_wait3A_277 : memref<1x128xi32, #tpu.memory_space<vmem>> -> memref<128xi32, #tpu.memory_space<vmem>>
        %dma_wait3A_279 = arith.constant 0 : i32
        %dma_wait3A_280 = arith.constant 0 : i32
        %dma_wait3A_281 = tpu.memref_slice %arg3[%dma_wait3A_279, %dma_wait3A_280] : memref<1000000x64xf32, #tpu.memory_space<hbm>> -> memref<1000000x64xf32, #tpu.memory_space<hbm>>
        tpu.wait_indirect_dma semaphore(%arg15 : memref<!tpu.dma_semaphore, #tpu.memory_space<semaphore_mem>>) src(%dma_wait3A_281 : memref<1000000x64xf32, #tpu.memory_space<hbm>>) dst(%arg9 : memref<128x64xf32, #tpu.memory_space<vmem>>)
        %ge3A = arith.constant 2 : i32
        %ge3A_282 = arith.cmpi sge, %add3A_244, %ge3A : i32
        %convert_element_type3A_283 = arith.extui %ge3A_282 : i1 to i32
        %cond3A_284 = arith.constant 0 : i32
        %cond3A_285 = arith.cmpi ne, %convert_element_type3A_283, %cond3A_284 : i32
        scf.if %cond3A_285 {
          %dma_wait3A_387 = arith.constant 0 : i32
          %dma_wait3A_388 = arith.constant 0 : i32
          %dma_wait3A_389 = arith.constant 0 : i32
          %dma_wait3A_390 = tpu.memref_slice %arg13[%dma_wait3A_389] : memref<8192xf32, #tpu.memory_space<vmem>> -> memref<1024xf32, #tpu.memory_space<vmem>>
          %dma_wait3A_391 = arith.constant 0 : i32
          %dma_wait3A_392 = tpu.memref_slice %arg5[%dma_wait3A_387, %dma_wait3A_388, %add3A, %dma_wait3A_391] : memref<200x8x32x1024xf32, #tpu.memory_space<hbm>> -> memref<1x1x1x1024xf32, #tpu.memory_space<hbm>>
          %dma_wait3A_393 = tpu.memref_squeeze %dma_wait3A_392 : memref<1x1x1x1024xf32, #tpu.memory_space<hbm>> -> memref<1024xf32, #tpu.memory_space<hbm>>
          %dma_wait3A_394 = arith.constant 0 : i32
          %dma_wait3A_395 = tpu.memref_slice %arg5[%dma_wait3A_387, %dma_wait3A_388, %add3A, %dma_wait3A_394] : memref<200x8x32x1024xf32, #tpu.memory_space<hbm>> -> memref<1x1x1x1024xf32, #tpu.memory_space<hbm>>
          %dma_wait3A_396 = tpu.memref_squeeze %dma_wait3A_395 : memref<1x1x1x1024xf32, #tpu.memory_space<hbm>> -> memref<1024xf32, #tpu.memory_space<hbm>>
          %dma_wait3A_397 = arith.constant 0 : i32
          %dma_wait3A_398 = tpu.memref_slice %arg13[%dma_wait3A_397] : memref<8192xf32, #tpu.memory_space<vmem>> -> memref<1024xf32, #tpu.memory_space<vmem>>
          tpu.wait_dma2 semaphore(%arg19 : memref<!tpu.dma_semaphore, #tpu.memory_space<semaphore_mem>>) src(%dma_wait3A_398 : memref<1024xf32, #tpu.memory_space<vmem>>) dst(%dma_wait3A_396 : memref<1024xf32, #tpu.memory_space<hbm>>)
          %dma_wait3A_399 = arith.constant 0 : i32
          %dma_wait3A_400 = arith.constant 1 : i32
          %dma_wait3A_401 = arith.constant 1024 : i32
          %dma_wait3A_402 = tpu.memref_slice %arg13[%dma_wait3A_401] : memref<8192xf32, #tpu.memory_space<vmem>> -> memref<1024xf32, #tpu.memory_space<vmem>>
          %dma_wait3A_403 = arith.constant 0 : i32
          %dma_wait3A_404 = tpu.memref_slice %arg5[%dma_wait3A_399, %dma_wait3A_400, %add3A, %dma_wait3A_403] : memref<200x8x32x1024xf32, #tpu.memory_space<hbm>> -> memref<1x1x1x1024xf32, #tpu.memory_space<hbm>>
          %dma_wait3A_405 = tpu.memref_squeeze %dma_wait3A_404 : memref<1x1x1x1024xf32, #tpu.memory_space<hbm>> -> memref<1024xf32, #tpu.memory_space<hbm>>
          %dma_wait3A_406 = arith.constant 0 : i32
          %dma_wait3A_407 = tpu.memref_slice %arg5[%dma_wait3A_399, %dma_wait3A_400, %add3A, %dma_wait3A_406] : memref<200x8x32x1024xf32, #tpu.memory_space<hbm>> -> memref<1x1x1x1024xf32, #tpu.memory_space<hbm>>
          %dma_wait3A_408 = tpu.memref_squeeze %dma_wait3A_407 : memref<1x1x1x1024xf32, #tpu.memory_space<hbm>> -> memref<1024xf32, #tpu.memory_space<hbm>>
          %dma_wait3A_409 = arith.constant 1024 : i32
          %dma_wait3A_410 = tpu.memref_slice %arg13[%dma_wait3A_409] : memref<8192xf32, #tpu.memory_space<vmem>> -> memref<1024xf32, #tpu.memory_space<vmem>>
          tpu.wait_dma2 semaphore(%arg19 : memref<!tpu.dma_semaphore, #tpu.memory_space<semaphore_mem>>) src(%dma_wait3A_410 : memref<1024xf32, #tpu.memory_space<vmem>>) dst(%dma_wait3A_408 : memref<1024xf32, #tpu.memory_space<hbm>>)
          %dma_wait3A_411 = arith.constant 0 : i32
          %dma_wait3A_412 = arith.constant 2 : i32
          %dma_wait3A_413 = arith.constant 2048 : i32
          %dma_wait3A_414 = tpu.memref_slice %arg13[%dma_wait3A_413] : memref<8192xf32, #tpu.memory_space<vmem>> -> memref<1024xf32, #tpu.memory_space<vmem>>
          %dma_wait3A_415 = arith.constant 0 : i32
          %dma_wait3A_416 = tpu.memref_slice %arg5[%dma_wait3A_411, %dma_wait3A_412, %add3A, %dma_wait3A_415] : memref<200x8x32x1024xf32, #tpu.memory_space<hbm>> -> memref<1x1x1x1024xf32, #tpu.memory_space<hbm>>
          %dma_wait3A_417 = tpu.memref_squeeze %dma_wait3A_416 : memref<1x1x1x1024xf32, #tpu.memory_space<hbm>> -> memref<1024xf32, #tpu.memory_space<hbm>>
          %dma_wait3A_418 = arith.constant 0 : i32
          %dma_wait3A_419 = tpu.memref_slice %arg5[%dma_wait3A_411, %dma_wait3A_412, %add3A, %dma_wait3A_418] : memref<200x8x32x1024xf32, #tpu.memory_space<hbm>> -> memref<1x1x1x1024xf32, #tpu.memory_space<hbm>>
          %dma_wait3A_420 = tpu.memref_squeeze %dma_wait3A_419 : memref<1x1x1x1024xf32, #tpu.memory_space<hbm>> -> memref<1024xf32, #tpu.memory_space<hbm>>
          %dma_wait3A_421 = arith.constant 2048 : i32
          %dma_wait3A_422 = tpu.memref_slice %arg13[%dma_wait3A_421] : memref<8192xf32, #tpu.memory_space<vmem>> -> memref<1024xf32, #tpu.memory_space<vmem>>
          tpu.wait_dma2 semaphore(%arg19 : memref<!tpu.dma_semaphore, #tpu.memory_space<semaphore_mem>>) src(%dma_wait3A_422 : memref<1024xf32, #tpu.memory_space<vmem>>) dst(%dma_wait3A_420 : memref<1024xf32, #tpu.memory_space<hbm>>)
          %dma_wait3A_423 = arith.constant 0 : i32
          %dma_wait3A_424 = arith.constant 3 : i32
          %dma_wait3A_425 = arith.constant 3072 : i32
          %dma_wait3A_426 = tpu.memref_slice %arg13[%dma_wait3A_425] : memref<8192xf32, #tpu.memory_space<vmem>> -> memref<1024xf32, #tpu.memory_space<vmem>>
          %dma_wait3A_427 = arith.constant 0 : i32
          %dma_wait3A_428 = tpu.memref_slice %arg5[%dma_wait3A_423, %dma_wait3A_424, %add3A, %dma_wait3A_427] : memref<200x8x32x1024xf32, #tpu.memory_space<hbm>> -> memref<1x1x1x1024xf32, #tpu.memory_space<hbm>>
          %dma_wait3A_429 = tpu.memref_squeeze %dma_wait3A_428 : memref<1x1x1x1024xf32, #tpu.memory_space<hbm>> -> memref<1024xf32, #tpu.memory_space<hbm>>
          %dma_wait3A_430 = arith.constant 0 : i32
          %dma_wait3A_431 = tpu.memref_slice %arg5[%dma_wait3A_423, %dma_wait3A_424, %add3A, %dma_wait3A_430] : memref<200x8x32x1024xf32, #tpu.memory_space<hbm>> -> memref<1x1x1x1024xf32, #tpu.memory_space<hbm>>
          %dma_wait3A_432 = tpu.memref_squeeze %dma_wait3A_431 : memref<1x1x1x1024xf32, #tpu.memory_space<hbm>> -> memref<1024xf32, #tpu.memory_space<hbm>>
          %dma_wait3A_433 = arith.constant 3072 : i32
          %dma_wait3A_434 = tpu.memref_slice %arg13[%dma_wait3A_433] : memref<8192xf32, #tpu.memory_space<vmem>> -> memref<1024xf32, #tpu.memory_space<vmem>>
          tpu.wait_dma2 semaphore(%arg19 : memref<!tpu.dma_semaphore, #tpu.memory_space<semaphore_mem>>) src(%dma_wait3A_434 : memref<1024xf32, #tpu.memory_space<vmem>>) dst(%dma_wait3A_432 : memref<1024xf32, #tpu.memory_space<hbm>>)
          %dma_wait3A_435 = arith.constant 0 : i32
          %dma_wait3A_436 = arith.constant 4 : i32
          %dma_wait3A_437 = arith.constant 4096 : i32
          %dma_wait3A_438 = tpu.memref_slice %arg13[%dma_wait3A_437] : memref<8192xf32, #tpu.memory_space<vmem>> -> memref<1024xf32, #tpu.memory_space<vmem>>
          %dma_wait3A_439 = arith.constant 0 : i32
          %dma_wait3A_440 = tpu.memref_slice %arg5[%dma_wait3A_435, %dma_wait3A_436, %add3A, %dma_wait3A_439] : memref<200x8x32x1024xf32, #tpu.memory_space<hbm>> -> memref<1x1x1x1024xf32, #tpu.memory_space<hbm>>
          %dma_wait3A_441 = tpu.memref_squeeze %dma_wait3A_440 : memref<1x1x1x1024xf32, #tpu.memory_space<hbm>> -> memref<1024xf32, #tpu.memory_space<hbm>>
          %dma_wait3A_442 = arith.constant 0 : i32
          %dma_wait3A_443 = tpu.memref_slice %arg5[%dma_wait3A_435, %dma_wait3A_436, %add3A, %dma_wait3A_442] : memref<200x8x32x1024xf32, #tpu.memory_space<hbm>> -> memref<1x1x1x1024xf32, #tpu.memory_space<hbm>>
          %dma_wait3A_444 = tpu.memref_squeeze %dma_wait3A_443 : memref<1x1x1x1024xf32, #tpu.memory_space<hbm>> -> memref<1024xf32, #tpu.memory_space<hbm>>
          %dma_wait3A_445 = arith.constant 4096 : i32
          %dma_wait3A_446 = tpu.memref_slice %arg13[%dma_wait3A_445] : memref<8192xf32, #tpu.memory_space<vmem>> -> memref<1024xf32, #tpu.memory_space<vmem>>
          tpu.wait_dma2 semaphore(%arg19 : memref<!tpu.dma_semaphore, #tpu.memory_space<semaphore_mem>>) src(%dma_wait3A_446 : memref<1024xf32, #tpu.memory_space<vmem>>) dst(%dma_wait3A_444 : memref<1024xf32, #tpu.memory_space<hbm>>)
          %dma_wait3A_447 = arith.constant 0 : i32
          %dma_wait3A_448 = arith.constant 5 : i32
          %dma_wait3A_449 = arith.constant 5120 : i32
          %dma_wait3A_450 = tpu.memref_slice %arg13[%dma_wait3A_449] : memref<8192xf32, #tpu.memory_space<vmem>> -> memref<1024xf32, #tpu.memory_space<vmem>>
          %dma_wait3A_451 = arith.constant 0 : i32
          %dma_wait3A_452 = tpu.memref_slice %arg5[%dma_wait3A_447, %dma_wait3A_448, %add3A, %dma_wait3A_451] : memref<200x8x32x1024xf32, #tpu.memory_space<hbm>> -> memref<1x1x1x1024xf32, #tpu.memory_space<hbm>>
          %dma_wait3A_453 = tpu.memref_squeeze %dma_wait3A_452 : memref<1x1x1x1024xf32, #tpu.memory_space<hbm>> -> memref<1024xf32, #tpu.memory_space<hbm>>
          %dma_wait3A_454 = arith.constant 0 : i32
          %dma_wait3A_455 = tpu.memref_slice %arg5[%dma_wait3A_447, %dma_wait3A_448, %add3A, %dma_wait3A_454] : memref<200x8x32x1024xf32, #tpu.memory_space<hbm>> -> memref<1x1x1x1024xf32, #tpu.memory_space<hbm>>
          %dma_wait3A_456 = tpu.memref_squeeze %dma_wait3A_455 : memref<1x1x1x1024xf32, #tpu.memory_space<hbm>> -> memref<1024xf32, #tpu.memory_space<hbm>>
          %dma_wait3A_457 = arith.constant 5120 : i32
          %dma_wait3A_458 = tpu.memref_slice %arg13[%dma_wait3A_457] : memref<8192xf32, #tpu.memory_space<vmem>> -> memref<1024xf32, #tpu.memory_space<vmem>>
          tpu.wait_dma2 semaphore(%arg19 : memref<!tpu.dma_semaphore, #tpu.memory_space<semaphore_mem>>) src(%dma_wait3A_458 : memref<1024xf32, #tpu.memory_space<vmem>>) dst(%dma_wait3A_456 : memref<1024xf32, #tpu.memory_space<hbm>>)
          %dma_wait3A_459 = arith.constant 0 : i32
          %dma_wait3A_460 = arith.constant 6 : i32
          %dma_wait3A_461 = arith.constant 6144 : i32
          %dma_wait3A_462 = tpu.memref_slice %arg13[%dma_wait3A_461] : memref<8192xf32, #tpu.memory_space<vmem>> -> memref<1024xf32, #tpu.memory_space<vmem>>
          %dma_wait3A_463 = arith.constant 0 : i32
          %dma_wait3A_464 = tpu.memref_slice %arg5[%dma_wait3A_459, %dma_wait3A_460, %add3A, %dma_wait3A_463] : memref<200x8x32x1024xf32, #tpu.memory_space<hbm>> -> memref<1x1x1x1024xf32, #tpu.memory_space<hbm>>
          %dma_wait3A_465 = tpu.memref_squeeze %dma_wait3A_464 : memref<1x1x1x1024xf32, #tpu.memory_space<hbm>> -> memref<1024xf32, #tpu.memory_space<hbm>>
          %dma_wait3A_466 = arith.constant 0 : i32
          %dma_wait3A_467 = tpu.memref_slice %arg5[%dma_wait3A_459, %dma_wait3A_460, %add3A, %dma_wait3A_466] : memref<200x8x32x1024xf32, #tpu.memory_space<hbm>> -> memref<1x1x1x1024xf32, #tpu.memory_space<hbm>>
          %dma_wait3A_468 = tpu.memref_squeeze %dma_wait3A_467 : memref<1x1x1x1024xf32, #tpu.memory_space<hbm>> -> memref<1024xf32, #tpu.memory_space<hbm>>
          %dma_wait3A_469 = arith.constant 6144 : i32
          %dma_wait3A_470 = tpu.memref_slice %arg13[%dma_wait3A_469] : memref<8192xf32, #tpu.memory_space<vmem>> -> memref<1024xf32, #tpu.memory_space<vmem>>
          tpu.wait_dma2 semaphore(%arg19 : memref<!tpu.dma_semaphore, #tpu.memory_space<semaphore_mem>>) src(%dma_wait3A_470 : memref<1024xf32, #tpu.memory_space<vmem>>) dst(%dma_wait3A_468 : memref<1024xf32, #tpu.memory_space<hbm>>)
          %dma_wait3A_471 = arith.constant 0 : i32
          %dma_wait3A_472 = arith.constant 7 : i32
          %dma_wait3A_473 = arith.constant 7168 : i32
          %dma_wait3A_474 = tpu.memref_slice %arg13[%dma_wait3A_473] : memref<8192xf32, #tpu.memory_space<vmem>> -> memref<1024xf32, #tpu.memory_space<vmem>>
          %dma_wait3A_475 = arith.constant 0 : i32
          %dma_wait3A_476 = tpu.memref_slice %arg5[%dma_wait3A_471, %dma_wait3A_472, %add3A, %dma_wait3A_475] : memref<200x8x32x1024xf32, #tpu.memory_space<hbm>> -> memref<1x1x1x1024xf32, #tpu.memory_space<hbm>>
          %dma_wait3A_477 = tpu.memref_squeeze %dma_wait3A_476 : memref<1x1x1x1024xf32, #tpu.memory_space<hbm>> -> memref<1024xf32, #tpu.memory_space<hbm>>
          %dma_wait3A_478 = arith.constant 0 : i32
          %dma_wait3A_479 = tpu.memref_slice %arg5[%dma_wait3A_471, %dma_wait3A_472, %add3A, %dma_wait3A_478] : memref<200x8x32x1024xf32, #tpu.memory_space<hbm>> -> memref<1x1x1x1024xf32, #tpu.memory_space<hbm>>
          %dma_wait3A_480 = tpu.memref_squeeze %dma_wait3A_479 : memref<1x1x1x1024xf32, #tpu.memory_space<hbm>> -> memref<1024xf32, #tpu.memory_space<hbm>>
          %dma_wait3A_481 = arith.constant 7168 : i32
          %dma_wait3A_482 = tpu.memref_slice %arg13[%dma_wait3A_481] : memref<8192xf32, #tpu.memory_space<vmem>> -> memref<1024xf32, #tpu.memory_space<vmem>>
          tpu.wait_dma2 semaphore(%arg19 : memref<!tpu.dma_semaphore, #tpu.memory_space<semaphore_mem>>) src(%dma_wait3A_482 : memref<1024xf32, #tpu.memory_space<vmem>>) dst(%dma_wait3A_480 : memref<1024xf32, #tpu.memory_space<hbm>>)
        } else {
        }
        %get3A = arith.index_cast %add3A_244 : i32 to index
        %get3A_286 = arith.constant 0 : index
        %get3A_287 = tpu.vector_load %arg7[%get3A, %get3A_286] {strides = array<i32>} : memref<200x64xf32, #tpu.memory_space<vmem>>, vector<16xf32>,
        %get3A_288 = arith.index_cast %add3A_244 : i32 to index
        %get3A_289 = arith.constant 16 : index
        %get3A_290 = tpu.vector_load %arg7[%get3A_288, %get3A_289] {strides = array<i32>} : memref<200x64xf32, #tpu.memory_space<vmem>>, vector<16xf32>,
        %get3A_291 = arith.index_cast %add3A_244 : i32 to index
        %get3A_292 = arith.constant 32 : index
        %get3A_293 = tpu.vector_load %arg7[%get3A_291, %get3A_292] {strides = array<i32>} : memref<200x64xf32, #tpu.memory_space<vmem>>, vector<16xf32>,
        %get3A_294 = arith.index_cast %add3A_244 : i32 to index
        %get3A_295 = arith.constant 48 : index
        %get3A_296 = tpu.vector_load %arg7[%get3A_294, %get3A_295] {strides = array<i32>} : memref<200x64xf32, #tpu.memory_space<vmem>>, vector<16xf32>,
        %parallel_loop3A = arith.constant 0 : i32
        %parallel_loop3A_297 = arith.constant 128 : i32
        %parallel_loop3A_298 = arith.constant 1 : i32
        scf.for %parallel_loop3A_387 = %parallel_loop3A to %parallel_loop3A_297 step %parallel_loop3A_298  : i32 {
          %parallel_loop3A_388 = arith.constant 15 : i32
          %parallel_loop3A_389 = arith.andi %parallel_loop3A_387, %parallel_loop3A_388 : i32
          %parallel_loop3A_390 = arith.constant 4 : i32
          %parallel_loop3A_391 = arith.shrsi %parallel_loop3A_387, %parallel_loop3A_390 : i32
          %parallel_loop3A_392 = arith.constant 16 : i32
          %parallel_loop3A_393 = arith.muli %parallel_loop3A_391, %parallel_loop3A_392 : i32
          %parallel_loop3A_394 = vector.broadcast %parallel_loop3A_389 : i32 to vector<16xi32>
          %parallel_loop3A_395 = arith.addi %iota3A, %parallel_loop3A_394 : vector<16xi32>
          %parallel_loop3A_396 = arith.constant 15 : i32
          %parallel_loop3A_397 = vector.broadcast %parallel_loop3A_396 : i32 to vector<16xi32>
          %parallel_loop3A_398 = arith.andi %parallel_loop3A_395, %parallel_loop3A_397 : vector<16xi32>
          %parallel_loop3A_399 = vector.broadcast %parallel_loop3A_393 : i32 to vector<16xi32>
          %parallel_loop3A_400 = arith.addi %parallel_loop3A_398, %parallel_loop3A_399 : vector<16xi32>
          %parallel_loop3A_401 = arith.addi %mul3A_5, %parallel_loop3A_400 : vector<16xi32>
          %parallel_loop3A_402 = vector.broadcast %parallel_loop3A_393 : i32 to vector<16xi32>
          %parallel_loop3A_403 = arith.addi %parallel_loop3A_398, %parallel_loop3A_402 : vector<16xi32>
          %parallel_loop3A_404 = tpu.vector_load_idx %arg9[%parallel_loop3A_403, %add3A_8] : memref<128x64xf32, #tpu.memory_space<vmem>>[vector<16xi32>, vector<16xi32>], vector<16xf32>,
          %parallel_loop3A_405 = arith.addf %parallel_loop3A_404, %get3A_287 : vector<16xf32>
          %parallel_loop3A_406 = arith.constant 0 : i32
          %parallel_loop3A_407 = vector.broadcast %parallel_loop3A_406 : i32 to vector<16xi32>
          %parallel_loop3A_408 = arith.addi %parallel_loop3A_401, %parallel_loop3A_407 : vector<16xi32>
          tpu.vector_store_idx %arg13[%parallel_loop3A_408], %parallel_loop3A_405 : memref<8192xf32, #tpu.memory_space<vmem>>[vector<16xi32>], vector<16xf32>,
          %parallel_loop3A_409 = tpu.vector_load_idx %arg9[%parallel_loop3A_403, %add3A_11] : memref<128x64xf32, #tpu.memory_space<vmem>>[vector<16xi32>, vector<16xi32>], vector<16xf32>,
          %parallel_loop3A_410 = arith.addf %parallel_loop3A_409, %get3A_290 : vector<16xf32>
          %parallel_loop3A_411 = arith.constant 2048 : i32
          %parallel_loop3A_412 = vector.broadcast %parallel_loop3A_411 : i32 to vector<16xi32>
          %parallel_loop3A_413 = arith.addi %parallel_loop3A_401, %parallel_loop3A_412 : vector<16xi32>
          tpu.vector_store_idx %arg13[%parallel_loop3A_413], %parallel_loop3A_410 : memref<8192xf32, #tpu.memory_space<vmem>>[vector<16xi32>], vector<16xf32>,
          %parallel_loop3A_414 = tpu.vector_load_idx %arg9[%parallel_loop3A_403, %add3A_14] : memref<128x64xf32, #tpu.memory_space<vmem>>[vector<16xi32>, vector<16xi32>], vector<16xf32>,
          %parallel_loop3A_415 = arith.addf %parallel_loop3A_414, %get3A_293 : vector<16xf32>
          %parallel_loop3A_416 = arith.constant 4096 : i32
          %parallel_loop3A_417 = vector.broadcast %parallel_loop3A_416 : i32 to vector<16xi32>
          %parallel_loop3A_418 = arith.addi %parallel_loop3A_401, %parallel_loop3A_417 : vector<16xi32>
          tpu.vector_store_idx %arg13[%parallel_loop3A_418], %parallel_loop3A_415 : memref<8192xf32, #tpu.memory_space<vmem>>[vector<16xi32>], vector<16xf32>,
          %parallel_loop3A_419 = tpu.vector_load_idx %arg9[%parallel_loop3A_403, %add3A_17] : memref<128x64xf32, #tpu.memory_space<vmem>>[vector<16xi32>, vector<16xi32>], vector<16xf32>,
          %parallel_loop3A_420 = arith.addf %parallel_loop3A_419, %get3A_296 : vector<16xf32>
          %parallel_loop3A_421 = arith.constant 6144 : i32
          %parallel_loop3A_422 = vector.broadcast %parallel_loop3A_421 : i32 to vector<16xi32>
          %parallel_loop3A_423 = arith.addi %parallel_loop3A_401, %parallel_loop3A_422 : vector<16xi32>
          tpu.vector_store_idx %arg13[%parallel_loop3A_423], %parallel_loop3A_420 : memref<8192xf32, #tpu.memory_space<vmem>>[vector<16xi32>], vector<16xf32>,
        } {sc.loop_unroll_factor = 4 : i64, sc.parallel_access}
        %dma_start3A_299 = arith.constant 0 : i32
        %dma_start3A_300 = arith.constant 0 : i32
        %dma_start3A_301 = tpu.memref_slice %arg13[%dma_start3A_300] : memref<8192xf32, #tpu.memory_space<vmem>> -> memref<1024xf32, #tpu.memory_space<vmem>>
        %dma_start3A_302 = arith.constant 0 : i32
        %dma_start3A_303 = tpu.memref_slice %arg5[%add3A_244, %dma_start3A_299, %add3A, %dma_start3A_302] : memref<200x8x32x1024xf32, #tpu.memory_space<hbm>> -> memref<1x1x1x1024xf32, #tpu.memory_space<hbm>>
        %dma_start3A_304 = tpu.memref_squeeze %dma_start3A_303 : memref<1x1x1x1024xf32, #tpu.memory_space<hbm>> -> memref<1024xf32, #tpu.memory_space<hbm>>
        %dma_start3A_305 = arith.constant 0 : i32
        %dma_start3A_306 = tpu.memref_slice %arg5[%add3A_244, %dma_start3A_299, %add3A, %dma_start3A_305] : memref<200x8x32x1024xf32, #tpu.memory_space<hbm>> -> memref<1x1x1x1024xf32, #tpu.memory_space<hbm>>
        %dma_start3A_307 = tpu.memref_squeeze %dma_start3A_306 : memref<1x1x1x1024xf32, #tpu.memory_space<hbm>> -> memref<1024xf32, #tpu.memory_space<hbm>>
        %dma_start3A_308 = arith.constant 0 : i32
        %dma_start3A_309 = tpu.memref_slice %arg13[%dma_start3A_308] : memref<8192xf32, #tpu.memory_space<vmem>> -> memref<1024xf32, #tpu.memory_space<vmem>>
        tpu.enqueue_dma source(%dma_start3A_309 : memref<1024xf32, #tpu.memory_space<vmem>>) target(%dma_start3A_307 : memref<1024xf32, #tpu.memory_space<hbm>>) target_semaphore(%arg19 : memref<!tpu.dma_semaphore, #tpu.memory_space<semaphore_mem>>)
        %dma_start3A_310 = arith.constant 1 : i32
        %dma_start3A_311 = arith.constant 1024 : i32
        %dma_start3A_312 = tpu.memref_slice %arg13[%dma_start3A_311] : memref<8192xf32, #tpu.memory_space<vmem>> -> memref<1024xf32, #tpu.memory_space<vmem>>
        %dma_start3A_313 = arith.constant 0 : i32
        %dma_start3A_314 = tpu.memref_slice %arg5[%add3A_244, %dma_start3A_310, %add3A, %dma_start3A_313] : memref<200x8x32x1024xf32, #tpu.memory_space<hbm>> -> memref<1x1x1x1024xf32, #tpu.memory_space<hbm>>
        %dma_start3A_315 = tpu.memref_squeeze %dma_start3A_314 : memref<1x1x1x1024xf32, #tpu.memory_space<hbm>> -> memref<1024xf32, #tpu.memory_space<hbm>>
        %dma_start3A_316 = arith.constant 0 : i32
        %dma_start3A_317 = tpu.memref_slice %arg5[%add3A_244, %dma_start3A_310, %add3A, %dma_start3A_316] : memref<200x8x32x1024xf32, #tpu.memory_space<hbm>> -> memref<1x1x1x1024xf32, #tpu.memory_space<hbm>>
        %dma_start3A_318 = tpu.memref_squeeze %dma_start3A_317 : memref<1x1x1x1024xf32, #tpu.memory_space<hbm>> -> memref<1024xf32, #tpu.memory_space<hbm>>
        %dma_start3A_319 = arith.constant 1024 : i32
        %dma_start3A_320 = tpu.memref_slice %arg13[%dma_start3A_319] : memref<8192xf32, #tpu.memory_space<vmem>> -> memref<1024xf32, #tpu.memory_space<vmem>>
        tpu.enqueue_dma source(%dma_start3A_320 : memref<1024xf32, #tpu.memory_space<vmem>>) target(%dma_start3A_318 : memref<1024xf32, #tpu.memory_space<hbm>>) target_semaphore(%arg19 : memref<!tpu.dma_semaphore, #tpu.memory_space<semaphore_mem>>)
        %dma_start3A_321 = arith.constant 2 : i32
        %dma_start3A_322 = arith.constant 2048 : i32
        %dma_start3A_323 = tpu.memref_slice %arg13[%dma_start3A_322] : memref<8192xf32, #tpu.memory_space<vmem>> -> memref<1024xf32, #tpu.memory_space<vmem>>
        %dma_start3A_324 = arith.constant 0 : i32
        %dma_start3A_325 = tpu.memref_slice %arg5[%add3A_244, %dma_start3A_321, %add3A, %dma_start3A_324] : memref<200x8x32x1024xf32, #tpu.memory_space<hbm>> -> memref<1x1x1x1024xf32, #tpu.memory_space<hbm>>
        %dma_start3A_326 = tpu.memref_squeeze %dma_start3A_325 : memref<1x1x1x1024xf32, #tpu.memory_space<hbm>> -> memref<1024xf32, #tpu.memory_space<hbm>>
        %dma_start3A_327 = arith.constant 0 : i32
        %dma_start3A_328 = tpu.memref_slice %arg5[%add3A_244, %dma_start3A_321, %add3A, %dma_start3A_327] : memref<200x8x32x1024xf32, #tpu.memory_space<hbm>> -> memref<1x1x1x1024xf32, #tpu.memory_space<hbm>>
        %dma_start3A_329 = tpu.memref_squeeze %dma_start3A_328 : memref<1x1x1x1024xf32, #tpu.memory_space<hbm>> -> memref<1024xf32, #tpu.memory_space<hbm>>
        %dma_start3A_330 = arith.constant 2048 : i32
        %dma_start3A_331 = tpu.memref_slice %arg13[%dma_start3A_330] : memref<8192xf32, #tpu.memory_space<vmem>> -> memref<1024xf32, #tpu.memory_space<vmem>>
        tpu.enqueue_dma source(%dma_start3A_331 : memref<1024xf32, #tpu.memory_space<vmem>>) target(%dma_start3A_329 : memref<1024xf32, #tpu.memory_space<hbm>>) target_semaphore(%arg19 : memref<!tpu.dma_semaphore, #tpu.memory_space<semaphore_mem>>)
        %dma_start3A_332 = arith.constant 3 : i32
        %dma_start3A_333 = arith.constant 3072 : i32
        %dma_start3A_334 = tpu.memref_slice %arg13[%dma_start3A_333] : memref<8192xf32, #tpu.memory_space<vmem>> -> memref<1024xf32, #tpu.memory_space<vmem>>
        %dma_start3A_335 = arith.constant 0 : i32
        %dma_start3A_336 = tpu.memref_slice %arg5[%add3A_244, %dma_start3A_332, %add3A, %dma_start3A_335] : memref<200x8x32x1024xf32, #tpu.memory_space<hbm>> -> memref<1x1x1x1024xf32, #tpu.memory_space<hbm>>
        %dma_start3A_337 = tpu.memref_squeeze %dma_start3A_336 : memref<1x1x1x1024xf32, #tpu.memory_space<hbm>> -> memref<1024xf32, #tpu.memory_space<hbm>>
        %dma_start3A_338 = arith.constant 0 : i32
        %dma_start3A_339 = tpu.memref_slice %arg5[%add3A_244, %dma_start3A_332, %add3A, %dma_start3A_338] : memref<200x8x32x1024xf32, #tpu.memory_space<hbm>> -> memref<1x1x1x1024xf32, #tpu.memory_space<hbm>>
        %dma_start3A_340 = tpu.memref_squeeze %dma_start3A_339 : memref<1x1x1x1024xf32, #tpu.memory_space<hbm>> -> memref<1024xf32, #tpu.memory_space<hbm>>
        %dma_start3A_341 = arith.constant 3072 : i32
        %dma_start3A_342 = tpu.memref_slice %arg13[%dma_start3A_341] : memref<8192xf32, #tpu.memory_space<vmem>> -> memref<1024xf32, #tpu.memory_space<vmem>>
        tpu.enqueue_dma source(%dma_start3A_342 : memref<1024xf32, #tpu.memory_space<vmem>>) target(%dma_start3A_340 : memref<1024xf32, #tpu.memory_space<hbm>>) target_semaphore(%arg19 : memref<!tpu.dma_semaphore, #tpu.memory_space<semaphore_mem>>)
        %dma_start3A_343 = arith.constant 4 : i32
        %dma_start3A_344 = arith.constant 4096 : i32
        %dma_start3A_345 = tpu.memref_slice %arg13[%dma_start3A_344] : memref<8192xf32, #tpu.memory_space<vmem>> -> memref<1024xf32, #tpu.memory_space<vmem>>
        %dma_start3A_346 = arith.constant 0 : i32
        %dma_start3A_347 = tpu.memref_slice %arg5[%add3A_244, %dma_start3A_343, %add3A, %dma_start3A_346] : memref<200x8x32x1024xf32, #tpu.memory_space<hbm>> -> memref<1x1x1x1024xf32, #tpu.memory_space<hbm>>
        %dma_start3A_348 = tpu.memref_squeeze %dma_start3A_347 : memref<1x1x1x1024xf32, #tpu.memory_space<hbm>> -> memref<1024xf32, #tpu.memory_space<hbm>>
        %dma_start3A_349 = arith.constant 0 : i32
        %dma_start3A_350 = tpu.memref_slice %arg5[%add3A_244, %dma_start3A_343, %add3A, %dma_start3A_349] : memref<200x8x32x1024xf32, #tpu.memory_space<hbm>> -> memref<1x1x1x1024xf32, #tpu.memory_space<hbm>>
        %dma_start3A_351 = tpu.memref_squeeze %dma_start3A_350 : memref<1x1x1x1024xf32, #tpu.memory_space<hbm>> -> memref<1024xf32, #tpu.memory_space<hbm>>
        %dma_start3A_352 = arith.constant 4096 : i32
        %dma_start3A_353 = tpu.memref_slice %arg13[%dma_start3A_352] : memref<8192xf32, #tpu.memory_space<vmem>> -> memref<1024xf32, #tpu.memory_space<vmem>>
        tpu.enqueue_dma source(%dma_start3A_353 : memref<1024xf32, #tpu.memory_space<vmem>>) target(%dma_start3A_351 : memref<1024xf32, #tpu.memory_space<hbm>>) target_semaphore(%arg19 : memref<!tpu.dma_semaphore, #tpu.memory_space<semaphore_mem>>)
        %dma_start3A_354 = arith.constant 5 : i32
        %dma_start3A_355 = arith.constant 5120 : i32
        %dma_start3A_356 = tpu.memref_slice %arg13[%dma_start3A_355] : memref<8192xf32, #tpu.memory_space<vmem>> -> memref<1024xf32, #tpu.memory_space<vmem>>
        %dma_start3A_357 = arith.constant 0 : i32
        %dma_start3A_358 = tpu.memref_slice %arg5[%add3A_244, %dma_start3A_354, %add3A, %dma_start3A_357] : memref<200x8x32x1024xf32, #tpu.memory_space<hbm>> -> memref<1x1x1x1024xf32, #tpu.memory_space<hbm>>
        %dma_start3A_359 = tpu.memref_squeeze %dma_start3A_358 : memref<1x1x1x1024xf32, #tpu.memory_space<hbm>> -> memref<1024xf32, #tpu.memory_space<hbm>>
        %dma_start3A_360 = arith.constant 0 : i32
        %dma_start3A_361 = tpu.memref_slice %arg5[%add3A_244, %dma_start3A_354, %add3A, %dma_start3A_360] : memref<200x8x32x1024xf32, #tpu.memory_space<hbm>> -> memref<1x1x1x1024xf32, #tpu.memory_space<hbm>>
        %dma_start3A_362 = tpu.memref_squeeze %dma_start3A_361 : memref<1x1x1x1024xf32, #tpu.memory_space<hbm>> -> memref<1024xf32, #tpu.memory_space<hbm>>
        %dma_start3A_363 = arith.constant 5120 : i32
        %dma_start3A_364 = tpu.memref_slice %arg13[%dma_start3A_363] : memref<8192xf32, #tpu.memory_space<vmem>> -> memref<1024xf32, #tpu.memory_space<vmem>>
        tpu.enqueue_dma source(%dma_start3A_364 : memref<1024xf32, #tpu.memory_space<vmem>>) target(%dma_start3A_362 : memref<1024xf32, #tpu.memory_space<hbm>>) target_semaphore(%arg19 : memref<!tpu.dma_semaphore, #tpu.memory_space<semaphore_mem>>)
        %dma_start3A_365 = arith.constant 6 : i32
        %dma_start3A_366 = arith.constant 6144 : i32
        %dma_start3A_367 = tpu.memref_slice %arg13[%dma_start3A_366] : memref<8192xf32, #tpu.memory_space<vmem>> -> memref<1024xf32, #tpu.memory_space<vmem>>
        %dma_start3A_368 = arith.constant 0 : i32
        %dma_start3A_369 = tpu.memref_slice %arg5[%add3A_244, %dma_start3A_365, %add3A, %dma_start3A_368] : memref<200x8x32x1024xf32, #tpu.memory_space<hbm>> -> memref<1x1x1x1024xf32, #tpu.memory_space<hbm>>
        %dma_start3A_370 = tpu.memref_squeeze %dma_start3A_369 : memref<1x1x1x1024xf32, #tpu.memory_space<hbm>> -> memref<1024xf32, #tpu.memory_space<hbm>>
        %dma_start3A_371 = arith.constant 0 : i32
        %dma_start3A_372 = tpu.memref_slice %arg5[%add3A_244, %dma_start3A_365, %add3A, %dma_start3A_371] : memref<200x8x32x1024xf32, #tpu.memory_space<hbm>> -> memref<1x1x1x1024xf32, #tpu.memory_space<hbm>>
        %dma_start3A_373 = tpu.memref_squeeze %dma_start3A_372 : memref<1x1x1x1024xf32, #tpu.memory_space<hbm>> -> memref<1024xf32, #tpu.memory_space<hbm>>
        %dma_start3A_374 = arith.constant 6144 : i32
        %dma_start3A_375 = tpu.memref_slice %arg13[%dma_start3A_374] : memref<8192xf32, #tpu.memory_space<vmem>> -> memref<1024xf32, #tpu.memory_space<vmem>>
        tpu.enqueue_dma source(%dma_start3A_375 : memref<1024xf32, #tpu.memory_space<vmem>>) target(%dma_start3A_373 : memref<1024xf32, #tpu.memory_space<hbm>>) target_semaphore(%arg19 : memref<!tpu.dma_semaphore, #tpu.memory_space<semaphore_mem>>)
        %dma_start3A_376 = arith.constant 7 : i32
        %dma_start3A_377 = arith.constant 7168 : i32
        %dma_start3A_378 = tpu.memref_slice %arg13[%dma_start3A_377] : memref<8192xf32, #tpu.memory_space<vmem>> -> memref<1024xf32, #tpu.memory_space<vmem>>
        %dma_start3A_379 = arith.constant 0 : i32
        %dma_start3A_380 = tpu.memref_slice %arg5[%add3A_244, %dma_start3A_376, %add3A, %dma_start3A_379] : memref<200x8x32x1024xf32, #tpu.memory_space<hbm>> -> memref<1x1x1x1024xf32, #tpu.memory_space<hbm>>
        %dma_start3A_381 = tpu.memref_squeeze %dma_start3A_380 : memref<1x1x1x1024xf32, #tpu.memory_space<hbm>> -> memref<1024xf32, #tpu.memory_space<hbm>>
        %dma_start3A_382 = arith.constant 0 : i32
        %dma_start3A_383 = tpu.memref_slice %arg5[%add3A_244, %dma_start3A_376, %add3A, %dma_start3A_382] : memref<200x8x32x1024xf32, #tpu.memory_space<hbm>> -> memref<1x1x1x1024xf32, #tpu.memory_space<hbm>>
        %dma_start3A_384 = tpu.memref_squeeze %dma_start3A_383 : memref<1x1x1x1024xf32, #tpu.memory_space<hbm>> -> memref<1024xf32, #tpu.memory_space<hbm>>
        %dma_start3A_385 = arith.constant 7168 : i32
        %dma_start3A_386 = tpu.memref_slice %arg13[%dma_start3A_385] : memref<8192xf32, #tpu.memory_space<vmem>> -> memref<1024xf32, #tpu.memory_space<vmem>>
        tpu.enqueue_dma source(%dma_start3A_386 : memref<1024xf32, #tpu.memory_space<vmem>>) target(%dma_start3A_384 : memref<1024xf32, #tpu.memory_space<hbm>>) target_semaphore(%arg19 : memref<!tpu.dma_semaphore, #tpu.memory_space<semaphore_mem>>)
      } else {
      }
      %mul3A_250 = arith.constant 4 : i32
      %mul3A_251 = arith.muli %scan3A_234, %mul3A_250 : i32
      %add3A_252 = arith.constant 2 : i32
      %add3A_253 = arith.addi %mul3A_251, %add3A_252 : i32
      %lt3A_254 = arith.constant 200 : i32
      %lt3A_255 = arith.cmpi slt, %add3A_253, %lt3A_254 : i32
      %convert_element_type3A_256 = arith.extui %lt3A_255 : i1 to i32
      %cond3A_257 = arith.constant 0 : i32
      %cond3A_258 = arith.cmpi ne, %convert_element_type3A_256, %cond3A_257 : i32
      scf.if %cond3A_258 {
        %add3A_268 = arith.constant 3 : i32
        %add3A_269 = arith.addi %add3A_253, %add3A_268 : i32
        %lt3A_270 = arith.constant 200 : i32
        %lt3A_271 = arith.cmpi slt, %add3A_269, %lt3A_270 : i32
        %convert_element_type3A_272 = arith.extui %lt3A_271 : i1 to i32
        %cond3A_273 = arith.constant 0 : i32
        %cond3A_274 = arith.cmpi ne, %convert_element_type3A_272, %cond3A_273 : i32
        scf.if %cond3A_274 {
          %add3A_387 = arith.constant 3 : i32
          %add3A_388 = arith.addi %add3A_253, %add3A_387 : i32
          %dma_start3A_389 = arith.constant 0 : i32
          %dma_start3A_390 = tpu.memref_slice %arg6[%add3A_388, %dma_start3A_389] : memref<200x128xi32, #tpu.memory_space<vmem>> -> memref<1x128xi32, #tpu.memory_space<vmem>>
          %dma_start3A_391 = tpu.memref_squeeze %dma_start3A_390 : memref<1x128xi32, #tpu.memory_space<vmem>> -> memref<128xi32, #tpu.memory_space<vmem>>
          %dma_start3A_392 = arith.constant 0 : i32
          %dma_start3A_393 = arith.constant 0 : i32
          %dma_start3A_394 = tpu.memref_slice %arg3[%dma_start3A_392, %dma_start3A_393] : memref<1000000x64xf32, #tpu.memory_space<hbm>> -> memref<1000000x64xf32, #tpu.memory_space<hbm>>
          tpu.enqueue_indirect_dma source(%dma_start3A_394 : memref<1000000x64xf32, #tpu.memory_space<hbm>>) target(%arg9 : memref<128x64xf32, #tpu.memory_space<vmem>>) offsets(%dma_start3A_391 : memref<128xi32, #tpu.memory_space<vmem>>) semaphore(%arg15 : memref<!tpu.dma_semaphore, #tpu.memory_space<semaphore_mem>>)
        } else {
        }
        %dma_wait3A_275 = arith.constant 0 : i32
        %dma_wait3A_276 = arith.constant 0 : i32
        %dma_wait3A_277 = tpu.memref_slice %arg6[%dma_wait3A_275, %dma_wait3A_276] : memref<200x128xi32, #tpu.memory_space<vmem>> -> memref<1x128xi32, #tpu.memory_space<vmem>>
        %dma_wait3A_278 = tpu.memref_squeeze %dma_wait3A_277 : memref<1x128xi32, #tpu.memory_space<vmem>> -> memref<128xi32, #tpu.memory_space<vmem>>
        %dma_wait3A_279 = arith.constant 0 : i32
        %dma_wait3A_280 = arith.constant 0 : i32
        %dma_wait3A_281 = tpu.memref_slice %arg3[%dma_wait3A_279, %dma_wait3A_280] : memref<1000000x64xf32, #tpu.memory_space<hbm>> -> memref<1000000x64xf32, #tpu.memory_space<hbm>>
        tpu.wait_indirect_dma semaphore(%arg16 : memref<!tpu.dma_semaphore, #tpu.memory_space<semaphore_mem>>) src(%dma_wait3A_281 : memref<1000000x64xf32, #tpu.memory_space<hbm>>) dst(%arg10 : memref<128x64xf32, #tpu.memory_space<vmem>>)
        %ge3A = arith.constant 2 : i32
        %ge3A_282 = arith.cmpi sge, %add3A_253, %ge3A : i32
        %convert_element_type3A_283 = arith.extui %ge3A_282 : i1 to i32
        %cond3A_284 = arith.constant 0 : i32
        %cond3A_285 = arith.cmpi ne, %convert_element_type3A_283, %cond3A_284 : i32
        scf.if %cond3A_285 {
          %dma_wait3A_387 = arith.constant 0 : i32
          %dma_wait3A_388 = arith.constant 0 : i32
          %dma_wait3A_389 = arith.constant 0 : i32
          %dma_wait3A_390 = tpu.memref_slice %arg12[%dma_wait3A_389] : memref<8192xf32, #tpu.memory_space<vmem>> -> memref<1024xf32, #tpu.memory_space<vmem>>
          %dma_wait3A_391 = arith.constant 0 : i32
          %dma_wait3A_392 = tpu.memref_slice %arg5[%dma_wait3A_387, %dma_wait3A_388, %add3A, %dma_wait3A_391] : memref<200x8x32x1024xf32, #tpu.memory_space<hbm>> -> memref<1x1x1x1024xf32, #tpu.memory_space<hbm>>
          %dma_wait3A_393 = tpu.memref_squeeze %dma_wait3A_392 : memref<1x1x1x1024xf32, #tpu.memory_space<hbm>> -> memref<1024xf32, #tpu.memory_space<hbm>>
          %dma_wait3A_394 = arith.constant 0 : i32
          %dma_wait3A_395 = tpu.memref_slice %arg5[%dma_wait3A_387, %dma_wait3A_388, %add3A, %dma_wait3A_394] : memref<200x8x32x1024xf32, #tpu.memory_space<hbm>> -> memref<1x1x1x1024xf32, #tpu.memory_space<hbm>>
          %dma_wait3A_396 = tpu.memref_squeeze %dma_wait3A_395 : memref<1x1x1x1024xf32, #tpu.memory_space<hbm>> -> memref<1024xf32, #tpu.memory_space<hbm>>
          %dma_wait3A_397 = arith.constant 0 : i32
          %dma_wait3A_398 = tpu.memref_slice %arg12[%dma_wait3A_397] : memref<8192xf32, #tpu.memory_space<vmem>> -> memref<1024xf32, #tpu.memory_space<vmem>>
          tpu.wait_dma2 semaphore(%arg18 : memref<!tpu.dma_semaphore, #tpu.memory_space<semaphore_mem>>) src(%dma_wait3A_398 : memref<1024xf32, #tpu.memory_space<vmem>>) dst(%dma_wait3A_396 : memref<1024xf32, #tpu.memory_space<hbm>>)
          %dma_wait3A_399 = arith.constant 0 : i32
          %dma_wait3A_400 = arith.constant 1 : i32
          %dma_wait3A_401 = arith.constant 1024 : i32
          %dma_wait3A_402 = tpu.memref_slice %arg12[%dma_wait3A_401] : memref<8192xf32, #tpu.memory_space<vmem>> -> memref<1024xf32, #tpu.memory_space<vmem>>
          %dma_wait3A_403 = arith.constant 0 : i32
          %dma_wait3A_404 = tpu.memref_slice %arg5[%dma_wait3A_399, %dma_wait3A_400, %add3A, %dma_wait3A_403] : memref<200x8x32x1024xf32, #tpu.memory_space<hbm>> -> memref<1x1x1x1024xf32, #tpu.memory_space<hbm>>
          %dma_wait3A_405 = tpu.memref_squeeze %dma_wait3A_404 : memref<1x1x1x1024xf32, #tpu.memory_space<hbm>> -> memref<1024xf32, #tpu.memory_space<hbm>>
          %dma_wait3A_406 = arith.constant 0 : i32
          %dma_wait3A_407 = tpu.memref_slice %arg5[%dma_wait3A_399, %dma_wait3A_400, %add3A, %dma_wait3A_406] : memref<200x8x32x1024xf32, #tpu.memory_space<hbm>> -> memref<1x1x1x1024xf32, #tpu.memory_space<hbm>>
          %dma_wait3A_408 = tpu.memref_squeeze %dma_wait3A_407 : memref<1x1x1x1024xf32, #tpu.memory_space<hbm>> -> memref<1024xf32, #tpu.memory_space<hbm>>
          %dma_wait3A_409 = arith.constant 1024 : i32
          %dma_wait3A_410 = tpu.memref_slice %arg12[%dma_wait3A_409] : memref<8192xf32, #tpu.memory_space<vmem>> -> memref<1024xf32, #tpu.memory_space<vmem>>
          tpu.wait_dma2 semaphore(%arg18 : memref<!tpu.dma_semaphore, #tpu.memory_space<semaphore_mem>>) src(%dma_wait3A_410 : memref<1024xf32, #tpu.memory_space<vmem>>) dst(%dma_wait3A_408 : memref<1024xf32, #tpu.memory_space<hbm>>)
          %dma_wait3A_411 = arith.constant 0 : i32
          %dma_wait3A_412 = arith.constant 2 : i32
          %dma_wait3A_413 = arith.constant 2048 : i32
          %dma_wait3A_414 = tpu.memref_slice %arg12[%dma_wait3A_413] : memref<8192xf32, #tpu.memory_space<vmem>> -> memref<1024xf32, #tpu.memory_space<vmem>>
          %dma_wait3A_415 = arith.constant 0 : i32
          %dma_wait3A_416 = tpu.memref_slice %arg5[%dma_wait3A_411, %dma_wait3A_412, %add3A, %dma_wait3A_415] : memref<200x8x32x1024xf32, #tpu.memory_space<hbm>> -> memref<1x1x1x1024xf32, #tpu.memory_space<hbm>>
          %dma_wait3A_417 = tpu.memref_squeeze %dma_wait3A_416 : memref<1x1x1x1024xf32, #tpu.memory_space<hbm>> -> memref<1024xf32, #tpu.memory_space<hbm>>
          %dma_wait3A_418 = arith.constant 0 : i32
          %dma_wait3A_419 = tpu.memref_slice %arg5[%dma_wait3A_411, %dma_wait3A_412, %add3A, %dma_wait3A_418] : memref<200x8x32x1024xf32, #tpu.memory_space<hbm>> -> memref<1x1x1x1024xf32, #tpu.memory_space<hbm>>
          %dma_wait3A_420 = tpu.memref_squeeze %dma_wait3A_419 : memref<1x1x1x1024xf32, #tpu.memory_space<hbm>> -> memref<1024xf32, #tpu.memory_space<hbm>>
          %dma_wait3A_421 = arith.constant 2048 : i32
          %dma_wait3A_422 = tpu.memref_slice %arg12[%dma_wait3A_421] : memref<8192xf32, #tpu.memory_space<vmem>> -> memref<1024xf32, #tpu.memory_space<vmem>>
          tpu.wait_dma2 semaphore(%arg18 : memref<!tpu.dma_semaphore, #tpu.memory_space<semaphore_mem>>) src(%dma_wait3A_422 : memref<1024xf32, #tpu.memory_space<vmem>>) dst(%dma_wait3A_420 : memref<1024xf32, #tpu.memory_space<hbm>>)
          %dma_wait3A_423 = arith.constant 0 : i32
          %dma_wait3A_424 = arith.constant 3 : i32
          %dma_wait3A_425 = arith.constant 3072 : i32
          %dma_wait3A_426 = tpu.memref_slice %arg12[%dma_wait3A_425] : memref<8192xf32, #tpu.memory_space<vmem>> -> memref<1024xf32, #tpu.memory_space<vmem>>
          %dma_wait3A_427 = arith.constant 0 : i32
          %dma_wait3A_428 = tpu.memref_slice %arg5[%dma_wait3A_423, %dma_wait3A_424, %add3A, %dma_wait3A_427] : memref<200x8x32x1024xf32, #tpu.memory_space<hbm>> -> memref<1x1x1x1024xf32, #tpu.memory_space<hbm>>
          %dma_wait3A_429 = tpu.memref_squeeze %dma_wait3A_428 : memref<1x1x1x1024xf32, #tpu.memory_space<hbm>> -> memref<1024xf32, #tpu.memory_space<hbm>>
          %dma_wait3A_430 = arith.constant 0 : i32
          %dma_wait3A_431 = tpu.memref_slice %arg5[%dma_wait3A_423, %dma_wait3A_424, %add3A, %dma_wait3A_430] : memref<200x8x32x1024xf32, #tpu.memory_space<hbm>> -> memref<1x1x1x1024xf32, #tpu.memory_space<hbm>>
          %dma_wait3A_432 = tpu.memref_squeeze %dma_wait3A_431 : memref<1x1x1x1024xf32, #tpu.memory_space<hbm>> -> memref<1024xf32, #tpu.memory_space<hbm>>
          %dma_wait3A_433 = arith.constant 3072 : i32
          %dma_wait3A_434 = tpu.memref_slice %arg12[%dma_wait3A_433] : memref<8192xf32, #tpu.memory_space<vmem>> -> memref<1024xf32, #tpu.memory_space<vmem>>
          tpu.wait_dma2 semaphore(%arg18 : memref<!tpu.dma_semaphore, #tpu.memory_space<semaphore_mem>>) src(%dma_wait3A_434 : memref<1024xf32, #tpu.memory_space<vmem>>) dst(%dma_wait3A_432 : memref<1024xf32, #tpu.memory_space<hbm>>)
          %dma_wait3A_435 = arith.constant 0 : i32
          %dma_wait3A_436 = arith.constant 4 : i32
          %dma_wait3A_437 = arith.constant 4096 : i32
          %dma_wait3A_438 = tpu.memref_slice %arg12[%dma_wait3A_437] : memref<8192xf32, #tpu.memory_space<vmem>> -> memref<1024xf32, #tpu.memory_space<vmem>>
          %dma_wait3A_439 = arith.constant 0 : i32
          %dma_wait3A_440 = tpu.memref_slice %arg5[%dma_wait3A_435, %dma_wait3A_436, %add3A, %dma_wait3A_439] : memref<200x8x32x1024xf32, #tpu.memory_space<hbm>> -> memref<1x1x1x1024xf32, #tpu.memory_space<hbm>>
          %dma_wait3A_441 = tpu.memref_squeeze %dma_wait3A_440 : memref<1x1x1x1024xf32, #tpu.memory_space<hbm>> -> memref<1024xf32, #tpu.memory_space<hbm>>
          %dma_wait3A_442 = arith.constant 0 : i32
          %dma_wait3A_443 = tpu.memref_slice %arg5[%dma_wait3A_435, %dma_wait3A_436, %add3A, %dma_wait3A_442] : memref<200x8x32x1024xf32, #tpu.memory_space<hbm>> -> memref<1x1x1x1024xf32, #tpu.memory_space<hbm>>
          %dma_wait3A_444 = tpu.memref_squeeze %dma_wait3A_443 : memref<1x1x1x1024xf32, #tpu.memory_space<hbm>> -> memref<1024xf32, #tpu.memory_space<hbm>>
          %dma_wait3A_445 = arith.constant 4096 : i32
          %dma_wait3A_446 = tpu.memref_slice %arg12[%dma_wait3A_445] : memref<8192xf32, #tpu.memory_space<vmem>> -> memref<1024xf32, #tpu.memory_space<vmem>>
          tpu.wait_dma2 semaphore(%arg18 : memref<!tpu.dma_semaphore, #tpu.memory_space<semaphore_mem>>) src(%dma_wait3A_446 : memref<1024xf32, #tpu.memory_space<vmem>>) dst(%dma_wait3A_444 : memref<1024xf32, #tpu.memory_space<hbm>>)
          %dma_wait3A_447 = arith.constant 0 : i32
          %dma_wait3A_448 = arith.constant 5 : i32
          %dma_wait3A_449 = arith.constant 5120 : i32
          %dma_wait3A_450 = tpu.memref_slice %arg12[%dma_wait3A_449] : memref<8192xf32, #tpu.memory_space<vmem>> -> memref<1024xf32, #tpu.memory_space<vmem>>
          %dma_wait3A_451 = arith.constant 0 : i32
          %dma_wait3A_452 = tpu.memref_slice %arg5[%dma_wait3A_447, %dma_wait3A_448, %add3A, %dma_wait3A_451] : memref<200x8x32x1024xf32, #tpu.memory_space<hbm>> -> memref<1x1x1x1024xf32, #tpu.memory_space<hbm>>
          %dma_wait3A_453 = tpu.memref_squeeze %dma_wait3A_452 : memref<1x1x1x1024xf32, #tpu.memory_space<hbm>> -> memref<1024xf32, #tpu.memory_space<hbm>>
          %dma_wait3A_454 = arith.constant 0 : i32
          %dma_wait3A_455 = tpu.memref_slice %arg5[%dma_wait3A_447, %dma_wait3A_448, %add3A, %dma_wait3A_454] : memref<200x8x32x1024xf32, #tpu.memory_space<hbm>> -> memref<1x1x1x1024xf32, #tpu.memory_space<hbm>>
          %dma_wait3A_456 = tpu.memref_squeeze %dma_wait3A_455 : memref<1x1x1x1024xf32, #tpu.memory_space<hbm>> -> memref<1024xf32, #tpu.memory_space<hbm>>
          %dma_wait3A_457 = arith.constant 5120 : i32
          %dma_wait3A_458 = tpu.memref_slice %arg12[%dma_wait3A_457] : memref<8192xf32, #tpu.memory_space<vmem>> -> memref<1024xf32, #tpu.memory_space<vmem>>
          tpu.wait_dma2 semaphore(%arg18 : memref<!tpu.dma_semaphore, #tpu.memory_space<semaphore_mem>>) src(%dma_wait3A_458 : memref<1024xf32, #tpu.memory_space<vmem>>) dst(%dma_wait3A_456 : memref<1024xf32, #tpu.memory_space<hbm>>)
          %dma_wait3A_459 = arith.constant 0 : i32
          %dma_wait3A_460 = arith.constant 6 : i32
          %dma_wait3A_461 = arith.constant 6144 : i32
          %dma_wait3A_462 = tpu.memref_slice %arg12[%dma_wait3A_461] : memref<8192xf32, #tpu.memory_space<vmem>> -> memref<1024xf32, #tpu.memory_space<vmem>>
          %dma_wait3A_463 = arith.constant 0 : i32
          %dma_wait3A_464 = tpu.memref_slice %arg5[%dma_wait3A_459, %dma_wait3A_460, %add3A, %dma_wait3A_463] : memref<200x8x32x1024xf32, #tpu.memory_space<hbm>> -> memref<1x1x1x1024xf32, #tpu.memory_space<hbm>>
          %dma_wait3A_465 = tpu.memref_squeeze %dma_wait3A_464 : memref<1x1x1x1024xf32, #tpu.memory_space<hbm>> -> memref<1024xf32, #tpu.memory_space<hbm>>
          %dma_wait3A_466 = arith.constant 0 : i32
          %dma_wait3A_467 = tpu.memref_slice %arg5[%dma_wait3A_459, %dma_wait3A_460, %add3A, %dma_wait3A_466] : memref<200x8x32x1024xf32, #tpu.memory_space<hbm>> -> memref<1x1x1x1024xf32, #tpu.memory_space<hbm>>
          %dma_wait3A_468 = tpu.memref_squeeze %dma_wait3A_467 : memref<1x1x1x1024xf32, #tpu.memory_space<hbm>> -> memref<1024xf32, #tpu.memory_space<hbm>>
          %dma_wait3A_469 = arith.constant 6144 : i32
          %dma_wait3A_470 = tpu.memref_slice %arg12[%dma_wait3A_469] : memref<8192xf32, #tpu.memory_space<vmem>> -> memref<1024xf32, #tpu.memory_space<vmem>>
          tpu.wait_dma2 semaphore(%arg18 : memref<!tpu.dma_semaphore, #tpu.memory_space<semaphore_mem>>) src(%dma_wait3A_470 : memref<1024xf32, #tpu.memory_space<vmem>>) dst(%dma_wait3A_468 : memref<1024xf32, #tpu.memory_space<hbm>>)
          %dma_wait3A_471 = arith.constant 0 : i32
          %dma_wait3A_472 = arith.constant 7 : i32
          %dma_wait3A_473 = arith.constant 7168 : i32
          %dma_wait3A_474 = tpu.memref_slice %arg12[%dma_wait3A_473] : memref<8192xf32, #tpu.memory_space<vmem>> -> memref<1024xf32, #tpu.memory_space<vmem>>
          %dma_wait3A_475 = arith.constant 0 : i32
          %dma_wait3A_476 = tpu.memref_slice %arg5[%dma_wait3A_471, %dma_wait3A_472, %add3A, %dma_wait3A_475] : memref<200x8x32x1024xf32, #tpu.memory_space<hbm>> -> memref<1x1x1x1024xf32, #tpu.memory_space<hbm>>
          %dma_wait3A_477 = tpu.memref_squeeze %dma_wait3A_476 : memref<1x1x1x1024xf32, #tpu.memory_space<hbm>> -> memref<1024xf32, #tpu.memory_space<hbm>>
          %dma_wait3A_478 = arith.constant 0 : i32
          %dma_wait3A_479 = tpu.memref_slice %arg5[%dma_wait3A_471, %dma_wait3A_472, %add3A, %dma_wait3A_478] : memref<200x8x32x1024xf32, #tpu.memory_space<hbm>> -> memref<1x1x1x1024xf32, #tpu.memory_space<hbm>>
          %dma_wait3A_480 = tpu.memref_squeeze %dma_wait3A_479 : memref<1x1x1x1024xf32, #tpu.memory_space<hbm>> -> memref<1024xf32, #tpu.memory_space<hbm>>
          %dma_wait3A_481 = arith.constant 7168 : i32
          %dma_wait3A_482 = tpu.memref_slice %arg12[%dma_wait3A_481] : memref<8192xf32, #tpu.memory_space<vmem>> -> memref<1024xf32, #tpu.memory_space<vmem>>
          tpu.wait_dma2 semaphore(%arg18 : memref<!tpu.dma_semaphore, #tpu.memory_space<semaphore_mem>>) src(%dma_wait3A_482 : memref<1024xf32, #tpu.memory_space<vmem>>) dst(%dma_wait3A_480 : memref<1024xf32, #tpu.memory_space<hbm>>)
        } else {
        }
        %get3A = arith.index_cast %add3A_253 : i32 to index
        %get3A_286 = arith.constant 0 : index
        %get3A_287 = tpu.vector_load %arg7[%get3A, %get3A_286] {strides = array<i32>} : memref<200x64xf32, #tpu.memory_space<vmem>>, vector<16xf32>,
        %get3A_288 = arith.index_cast %add3A_253 : i32 to index
        %get3A_289 = arith.constant 16 : index
        %get3A_290 = tpu.vector_load %arg7[%get3A_288, %get3A_289] {strides = array<i32>} : memref<200x64xf32, #tpu.memory_space<vmem>>, vector<16xf32>,
        %get3A_291 = arith.index_cast %add3A_253 : i32 to index
        %get3A_292 = arith.constant 32 : index
        %get3A_293 = tpu.vector_load %arg7[%get3A_291, %get3A_292] {strides = array<i32>} : memref<200x64xf32, #tpu.memory_space<vmem>>, vector<16xf32>,
        %get3A_294 = arith.index_cast %add3A_253 : i32 to index
        %get3A_295 = arith.constant 48 : index
        %get3A_296 = tpu.vector_load %arg7[%get3A_294, %get3A_295] {strides = array<i32>} : memref<200x64xf32, #tpu.memory_space<vmem>>, vector<16xf32>,
        %parallel_loop3A = arith.constant 0 : i32
        %parallel_loop3A_297 = arith.constant 128 : i32
        %parallel_loop3A_298 = arith.constant 1 : i32
        scf.for %parallel_loop3A_387 = %parallel_loop3A to %parallel_loop3A_297 step %parallel_loop3A_298  : i32 {
          %parallel_loop3A_388 = arith.constant 15 : i32
          %parallel_loop3A_389 = arith.andi %parallel_loop3A_387, %parallel_loop3A_388 : i32
          %parallel_loop3A_390 = arith.constant 4 : i32
          %parallel_loop3A_391 = arith.shrsi %parallel_loop3A_387, %parallel_loop3A_390 : i32
          %parallel_loop3A_392 = arith.constant 16 : i32
          %parallel_loop3A_393 = arith.muli %parallel_loop3A_391, %parallel_loop3A_392 : i32
          %parallel_loop3A_394 = vector.broadcast %parallel_loop3A_389 : i32 to vector<16xi32>
          %parallel_loop3A_395 = arith.addi %iota3A, %parallel_loop3A_394 : vector<16xi32>
          %parallel_loop3A_396 = arith.constant 15 : i32
          %parallel_loop3A_397 = vector.broadcast %parallel_loop3A_396 : i32 to vector<16xi32>
          %parallel_loop3A_398 = arith.andi %parallel_loop3A_395, %parallel_loop3A_397 : vector<16xi32>
          %parallel_loop3A_399 = vector.broadcast %parallel_loop3A_393 : i32 to vector<16xi32>
          %parallel_loop3A_400 = arith.addi %parallel_loop3A_398, %parallel_loop3A_399 : vector<16xi32>
          %parallel_loop3A_401 = arith.addi %mul3A_5, %parallel_loop3A_400 : vector<16xi32>
          %parallel_loop3A_402 = vector.broadcast %parallel_loop3A_393 : i32 to vector<16xi32>
          %parallel_loop3A_403 = arith.addi %parallel_loop3A_398, %parallel_loop3A_402 : vector<16xi32>
          %parallel_loop3A_404 = tpu.vector_load_idx %arg10[%parallel_loop3A_403, %add3A_8] : memref<128x64xf32, #tpu.memory_space<vmem>>[vector<16xi32>, vector<16xi32>], vector<16xf32>,
          %parallel_loop3A_405 = arith.addf %parallel_loop3A_404, %get3A_287 : vector<16xf32>
          %parallel_loop3A_406 = arith.constant 0 : i32
          %parallel_loop3A_407 = vector.broadcast %parallel_loop3A_406 : i32 to vector<16xi32>
          %parallel_loop3A_408 = arith.addi %parallel_loop3A_401, %parallel_loop3A_407 : vector<16xi32>
          tpu.vector_store_idx %arg12[%parallel_loop3A_408], %parallel_loop3A_405 : memref<8192xf32, #tpu.memory_space<vmem>>[vector<16xi32>], vector<16xf32>,
          %parallel_loop3A_409 = tpu.vector_load_idx %arg10[%parallel_loop3A_403, %add3A_11] : memref<128x64xf32, #tpu.memory_space<vmem>>[vector<16xi32>, vector<16xi32>], vector<16xf32>,
          %parallel_loop3A_410 = arith.addf %parallel_loop3A_409, %get3A_290 : vector<16xf32>
          %parallel_loop3A_411 = arith.constant 2048 : i32
          %parallel_loop3A_412 = vector.broadcast %parallel_loop3A_411 : i32 to vector<16xi32>
          %parallel_loop3A_413 = arith.addi %parallel_loop3A_401, %parallel_loop3A_412 : vector<16xi32>
          tpu.vector_store_idx %arg12[%parallel_loop3A_413], %parallel_loop3A_410 : memref<8192xf32, #tpu.memory_space<vmem>>[vector<16xi32>], vector<16xf32>,
          %parallel_loop3A_414 = tpu.vector_load_idx %arg10[%parallel_loop3A_403, %add3A_14] : memref<128x64xf32, #tpu.memory_space<vmem>>[vector<16xi32>, vector<16xi32>], vector<16xf32>,
          %parallel_loop3A_415 = arith.addf %parallel_loop3A_414, %get3A_293 : vector<16xf32>
          %parallel_loop3A_416 = arith.constant 4096 : i32
          %parallel_loop3A_417 = vector.broadcast %parallel_loop3A_416 : i32 to vector<16xi32>
          %parallel_loop3A_418 = arith.addi %parallel_loop3A_401, %parallel_loop3A_417 : vector<16xi32>
          tpu.vector_store_idx %arg12[%parallel_loop3A_418], %parallel_loop3A_415 : memref<8192xf32, #tpu.memory_space<vmem>>[vector<16xi32>], vector<16xf32>,
          %parallel_loop3A_419 = tpu.vector_load_idx %arg10[%parallel_loop3A_403, %add3A_17] : memref<128x64xf32, #tpu.memory_space<vmem>>[vector<16xi32>, vector<16xi32>], vector<16xf32>,
          %parallel_loop3A_420 = arith.addf %parallel_loop3A_419, %get3A_296 : vector<16xf32>
          %parallel_loop3A_421 = arith.constant 6144 : i32
          %parallel_loop3A_422 = vector.broadcast %parallel_loop3A_421 : i32 to vector<16xi32>
          %parallel_loop3A_423 = arith.addi %parallel_loop3A_401, %parallel_loop3A_422 : vector<16xi32>
          tpu.vector_store_idx %arg12[%parallel_loop3A_423], %parallel_loop3A_420 : memref<8192xf32, #tpu.memory_space<vmem>>[vector<16xi32>], vector<16xf32>,
        } {sc.loop_unroll_factor = 4 : i64, sc.parallel_access}
        %dma_start3A_299 = arith.constant 0 : i32
        %dma_start3A_300 = arith.constant 0 : i32
        %dma_start3A_301 = tpu.memref_slice %arg12[%dma_start3A_300] : memref<8192xf32, #tpu.memory_space<vmem>> -> memref<1024xf32, #tpu.memory_space<vmem>>
        %dma_start3A_302 = arith.constant 0 : i32
        %dma_start3A_303 = tpu.memref_slice %arg5[%add3A_253, %dma_start3A_299, %add3A, %dma_start3A_302] : memref<200x8x32x1024xf32, #tpu.memory_space<hbm>> -> memref<1x1x1x1024xf32, #tpu.memory_space<hbm>>
        %dma_start3A_304 = tpu.memref_squeeze %dma_start3A_303 : memref<1x1x1x1024xf32, #tpu.memory_space<hbm>> -> memref<1024xf32, #tpu.memory_space<hbm>>
        %dma_start3A_305 = arith.constant 0 : i32
        %dma_start3A_306 = tpu.memref_slice %arg5[%add3A_253, %dma_start3A_299, %add3A, %dma_start3A_305] : memref<200x8x32x1024xf32, #tpu.memory_space<hbm>> -> memref<1x1x1x1024xf32, #tpu.memory_space<hbm>>
        %dma_start3A_307 = tpu.memref_squeeze %dma_start3A_306 : memref<1x1x1x1024xf32, #tpu.memory_space<hbm>> -> memref<1024xf32, #tpu.memory_space<hbm>>
        %dma_start3A_308 = arith.constant 0 : i32
        %dma_start3A_309 = tpu.memref_slice %arg12[%dma_start3A_308] : memref<8192xf32, #tpu.memory_space<vmem>> -> memref<1024xf32, #tpu.memory_space<vmem>>
        tpu.enqueue_dma source(%dma_start3A_309 : memref<1024xf32, #tpu.memory_space<vmem>>) target(%dma_start3A_307 : memref<1024xf32, #tpu.memory_space<hbm>>) target_semaphore(%arg18 : memref<!tpu.dma_semaphore, #tpu.memory_space<semaphore_mem>>)
        %dma_start3A_310 = arith.constant 1 : i32
        %dma_start3A_311 = arith.constant 1024 : i32
        %dma_start3A_312 = tpu.memref_slice %arg12[%dma_start3A_311] : memref<8192xf32, #tpu.memory_space<vmem>> -> memref<1024xf32, #tpu.memory_space<vmem>>
        %dma_start3A_313 = arith.constant 0 : i32
        %dma_start3A_314 = tpu.memref_slice %arg5[%add3A_253, %dma_start3A_310, %add3A, %dma_start3A_313] : memref<200x8x32x1024xf32, #tpu.memory_space<hbm>> -> memref<1x1x1x1024xf32, #tpu.memory_space<hbm>>
        %dma_start3A_315 = tpu.memref_squeeze %dma_start3A_314 : memref<1x1x1x1024xf32, #tpu.memory_space<hbm>> -> memref<1024xf32, #tpu.memory_space<hbm>>
        %dma_start3A_316 = arith.constant 0 : i32
        %dma_start3A_317 = tpu.memref_slice %arg5[%add3A_253, %dma_start3A_310, %add3A, %dma_start3A_316] : memref<200x8x32x1024xf32, #tpu.memory_space<hbm>> -> memref<1x1x1x1024xf32, #tpu.memory_space<hbm>>
        %dma_start3A_318 = tpu.memref_squeeze %dma_start3A_317 : memref<1x1x1x1024xf32, #tpu.memory_space<hbm>> -> memref<1024xf32, #tpu.memory_space<hbm>>
        %dma_start3A_319 = arith.constant 1024 : i32
        %dma_start3A_320 = tpu.memref_slice %arg12[%dma_start3A_319] : memref<8192xf32, #tpu.memory_space<vmem>> -> memref<1024xf32, #tpu.memory_space<vmem>>
        tpu.enqueue_dma source(%dma_start3A_320 : memref<1024xf32, #tpu.memory_space<vmem>>) target(%dma_start3A_318 : memref<1024xf32, #tpu.memory_space<hbm>>) target_semaphore(%arg18 : memref<!tpu.dma_semaphore, #tpu.memory_space<semaphore_mem>>)
        %dma_start3A_321 = arith.constant 2 : i32
        %dma_start3A_322 = arith.constant 2048 : i32
        %dma_start3A_323 = tpu.memref_slice %arg12[%dma_start3A_322] : memref<8192xf32, #tpu.memory_space<vmem>> -> memref<1024xf32, #tpu.memory_space<vmem>>
        %dma_start3A_324 = arith.constant 0 : i32
        %dma_start3A_325 = tpu.memref_slice %arg5[%add3A_253, %dma_start3A_321, %add3A, %dma_start3A_324] : memref<200x8x32x1024xf32, #tpu.memory_space<hbm>> -> memref<1x1x1x1024xf32, #tpu.memory_space<hbm>>
        %dma_start3A_326 = tpu.memref_squeeze %dma_start3A_325 : memref<1x1x1x1024xf32, #tpu.memory_space<hbm>> -> memref<1024xf32, #tpu.memory_space<hbm>>
        %dma_start3A_327 = arith.constant 0 : i32
        %dma_start3A_328 = tpu.memref_slice %arg5[%add3A_253, %dma_start3A_321, %add3A, %dma_start3A_327] : memref<200x8x32x1024xf32, #tpu.memory_space<hbm>> -> memref<1x1x1x1024xf32, #tpu.memory_space<hbm>>
        %dma_start3A_329 = tpu.memref_squeeze %dma_start3A_328 : memref<1x1x1x1024xf32, #tpu.memory_space<hbm>> -> memref<1024xf32, #tpu.memory_space<hbm>>
        %dma_start3A_330 = arith.constant 2048 : i32
        %dma_start3A_331 = tpu.memref_slice %arg12[%dma_start3A_330] : memref<8192xf32, #tpu.memory_space<vmem>> -> memref<1024xf32, #tpu.memory_space<vmem>>
        tpu.enqueue_dma source(%dma_start3A_331 : memref<1024xf32, #tpu.memory_space<vmem>>) target(%dma_start3A_329 : memref<1024xf32, #tpu.memory_space<hbm>>) target_semaphore(%arg18 : memref<!tpu.dma_semaphore, #tpu.memory_space<semaphore_mem>>)
        %dma_start3A_332 = arith.constant 3 : i32
        %dma_start3A_333 = arith.constant 3072 : i32
        %dma_start3A_334 = tpu.memref_slice %arg12[%dma_start3A_333] : memref<8192xf32, #tpu.memory_space<vmem>> -> memref<1024xf32, #tpu.memory_space<vmem>>
        %dma_start3A_335 = arith.constant 0 : i32
        %dma_start3A_336 = tpu.memref_slice %arg5[%add3A_253, %dma_start3A_332, %add3A, %dma_start3A_335] : memref<200x8x32x1024xf32, #tpu.memory_space<hbm>> -> memref<1x1x1x1024xf32, #tpu.memory_space<hbm>>
        %dma_start3A_337 = tpu.memref_squeeze %dma_start3A_336 : memref<1x1x1x1024xf32, #tpu.memory_space<hbm>> -> memref<1024xf32, #tpu.memory_space<hbm>>
        %dma_start3A_338 = arith.constant 0 : i32
        %dma_start3A_339 = tpu.memref_slice %arg5[%add3A_253, %dma_start3A_332, %add3A, %dma_start3A_338] : memref<200x8x32x1024xf32, #tpu.memory_space<hbm>> -> memref<1x1x1x1024xf32, #tpu.memory_space<hbm>>
        %dma_start3A_340 = tpu.memref_squeeze %dma_start3A_339 : memref<1x1x1x1024xf32, #tpu.memory_space<hbm>> -> memref<1024xf32, #tpu.memory_space<hbm>>
        %dma_start3A_341 = arith.constant 3072 : i32
        %dma_start3A_342 = tpu.memref_slice %arg12[%dma_start3A_341] : memref<8192xf32, #tpu.memory_space<vmem>> -> memref<1024xf32, #tpu.memory_space<vmem>>
        tpu.enqueue_dma source(%dma_start3A_342 : memref<1024xf32, #tpu.memory_space<vmem>>) target(%dma_start3A_340 : memref<1024xf32, #tpu.memory_space<hbm>>) target_semaphore(%arg18 : memref<!tpu.dma_semaphore, #tpu.memory_space<semaphore_mem>>)
        %dma_start3A_343 = arith.constant 4 : i32
        %dma_start3A_344 = arith.constant 4096 : i32
        %dma_start3A_345 = tpu.memref_slice %arg12[%dma_start3A_344] : memref<8192xf32, #tpu.memory_space<vmem>> -> memref<1024xf32, #tpu.memory_space<vmem>>
        %dma_start3A_346 = arith.constant 0 : i32
        %dma_start3A_347 = tpu.memref_slice %arg5[%add3A_253, %dma_start3A_343, %add3A, %dma_start3A_346] : memref<200x8x32x1024xf32, #tpu.memory_space<hbm>> -> memref<1x1x1x1024xf32, #tpu.memory_space<hbm>>
        %dma_start3A_348 = tpu.memref_squeeze %dma_start3A_347 : memref<1x1x1x1024xf32, #tpu.memory_space<hbm>> -> memref<1024xf32, #tpu.memory_space<hbm>>
        %dma_start3A_349 = arith.constant 0 : i32
        %dma_start3A_350 = tpu.memref_slice %arg5[%add3A_253, %dma_start3A_343, %add3A, %dma_start3A_349] : memref<200x8x32x1024xf32, #tpu.memory_space<hbm>> -> memref<1x1x1x1024xf32, #tpu.memory_space<hbm>>
        %dma_start3A_351 = tpu.memref_squeeze %dma_start3A_350 : memref<1x1x1x1024xf32, #tpu.memory_space<hbm>> -> memref<1024xf32, #tpu.memory_space<hbm>>
        %dma_start3A_352 = arith.constant 4096 : i32
        %dma_start3A_353 = tpu.memref_slice %arg12[%dma_start3A_352] : memref<8192xf32, #tpu.memory_space<vmem>> -> memref<1024xf32, #tpu.memory_space<vmem>>
        tpu.enqueue_dma source(%dma_start3A_353 : memref<1024xf32, #tpu.memory_space<vmem>>) target(%dma_start3A_351 : memref<1024xf32, #tpu.memory_space<hbm>>) target_semaphore(%arg18 : memref<!tpu.dma_semaphore, #tpu.memory_space<semaphore_mem>>)
        %dma_start3A_354 = arith.constant 5 : i32
        %dma_start3A_355 = arith.constant 5120 : i32
        %dma_start3A_356 = tpu.memref_slice %arg12[%dma_start3A_355] : memref<8192xf32, #tpu.memory_space<vmem>> -> memref<1024xf32, #tpu.memory_space<vmem>>
        %dma_start3A_357 = arith.constant 0 : i32
        %dma_start3A_358 = tpu.memref_slice %arg5[%add3A_253, %dma_start3A_354, %add3A, %dma_start3A_357] : memref<200x8x32x1024xf32, #tpu.memory_space<hbm>> -> memref<1x1x1x1024xf32, #tpu.memory_space<hbm>>
        %dma_start3A_359 = tpu.memref_squeeze %dma_start3A_358 : memref<1x1x1x1024xf32, #tpu.memory_space<hbm>> -> memref<1024xf32, #tpu.memory_space<hbm>>
        %dma_start3A_360 = arith.constant 0 : i32
        %dma_start3A_361 = tpu.memref_slice %arg5[%add3A_253, %dma_start3A_354, %add3A, %dma_start3A_360] : memref<200x8x32x1024xf32, #tpu.memory_space<hbm>> -> memref<1x1x1x1024xf32, #tpu.memory_space<hbm>>
        %dma_start3A_362 = tpu.memref_squeeze %dma_start3A_361 : memref<1x1x1x1024xf32, #tpu.memory_space<hbm>> -> memref<1024xf32, #tpu.memory_space<hbm>>
        %dma_start3A_363 = arith.constant 5120 : i32
        %dma_start3A_364 = tpu.memref_slice %arg12[%dma_start3A_363] : memref<8192xf32, #tpu.memory_space<vmem>> -> memref<1024xf32, #tpu.memory_space<vmem>>
        tpu.enqueue_dma source(%dma_start3A_364 : memref<1024xf32, #tpu.memory_space<vmem>>) target(%dma_start3A_362 : memref<1024xf32, #tpu.memory_space<hbm>>) target_semaphore(%arg18 : memref<!tpu.dma_semaphore, #tpu.memory_space<semaphore_mem>>)
        %dma_start3A_365 = arith.constant 6 : i32
        %dma_start3A_366 = arith.constant 6144 : i32
        %dma_start3A_367 = tpu.memref_slice %arg12[%dma_start3A_366] : memref<8192xf32, #tpu.memory_space<vmem>> -> memref<1024xf32, #tpu.memory_space<vmem>>
        %dma_start3A_368 = arith.constant 0 : i32
        %dma_start3A_369 = tpu.memref_slice %arg5[%add3A_253, %dma_start3A_365, %add3A, %dma_start3A_368] : memref<200x8x32x1024xf32, #tpu.memory_space<hbm>> -> memref<1x1x1x1024xf32, #tpu.memory_space<hbm>>
        %dma_start3A_370 = tpu.memref_squeeze %dma_start3A_369 : memref<1x1x1x1024xf32, #tpu.memory_space<hbm>> -> memref<1024xf32, #tpu.memory_space<hbm>>
        %dma_start3A_371 = arith.constant 0 : i32
        %dma_start3A_372 = tpu.memref_slice %arg5[%add3A_253, %dma_start3A_365, %add3A, %dma_start3A_371] : memref<200x8x32x1024xf32, #tpu.memory_space<hbm>> -> memref<1x1x1x1024xf32, #tpu.memory_space<hbm>>
        %dma_start3A_373 = tpu.memref_squeeze %dma_start3A_372 : memref<1x1x1x1024xf32, #tpu.memory_space<hbm>> -> memref<1024xf32, #tpu.memory_space<hbm>>
        %dma_start3A_374 = arith.constant 6144 : i32
        %dma_start3A_375 = tpu.memref_slice %arg12[%dma_start3A_374] : memref<8192xf32, #tpu.memory_space<vmem>> -> memref<1024xf32, #tpu.memory_space<vmem>>
        tpu.enqueue_dma source(%dma_start3A_375 : memref<1024xf32, #tpu.memory_space<vmem>>) target(%dma_start3A_373 : memref<1024xf32, #tpu.memory_space<hbm>>) target_semaphore(%arg18 : memref<!tpu.dma_semaphore, #tpu.memory_space<semaphore_mem>>)
        %dma_start3A_376 = arith.constant 7 : i32
        %dma_start3A_377 = arith.constant 7168 : i32
        %dma_start3A_378 = tpu.memref_slice %arg12[%dma_start3A_377] : memref<8192xf32, #tpu.memory_space<vmem>> -> memref<1024xf32, #tpu.memory_space<vmem>>
        %dma_start3A_379 = arith.constant 0 : i32
        %dma_start3A_380 = tpu.memref_slice %arg5[%add3A_253, %dma_start3A_376, %add3A, %dma_start3A_379] : memref<200x8x32x1024xf32, #tpu.memory_space<hbm>> -> memref<1x1x1x1024xf32, #tpu.memory_space<hbm>>
        %dma_start3A_381 = tpu.memref_squeeze %dma_start3A_380 : memref<1x1x1x1024xf32, #tpu.memory_space<hbm>> -> memref<1024xf32, #tpu.memory_space<hbm>>
        %dma_start3A_382 = arith.constant 0 : i32
        %dma_start3A_383 = tpu.memref_slice %arg5[%add3A_253, %dma_start3A_376, %add3A, %dma_start3A_382] : memref<200x8x32x1024xf32, #tpu.memory_space<hbm>> -> memref<1x1x1x1024xf32, #tpu.memory_space<hbm>>
        %dma_start3A_384 = tpu.memref_squeeze %dma_start3A_383 : memref<1x1x1x1024xf32, #tpu.memory_space<hbm>> -> memref<1024xf32, #tpu.memory_space<hbm>>
        %dma_start3A_385 = arith.constant 7168 : i32
        %dma_start3A_386 = tpu.memref_slice %arg12[%dma_start3A_385] : memref<8192xf32, #tpu.memory_space<vmem>> -> memref<1024xf32, #tpu.memory_space<vmem>>
        tpu.enqueue_dma source(%dma_start3A_386 : memref<1024xf32, #tpu.memory_space<vmem>>) target(%dma_start3A_384 : memref<1024xf32, #tpu.memory_space<hbm>>) target_semaphore(%arg18 : memref<!tpu.dma_semaphore, #tpu.memory_space<semaphore_mem>>)
      } else {
      }
      %mul3A_259 = arith.constant 4 : i32
      %mul3A_260 = arith.muli %scan3A_234, %mul3A_259 : i32
      %add3A_261 = arith.constant 3 : i32
      %add3A_262 = arith.addi %mul3A_260, %add3A_261 : i32
      %lt3A_263 = arith.constant 200 : i32
      %lt3A_264 = arith.cmpi slt, %add3A_262, %lt3A_263 : i32
      %convert_element_type3A_265 = arith.extui %lt3A_264 : i1 to i32
      %cond3A_266 = arith.constant 0 : i32
      %cond3A_267 = arith.cmpi ne, %convert_element_type3A_265, %cond3A_266 : i32
      scf.if %cond3A_267 {
        %add3A_268 = arith.constant 3 : i32
        %add3A_269 = arith.addi %add3A_262, %add3A_268 : i32
        %lt3A_270 = arith.constant 200 : i32
        %lt3A_271 = arith.cmpi slt, %add3A_269, %lt3A_270 : i32
        %convert_element_type3A_272 = arith.extui %lt3A_271 : i1 to i32
        %cond3A_273 = arith.constant 0 : i32
        %cond3A_274 = arith.cmpi ne, %convert_element_type3A_272, %cond3A_273 : i32
        scf.if %cond3A_274 {
          %add3A_387 = arith.constant 3 : i32
          %add3A_388 = arith.addi %add3A_262, %add3A_387 : i32
          %dma_start3A_389 = arith.constant 0 : i32
          %dma_start3A_390 = tpu.memref_slice %arg6[%add3A_388, %dma_start3A_389] : memref<200x128xi32, #tpu.memory_space<vmem>> -> memref<1x128xi32, #tpu.memory_space<vmem>>
          %dma_start3A_391 = tpu.memref_squeeze %dma_start3A_390 : memref<1x128xi32, #tpu.memory_space<vmem>> -> memref<128xi32, #tpu.memory_space<vmem>>
          %dma_start3A_392 = arith.constant 0 : i32
          %dma_start3A_393 = arith.constant 0 : i32
          %dma_start3A_394 = tpu.memref_slice %arg3[%dma_start3A_392, %dma_start3A_393] : memref<1000000x64xf32, #tpu.memory_space<hbm>> -> memref<1000000x64xf32, #tpu.memory_space<hbm>>
          tpu.enqueue_indirect_dma source(%dma_start3A_394 : memref<1000000x64xf32, #tpu.memory_space<hbm>>) target(%arg10 : memref<128x64xf32, #tpu.memory_space<vmem>>) offsets(%dma_start3A_391 : memref<128xi32, #tpu.memory_space<vmem>>) semaphore(%arg16 : memref<!tpu.dma_semaphore, #tpu.memory_space<semaphore_mem>>)
        } else {
        }
        %dma_wait3A_275 = arith.constant 0 : i32
        %dma_wait3A_276 = arith.constant 0 : i32
        %dma_wait3A_277 = tpu.memref_slice %arg6[%dma_wait3A_275, %dma_wait3A_276] : memref<200x128xi32, #tpu.memory_space<vmem>> -> memref<1x128xi32, #tpu.memory_space<vmem>>
        %dma_wait3A_278 = tpu.memref_squeeze %dma_wait3A_277 : memref<1x128xi32, #tpu.memory_space<vmem>> -> memref<128xi32, #tpu.memory_space<vmem>>
        %dma_wait3A_279 = arith.constant 0 : i32
        %dma_wait3A_280 = arith.constant 0 : i32
        %dma_wait3A_281 = tpu.memref_slice %arg3[%dma_wait3A_279, %dma_wait3A_280] : memref<1000000x64xf32, #tpu.memory_space<hbm>> -> memref<1000000x64xf32, #tpu.memory_space<hbm>>
        tpu.wait_indirect_dma semaphore(%arg17 : memref<!tpu.dma_semaphore, #tpu.memory_space<semaphore_mem>>) src(%dma_wait3A_281 : memref<1000000x64xf32, #tpu.memory_space<hbm>>) dst(%arg11 : memref<128x64xf32, #tpu.memory_space<vmem>>)
        %ge3A = arith.constant 2 : i32
        %ge3A_282 = arith.cmpi sge, %add3A_262, %ge3A : i32
        %convert_element_type3A_283 = arith.extui %ge3A_282 : i1 to i32
        %cond3A_284 = arith.constant 0 : i32
        %cond3A_285 = arith.cmpi ne, %convert_element_type3A_283, %cond3A_284 : i32
        scf.if %cond3A_285 {
          %dma_wait3A_387 = arith.constant 0 : i32
          %dma_wait3A_388 = arith.constant 0 : i32
          %dma_wait3A_389 = arith.constant 0 : i32
          %dma_wait3A_390 = tpu.memref_slice %arg13[%dma_wait3A_389] : memref<8192xf32, #tpu.memory_space<vmem>> -> memref<1024xf32, #tpu.memory_space<vmem>>
          %dma_wait3A_391 = arith.constant 0 : i32
          %dma_wait3A_392 = tpu.memref_slice %arg5[%dma_wait3A_387, %dma_wait3A_388, %add3A, %dma_wait3A_391] : memref<200x8x32x1024xf32, #tpu.memory_space<hbm>> -> memref<1x1x1x1024xf32, #tpu.memory_space<hbm>>
          %dma_wait3A_393 = tpu.memref_squeeze %dma_wait3A_392 : memref<1x1x1x1024xf32, #tpu.memory_space<hbm>> -> memref<1024xf32, #tpu.memory_space<hbm>>
          %dma_wait3A_394 = arith.constant 0 : i32
          %dma_wait3A_395 = tpu.memref_slice %arg5[%dma_wait3A_387, %dma_wait3A_388, %add3A, %dma_wait3A_394] : memref<200x8x32x1024xf32, #tpu.memory_space<hbm>> -> memref<1x1x1x1024xf32, #tpu.memory_space<hbm>>
          %dma_wait3A_396 = tpu.memref_squeeze %dma_wait3A_395 : memref<1x1x1x1024xf32, #tpu.memory_space<hbm>> -> memref<1024xf32, #tpu.memory_space<hbm>>
          %dma_wait3A_397 = arith.constant 0 : i32
          %dma_wait3A_398 = tpu.memref_slice %arg13[%dma_wait3A_397] : memref<8192xf32, #tpu.memory_space<vmem>> -> memref<1024xf32, #tpu.memory_space<vmem>>
          tpu.wait_dma2 semaphore(%arg19 : memref<!tpu.dma_semaphore, #tpu.memory_space<semaphore_mem>>) src(%dma_wait3A_398 : memref<1024xf32, #tpu.memory_space<vmem>>) dst(%dma_wait3A_396 : memref<1024xf32, #tpu.memory_space<hbm>>)
          %dma_wait3A_399 = arith.constant 0 : i32
          %dma_wait3A_400 = arith.constant 1 : i32
          %dma_wait3A_401 = arith.constant 1024 : i32
          %dma_wait3A_402 = tpu.memref_slice %arg13[%dma_wait3A_401] : memref<8192xf32, #tpu.memory_space<vmem>> -> memref<1024xf32, #tpu.memory_space<vmem>>
          %dma_wait3A_403 = arith.constant 0 : i32
          %dma_wait3A_404 = tpu.memref_slice %arg5[%dma_wait3A_399, %dma_wait3A_400, %add3A, %dma_wait3A_403] : memref<200x8x32x1024xf32, #tpu.memory_space<hbm>> -> memref<1x1x1x1024xf32, #tpu.memory_space<hbm>>
          %dma_wait3A_405 = tpu.memref_squeeze %dma_wait3A_404 : memref<1x1x1x1024xf32, #tpu.memory_space<hbm>> -> memref<1024xf32, #tpu.memory_space<hbm>>
          %dma_wait3A_406 = arith.constant 0 : i32
          %dma_wait3A_407 = tpu.memref_slice %arg5[%dma_wait3A_399, %dma_wait3A_400, %add3A, %dma_wait3A_406] : memref<200x8x32x1024xf32, #tpu.memory_space<hbm>> -> memref<1x1x1x1024xf32, #tpu.memory_space<hbm>>
          %dma_wait3A_408 = tpu.memref_squeeze %dma_wait3A_407 : memref<1x1x1x1024xf32, #tpu.memory_space<hbm>> -> memref<1024xf32, #tpu.memory_space<hbm>>
          %dma_wait3A_409 = arith.constant 1024 : i32
          %dma_wait3A_410 = tpu.memref_slice %arg13[%dma_wait3A_409] : memref<8192xf32, #tpu.memory_space<vmem>> -> memref<1024xf32, #tpu.memory_space<vmem>>
          tpu.wait_dma2 semaphore(%arg19 : memref<!tpu.dma_semaphore, #tpu.memory_space<semaphore_mem>>) src(%dma_wait3A_410 : memref<1024xf32, #tpu.memory_space<vmem>>) dst(%dma_wait3A_408 : memref<1024xf32, #tpu.memory_space<hbm>>)
          %dma_wait3A_411 = arith.constant 0 : i32
          %dma_wait3A_412 = arith.constant 2 : i32
          %dma_wait3A_413 = arith.constant 2048 : i32
          %dma_wait3A_414 = tpu.memref_slice %arg13[%dma_wait3A_413] : memref<8192xf32, #tpu.memory_space<vmem>> -> memref<1024xf32, #tpu.memory_space<vmem>>
          %dma_wait3A_415 = arith.constant 0 : i32
          %dma_wait3A_416 = tpu.memref_slice %arg5[%dma_wait3A_411, %dma_wait3A_412, %add3A, %dma_wait3A_415] : memref<200x8x32x1024xf32, #tpu.memory_space<hbm>> -> memref<1x1x1x1024xf32, #tpu.memory_space<hbm>>
          %dma_wait3A_417 = tpu.memref_squeeze %dma_wait3A_416 : memref<1x1x1x1024xf32, #tpu.memory_space<hbm>> -> memref<1024xf32, #tpu.memory_space<hbm>>
          %dma_wait3A_418 = arith.constant 0 : i32
          %dma_wait3A_419 = tpu.memref_slice %arg5[%dma_wait3A_411, %dma_wait3A_412, %add3A, %dma_wait3A_418] : memref<200x8x32x1024xf32, #tpu.memory_space<hbm>> -> memref<1x1x1x1024xf32, #tpu.memory_space<hbm>>
          %dma_wait3A_420 = tpu.memref_squeeze %dma_wait3A_419 : memref<1x1x1x1024xf32, #tpu.memory_space<hbm>> -> memref<1024xf32, #tpu.memory_space<hbm>>
          %dma_wait3A_421 = arith.constant 2048 : i32
          %dma_wait3A_422 = tpu.memref_slice %arg13[%dma_wait3A_421] : memref<8192xf32, #tpu.memory_space<vmem>> -> memref<1024xf32, #tpu.memory_space<vmem>>
          tpu.wait_dma2 semaphore(%arg19 : memref<!tpu.dma_semaphore, #tpu.memory_space<semaphore_mem>>) src(%dma_wait3A_422 : memref<1024xf32, #tpu.memory_space<vmem>>) dst(%dma_wait3A_420 : memref<1024xf32, #tpu.memory_space<hbm>>)
          %dma_wait3A_423 = arith.constant 0 : i32
          %dma_wait3A_424 = arith.constant 3 : i32
          %dma_wait3A_425 = arith.constant 3072 : i32
          %dma_wait3A_426 = tpu.memref_slice %arg13[%dma_wait3A_425] : memref<8192xf32, #tpu.memory_space<vmem>> -> memref<1024xf32, #tpu.memory_space<vmem>>
          %dma_wait3A_427 = arith.constant 0 : i32
          %dma_wait3A_428 = tpu.memref_slice %arg5[%dma_wait3A_423, %dma_wait3A_424, %add3A, %dma_wait3A_427] : memref<200x8x32x1024xf32, #tpu.memory_space<hbm>> -> memref<1x1x1x1024xf32, #tpu.memory_space<hbm>>
          %dma_wait3A_429 = tpu.memref_squeeze %dma_wait3A_428 : memref<1x1x1x1024xf32, #tpu.memory_space<hbm>> -> memref<1024xf32, #tpu.memory_space<hbm>>
          %dma_wait3A_430 = arith.constant 0 : i32
          %dma_wait3A_431 = tpu.memref_slice %arg5[%dma_wait3A_423, %dma_wait3A_424, %add3A, %dma_wait3A_430] : memref<200x8x32x1024xf32, #tpu.memory_space<hbm>> -> memref<1x1x1x1024xf32, #tpu.memory_space<hbm>>
          %dma_wait3A_432 = tpu.memref_squeeze %dma_wait3A_431 : memref<1x1x1x1024xf32, #tpu.memory_space<hbm>> -> memref<1024xf32, #tpu.memory_space<hbm>>
          %dma_wait3A_433 = arith.constant 3072 : i32
          %dma_wait3A_434 = tpu.memref_slice %arg13[%dma_wait3A_433] : memref<8192xf32, #tpu.memory_space<vmem>> -> memref<1024xf32, #tpu.memory_space<vmem>>
          tpu.wait_dma2 semaphore(%arg19 : memref<!tpu.dma_semaphore, #tpu.memory_space<semaphore_mem>>) src(%dma_wait3A_434 : memref<1024xf32, #tpu.memory_space<vmem>>) dst(%dma_wait3A_432 : memref<1024xf32, #tpu.memory_space<hbm>>)
          %dma_wait3A_435 = arith.constant 0 : i32
          %dma_wait3A_436 = arith.constant 4 : i32
          %dma_wait3A_437 = arith.constant 4096 : i32
          %dma_wait3A_438 = tpu.memref_slice %arg13[%dma_wait3A_437] : memref<8192xf32, #tpu.memory_space<vmem>> -> memref<1024xf32, #tpu.memory_space<vmem>>
          %dma_wait3A_439 = arith.constant 0 : i32
          %dma_wait3A_440 = tpu.memref_slice %arg5[%dma_wait3A_435, %dma_wait3A_436, %add3A, %dma_wait3A_439] : memref<200x8x32x1024xf32, #tpu.memory_space<hbm>> -> memref<1x1x1x1024xf32, #tpu.memory_space<hbm>>
          %dma_wait3A_441 = tpu.memref_squeeze %dma_wait3A_440 : memref<1x1x1x1024xf32, #tpu.memory_space<hbm>> -> memref<1024xf32, #tpu.memory_space<hbm>>
          %dma_wait3A_442 = arith.constant 0 : i32
          %dma_wait3A_443 = tpu.memref_slice %arg5[%dma_wait3A_435, %dma_wait3A_436, %add3A, %dma_wait3A_442] : memref<200x8x32x1024xf32, #tpu.memory_space<hbm>> -> memref<1x1x1x1024xf32, #tpu.memory_space<hbm>>
          %dma_wait3A_444 = tpu.memref_squeeze %dma_wait3A_443 : memref<1x1x1x1024xf32, #tpu.memory_space<hbm>> -> memref<1024xf32, #tpu.memory_space<hbm>>
          %dma_wait3A_445 = arith.constant 4096 : i32
          %dma_wait3A_446 = tpu.memref_slice %arg13[%dma_wait3A_445] : memref<8192xf32, #tpu.memory_space<vmem>> -> memref<1024xf32, #tpu.memory_space<vmem>>
          tpu.wait_dma2 semaphore(%arg19 : memref<!tpu.dma_semaphore, #tpu.memory_space<semaphore_mem>>) src(%dma_wait3A_446 : memref<1024xf32, #tpu.memory_space<vmem>>) dst(%dma_wait3A_444 : memref<1024xf32, #tpu.memory_space<hbm>>)
          %dma_wait3A_447 = arith.constant 0 : i32
          %dma_wait3A_448 = arith.constant 5 : i32
          %dma_wait3A_449 = arith.constant 5120 : i32
          %dma_wait3A_450 = tpu.memref_slice %arg13[%dma_wait3A_449] : memref<8192xf32, #tpu.memory_space<vmem>> -> memref<1024xf32, #tpu.memory_space<vmem>>
          %dma_wait3A_451 = arith.constant 0 : i32
          %dma_wait3A_452 = tpu.memref_slice %arg5[%dma_wait3A_447, %dma_wait3A_448, %add3A, %dma_wait3A_451] : memref<200x8x32x1024xf32, #tpu.memory_space<hbm>> -> memref<1x1x1x1024xf32, #tpu.memory_space<hbm>>
          %dma_wait3A_453 = tpu.memref_squeeze %dma_wait3A_452 : memref<1x1x1x1024xf32, #tpu.memory_space<hbm>> -> memref<1024xf32, #tpu.memory_space<hbm>>
          %dma_wait3A_454 = arith.constant 0 : i32
          %dma_wait3A_455 = tpu.memref_slice %arg5[%dma_wait3A_447, %dma_wait3A_448, %add3A, %dma_wait3A_454] : memref<200x8x32x1024xf32, #tpu.memory_space<hbm>> -> memref<1x1x1x1024xf32, #tpu.memory_space<hbm>>
          %dma_wait3A_456 = tpu.memref_squeeze %dma_wait3A_455 : memref<1x1x1x1024xf32, #tpu.memory_space<hbm>> -> memref<1024xf32, #tpu.memory_space<hbm>>
          %dma_wait3A_457 = arith.constant 5120 : i32
          %dma_wait3A_458 = tpu.memref_slice %arg13[%dma_wait3A_457] : memref<8192xf32, #tpu.memory_space<vmem>> -> memref<1024xf32, #tpu.memory_space<vmem>>
          tpu.wait_dma2 semaphore(%arg19 : memref<!tpu.dma_semaphore, #tpu.memory_space<semaphore_mem>>) src(%dma_wait3A_458 : memref<1024xf32, #tpu.memory_space<vmem>>) dst(%dma_wait3A_456 : memref<1024xf32, #tpu.memory_space<hbm>>)
          %dma_wait3A_459 = arith.constant 0 : i32
          %dma_wait3A_460 = arith.constant 6 : i32
          %dma_wait3A_461 = arith.constant 6144 : i32
          %dma_wait3A_462 = tpu.memref_slice %arg13[%dma_wait3A_461] : memref<8192xf32, #tpu.memory_space<vmem>> -> memref<1024xf32, #tpu.memory_space<vmem>>
          %dma_wait3A_463 = arith.constant 0 : i32
          %dma_wait3A_464 = tpu.memref_slice %arg5[%dma_wait3A_459, %dma_wait3A_460, %add3A, %dma_wait3A_463] : memref<200x8x32x1024xf32, #tpu.memory_space<hbm>> -> memref<1x1x1x1024xf32, #tpu.memory_space<hbm>>
          %dma_wait3A_465 = tpu.memref_squeeze %dma_wait3A_464 : memref<1x1x1x1024xf32, #tpu.memory_space<hbm>> -> memref<1024xf32, #tpu.memory_space<hbm>>
          %dma_wait3A_466 = arith.constant 0 : i32
          %dma_wait3A_467 = tpu.memref_slice %arg5[%dma_wait3A_459, %dma_wait3A_460, %add3A, %dma_wait3A_466] : memref<200x8x32x1024xf32, #tpu.memory_space<hbm>> -> memref<1x1x1x1024xf32, #tpu.memory_space<hbm>>
          %dma_wait3A_468 = tpu.memref_squeeze %dma_wait3A_467 : memref<1x1x1x1024xf32, #tpu.memory_space<hbm>> -> memref<1024xf32, #tpu.memory_space<hbm>>
          %dma_wait3A_469 = arith.constant 6144 : i32
          %dma_wait3A_470 = tpu.memref_slice %arg13[%dma_wait3A_469] : memref<8192xf32, #tpu.memory_space<vmem>> -> memref<1024xf32, #tpu.memory_space<vmem>>
          tpu.wait_dma2 semaphore(%arg19 : memref<!tpu.dma_semaphore, #tpu.memory_space<semaphore_mem>>) src(%dma_wait3A_470 : memref<1024xf32, #tpu.memory_space<vmem>>) dst(%dma_wait3A_468 : memref<1024xf32, #tpu.memory_space<hbm>>)
          %dma_wait3A_471 = arith.constant 0 : i32
          %dma_wait3A_472 = arith.constant 7 : i32
          %dma_wait3A_473 = arith.constant 7168 : i32
          %dma_wait3A_474 = tpu.memref_slice %arg13[%dma_wait3A_473] : memref<8192xf32, #tpu.memory_space<vmem>> -> memref<1024xf32, #tpu.memory_space<vmem>>
          %dma_wait3A_475 = arith.constant 0 : i32
          %dma_wait3A_476 = tpu.memref_slice %arg5[%dma_wait3A_471, %dma_wait3A_472, %add3A, %dma_wait3A_475] : memref<200x8x32x1024xf32, #tpu.memory_space<hbm>> -> memref<1x1x1x1024xf32, #tpu.memory_space<hbm>>
          %dma_wait3A_477 = tpu.memref_squeeze %dma_wait3A_476 : memref<1x1x1x1024xf32, #tpu.memory_space<hbm>> -> memref<1024xf32, #tpu.memory_space<hbm>>
          %dma_wait3A_478 = arith.constant 0 : i32
          %dma_wait3A_479 = tpu.memref_slice %arg5[%dma_wait3A_471, %dma_wait3A_472, %add3A, %dma_wait3A_478] : memref<200x8x32x1024xf32, #tpu.memory_space<hbm>> -> memref<1x1x1x1024xf32, #tpu.memory_space<hbm>>
          %dma_wait3A_480 = tpu.memref_squeeze %dma_wait3A_479 : memref<1x1x1x1024xf32, #tpu.memory_space<hbm>> -> memref<1024xf32, #tpu.memory_space<hbm>>
          %dma_wait3A_481 = arith.constant 7168 : i32
          %dma_wait3A_482 = tpu.memref_slice %arg13[%dma_wait3A_481] : memref<8192xf32, #tpu.memory_space<vmem>> -> memref<1024xf32, #tpu.memory_space<vmem>>
          tpu.wait_dma2 semaphore(%arg19 : memref<!tpu.dma_semaphore, #tpu.memory_space<semaphore_mem>>) src(%dma_wait3A_482 : memref<1024xf32, #tpu.memory_space<vmem>>) dst(%dma_wait3A_480 : memref<1024xf32, #tpu.memory_space<hbm>>)
        } else {
        }
        %get3A = arith.index_cast %add3A_262 : i32 to index
        %get3A_286 = arith.constant 0 : index
        %get3A_287 = tpu.vector_load %arg7[%get3A, %get3A_286] {strides = array<i32>} : memref<200x64xf32, #tpu.memory_space<vmem>>, vector<16xf32>,
        %get3A_288 = arith.index_cast %add3A_262 : i32 to index
        %get3A_289 = arith.constant 16 : index
        %get3A_290 = tpu.vector_load %arg7[%get3A_288, %get3A_289] {strides = array<i32>} : memref<200x64xf32, #tpu.memory_space<vmem>>, vector<16xf32>,
        %get3A_291 = arith.index_cast %add3A_262 : i32 to index
        %get3A_292 = arith.constant 32 : index
        %get3A_293 = tpu.vector_load %arg7[%get3A_291, %get3A_292] {strides = array<i32>} : memref<200x64xf32, #tpu.memory_space<vmem>>, vector<16xf32>,
        %get3A_294 = arith.index_cast %add3A_262 : i32 to index
        %get3A_295 = arith.constant 48 : index
        %get3A_296 = tpu.vector_load %arg7[%get3A_294, %get3A_295] {strides = array<i32>} : memref<200x64xf32, #tpu.memory_space<vmem>>, vector<16xf32>,
        %parallel_loop3A = arith.constant 0 : i32
        %parallel_loop3A_297 = arith.constant 128 : i32
        %parallel_loop3A_298 = arith.constant 1 : i32
        scf.for %parallel_loop3A_387 = %parallel_loop3A to %parallel_loop3A_297 step %parallel_loop3A_298  : i32 {
          %parallel_loop3A_388 = arith.constant 15 : i32
          %parallel_loop3A_389 = arith.andi %parallel_loop3A_387, %parallel_loop3A_388 : i32
          %parallel_loop3A_390 = arith.constant 4 : i32
          %parallel_loop3A_391 = arith.shrsi %parallel_loop3A_387, %parallel_loop3A_390 : i32
          %parallel_loop3A_392 = arith.constant 16 : i32
          %parallel_loop3A_393 = arith.muli %parallel_loop3A_391, %parallel_loop3A_392 : i32
          %parallel_loop3A_394 = vector.broadcast %parallel_loop3A_389 : i32 to vector<16xi32>
          %parallel_loop3A_395 = arith.addi %iota3A, %parallel_loop3A_394 : vector<16xi32>
          %parallel_loop3A_396 = arith.constant 15 : i32
          %parallel_loop3A_397 = vector.broadcast %parallel_loop3A_396 : i32 to vector<16xi32>
          %parallel_loop3A_398 = arith.andi %parallel_loop3A_395, %parallel_loop3A_397 : vector<16xi32>
          %parallel_loop3A_399 = vector.broadcast %parallel_loop3A_393 : i32 to vector<16xi32>
          %parallel_loop3A_400 = arith.addi %parallel_loop3A_398, %parallel_loop3A_399 : vector<16xi32>
          %parallel_loop3A_401 = arith.addi %mul3A_5, %parallel_loop3A_400 : vector<16xi32>
          %parallel_loop3A_402 = vector.broadcast %parallel_loop3A_393 : i32 to vector<16xi32>
          %parallel_loop3A_403 = arith.addi %parallel_loop3A_398, %parallel_loop3A_402 : vector<16xi32>
          %parallel_loop3A_404 = tpu.vector_load_idx %arg11[%parallel_loop3A_403, %add3A_8] : memref<128x64xf32, #tpu.memory_space<vmem>>[vector<16xi32>, vector<16xi32>], vector<16xf32>,
          %parallel_loop3A_405 = arith.addf %parallel_loop3A_404, %get3A_287 : vector<16xf32>
          %parallel_loop3A_406 = arith.constant 0 : i32
          %parallel_loop3A_407 = vector.broadcast %parallel_loop3A_406 : i32 to vector<16xi32>
          %parallel_loop3A_408 = arith.addi %parallel_loop3A_401, %parallel_loop3A_407 : vector<16xi32>
          tpu.vector_store_idx %arg13[%parallel_loop3A_408], %parallel_loop3A_405 : memref<8192xf32, #tpu.memory_space<vmem>>[vector<16xi32>], vector<16xf32>,
          %parallel_loop3A_409 = tpu.vector_load_idx %arg11[%parallel_loop3A_403, %add3A_11] : memref<128x64xf32, #tpu.memory_space<vmem>>[vector<16xi32>, vector<16xi32>], vector<16xf32>,
          %parallel_loop3A_410 = arith.addf %parallel_loop3A_409, %get3A_290 : vector<16xf32>
          %parallel_loop3A_411 = arith.constant 2048 : i32
          %parallel_loop3A_412 = vector.broadcast %parallel_loop3A_411 : i32 to vector<16xi32>
          %parallel_loop3A_413 = arith.addi %parallel_loop3A_401, %parallel_loop3A_412 : vector<16xi32>
          tpu.vector_store_idx %arg13[%parallel_loop3A_413], %parallel_loop3A_410 : memref<8192xf32, #tpu.memory_space<vmem>>[vector<16xi32>], vector<16xf32>,
          %parallel_loop3A_414 = tpu.vector_load_idx %arg11[%parallel_loop3A_403, %add3A_14] : memref<128x64xf32, #tpu.memory_space<vmem>>[vector<16xi32>, vector<16xi32>], vector<16xf32>,
          %parallel_loop3A_415 = arith.addf %parallel_loop3A_414, %get3A_293 : vector<16xf32>
          %parallel_loop3A_416 = arith.constant 4096 : i32
          %parallel_loop3A_417 = vector.broadcast %parallel_loop3A_416 : i32 to vector<16xi32>
          %parallel_loop3A_418 = arith.addi %parallel_loop3A_401, %parallel_loop3A_417 : vector<16xi32>
          tpu.vector_store_idx %arg13[%parallel_loop3A_418], %parallel_loop3A_415 : memref<8192xf32, #tpu.memory_space<vmem>>[vector<16xi32>], vector<16xf32>,
          %parallel_loop3A_419 = tpu.vector_load_idx %arg11[%parallel_loop3A_403, %add3A_17] : memref<128x64xf32, #tpu.memory_space<vmem>>[vector<16xi32>, vector<16xi32>], vector<16xf32>,
          %parallel_loop3A_420 = arith.addf %parallel_loop3A_419, %get3A_296 : vector<16xf32>
          %parallel_loop3A_421 = arith.constant 6144 : i32
          %parallel_loop3A_422 = vector.broadcast %parallel_loop3A_421 : i32 to vector<16xi32>
          %parallel_loop3A_423 = arith.addi %parallel_loop3A_401, %parallel_loop3A_422 : vector<16xi32>
          tpu.vector_store_idx %arg13[%parallel_loop3A_423], %parallel_loop3A_420 : memref<8192xf32, #tpu.memory_space<vmem>>[vector<16xi32>], vector<16xf32>,
        } {sc.loop_unroll_factor = 4 : i64, sc.parallel_access}
        %dma_start3A_299 = arith.constant 0 : i32
        %dma_start3A_300 = arith.constant 0 : i32
        %dma_start3A_301 = tpu.memref_slice %arg13[%dma_start3A_300] : memref<8192xf32, #tpu.memory_space<vmem>> -> memref<1024xf32, #tpu.memory_space<vmem>>
        %dma_start3A_302 = arith.constant 0 : i32
        %dma_start3A_303 = tpu.memref_slice %arg5[%add3A_262, %dma_start3A_299, %add3A, %dma_start3A_302] : memref<200x8x32x1024xf32, #tpu.memory_space<hbm>> -> memref<1x1x1x1024xf32, #tpu.memory_space<hbm>>
        %dma_start3A_304 = tpu.memref_squeeze %dma_start3A_303 : memref<1x1x1x1024xf32, #tpu.memory_space<hbm>> -> memref<1024xf32, #tpu.memory_space<hbm>>
        %dma_start3A_305 = arith.constant 0 : i32
        %dma_start3A_306 = tpu.memref_slice %arg5[%add3A_262, %dma_start3A_299, %add3A, %dma_start3A_305] : memref<200x8x32x1024xf32, #tpu.memory_space<hbm>> -> memref<1x1x1x1024xf32, #tpu.memory_space<hbm>>
        %dma_start3A_307 = tpu.memref_squeeze %dma_start3A_306 : memref<1x1x1x1024xf32, #tpu.memory_space<hbm>> -> memref<1024xf32, #tpu.memory_space<hbm>>
        %dma_start3A_308 = arith.constant 0 : i32
        %dma_start3A_309 = tpu.memref_slice %arg13[%dma_start3A_308] : memref<8192xf32, #tpu.memory_space<vmem>> -> memref<1024xf32, #tpu.memory_space<vmem>>
        tpu.enqueue_dma source(%dma_start3A_309 : memref<1024xf32, #tpu.memory_space<vmem>>) target(%dma_start3A_307 : memref<1024xf32, #tpu.memory_space<hbm>>) target_semaphore(%arg19 : memref<!tpu.dma_semaphore, #tpu.memory_space<semaphore_mem>>)
        %dma_start3A_310 = arith.constant 1 : i32
        %dma_start3A_311 = arith.constant 1024 : i32
        %dma_start3A_312 = tpu.memref_slice %arg13[%dma_start3A_311] : memref<8192xf32, #tpu.memory_space<vmem>> -> memref<1024xf32, #tpu.memory_space<vmem>>
        %dma_start3A_313 = arith.constant 0 : i32
        %dma_start3A_314 = tpu.memref_slice %arg5[%add3A_262, %dma_start3A_310, %add3A, %dma_start3A_313] : memref<200x8x32x1024xf32, #tpu.memory_space<hbm>> -> memref<1x1x1x1024xf32, #tpu.memory_space<hbm>>
        %dma_start3A_315 = tpu.memref_squeeze %dma_start3A_314 : memref<1x1x1x1024xf32, #tpu.memory_space<hbm>> -> memref<1024xf32, #tpu.memory_space<hbm>>
        %dma_start3A_316 = arith.constant 0 : i32
        %dma_start3A_317 = tpu.memref_slice %arg5[%add3A_262, %dma_start3A_310, %add3A, %dma_start3A_316] : memref<200x8x32x1024xf32, #tpu.memory_space<hbm>> -> memref<1x1x1x1024xf32, #tpu.memory_space<hbm>>
        %dma_start3A_318 = tpu.memref_squeeze %dma_start3A_317 : memref<1x1x1x1024xf32, #tpu.memory_space<hbm>> -> memref<1024xf32, #tpu.memory_space<hbm>>
        %dma_start3A_319 = arith.constant 1024 : i32
        %dma_start3A_320 = tpu.memref_slice %arg13[%dma_start3A_319] : memref<8192xf32, #tpu.memory_space<vmem>> -> memref<1024xf32, #tpu.memory_space<vmem>>
        tpu.enqueue_dma source(%dma_start3A_320 : memref<1024xf32, #tpu.memory_space<vmem>>) target(%dma_start3A_318 : memref<1024xf32, #tpu.memory_space<hbm>>) target_semaphore(%arg19 : memref<!tpu.dma_semaphore, #tpu.memory_space<semaphore_mem>>)
        %dma_start3A_321 = arith.constant 2 : i32
        %dma_start3A_322 = arith.constant 2048 : i32
        %dma_start3A_323 = tpu.memref_slice %arg13[%dma_start3A_322] : memref<8192xf32, #tpu.memory_space<vmem>> -> memref<1024xf32, #tpu.memory_space<vmem>>
        %dma_start3A_324 = arith.constant 0 : i32
        %dma_start3A_325 = tpu.memref_slice %arg5[%add3A_262, %dma_start3A_321, %add3A, %dma_start3A_324] : memref<200x8x32x1024xf32, #tpu.memory_space<hbm>> -> memref<1x1x1x1024xf32, #tpu.memory_space<hbm>>
        %dma_start3A_326 = tpu.memref_squeeze %dma_start3A_325 : memref<1x1x1x1024xf32, #tpu.memory_space<hbm>> -> memref<1024xf32, #tpu.memory_space<hbm>>
        %dma_start3A_327 = arith.constant 0 : i32
        %dma_start3A_328 = tpu.memref_slice %arg5[%add3A_262, %dma_start3A_321, %add3A, %dma_start3A_327] : memref<200x8x32x1024xf32, #tpu.memory_space<hbm>> -> memref<1x1x1x1024xf32, #tpu.memory_space<hbm>>
        %dma_start3A_329 = tpu.memref_squeeze %dma_start3A_328 : memref<1x1x1x1024xf32, #tpu.memory_space<hbm>> -> memref<1024xf32, #tpu.memory_space<hbm>>
        %dma_start3A_330 = arith.constant 2048 : i32
        %dma_start3A_331 = tpu.memref_slice %arg13[%dma_start3A_330] : memref<8192xf32, #tpu.memory_space<vmem>> -> memref<1024xf32, #tpu.memory_space<vmem>>
        tpu.enqueue_dma source(%dma_start3A_331 : memref<1024xf32, #tpu.memory_space<vmem>>) target(%dma_start3A_329 : memref<1024xf32, #tpu.memory_space<hbm>>) target_semaphore(%arg19 : memref<!tpu.dma_semaphore, #tpu.memory_space<semaphore_mem>>)
        %dma_start3A_332 = arith.constant 3 : i32
        %dma_start3A_333 = arith.constant 3072 : i32
        %dma_start3A_334 = tpu.memref_slice %arg13[%dma_start3A_333] : memref<8192xf32, #tpu.memory_space<vmem>> -> memref<1024xf32, #tpu.memory_space<vmem>>
        %dma_start3A_335 = arith.constant 0 : i32
        %dma_start3A_336 = tpu.memref_slice %arg5[%add3A_262, %dma_start3A_332, %add3A, %dma_start3A_335] : memref<200x8x32x1024xf32, #tpu.memory_space<hbm>> -> memref<1x1x1x1024xf32, #tpu.memory_space<hbm>>
        %dma_start3A_337 = tpu.memref_squeeze %dma_start3A_336 : memref<1x1x1x1024xf32, #tpu.memory_space<hbm>> -> memref<1024xf32, #tpu.memory_space<hbm>>
        %dma_start3A_338 = arith.constant 0 : i32
        %dma_start3A_339 = tpu.memref_slice %arg5[%add3A_262, %dma_start3A_332, %add3A, %dma_start3A_338] : memref<200x8x32x1024xf32, #tpu.memory_space<hbm>> -> memref<1x1x1x1024xf32, #tpu.memory_space<hbm>>
        %dma_start3A_340 = tpu.memref_squeeze %dma_start3A_339 : memref<1x1x1x1024xf32, #tpu.memory_space<hbm>> -> memref<1024xf32, #tpu.memory_space<hbm>>
        %dma_start3A_341 = arith.constant 3072 : i32
        %dma_start3A_342 = tpu.memref_slice %arg13[%dma_start3A_341] : memref<8192xf32, #tpu.memory_space<vmem>> -> memref<1024xf32, #tpu.memory_space<vmem>>
        tpu.enqueue_dma source(%dma_start3A_342 : memref<1024xf32, #tpu.memory_space<vmem>>) target(%dma_start3A_340 : memref<1024xf32, #tpu.memory_space<hbm>>) target_semaphore(%arg19 : memref<!tpu.dma_semaphore, #tpu.memory_space<semaphore_mem>>)
        %dma_start3A_343 = arith.constant 4 : i32
        %dma_start3A_344 = arith.constant 4096 : i32
        %dma_start3A_345 = tpu.memref_slice %arg13[%dma_start3A_344] : memref<8192xf32, #tpu.memory_space<vmem>> -> memref<1024xf32, #tpu.memory_space<vmem>>
        %dma_start3A_346 = arith.constant 0 : i32
        %dma_start3A_347 = tpu.memref_slice %arg5[%add3A_262, %dma_start3A_343, %add3A, %dma_start3A_346] : memref<200x8x32x1024xf32, #tpu.memory_space<hbm>> -> memref<1x1x1x1024xf32, #tpu.memory_space<hbm>>
        %dma_start3A_348 = tpu.memref_squeeze %dma_start3A_347 : memref<1x1x1x1024xf32, #tpu.memory_space<hbm>> -> memref<1024xf32, #tpu.memory_space<hbm>>
        %dma_start3A_349 = arith.constant 0 : i32
        %dma_start3A_350 = tpu.memref_slice %arg5[%add3A_262, %dma_start3A_343, %add3A, %dma_start3A_349] : memref<200x8x32x1024xf32, #tpu.memory_space<hbm>> -> memref<1x1x1x1024xf32, #tpu.memory_space<hbm>>
        %dma_start3A_351 = tpu.memref_squeeze %dma_start3A_350 : memref<1x1x1x1024xf32, #tpu.memory_space<hbm>> -> memref<1024xf32, #tpu.memory_space<hbm>>
        %dma_start3A_352 = arith.constant 4096 : i32
        %dma_start3A_353 = tpu.memref_slice %arg13[%dma_start3A_352] : memref<8192xf32, #tpu.memory_space<vmem>> -> memref<1024xf32, #tpu.memory_space<vmem>>
        tpu.enqueue_dma source(%dma_start3A_353 : memref<1024xf32, #tpu.memory_space<vmem>>) target(%dma_start3A_351 : memref<1024xf32, #tpu.memory_space<hbm>>) target_semaphore(%arg19 : memref<!tpu.dma_semaphore, #tpu.memory_space<semaphore_mem>>)
        %dma_start3A_354 = arith.constant 5 : i32
        %dma_start3A_355 = arith.constant 5120 : i32
        %dma_start3A_356 = tpu.memref_slice %arg13[%dma_start3A_355] : memref<8192xf32, #tpu.memory_space<vmem>> -> memref<1024xf32, #tpu.memory_space<vmem>>
        %dma_start3A_357 = arith.constant 0 : i32
        %dma_start3A_358 = tpu.memref_slice %arg5[%add3A_262, %dma_start3A_354, %add3A, %dma_start3A_357] : memref<200x8x32x1024xf32, #tpu.memory_space<hbm>> -> memref<1x1x1x1024xf32, #tpu.memory_space<hbm>>
        %dma_start3A_359 = tpu.memref_squeeze %dma_start3A_358 : memref<1x1x1x1024xf32, #tpu.memory_space<hbm>> -> memref<1024xf32, #tpu.memory_space<hbm>>
        %dma_start3A_360 = arith.constant 0 : i32
        %dma_start3A_361 = tpu.memref_slice %arg5[%add3A_262, %dma_start3A_354, %add3A, %dma_start3A_360] : memref<200x8x32x1024xf32, #tpu.memory_space<hbm>> -> memref<1x1x1x1024xf32, #tpu.memory_space<hbm>>
        %dma_start3A_362 = tpu.memref_squeeze %dma_start3A_361 : memref<1x1x1x1024xf32, #tpu.memory_space<hbm>> -> memref<1024xf32, #tpu.memory_space<hbm>>
        %dma_start3A_363 = arith.constant 5120 : i32
        %dma_start3A_364 = tpu.memref_slice %arg13[%dma_start3A_363] : memref<8192xf32, #tpu.memory_space<vmem>> -> memref<1024xf32, #tpu.memory_space<vmem>>
        tpu.enqueue_dma source(%dma_start3A_364 : memref<1024xf32, #tpu.memory_space<vmem>>) target(%dma_start3A_362 : memref<1024xf32, #tpu.memory_space<hbm>>) target_semaphore(%arg19 : memref<!tpu.dma_semaphore, #tpu.memory_space<semaphore_mem>>)
        %dma_start3A_365 = arith.constant 6 : i32
        %dma_start3A_366 = arith.constant 6144 : i32
        %dma_start3A_367 = tpu.memref_slice %arg13[%dma_start3A_366] : memref<8192xf32, #tpu.memory_space<vmem>> -> memref<1024xf32, #tpu.memory_space<vmem>>
        %dma_start3A_368 = arith.constant 0 : i32
        %dma_start3A_369 = tpu.memref_slice %arg5[%add3A_262, %dma_start3A_365, %add3A, %dma_start3A_368] : memref<200x8x32x1024xf32, #tpu.memory_space<hbm>> -> memref<1x1x1x1024xf32, #tpu.memory_space<hbm>>
        %dma_start3A_370 = tpu.memref_squeeze %dma_start3A_369 : memref<1x1x1x1024xf32, #tpu.memory_space<hbm>> -> memref<1024xf32, #tpu.memory_space<hbm>>
        %dma_start3A_371 = arith.constant 0 : i32
        %dma_start3A_372 = tpu.memref_slice %arg5[%add3A_262, %dma_start3A_365, %add3A, %dma_start3A_371] : memref<200x8x32x1024xf32, #tpu.memory_space<hbm>> -> memref<1x1x1x1024xf32, #tpu.memory_space<hbm>>
        %dma_start3A_373 = tpu.memref_squeeze %dma_start3A_372 : memref<1x1x1x1024xf32, #tpu.memory_space<hbm>> -> memref<1024xf32, #tpu.memory_space<hbm>>
        %dma_start3A_374 = arith.constant 6144 : i32
        %dma_start3A_375 = tpu.memref_slice %arg13[%dma_start3A_374] : memref<8192xf32, #tpu.memory_space<vmem>> -> memref<1024xf32, #tpu.memory_space<vmem>>
        tpu.enqueue_dma source(%dma_start3A_375 : memref<1024xf32, #tpu.memory_space<vmem>>) target(%dma_start3A_373 : memref<1024xf32, #tpu.memory_space<hbm>>) target_semaphore(%arg19 : memref<!tpu.dma_semaphore, #tpu.memory_space<semaphore_mem>>)
        %dma_start3A_376 = arith.constant 7 : i32
        %dma_start3A_377 = arith.constant 7168 : i32
        %dma_start3A_378 = tpu.memref_slice %arg13[%dma_start3A_377] : memref<8192xf32, #tpu.memory_space<vmem>> -> memref<1024xf32, #tpu.memory_space<vmem>>
        %dma_start3A_379 = arith.constant 0 : i32
        %dma_start3A_380 = tpu.memref_slice %arg5[%add3A_262, %dma_start3A_376, %add3A, %dma_start3A_379] : memref<200x8x32x1024xf32, #tpu.memory_space<hbm>> -> memref<1x1x1x1024xf32, #tpu.memory_space<hbm>>
        %dma_start3A_381 = tpu.memref_squeeze %dma_start3A_380 : memref<1x1x1x1024xf32, #tpu.memory_space<hbm>> -> memref<1024xf32, #tpu.memory_space<hbm>>
        %dma_start3A_382 = arith.constant 0 : i32
        %dma_start3A_383 = tpu.memref_slice %arg5[%add3A_262, %dma_start3A_376, %add3A, %dma_start3A_382] : memref<200x8x32x1024xf32, #tpu.memory_space<hbm>> -> memref<1x1x1x1024xf32, #tpu.memory_space<hbm>>
        %dma_start3A_384 = tpu.memref_squeeze %dma_start3A_383 : memref<1x1x1x1024xf32, #tpu.memory_space<hbm>> -> memref<1024xf32, #tpu.memory_space<hbm>>
        %dma_start3A_385 = arith.constant 7168 : i32
        %dma_start3A_386 = tpu.memref_slice %arg13[%dma_start3A_385] : memref<8192xf32, #tpu.memory_space<vmem>> -> memref<1024xf32, #tpu.memory_space<vmem>>
        tpu.enqueue_dma source(%dma_start3A_386 : memref<1024xf32, #tpu.memory_space<vmem>>) target(%dma_start3A_384 : memref<1024xf32, #tpu.memory_space<hbm>>) target_semaphore(%arg19 : memref<!tpu.dma_semaphore, #tpu.memory_space<semaphore_mem>>)
      } else {
      }
    }
    %scan3A_42 = arith.constant 50 : i32
    %dma_wait3A = arith.constant 0 : i32
    %dma_wait3A_43 = arith.constant 0 : i32
    %dma_wait3A_44 = arith.constant 0 : i32
    %dma_wait3A_45 = tpu.memref_slice %arg12[%dma_wait3A_44] : memref<8192xf32, #tpu.memory_space<vmem>> -> memref<1024xf32, #tpu.memory_space<vmem>>
    %dma_wait3A_46 = arith.constant 0 : i32
    %dma_wait3A_47 = tpu.memref_slice %arg5[%dma_wait3A, %dma_wait3A_43, %add3A, %dma_wait3A_46] : memref<200x8x32x1024xf32, #tpu.memory_space<hbm>> -> memref<1x1x1x1024xf32, #tpu.memory_space<hbm>>
    %dma_wait3A_48 = tpu.memref_squeeze %dma_wait3A_47 : memref<1x1x1x1024xf32, #tpu.memory_space<hbm>> -> memref<1024xf32, #tpu.memory_space<hbm>>
    %dma_wait3A_49 = arith.constant 0 : i32
    %dma_wait3A_50 = tpu.memref_slice %arg5[%dma_wait3A, %dma_wait3A_43, %add3A, %dma_wait3A_49] : memref<200x8x32x1024xf32, #tpu.memory_space<hbm>> -> memref<1x1x1x1024xf32, #tpu.memory_space<hbm>>
    %dma_wait3A_51 = tpu.memref_squeeze %dma_wait3A_50 : memref<1x1x1x1024xf32, #tpu.memory_space<hbm>> -> memref<1024xf32, #tpu.memory_space<hbm>>
    %dma_wait3A_52 = arith.constant 0 : i32
    %dma_wait3A_53 = tpu.memref_slice %arg12[%dma_wait3A_52] : memref<8192xf32, #tpu.memory_space<vmem>> -> memref<1024xf32, #tpu.memory_space<vmem>>
    tpu.wait_dma2 semaphore(%arg18 : memref<!tpu.dma_semaphore, #tpu.memory_space<semaphore_mem>>) src(%dma_wait3A_53 : memref<1024xf32, #tpu.memory_space<vmem>>) dst(%dma_wait3A_51 : memref<1024xf32, #tpu.memory_space<hbm>>)
    %dma_wait3A_54 = arith.constant 0 : i32
    %dma_wait3A_55 = arith.constant 1 : i32
    %dma_wait3A_56 = arith.constant 1024 : i32
    %dma_wait3A_57 = tpu.memref_slice %arg12[%dma_wait3A_56] : memref<8192xf32, #tpu.memory_space<vmem>> -> memref<1024xf32, #tpu.memory_space<vmem>>
    %dma_wait3A_58 = arith.constant 0 : i32
    %dma_wait3A_59 = tpu.memref_slice %arg5[%dma_wait3A_54, %dma_wait3A_55, %add3A, %dma_wait3A_58] : memref<200x8x32x1024xf32, #tpu.memory_space<hbm>> -> memref<1x1x1x1024xf32, #tpu.memory_space<hbm>>
    %dma_wait3A_60 = tpu.memref_squeeze %dma_wait3A_59 : memref<1x1x1x1024xf32, #tpu.memory_space<hbm>> -> memref<1024xf32, #tpu.memory_space<hbm>>
    %dma_wait3A_61 = arith.constant 0 : i32
    %dma_wait3A_62 = tpu.memref_slice %arg5[%dma_wait3A_54, %dma_wait3A_55, %add3A, %dma_wait3A_61] : memref<200x8x32x1024xf32, #tpu.memory_space<hbm>> -> memref<1x1x1x1024xf32, #tpu.memory_space<hbm>>
    %dma_wait3A_63 = tpu.memref_squeeze %dma_wait3A_62 : memref<1x1x1x1024xf32, #tpu.memory_space<hbm>> -> memref<1024xf32, #tpu.memory_space<hbm>>
    %dma_wait3A_64 = arith.constant 1024 : i32
    %dma_wait3A_65 = tpu.memref_slice %arg12[%dma_wait3A_64] : memref<8192xf32, #tpu.memory_space<vmem>> -> memref<1024xf32, #tpu.memory_space<vmem>>
    tpu.wait_dma2 semaphore(%arg18 : memref<!tpu.dma_semaphore, #tpu.memory_space<semaphore_mem>>) src(%dma_wait3A_65 : memref<1024xf32, #tpu.memory_space<vmem>>) dst(%dma_wait3A_63 : memref<1024xf32, #tpu.memory_space<hbm>>)
    %dma_wait3A_66 = arith.constant 0 : i32
    %dma_wait3A_67 = arith.constant 2 : i32
    %dma_wait3A_68 = arith.constant 2048 : i32
    %dma_wait3A_69 = tpu.memref_slice %arg12[%dma_wait3A_68] : memref<8192xf32, #tpu.memory_space<vmem>> -> memref<1024xf32, #tpu.memory_space<vmem>>
    %dma_wait3A_70 = arith.constant 0 : i32
    %dma_wait3A_71 = tpu.memref_slice %arg5[%dma_wait3A_66, %dma_wait3A_67, %add3A, %dma_wait3A_70] : memref<200x8x32x1024xf32, #tpu.memory_space<hbm>> -> memref<1x1x1x1024xf32, #tpu.memory_space<hbm>>
    %dma_wait3A_72 = tpu.memref_squeeze %dma_wait3A_71 : memref<1x1x1x1024xf32, #tpu.memory_space<hbm>> -> memref<1024xf32, #tpu.memory_space<hbm>>
    %dma_wait3A_73 = arith.constant 0 : i32
    %dma_wait3A_74 = tpu.memref_slice %arg5[%dma_wait3A_66, %dma_wait3A_67, %add3A, %dma_wait3A_73] : memref<200x8x32x1024xf32, #tpu.memory_space<hbm>> -> memref<1x1x1x1024xf32, #tpu.memory_space<hbm>>
    %dma_wait3A_75 = tpu.memref_squeeze %dma_wait3A_74 : memref<1x1x1x1024xf32, #tpu.memory_space<hbm>> -> memref<1024xf32, #tpu.memory_space<hbm>>
    %dma_wait3A_76 = arith.constant 2048 : i32
    %dma_wait3A_77 = tpu.memref_slice %arg12[%dma_wait3A_76] : memref<8192xf32, #tpu.memory_space<vmem>> -> memref<1024xf32, #tpu.memory_space<vmem>>
    tpu.wait_dma2 semaphore(%arg18 : memref<!tpu.dma_semaphore, #tpu.memory_space<semaphore_mem>>) src(%dma_wait3A_77 : memref<1024xf32, #tpu.memory_space<vmem>>) dst(%dma_wait3A_75 : memref<1024xf32, #tpu.memory_space<hbm>>)
    %dma_wait3A_78 = arith.constant 0 : i32
    %dma_wait3A_79 = arith.constant 3 : i32
    %dma_wait3A_80 = arith.constant 3072 : i32
    %dma_wait3A_81 = tpu.memref_slice %arg12[%dma_wait3A_80] : memref<8192xf32, #tpu.memory_space<vmem>> -> memref<1024xf32, #tpu.memory_space<vmem>>
    %dma_wait3A_82 = arith.constant 0 : i32
    %dma_wait3A_83 = tpu.memref_slice %arg5[%dma_wait3A_78, %dma_wait3A_79, %add3A, %dma_wait3A_82] : memref<200x8x32x1024xf32, #tpu.memory_space<hbm>> -> memref<1x1x1x1024xf32, #tpu.memory_space<hbm>>
    %dma_wait3A_84 = tpu.memref_squeeze %dma_wait3A_83 : memref<1x1x1x1024xf32, #tpu.memory_space<hbm>> -> memref<1024xf32, #tpu.memory_space<hbm>>
    %dma_wait3A_85 = arith.constant 0 : i32
    %dma_wait3A_86 = tpu.memref_slice %arg5[%dma_wait3A_78, %dma_wait3A_79, %add3A, %dma_wait3A_85] : memref<200x8x32x1024xf32, #tpu.memory_space<hbm>> -> memref<1x1x1x1024xf32, #tpu.memory_space<hbm>>
    %dma_wait3A_87 = tpu.memref_squeeze %dma_wait3A_86 : memref<1x1x1x1024xf32, #tpu.memory_space<hbm>> -> memref<1024xf32, #tpu.memory_space<hbm>>
    %dma_wait3A_88 = arith.constant 3072 : i32
    %dma_wait3A_89 = tpu.memref_slice %arg12[%dma_wait3A_88] : memref<8192xf32, #tpu.memory_space<vmem>> -> memref<1024xf32, #tpu.memory_space<vmem>>
    tpu.wait_dma2 semaphore(%arg18 : memref<!tpu.dma_semaphore, #tpu.memory_space<semaphore_mem>>) src(%dma_wait3A_89 : memref<1024xf32, #tpu.memory_space<vmem>>) dst(%dma_wait3A_87 : memref<1024xf32, #tpu.memory_space<hbm>>)
    %dma_wait3A_90 = arith.constant 0 : i32
    %dma_wait3A_91 = arith.constant 4 : i32
    %dma_wait3A_92 = arith.constant 4096 : i32
    %dma_wait3A_93 = tpu.memref_slice %arg12[%dma_wait3A_92] : memref<8192xf32, #tpu.memory_space<vmem>> -> memref<1024xf32, #tpu.memory_space<vmem>>
    %dma_wait3A_94 = arith.constant 0 : i32
    %dma_wait3A_95 = tpu.memref_slice %arg5[%dma_wait3A_90, %dma_wait3A_91, %add3A, %dma_wait3A_94] : memref<200x8x32x1024xf32, #tpu.memory_space<hbm>> -> memref<1x1x1x1024xf32, #tpu.memory_space<hbm>>
    %dma_wait3A_96 = tpu.memref_squeeze %dma_wait3A_95 : memref<1x1x1x1024xf32, #tpu.memory_space<hbm>> -> memref<1024xf32, #tpu.memory_space<hbm>>
    %dma_wait3A_97 = arith.constant 0 : i32
    %dma_wait3A_98 = tpu.memref_slice %arg5[%dma_wait3A_90, %dma_wait3A_91, %add3A, %dma_wait3A_97] : memref<200x8x32x1024xf32, #tpu.memory_space<hbm>> -> memref<1x1x1x1024xf32, #tpu.memory_space<hbm>>
    %dma_wait3A_99 = tpu.memref_squeeze %dma_wait3A_98 : memref<1x1x1x1024xf32, #tpu.memory_space<hbm>> -> memref<1024xf32, #tpu.memory_space<hbm>>
    %dma_wait3A_100 = arith.constant 4096 : i32
    %dma_wait3A_101 = tpu.memref_slice %arg12[%dma_wait3A_100] : memref<8192xf32, #tpu.memory_space<vmem>> -> memref<1024xf32, #tpu.memory_space<vmem>>
    tpu.wait_dma2 semaphore(%arg18 : memref<!tpu.dma_semaphore, #tpu.memory_space<semaphore_mem>>) src(%dma_wait3A_101 : memref<1024xf32, #tpu.memory_space<vmem>>) dst(%dma_wait3A_99 : memref<1024xf32, #tpu.memory_space<hbm>>)
    %dma_wait3A_102 = arith.constant 0 : i32
    %dma_wait3A_103 = arith.constant 5 : i32
    %dma_wait3A_104 = arith.constant 5120 : i32
    %dma_wait3A_105 = tpu.memref_slice %arg12[%dma_wait3A_104] : memref<8192xf32, #tpu.memory_space<vmem>> -> memref<1024xf32, #tpu.memory_space<vmem>>
    %dma_wait3A_106 = arith.constant 0 : i32
    %dma_wait3A_107 = tpu.memref_slice %arg5[%dma_wait3A_102, %dma_wait3A_103, %add3A, %dma_wait3A_106] : memref<200x8x32x1024xf32, #tpu.memory_space<hbm>> -> memref<1x1x1x1024xf32, #tpu.memory_space<hbm>>
    %dma_wait3A_108 = tpu.memref_squeeze %dma_wait3A_107 : memref<1x1x1x1024xf32, #tpu.memory_space<hbm>> -> memref<1024xf32, #tpu.memory_space<hbm>>
    %dma_wait3A_109 = arith.constant 0 : i32
    %dma_wait3A_110 = tpu.memref_slice %arg5[%dma_wait3A_102, %dma_wait3A_103, %add3A, %dma_wait3A_109] : memref<200x8x32x1024xf32, #tpu.memory_space<hbm>> -> memref<1x1x1x1024xf32, #tpu.memory_space<hbm>>
    %dma_wait3A_111 = tpu.memref_squeeze %dma_wait3A_110 : memref<1x1x1x1024xf32, #tpu.memory_space<hbm>> -> memref<1024xf32, #tpu.memory_space<hbm>>
    %dma_wait3A_112 = arith.constant 5120 : i32
    %dma_wait3A_113 = tpu.memref_slice %arg12[%dma_wait3A_112] : memref<8192xf32, #tpu.memory_space<vmem>> -> memref<1024xf32, #tpu.memory_space<vmem>>
    tpu.wait_dma2 semaphore(%arg18 : memref<!tpu.dma_semaphore, #tpu.memory_space<semaphore_mem>>) src(%dma_wait3A_113 : memref<1024xf32, #tpu.memory_space<vmem>>) dst(%dma_wait3A_111 : memref<1024xf32, #tpu.memory_space<hbm>>)
    %dma_wait3A_114 = arith.constant 0 : i32
    %dma_wait3A_115 = arith.constant 6 : i32
    %dma_wait3A_116 = arith.constant 6144 : i32
    %dma_wait3A_117 = tpu.memref_slice %arg12[%dma_wait3A_116] : memref<8192xf32, #tpu.memory_space<vmem>> -> memref<1024xf32, #tpu.memory_space<vmem>>
    %dma_wait3A_118 = arith.constant 0 : i32
    %dma_wait3A_119 = tpu.memref_slice %arg5[%dma_wait3A_114, %dma_wait3A_115, %add3A, %dma_wait3A_118] : memref<200x8x32x1024xf32, #tpu.memory_space<hbm>> -> memref<1x1x1x1024xf32, #tpu.memory_space<hbm>>
    %dma_wait3A_120 = tpu.memref_squeeze %dma_wait3A_119 : memref<1x1x1x1024xf32, #tpu.memory_space<hbm>> -> memref<1024xf32, #tpu.memory_space<hbm>>
    %dma_wait3A_121 = arith.constant 0 : i32
    %dma_wait3A_122 = tpu.memref_slice %arg5[%dma_wait3A_114, %dma_wait3A_115, %add3A, %dma_wait3A_121] : memref<200x8x32x1024xf32, #tpu.memory_space<hbm>> -> memref<1x1x1x1024xf32, #tpu.memory_space<hbm>>
    %dma_wait3A_123 = tpu.memref_squeeze %dma_wait3A_122 : memref<1x1x1x1024xf32, #tpu.memory_space<hbm>> -> memref<1024xf32, #tpu.memory_space<hbm>>
    %dma_wait3A_124 = arith.constant 6144 : i32
    %dma_wait3A_125 = tpu.memref_slice %arg12[%dma_wait3A_124] : memref<8192xf32, #tpu.memory_space<vmem>> -> memref<1024xf32, #tpu.memory_space<vmem>>
    tpu.wait_dma2 semaphore(%arg18 : memref<!tpu.dma_semaphore, #tpu.memory_space<semaphore_mem>>) src(%dma_wait3A_125 : memref<1024xf32, #tpu.memory_space<vmem>>) dst(%dma_wait3A_123 : memref<1024xf32, #tpu.memory_space<hbm>>)
    %dma_wait3A_126 = arith.constant 0 : i32
    %dma_wait3A_127 = arith.constant 7 : i32
    %dma_wait3A_128 = arith.constant 7168 : i32
    %dma_wait3A_129 = tpu.memref_slice %arg12[%dma_wait3A_128] : memref<8192xf32, #tpu.memory_space<vmem>> -> memref<1024xf32, #tpu.memory_space<vmem>>
    %dma_wait3A_130 = arith.constant 0 : i32
    %dma_wait3A_131 = tpu.memref_slice %arg5[%dma_wait3A_126, %dma_wait3A_127, %add3A, %dma_wait3A_130] : memref<200x8x32x1024xf32, #tpu.memory_space<hbm>> -> memref<1x1x1x1024xf32, #tpu.memory_space<hbm>>
    %dma_wait3A_132 = tpu.memref_squeeze %dma_wait3A_131 : memref<1x1x1x1024xf32, #tpu.memory_space<hbm>> -> memref<1024xf32, #tpu.memory_space<hbm>>
    %dma_wait3A_133 = arith.constant 0 : i32
    %dma_wait3A_134 = tpu.memref_slice %arg5[%dma_wait3A_126, %dma_wait3A_127, %add3A, %dma_wait3A_133] : memref<200x8x32x1024xf32, #tpu.memory_space<hbm>> -> memref<1x1x1x1024xf32, #tpu.memory_space<hbm>>
    %dma_wait3A_135 = tpu.memref_squeeze %dma_wait3A_134 : memref<1x1x1x1024xf32, #tpu.memory_space<hbm>> -> memref<1024xf32, #tpu.memory_space<hbm>>
    %dma_wait3A_136 = arith.constant 7168 : i32
    %dma_wait3A_137 = tpu.memref_slice %arg12[%dma_wait3A_136] : memref<8192xf32, #tpu.memory_space<vmem>> -> memref<1024xf32, #tpu.memory_space<vmem>>
    tpu.wait_dma2 semaphore(%arg18 : memref<!tpu.dma_semaphore, #tpu.memory_space<semaphore_mem>>) src(%dma_wait3A_137 : memref<1024xf32, #tpu.memory_space<vmem>>) dst(%dma_wait3A_135 : memref<1024xf32, #tpu.memory_space<hbm>>)
    %dma_wait3A_138 = arith.constant 0 : i32
    %dma_wait3A_139 = arith.constant 0 : i32
    %dma_wait3A_140 = arith.constant 0 : i32
    %dma_wait3A_141 = tpu.memref_slice %arg13[%dma_wait3A_140] : memref<8192xf32, #tpu.memory_space<vmem>> -> memref<1024xf32, #tpu.memory_space<vmem>>
    %dma_wait3A_142 = arith.constant 0 : i32
    %dma_wait3A_143 = tpu.memref_slice %arg5[%dma_wait3A_138, %dma_wait3A_139, %add3A, %dma_wait3A_142] : memref<200x8x32x1024xf32, #tpu.memory_space<hbm>> -> memref<1x1x1x1024xf32, #tpu.memory_space<hbm>>
    %dma_wait3A_144 = tpu.memref_squeeze %dma_wait3A_143 : memref<1x1x1x1024xf32, #tpu.memory_space<hbm>> -> memref<1024xf32, #tpu.memory_space<hbm>>
    %dma_wait3A_145 = arith.constant 0 : i32
    %dma_wait3A_146 = tpu.memref_slice %arg5[%dma_wait3A_138, %dma_wait3A_139, %add3A, %dma_wait3A_145] : memref<200x8x32x1024xf32, #tpu.memory_space<hbm>> -> memref<1x1x1x1024xf32, #tpu.memory_space<hbm>>
    %dma_wait3A_147 = tpu.memref_squeeze %dma_wait3A_146 : memref<1x1x1x1024xf32, #tpu.memory_space<hbm>> -> memref<1024xf32, #tpu.memory_space<hbm>>
    %dma_wait3A_148 = arith.constant 0 : i32
    %dma_wait3A_149 = tpu.memref_slice %arg13[%dma_wait3A_148] : memref<8192xf32, #tpu.memory_space<vmem>> -> memref<1024xf32, #tpu.memory_space<vmem>>
    tpu.wait_dma2 semaphore(%arg19 : memref<!tpu.dma_semaphore, #tpu.memory_space<semaphore_mem>>) src(%dma_wait3A_149 : memref<1024xf32, #tpu.memory_space<vmem>>) dst(%dma_wait3A_147 : memref<1024xf32, #tpu.memory_space<hbm>>)
    %dma_wait3A_150 = arith.constant 0 : i32
    %dma_wait3A_151 = arith.constant 1 : i32
    %dma_wait3A_152 = arith.constant 1024 : i32
    %dma_wait3A_153 = tpu.memref_slice %arg13[%dma_wait3A_152] : memref<8192xf32, #tpu.memory_space<vmem>> -> memref<1024xf32, #tpu.memory_space<vmem>>
    %dma_wait3A_154 = arith.constant 0 : i32
    %dma_wait3A_155 = tpu.memref_slice %arg5[%dma_wait3A_150, %dma_wait3A_151, %add3A, %dma_wait3A_154] : memref<200x8x32x1024xf32, #tpu.memory_space<hbm>> -> memref<1x1x1x1024xf32, #tpu.memory_space<hbm>>
    %dma_wait3A_156 = tpu.memref_squeeze %dma_wait3A_155 : memref<1x1x1x1024xf32, #tpu.memory_space<hbm>> -> memref<1024xf32, #tpu.memory_space<hbm>>
    %dma_wait3A_157 = arith.constant 0 : i32
    %dma_wait3A_158 = tpu.memref_slice %arg5[%dma_wait3A_150, %dma_wait3A_151, %add3A, %dma_wait3A_157] : memref<200x8x32x1024xf32, #tpu.memory_space<hbm>> -> memref<1x1x1x1024xf32, #tpu.memory_space<hbm>>
    %dma_wait3A_159 = tpu.memref_squeeze %dma_wait3A_158 : memref<1x1x1x1024xf32, #tpu.memory_space<hbm>> -> memref<1024xf32, #tpu.memory_space<hbm>>
    %dma_wait3A_160 = arith.constant 1024 : i32
    %dma_wait3A_161 = tpu.memref_slice %arg13[%dma_wait3A_160] : memref<8192xf32, #tpu.memory_space<vmem>> -> memref<1024xf32, #tpu.memory_space<vmem>>
    tpu.wait_dma2 semaphore(%arg19 : memref<!tpu.dma_semaphore, #tpu.memory_space<semaphore_mem>>) src(%dma_wait3A_161 : memref<1024xf32, #tpu.memory_space<vmem>>) dst(%dma_wait3A_159 : memref<1024xf32, #tpu.memory_space<hbm>>)
    %dma_wait3A_162 = arith.constant 0 : i32
    %dma_wait3A_163 = arith.constant 2 : i32
    %dma_wait3A_164 = arith.constant 2048 : i32
    %dma_wait3A_165 = tpu.memref_slice %arg13[%dma_wait3A_164] : memref<8192xf32, #tpu.memory_space<vmem>> -> memref<1024xf32, #tpu.memory_space<vmem>>
    %dma_wait3A_166 = arith.constant 0 : i32
    %dma_wait3A_167 = tpu.memref_slice %arg5[%dma_wait3A_162, %dma_wait3A_163, %add3A, %dma_wait3A_166] : memref<200x8x32x1024xf32, #tpu.memory_space<hbm>> -> memref<1x1x1x1024xf32, #tpu.memory_space<hbm>>
    %dma_wait3A_168 = tpu.memref_squeeze %dma_wait3A_167 : memref<1x1x1x1024xf32, #tpu.memory_space<hbm>> -> memref<1024xf32, #tpu.memory_space<hbm>>
    %dma_wait3A_169 = arith.constant 0 : i32
    %dma_wait3A_170 = tpu.memref_slice %arg5[%dma_wait3A_162, %dma_wait3A_163, %add3A, %dma_wait3A_169] : memref<200x8x32x1024xf32, #tpu.memory_space<hbm>> -> memref<1x1x1x1024xf32, #tpu.memory_space<hbm>>
    %dma_wait3A_171 = tpu.memref_squeeze %dma_wait3A_170 : memref<1x1x1x1024xf32, #tpu.memory_space<hbm>> -> memref<1024xf32, #tpu.memory_space<hbm>>
    %dma_wait3A_172 = arith.constant 2048 : i32
    %dma_wait3A_173 = tpu.memref_slice %arg13[%dma_wait3A_172] : memref<8192xf32, #tpu.memory_space<vmem>> -> memref<1024xf32, #tpu.memory_space<vmem>>
    tpu.wait_dma2 semaphore(%arg19 : memref<!tpu.dma_semaphore, #tpu.memory_space<semaphore_mem>>) src(%dma_wait3A_173 : memref<1024xf32, #tpu.memory_space<vmem>>) dst(%dma_wait3A_171 : memref<1024xf32, #tpu.memory_space<hbm>>)
    %dma_wait3A_174 = arith.constant 0 : i32
    %dma_wait3A_175 = arith.constant 3 : i32
    %dma_wait3A_176 = arith.constant 3072 : i32
    %dma_wait3A_177 = tpu.memref_slice %arg13[%dma_wait3A_176] : memref<8192xf32, #tpu.memory_space<vmem>> -> memref<1024xf32, #tpu.memory_space<vmem>>
    %dma_wait3A_178 = arith.constant 0 : i32
    %dma_wait3A_179 = tpu.memref_slice %arg5[%dma_wait3A_174, %dma_wait3A_175, %add3A, %dma_wait3A_178] : memref<200x8x32x1024xf32, #tpu.memory_space<hbm>> -> memref<1x1x1x1024xf32, #tpu.memory_space<hbm>>
    %dma_wait3A_180 = tpu.memref_squeeze %dma_wait3A_179 : memref<1x1x1x1024xf32, #tpu.memory_space<hbm>> -> memref<1024xf32, #tpu.memory_space<hbm>>
    %dma_wait3A_181 = arith.constant 0 : i32
    %dma_wait3A_182 = tpu.memref_slice %arg5[%dma_wait3A_174, %dma_wait3A_175, %add3A, %dma_wait3A_181] : memref<200x8x32x1024xf32, #tpu.memory_space<hbm>> -> memref<1x1x1x1024xf32, #tpu.memory_space<hbm>>
    %dma_wait3A_183 = tpu.memref_squeeze %dma_wait3A_182 : memref<1x1x1x1024xf32, #tpu.memory_space<hbm>> -> memref<1024xf32, #tpu.memory_space<hbm>>
    %dma_wait3A_184 = arith.constant 3072 : i32
    %dma_wait3A_185 = tpu.memref_slice %arg13[%dma_wait3A_184] : memref<8192xf32, #tpu.memory_space<vmem>> -> memref<1024xf32, #tpu.memory_space<vmem>>
    tpu.wait_dma2 semaphore(%arg19 : memref<!tpu.dma_semaphore, #tpu.memory_space<semaphore_mem>>) src(%dma_wait3A_185 : memref<1024xf32, #tpu.memory_space<vmem>>) dst(%dma_wait3A_183 : memref<1024xf32, #tpu.memory_space<hbm>>)
    %dma_wait3A_186 = arith.constant 0 : i32
    %dma_wait3A_187 = arith.constant 4 : i32
    %dma_wait3A_188 = arith.constant 4096 : i32
    %dma_wait3A_189 = tpu.memref_slice %arg13[%dma_wait3A_188] : memref<8192xf32, #tpu.memory_space<vmem>> -> memref<1024xf32, #tpu.memory_space<vmem>>
    %dma_wait3A_190 = arith.constant 0 : i32
    %dma_wait3A_191 = tpu.memref_slice %arg5[%dma_wait3A_186, %dma_wait3A_187, %add3A, %dma_wait3A_190] : memref<200x8x32x1024xf32, #tpu.memory_space<hbm>> -> memref<1x1x1x1024xf32, #tpu.memory_space<hbm>>
    %dma_wait3A_192 = tpu.memref_squeeze %dma_wait3A_191 : memref<1x1x1x1024xf32, #tpu.memory_space<hbm>> -> memref<1024xf32, #tpu.memory_space<hbm>>
    %dma_wait3A_193 = arith.constant 0 : i32
    %dma_wait3A_194 = tpu.memref_slice %arg5[%dma_wait3A_186, %dma_wait3A_187, %add3A, %dma_wait3A_193] : memref<200x8x32x1024xf32, #tpu.memory_space<hbm>> -> memref<1x1x1x1024xf32, #tpu.memory_space<hbm>>
    %dma_wait3A_195 = tpu.memref_squeeze %dma_wait3A_194 : memref<1x1x1x1024xf32, #tpu.memory_space<hbm>> -> memref<1024xf32, #tpu.memory_space<hbm>>
    %dma_wait3A_196 = arith.constant 4096 : i32
    %dma_wait3A_197 = tpu.memref_slice %arg13[%dma_wait3A_196] : memref<8192xf32, #tpu.memory_space<vmem>> -> memref<1024xf32, #tpu.memory_space<vmem>>
    tpu.wait_dma2 semaphore(%arg19 : memref<!tpu.dma_semaphore, #tpu.memory_space<semaphore_mem>>) src(%dma_wait3A_197 : memref<1024xf32, #tpu.memory_space<vmem>>) dst(%dma_wait3A_195 : memref<1024xf32, #tpu.memory_space<hbm>>)
    %dma_wait3A_198 = arith.constant 0 : i32
    %dma_wait3A_199 = arith.constant 5 : i32
    %dma_wait3A_200 = arith.constant 5120 : i32
    %dma_wait3A_201 = tpu.memref_slice %arg13[%dma_wait3A_200] : memref<8192xf32, #tpu.memory_space<vmem>> -> memref<1024xf32, #tpu.memory_space<vmem>>
    %dma_wait3A_202 = arith.constant 0 : i32
    %dma_wait3A_203 = tpu.memref_slice %arg5[%dma_wait3A_198, %dma_wait3A_199, %add3A, %dma_wait3A_202] : memref<200x8x32x1024xf32, #tpu.memory_space<hbm>> -> memref<1x1x1x1024xf32, #tpu.memory_space<hbm>>
    %dma_wait3A_204 = tpu.memref_squeeze %dma_wait3A_203 : memref<1x1x1x1024xf32, #tpu.memory_space<hbm>> -> memref<1024xf32, #tpu.memory_space<hbm>>
    %dma_wait3A_205 = arith.constant 0 : i32
    %dma_wait3A_206 = tpu.memref_slice %arg5[%dma_wait3A_198, %dma_wait3A_199, %add3A, %dma_wait3A_205] : memref<200x8x32x1024xf32, #tpu.memory_space<hbm>> -> memref<1x1x1x1024xf32, #tpu.memory_space<hbm>>
    %dma_wait3A_207 = tpu.memref_squeeze %dma_wait3A_206 : memref<1x1x1x1024xf32, #tpu.memory_space<hbm>> -> memref<1024xf32, #tpu.memory_space<hbm>>
    %dma_wait3A_208 = arith.constant 5120 : i32
    %dma_wait3A_209 = tpu.memref_slice %arg13[%dma_wait3A_208] : memref<8192xf32, #tpu.memory_space<vmem>> -> memref<1024xf32, #tpu.memory_space<vmem>>
    tpu.wait_dma2 semaphore(%arg19 : memref<!tpu.dma_semaphore, #tpu.memory_space<semaphore_mem>>) src(%dma_wait3A_209 : memref<1024xf32, #tpu.memory_space<vmem>>) dst(%dma_wait3A_207 : memref<1024xf32, #tpu.memory_space<hbm>>)
    %dma_wait3A_210 = arith.constant 0 : i32
    %dma_wait3A_211 = arith.constant 6 : i32
    %dma_wait3A_212 = arith.constant 6144 : i32
    %dma_wait3A_213 = tpu.memref_slice %arg13[%dma_wait3A_212] : memref<8192xf32, #tpu.memory_space<vmem>> -> memref<1024xf32, #tpu.memory_space<vmem>>
    %dma_wait3A_214 = arith.constant 0 : i32
    %dma_wait3A_215 = tpu.memref_slice %arg5[%dma_wait3A_210, %dma_wait3A_211, %add3A, %dma_wait3A_214] : memref<200x8x32x1024xf32, #tpu.memory_space<hbm>> -> memref<1x1x1x1024xf32, #tpu.memory_space<hbm>>
    %dma_wait3A_216 = tpu.memref_squeeze %dma_wait3A_215 : memref<1x1x1x1024xf32, #tpu.memory_space<hbm>> -> memref<1024xf32, #tpu.memory_space<hbm>>
    %dma_wait3A_217 = arith.constant 0 : i32
    %dma_wait3A_218 = tpu.memref_slice %arg5[%dma_wait3A_210, %dma_wait3A_211, %add3A, %dma_wait3A_217] : memref<200x8x32x1024xf32, #tpu.memory_space<hbm>> -> memref<1x1x1x1024xf32, #tpu.memory_space<hbm>>
    %dma_wait3A_219 = tpu.memref_squeeze %dma_wait3A_218 : memref<1x1x1x1024xf32, #tpu.memory_space<hbm>> -> memref<1024xf32, #tpu.memory_space<hbm>>
    %dma_wait3A_220 = arith.constant 6144 : i32
    %dma_wait3A_221 = tpu.memref_slice %arg13[%dma_wait3A_220] : memref<8192xf32, #tpu.memory_space<vmem>> -> memref<1024xf32, #tpu.memory_space<vmem>>
    tpu.wait_dma2 semaphore(%arg19 : memref<!tpu.dma_semaphore, #tpu.memory_space<semaphore_mem>>) src(%dma_wait3A_221 : memref<1024xf32, #tpu.memory_space<vmem>>) dst(%dma_wait3A_219 : memref<1024xf32, #tpu.memory_space<hbm>>)
    %dma_wait3A_222 = arith.constant 0 : i32
    %dma_wait3A_223 = arith.constant 7 : i32
    %dma_wait3A_224 = arith.constant 7168 : i32
    %dma_wait3A_225 = tpu.memref_slice %arg13[%dma_wait3A_224] : memref<8192xf32, #tpu.memory_space<vmem>> -> memref<1024xf32, #tpu.memory_space<vmem>>
    %dma_wait3A_226 = arith.constant 0 : i32
    %dma_wait3A_227 = tpu.memref_slice %arg5[%dma_wait3A_222, %dma_wait3A_223, %add3A, %dma_wait3A_226] : memref<200x8x32x1024xf32, #tpu.memory_space<hbm>> -> memref<1x1x1x1024xf32, #tpu.memory_space<hbm>>
    %dma_wait3A_228 = tpu.memref_squeeze %dma_wait3A_227 : memref<1x1x1x1024xf32, #tpu.memory_space<hbm>> -> memref<1024xf32, #tpu.memory_space<hbm>>
    %dma_wait3A_229 = arith.constant 0 : i32
    %dma_wait3A_230 = tpu.memref_slice %arg5[%dma_wait3A_222, %dma_wait3A_223, %add3A, %dma_wait3A_229] : memref<200x8x32x1024xf32, #tpu.memory_space<hbm>> -> memref<1x1x1x1024xf32, #tpu.memory_space<hbm>>
    %dma_wait3A_231 = tpu.memref_squeeze %dma_wait3A_230 : memref<1x1x1x1024xf32, #tpu.memory_space<hbm>> -> memref<1024xf32, #tpu.memory_space<hbm>>
    %dma_wait3A_232 = arith.constant 7168 : i32
    %dma_wait3A_233 = tpu.memref_slice %arg13[%dma_wait3A_232] : memref<8192xf32, #tpu.memory_space<vmem>> -> memref<1024xf32, #tpu.memory_space<vmem>>
    tpu.wait_dma2 semaphore(%arg19 : memref<!tpu.dma_semaphore, #tpu.memory_space<semaphore_mem>>) src(%dma_wait3A_233 : memref<1024xf32, #tpu.memory_space<vmem>>) dst(%dma_wait3A_231 : memref<1024xf32, #tpu.memory_space<hbm>>)
    return
  }
}

</mosaic_0001>

<sc_bundles>
// kernel: _emb.4.cloned.1.call-start
scs
__scs_entry_jumppad:
0x0: {  	(pc) =	sbr.rel $0x88, $3  }
0x1: {  	(tag) =	ssettag $0x0;
	lr =	simm.s32 $0x1  }
0x2: {  	[smem:$0x3F9D] =	sst lr;
	_ =	strace $0xD0000000  }
0x3: {  	_ = 	snop  }
0x4: {  	_ = 	snop  }
0x5: {  	_ = 	snop  }
0x6: {  	_ = 	snop  }
0x7: {  	_ = 	snop  }
__scs_overlays_trampoline_lowered:
0x8: {  	[smem:$0x3FAC] =	sst s0  }
0x9: {  	[smem:$0x3FAD] =	sst s1  }
0xa: {  	[smem:$0x3FAE] =	sst s2  }
0xb: {  	[smem:$0x3FAF] =	sst s3  }
0xc: {  	[smem:$0x3FB0] =	sst s4  }
0xd: {  	[smem:$0x3FB1] =	sst s5  }
0xe: {  	[smem:$0x3FB2] =	sst s6  }
0xf: {  	[smem:$0x3FB3] =	sst s7  }
0x10: {  	[smem:$0x3FB4] =	sst s8  }
0x11: {  	[smem:$0x3FB5] =	sst s9;
	s0 =	simm.s32 @!p0 $0x0  }
0x12: {  	s1 =	sld [smem:$0x3F9B];
	s0 =	simm.s32 @p0 $0x1  }
0x13: {  	[smem:$0x3FB6] =	sst s0;
	s0 =	simm.s32 @!p1 $0x0  }
0x14: {  	s2 =	sld [smem:$0x3F9A];
	s0 =	simm.s32 @p1 $0x1  }
0x15: {  	[smem:$0x3FB7] =	sst s0;
	s0 =	simm.s32 @!p2 $0x0  }
0x16: {  	s3 =	sld [smem:$0x3FDB];
	s0 =	simm.s32 @p2 $0x1  }
0x17: {  	s4 =	simm.s32 $0x1BF5;
	[smem:$0x3FB9] =	sst s0  }
0x18: {  	s0 =	sld [smem:$0x3F9C];
	_ =	swait.ge [sflag:s4], $0x0  }
0x19: {  	s7 =	sld [smem:$0x3F9D]  }
0x1a: {  	s8 =	sadd.s32 $0xFFFFE003, lr  }
0x1b: {  	s9 =	sadd.s32 $0xFFFFFEF7, lr;
	s5 =	simm.s32 $0xFFFFFFFF;
	p2 =	slt.u32 s8, $0xFFFFF086  }
0x1c: {  	p1 =	slt.u32 s9, $0xF7A;
	s5 =	simm.s32 @!p2 $0x0  }
0x1d: {  	s5 =	simm.s32 @p1 $0x1;
	p0 =	seq.s32 s7, s2  }
0x1e: {  	s7 =	smul.u32 @!p0 $0xF7A, s2;
	p2 =	seq.s32 @!p0 s5, $0x0  }
0x1f: {  	s9 =	smul.u32 $0xF7A, s1;
	s8 =	simm.s32 @!p0 $0x1BF5;
	p2 =	por !p2, p0  }
0x20: {  	[sflag:s8] =	ssyncset.s32 @!p0 $0xFFFFF086;
	s6 =	sadd.s32 @!p0 s3, s7;
	s7 =	simm.s32 @!p0 $0x108  }
0x21: {  	s3 =	sadd.s32 s3, s9;
	s6 =	sadd.s32 @!p0 $0x88, s6;
	s7 =	simm.s32 @p2 $0x1082  }
0x22: {  	[simem:s7], [sflag:s8] =	dma.local @!p0 [hbm:s6], $0xF7A  }
0x23: {  	s9 =	sor.u32 $0xD0000000, s2;
	s6 =	simm.s32 $0x108;
	_ =	swait.ge @!p0 [sflag:s8], $0x0  }
0x24: {  	s3 =	sadd.s32 $0x88, s3;
	s6 =	simm.s32 @!p1 $0x1082;
	[sflag:s4] =	ssyncset.s32 $0xFFFFF086  }
0x25: {  	[simem:s6], [sflag:s4] =	dma.local [hbm:s3], $0xF7A  }
0x26: {  	[smem:$0x3F9D] =	sst s1;
	(tag) =	ssettag s2;
	_ =	strace s9  }
0x27: {  	s1 =	sld [smem:$0x3FAD]  }
0x28: {  	s2 =	sld [smem:$0x3FAE]  }
0x29: {  	s4 =	sld [smem:$0x3FB0]  }
0x2a: {  	p0 =	seq.s32 s5, $0x0;
	s5 =	sld [smem:$0x3FB1]  }
0x2b: {  	s6 =	sld [smem:$0x3FB2]  }
0x2c: {  	s7 =	sld [smem:$0x3FB3]  }
0x2d: {  	s3 =	simm.s32 $0x108;
	s8 =	sld [smem:$0x3FB4]  }
0x2e: {  	s3 =	simm.s32 @!p0 $0x1082;
	s9 =	sld [smem:$0x3FB5]  }
0x2f: {  	lr =	sadd.s32 s0, s3;
	s0 =	sld [smem:$0x3FAC]  }
0x30: {  	s3 =	sld [smem:$0x3FAF]  }
0x31: {  	[smem:$0x3FB8] =	sst s10  }
0x32: {  	s10 =	sld [smem:$0x3FB6];
	_ =	sdelay $0x3  }
0x33: {  	p0 =	seq.s32 s10, $0x1;
	s10 =	sld [smem:$0x3FB8];
	_ =	sdelay $0x3  }
0x34: {  	[smem:$0x3FB8] =	sst s10  }
0x35: {  	s10 =	sld [smem:$0x3FB7];
	_ =	sdelay $0x3  }
0x36: {  	p1 =	seq.s32 s10, $0x1;
	s10 =	sld [smem:$0x3FB8];
	_ =	sdelay $0x3  }
0x37: {  	[smem:$0x3FB8] =	sst s10  }
0x38: {  	s10 =	sld [smem:$0x3FB9]  }
0x39: {  	_ = 	snop;
	(pc) =	sbr.ind lr, $3  }
0x3a: {  	_ = 	snop  }
0x3b: {  	_ = 	snop  }
0x3c: {  	p2 =	seq.s32 s10, $0x1;
	s10 =	sld [smem:$0x3FB8]  }
0x3d: {  	_ =	shalt  }
0x3e: {  	_ =	shalt  }
0x3f: {  	_ =	shalt  }
0x40: {  	_ =	shalt  }
0x41: {  	_ =	shalt  }
0x42: {  	_ =	shalt  }
0x43: {  	_ =	shalt  }
0x44: {  	_ =	shalt  }
0x45: {  	_ =	shalt  }
0x46: {  	_ =	shalt  }
0x47: {  	_ =	shalt  }
0x48: {  	_ =	shalt  }
0x49: {  	_ =	shalt  }
0x4a: {  	_ =	shalt  }
0x4b: {  	_ =	shalt  }
0x4c: {  	_ =	shalt  }
0x4d: {  	_ =	shalt  }
0x4e: {  	_ =	shalt  }
0x4f: {  	_ =	shalt  }
0x50: {  	_ =	shalt  }
0x51: {  	_ =	shalt  }
0x52: {  	_ =	shalt  }
0x53: {  	_ =	shalt  }
0x54: {  	_ =	shalt  }
0x55: {  	_ =	shalt  }
0x56: {  	_ =	shalt  }
0x57: {  	_ =	shalt  }
0x58: {  	_ =	shalt  }
0x59: {  	_ =	shalt  }
0x5a: {  	_ =	shalt  }
0x5b: {  	_ =	shalt  }
0x5c: {  	_ =	shalt  }
0x5d: {  	_ =	shalt  }
0x5e: {  	_ =	shalt  }
0x5f: {  	_ =	shalt  }
0x60: {  	_ =	shalt  }
0x61: {  	_ =	shalt  }
0x62: {  	_ =	shalt  }
0x63: {  	_ =	shalt  }
0x64: {  	_ =	shalt  }
0x65: {  	_ =	shalt  }
0x66: {  	_ =	shalt  }
0x67: {  	_ =	shalt  }
0x68: {  	_ =	shalt  }
0x69: {  	_ =	shalt  }
0x6a: {  	_ =	shalt  }
0x6b: {  	_ =	shalt  }
0x6c: {  	_ =	shalt  }
0x6d: {  	_ =	shalt  }
0x6e: {  	_ =	shalt  }
0x6f: {  	_ =	shalt  }
0x70: {  	_ =	shalt  }
0x71: {  	_ =	shalt  }
0x72: {  	_ =	shalt  }
0x73: {  	_ =	shalt  }
0x74: {  	_ =	shalt  }
0x75: {  	_ =	shalt  }
0x76: {  	_ =	shalt  }
0x77: {  	_ =	shalt  }
0x78: {  	_ =	shalt  }
0x79: {  	_ =	shalt  }
0x7a: {  	_ =	shalt  }
0x7b: {  	_ =	shalt  }
0x7c: {  	_ =	shalt  }
0x7d: {  	_ =	shalt  }
0x7e: {  	_ =	shalt  }
0x7f: {  	_ =	shalt  }
0x80: {  	_ =	shalt  }
0x81: {  	_ =	shalt  }
0x82: {  	_ =	shalt  }
0x83: {  	_ =	shalt  }
0x84: {  	_ =	shalt  }
0x85: {  	_ =	shalt  }
0x86: {  	_ =	shalt  }
0x87: {  	_ =	shalt  }
.Lfunc_end0:
.L_simem_size_0:
called_computation_lowered:
.L_overlay_start_0:
0x88: {  	s2 =	sld [smem:$0x3FD9]  }
0x89: {  	s3 =	sld [smem:$0x3FFE];
	_ =	sdelay $0x1  }
0x8a: {  	s1 =	srdreg.scid  }
0x8b: {  	s0 =	sand.u32 $0x1, s1  }
0x8c: {  	s17 =	sshll.u32 s0, $0xA;
	s2 =	sadd.s32 s3, s2  }
0x8d: {  	s2 =	sadd.s32 s2, s17  }
0x8e: {  	[smem:$0x3FC4] =	sst s2  }
0x8f: {  	_ = 	snop  }
0x90: {  	s2 =	sld [smem:$0x3FC8]  }
0x91: {  	s18 =	sld [smem:$0x3FC7];
	(tm) =	ssettm $0x1  }
0x92: {  	s4 =	sld [smem:$0x3FFB];
	_ =	sdelay $0x3  }
0x93: {  	_ =	strace s4  }
0x94: {  	s4 =	sld [smem:$0x3FFC];
	_ =	sdelay $0x3  }
0x95: {  	_ =	strace s4  }
0x96: {  	s4 =	sld [smem:$0x3FFD];
	_ =	sdelay $0x3  }
0x97: {  	_ =	strace s4  }
0x98: {  	_ =	strace $0x8FFFFFFF  }
0x99: {  	s19 =	sld [smem:$0x3FDB];
	_ =	sdelay $0x1  }
0x9a: {  	s5 =	simm.s32 $_scs_section_size  }
0x9b: {  	s6 =	simm.s32 $_size__tile_overlayer_lowered;
	s7 =	simm.s32 $_tile_overlayer_lowered  }
0x9c: {  	s22 =	simm.s32 $0x1BFF;
	s21 =	sshll.u32 s7, $0x1;
	s4 =	sadd.s32 s5, s19  }
0x9d: {  	s8 =	simm.s32 $0x0;
	s20 =	sshll.u32 s6, $0x1;
	s6 =	sadd.s32 s21, s4  }
0x9e: {  	[timem:s8], [sflag:s22] =	dma.local [hbm:s6], s20  }
0x9f: {  	_ =	swait.ge [sflag:s22], s20  }
0xa0: {  	s5 =	ssub.s32 $0x0, s20;
	[sflag:s22] =	ssyncset.done $0x0  }
0xa1: {  	[sflag:s22] =	ssyncadd.s32 s5;
	_ =	sdelay $0x1  }
0xa2: {  	s23 =	simm.s32 $0x1B8B  }
0xa3: {  	_ =	swait.ge [sflag:s23], $0x1  }
0xa4: {  	[sflag:s23] =	ssyncset.done $0x0  }
0xa5: {  	s25 =	simm.s32 $0x1B8E;
	s24 =	sld [smem:$0x3FFE];
	[sflag:s23] =	ssyncadd.s32 $0xFFFFFFFF  }
0xa6: {  	s26 =	simm.s32 $execute0_lowered;
	[smem:$0x3FD2] =	sst s25  }
0xa7: {  	s6 =	sshll.u32 s26, $0x1;
	_ =	strace $0x80000046;
	[dreg:$0x1] =	wrdreg $0xFFFFFFFF  }
0xa8: {  	s28 =	simm.s32 $_size_execute0_lowered;
	s4 =	sadd.s32 s4, s6;
	[dreg:$0x0] =	wrdreg $0x0  }
0xa9: {  	s6 =	sshll.u32 s28, $0x1;
	[dreg:$0x2] =	wrdreg s4  }
0xaa: {  	[dreg:$0x3] =	wrdreg s6  }
0xab: {  	[dreg:$0x4] =	wrdreg $0xC0  }
0xac: {  	_ =	task [dreg:s8], $0x5FFFF  }
0xad: {  	[dreg:$0x1] =	wrdreg $0xFFFFFFFF  }
0xae: {  	[dreg:$0x0] =	wrdreg $0x60  }
0xaf: {  	[dreg:$0x2] =	wrdreg s2  }
0xb0: {  	[dreg:$0x3] =	wrdreg s18  }
0xb1: {  	[dreg:$0x4] =	wrdreg s24  }
0xb2: {  	[dreg:$0x5] =	wrdreg $0x9  }
0xb3: {  	_ =	task.clear_ibuf [dreg:s8], $0x6FFFF;
	_ =	strace $0x90000046  }
0xb4: {  	s29 =	simm.s32 $0x9;
	_ =	strace $0x80000048  }
0xb5: {  	_ =	swait.ge [sflag:s29], $0x1  }
0xb6: {  	[sflag:s29] =	ssyncadd.s32 $0xFFFFFFFF  }
0xb7: {  	_ =	strace $0x90000048  }
0xb8: {  	_ =	sfence  }
0xb9: {  	s30 =	sld [smem:$0x0];
	_ =	sdelay $0x2  }
0xba: {  	s31 =	sshll.u32 s1, $0xD;
	s1 =	sshrl.u32 s1, $0x2  }
0xbb: {  	s3 =	sand.u32 $0x4000, s31;
	s1 =	sadd.s32 s1, s30  }
0xbc: {  	s0 =	sor.u32 s3, s0;
	s1 =	sshll.u32 s1, $0x11  }
0xbd: {  	s0 =	sor.u32 s1, s0  }
0xbe: {  	s0 =	sadd.s32 $0x8F2B, s0  }
0xbf: {  	[sflag:s0] =	ssyncadd.remote.s32 $0x1  }
0xc0: {  	_ =	sfence.sel $0xFFFF  }
0xc1: {  	[dreg:$0x0] =	wrdreg $0xFFFFFFFF;
	(pc) =	sbr.abs _section_cstart, $3  }
0xc2: {  	[dreg:$0x1] =	wrdreg $0xFFFFFFFF  }
0xc3: {  	_ =	task.clear_ibuf [dreg:s8], $0x2FFFF;
	_ =	strace $0x9FFFFFFF  }
0xc4: {  	(tm) =	ssettm $0x7FFFFFFF  }
0xc5: {  	_ =	shalt  }
tec
execute0_lowered:
.L_overlay_start_1:
0x0: {  	(tag) =	ssettag $0x1  }
0x1: {  	v0 =	vimm.s32 $0xF80;
	vm14 =	vcmask $0x300  }
0x2: {  	vm13 =	vcmask $0x704;
	vm12 =	vcmask $0xB08;
	vm11 =	vcmask $0xF0C  }
0x3: {  	vm10 =	vcmask $0x1310;
	vm9 =	vcmask $0x1714;
	vm8 =	vcmask $0x1B18  }
0x4: {  	vm7 =	vcmask $0x1F1C;
	vm6 =	vcmask $0x2320;
	vm5 =	vcmask $0x2724  }
0x5: {  	vm4 =	vcmask $0x2B28;
	vm3 =	vcmask $0x2F2C;
	vm1 =	vcmask $0x3330  }
0x6: {  	vm2 =	vcmask $0x3734;
	vm0 =	vcmask $0x3B38;
	v2 =	vimm.s32 $0x2780  }
0x7: {  	v3 =	vimm.s32 $0x3F80;
	v4 =	vimm.s32 $0x5780;
	v0 =	vsel vm14, $0x0, v0  }
0x8: {  	v2 =	vsel vm14, $0x1800, v2;
	v3 =	vsel vm14, $0x3000, v3;
	v4 =	vsel vm14, $0x4800, v4  }
0x9: {  	v0 =	vsel vm13, $0x80, v0;
	v2 =	vsel vm13, $0x1880, v2;
	v3 =	vsel vm13, $0x3080, v3  }
0xa: {  	v4 =	vsel vm13, $0x4880, v4;
	v0 =	vsel vm12, $0x100, v0;
	v2 =	vsel vm12, $0x1900, v2  }
0xb: {  	v3 =	vsel vm12, $0x3100, v3;
	v4 =	vsel vm12, $0x4900, v4;
	v0 =	vsel vm11, $0x180, v0  }
0xc: {  	v2 =	vsel vm11, $0x1980, v2;
	v3 =	vsel vm11, $0x3180, v3;
	v4 =	vsel vm11, $0x4980, v4  }
0xd: {  	v0 =	vsel vm10, $0x200, v0;
	v2 =	vsel vm10, $0x1A00, v2;
	v3 =	vsel vm10, $0x3200, v3  }
0xe: {  	v4 =	vsel vm10, $0x4A00, v4;
	v0 =	vsel vm9, $0x280, v0;
	v2 =	vsel vm9, $0x1A80, v2  }
0xf: {  	s0 =	rddreg [dreg:$0x0];
	v3 =	vsel vm9, $0x3280, v3;
	v4 =	vsel vm9, $0x4A80, v4;
	v0 =	vsel vm8, $0x300, v0  }
0x10: {  	s1 =	rddreg [dreg:$0x1];
	v2 =	vsel vm8, $0x1B00, v2;
	v3 =	vsel vm8, $0x3300, v3;
	v4 =	vsel vm8, $0x4B00, v4  }
0x11: {  	s7 =	rddreg [dreg:$0x2];
	v0 =	vsel vm7, $0x380, v0;
	v2 =	vsel vm7, $0x1B80, v2;
	v3 =	vsel vm7, $0x3380, v3  }
0x12: {  	s2 =	rddreg [dreg:$0x3];
	s3 =	simm.s32 $0x0;
	s5 =	srdreg.scid;
	v4 =	vsel vm7, $0x4B80, v4;
	v0 =	vsel vm6, $0xC00, v0;
	v2 =	vsel vm6, $0x2400, v2  }
0x13: {  	s4 =	stileid.u32;
	s13 =	simm.s32 $0x7A1400;
	s14 =	simm.s32 $0x1000;
	v3 =	vsel vm6, $0x3C00, v3;
	v4 =	vsel vm6, $0x5400, v4;
	v0 =	vsel vm5, $0xC80, v0  }
0x14: {  	s15 =	simm.s32 $0x1;
	s16 =	simm.s32 $0xD000;
	s17 =	simm.s32 $0x2;
	v2 =	vsel vm5, $0x2480, v2;
	v3 =	vsel vm5, $0x3C80, v3;
	v4 =	vsel vm5, $0x5480, v4  }
0x15: {  	s18 =	simm.s32 $0x7000;
	s19 =	simm.s32 $0x13000;
	s20 =	simm.s32 $0x3;
	v0 =	vsel vm4, $0xD00, v0;
	v2 =	vsel vm4, $0x2500, v2;
	v3 =	vsel vm4, $0x3D00, v3  }
0x16: {  	s21 =	simm.s32 $0x4;
	s22 =	simm.s32 $0x0;
	[smem:$0x7FF] =	sst s3;
	v4 =	vsel vm4, $0x5500, v4;
	v1 =	vsel vm3, $0xD80, v0;
	v0 =	vlaneseq.u32  }
0x17: {  	s6 =	sand.u32 $0x1, s5;
	s8 =	sshll.u32 s4, $0x1;
	s5 =	sadd.s32 $0xC00, s7;
	v2 =	vsel vm3, $0x2580, v2;
	v3 =	vsel vm3, $0x3D80, v3;
	v4 =	vsel vm3, $0x5580, v4  }
.Ltmp0:
0x18: {  	s7 =	sadd.s32 $0x7A1C00, s7;
	s9 =	ssub.s32 $0x2, s6;
	v1 =	vsel vm1, $0xE00, v1;
	v2 =	vsel vm1, $0x2600, v2;
	v3 =	vsel vm1, $0x3E00, v3;
	(pc) =	sbr.rel .LBB2_1-.Ltmp0, $4  }
0x19: {  	_ =	strace $0x80000047;
	s6 =	sor.u32 s6, s8;
	s31 =	sshrl.u32 s9, $0x1;
	v6 =	vsel vm1, $0x5600, v4;
	v7 =	vor.u32 $0x30, v0;
	v1 =	vsel vm2, $0xE80, v1  }
0x1a: {  	s10 =	ssub.s32 $0xA2B, s6;
	s11 =	smul.u32 $0x180, s6;
	p0 =	sne.s32 s6, $0x0;
	v2 =	vsel vm2, $0x2680, v2;
	v5 =	vsel vm2, $0x3E80, v3;
	v3 =	vor.u32 $0x10, v0  }
0x1b: {  	s12 =	ssub.s32 s9, s31;
	s8 =	sshrl.u32 s10, $0x5;
	s10 =	sor.u32 $0x20, s6;
	v6 =	vsel vm2, $0x5680, v6;
	v1 =	vsel vm0, $0xF00, v1;
	v2 =	vsel vm0, $0x2700, v2  }
0x1c: {  	s9 =	sadd.s32 s0, s11;
	s11 =	smax.u32 s12, $0x1;
	s12 =	simm.s32 $0xC00;
	v4 =	vsel vm0, $0x3F00, v5;
	v5 =	vor.u32 $0x20, v0;
	v6 =	vsel vm0, $0x5700, v6  }
.LBB2_9:
0x1d: {  	s22 =	sadd.s32 $0x1, s22  }
0x1e: {  	_ =	swait.ge [sflag:s20], $0x6000;
	p1 =	sne.s32 s22, s11  }
.Ltmp1:
0x1f: {  	[sflag:s20] =	ssyncset.done $0x0;
	(pc) =	sbr.rel @!p1 .LBB2_10-.Ltmp1, $4  }
0x20: {  	[sflag:s20] =	ssyncadd.s32 $0xFFFFA000  }
0x21: {  	_ =	swait.ge [sflag:s21], $0x6000  }
0x22: {  	[sflag:s21] =	ssyncset.done $0x0  }
0x23: {  	[sflag:s21] =	ssyncadd.s32 $0xFFFFA000  }
.LBB2_1:
0x24: {  	s23 =	simm.s32 @!p0 $0x0;
	s24 =	simm.s32 @!p0 $0x5  }
0x25: {  	[tilespmem:s23], [sflag:$0x5] =	stream.linear.gather @!p0 [hbm4b:s1+s23], $0x1000, $0x38;
	[tilespmem:$0x19000] =	vst v63  }
0x26: {  	_ =	swait.ge @!p0 [sflag:s24], $0x1000  }
0x27: {  	[sflag:s24] =	ssyncset.done @!p0 $0x0  }
0x28: {  	[sflag:s24] =	ssyncadd.s32 @!p0 $0xFFFFF000  }
0x29: {  	[hbm4b:s7+s23] =	stream.linear.scatter @!p0 [tilespmem:s23], [sflag:$0x5], $0x1000, $0x38;
	[tilespmem:$0x19000] =	vst v63  }
.Ltmp2:
0x2a: {  	_ = 	snop;
	(pc) =	sbr.rel .LBB2_2-.Ltmp2, $4  }
0x2b: {  	_ =	swait.ge @!p0 [sflag:s24], $0x1000  }
0x2c: {  	[sflag:s24] =	ssyncset.done @!p0 $0x0  }
0x2d: {  	s23 =	simm.s32 $0x0;
	[sflag:s24] =	ssyncadd.s32 @!p0 $0xFFFFF000  }
0x2e: {  	[tilespmem:s14], [sflag:$0x1] =	stream.strided.gather [hbm4b:s9+s12], $0x6000, s13, s12, $0x38;
	[tilespmem:$0x19000] =	vst v63  }
.LBB2_8:
0x2f: {  	s23 =	sadd.s32 $0x1, s23  }
0x30: {  	p1 =	sne.s32 s23, $0x29  }
.Ltmp3:
0x31: {  	_ = 	snop;
	(pc) =	sbr.rel @!p1 .LBB2_9-.Ltmp3, $1  }
0x32: {  	_ =	sdelay $0x3  }
.LBB2_2:
0x33: {  	s24 =	simm.s32 $0x0  }
0x34: {  	s25 =	sand.u32 $0x1F0, s24  }
0x35: {  	s24 =	sand.u32 $0xC, s24;
	v8 =	vmov s25  }
0x36: {  	v9 =	vadd.s32 s24, v0;
	s26 =	sor.u32 $0x1, s24;
	s28 =	sor.u32 $0x2, s24;
	v10 =	vshll.u32 v8, $0x3  }
0x37: {  	s24 =	sor.u32 $0x3, s24;
	s30 =	sshll.u32 s25, $0x6;
	v11 =	vadd.s32 s26, v0;
	v12 =	vadd.s32 s28, v0;
	v9 =	vand.u32 $0xF, v9  }
0x38: {  	v13 =	vadd.s32 s24, v0;
	v8 =	vand.u32 $0x70, v8;
	v22 =	vor.u32 s30, v0  }
0x39: {  	v12 =	vand.u32 $0xF, v12;
	v10 =	vand.u32 $0xC00, v10;
	v13 =	vand.u32 $0xF, v13  }
0x3a: {  	v11 =	vand.u32 $0xF, v11;
	v19 =	vor.u32 v8, v9;
	v9 =	vshll.u32 v9, $0x6  }
0x3b: {  	v14 =	vadd.s32 v1, v10;
	v15 =	vadd.s32 v6, v10;
	v16 =	vor.u32 v8, v13  }
0x3c: {  	v17 =	vadd.s32 v4, v10;
	v10 =	vadd.s32 v2, v10;
	v21 =	vor.u32 v8, v12  }
0x3d: {  	v8 =	vor.u32 v8, v11;
	v13 =	vshll.u32 v13, $0x6;
	v11 =	vshll.u32 v11, $0x6  }
0x3e: {  	v28 =	vor.u32 v3, v9;
	v12 =	vshll.u32 v12, $0x6;
	v32 =	vor.u32 v7, v9  }
0x3f: {  	v37 =	vor.u32 v9, v22;
	v9 =	vor.u32 v5, v9;
	v18 =	vor.u32 v14, v16  }
0x40: {  	s24 =	sshll.u32 s23, $0x1;
	v20 =	vor.u32 v19, v14;
	v23 =	vor.u32 v14, v8;
	v24 =	vor.u32 v5, v11  }
0x41: {  	p2 =	sge.u32 s24, s8;
	v25 =	vor.u32 v7, v13;
	v26 =	vor.u32 v19, v10;
	v27 =	vor.u32 v10, v8  }
0x42: {  	s25 =	sshll.u32 @!p2 s23, $0x6;
	v29 =	vor.u32 v7, v11;
	v28 =	vand.u32 $0x5F, v28;
	v30 =	vor.u32 v3, v12  }
0x43: {  	s25 =	sor.u32 @!p2 s10, s25;
	v31 =	vor.u32 v5, v13;
	v33 =	vor.u32 v12, v22;
	v34 =	vor.u32 v3, v11  }
0x44: {  	v14 =	vor.u32 v14, v21;
	v35 =	vor.u32 v10, v16;
	v36 =	vor.u32 v13, v22;
	s25 =	smul.u32 @!p2 $0x180, s25  }
0x45: {  	s26 =	simm.s32 @!p2 $0xC00;
	v13 =	vor.u32 v3, v13;
	v39 =	vor.u32 v19, v17;
	v11 =	vor.u32 v11, v22  }
0x46: {  	s28 =	simm.s32 @!p2 $0x7A1400;
	s29 =	simm.s32 @!p2 $0x7000;
	v22 =	vor.u32 v10, v21;
	v40 =	vor.u32 v17, v8;
	v42 =	vor.u32 v17, v21;
	s25 =	sadd.s32 @!p2 s0, s25  }
0x47: {  	v17 =	vor.u32 v17, v16;
	v44 =	vand.u32 $0x7F80, v37;
	v9 =	vand.u32 $0x6F, v9;
	[tilespmem:s29], [sflag:$0x2] =	stream.strided.gather @!p2 [hbm4b:s25+s26], $0x6000, s28, s26, $0x38;
	[tilespmem:$0x19000] =	vst v63  }
0x48: {  	v21 =	vor.u32 v15, v21;
	v16 =	vor.u32 v15, v16;
	v46 =	vor.u32 v19, v15;
	_ =	swait.ge [sflag:s15], $0x6000  }
0x49: {  	p1 =	seq.s32 s23, $0x0;
	v15 =	vor.u32 v15, v8;
	v25 =	vand.u32 $0x7F, v25;
	v30 =	vand.u32 $0x5F, v30;
	[sflag:s15] =	ssyncset.done $0x0  }
0x4a: {  	v34 =	vand.u32 $0x5F, v34;
	v38 =	vand.u32 $0x7F80, v36;
	v13 =	vand.u32 $0x5F, v13;
	s25 =	simm.s32 @!p1 $0x3;
	[sflag:s15] =	ssyncadd.s32 $0xFFFFA000  }
0x4b: {  	v10 =	vand.u32 $0x6F, v24;
	v41 =	vand.u32 $0x7F80, v11;
	v28 =	vor.u32 v28, v44;
	_ =	swait.ge @!p1 [sflag:s25], $0x6000  }
0x4c: {  	v29 =	vand.u32 $0x7F, v29;
	v45 =	vand.u32 $0x7F80, v33;
	v31 =	vand.u32 $0x6F, v31;
	[sflag:s25] =	ssyncset.done @!p1 $0x0  }
0x4d: {  	v24 =	vor.u32 v13, v38;
	v13 =	vor.u32 v5, v12;
	v34 =	vor.u32 v34, v41;
	[sflag:s25] =	ssyncadd.s32 @!p1 $0xFFFFA000  }
0x4e: {  	v12 =	vor.u32 v7, v12;
	v19 =	vor.u32 v10, v41;
	v31 =	vor.u32 v31, v38;
	v59 =	vld.idx.msk [tilespmem:v20+s14+$0x0], $0xffff  }
0x4f: {  	v43 =	vand.u32 $0x6F, v13;
	v13 =	vor.u32 v9, v44;
	v9 =	vand.u32 $0x7F, v32;
	s25 =	simm.s32 $0x4;
	v23 =	vld.idx.msk [tilespmem:v23+s14+$0x0], $0xffff  }
0x50: {  	v10 =	vor.u32 v25, v38;
	v8 =	vor.u32 v9, v44;
	v9 =	vand.u32 $0x7F, v12;
	v14 =	vld.idx.msk [tilespmem:v14+s14+$0x0], $0xffff;
	s26 =	sand.u32 $0xC, s25  }
0x51: {  	v9 =	vor.u32 v9, v45;
	v20 =	vor.u32 v29, v41;
	v18 =	vld.idx.msk [tilespmem:v18+s14+$0x0], $0xffff;
	v12 =	vadd.s32 s26, v0  }
0x52: {  	v29 =	vor.u32 v30, v45;
	v30 =	vor.u32 v43, v45;
	s28 =	sand.u32 $0x1F0, s25;
	s30 =	sor.u32 $0x2, s26;
	v12 =	vand.u32 $0xF, v12  }
0x53: {  	v25 =	vmov s28;
	s31 =	sor.u32 $0x1, s26;
	s26 =	sor.u32 $0x3, s26;
	v60 =	vadd.s32 s30, v0;
	v38 =	vshll.u32 v12, $0x6;
	[tilespmem:v37+s16+$0x0] =	vst.idx.msk $0xffff, v59  }
0x54: {  	v61 =	vadd.s32 s26, v0;
	v52 =	vor.u32 v7, v38;
	[tilespmem:v11+s16+$0x0] =	vst.idx.msk $0xffff, v23;
	v11 =	vshll.u32 v25, $0x3  }
0x55: {  	v23 =	vadd.s32 s31, v0;
	[tilespmem:v33+s16+$0x0] =	vst.idx.msk $0xffff, v14;
	v14 =	vand.u32 $0x70, v25;
	v25 =	vand.u32 $0xF, v61  }
0x56: {  	[tilespmem:v36+s16+$0x0] =	vst.idx.msk $0xffff, v18;
	v18 =	vand.u32 $0xF, v60;
	v11 =	vand.u32 $0xC00, v11;
	v48 =	vor.u32 v14, v25  }
0x57: {  	v27 =	vld.idx.msk [tilespmem:v27+s14+$0x0], $0xffff;
	v23 =	vand.u32 $0xF, v23;
	v49 =	vor.u32 v14, v12;
	v45 =	vor.u32 v14, v18  }
0x58: {  	v35 =	vld.idx.msk [tilespmem:v35+s14+$0x0], $0xffff;
	v25 =	vshll.u32 v25, $0x6;
	v62 =	vadd.s32 v1, v11;
	v47 =	vadd.s32 v6, v11  }
0x59: {  	v22 =	vld.idx.msk [tilespmem:v22+s14+$0x0], $0xffff;
	v37 =	vadd.s32 v4, v11;
	v36 =	vadd.s32 v2, v11;
	v50 =	vor.u32 v14, v23  }
0x5a: {  	v26 =	vld.idx.msk [tilespmem:v26+s14+$0x0], $0xffff;
	v23 =	vshll.u32 v23, $0x6;
	v14 =	vor.u32 v7, v25;
	v51 =	vor.u32 v5, v25  }
0x5b: {  	v33 =	vor.u32 v62, v48;
	v11 =	vor.u32 v49, v62;
	v63 =	vor.u32 v5, v23  }
0x5c: {  	v18 =	vshll.u32 v18, $0x6;
	v12 =	vor.u32 v49, v36;
	v41 =	vor.u32 v36, v50;
	[tilespmem:v34+s16+$0x0] =	vst.idx.msk $0xffff, v27  }
0x5d: {  	s31 =	sshll.u32 s28, $0x6;
	v43 =	vor.u32 v7, v23;
	v55 =	vor.u32 v62, v45;
	[tilespmem:v24+s16+$0x0] =	vst.idx.msk $0xffff, v35;
	v27 =	vld.idx.msk [tilespmem:v40+s14+$0x0], $0xffff  }
0x5e: {  	v14 =	vand.u32 $0x7F, v14;
	v34 =	vor.u32 s31, v0;
	v24 =	vor.u32 v62, v50;
	[tilespmem:v29+s16+$0x0] =	vst.idx.msk $0xffff, v22;
	v35 =	vld.idx.msk [tilespmem:v17+s14+$0x0], $0xffff  }
0x5f: {  	[tilespmem:v28+s16+$0x0] =	vst.idx.msk $0xffff, v26;
	v26 =	vor.u32 v3, v18;
	v17 =	vor.u32 v3, v38;
	v22 =	vld.idx.msk [tilespmem:v42+s14+$0x0], $0xffff  }
0x60: {  	v53 =	vand.u32 $0x5F, v26;
	v26 =	vor.u32 v36, v48;
	v56 =	vld.idx.msk [tilespmem:v39+s14+$0x0], $0xffff;
	v57 =	vor.u32 v25, v34  }
0x61: {  	v59 =	vor.u32 v23, v34;
	v42 =	vand.u32 $0x7F, v52;
	v60 =	vand.u32 $0x5F, v17;
	v61 =	vld.idx.msk [tilespmem:v11+s14+$0x0], $0xffff  }
0x62: {  	v17 =	vor.u32 v18, v34;
	v11 =	vor.u32 v3, v23;
	v23 =	vor.u32 v37, v50;
	v44 =	vld.idx.msk [tilespmem:v55+s14+$0x0], $0xffff  }
0x63: {  	v62 =	vand.u32 $0x5F, v11;
	v11 =	vor.u32 v3, v25;
	v25 =	vor.u32 v38, v34;
	v54 =	vld.idx.msk [tilespmem:v24+s14+$0x0], $0xffff  }
0x64: {  	v28 =	vand.u32 $0x5F, v11;
	v11 =	vor.u32 v49, v37;
	v24 =	vand.u32 $0x7F80, v57;
	[tilespmem:v19+s16+$0x0] =	vst.idx.msk $0xffff, v27;
	v19 =	vld.idx.msk [tilespmem:v33+s14+$0x0], $0xffff  }
0x65: {  	v27 =	vor.u32 v36, v45;
	[tilespmem:v30+s16+$0x0] =	vst.idx.msk $0xffff, v22;
	v33 =	vand.u32 $0x6F, v63;
	v22 =	vor.u32 v28, v24  }
0x66: {  	[tilespmem:v31+s16+$0x0] =	vst.idx.msk $0xffff, v35;
	v36 =	vand.u32 $0x7F80, v59;
	v28 =	vor.u32 v5, v18;
	v35 =	vand.u32 $0x7F80, v25;
	v58 =	vld.idx.msk [tilespmem:v15+s14+$0x0], $0xffff  }
0x67: {  	[tilespmem:v13+s16+$0x0] =	vst.idx.msk $0xffff, v56;
	v13 =	vor.u32 v49, v47;
	v15 =	vor.u32 v37, v45;
	v29 =	vld.idx.msk [tilespmem:v21+s14+$0x0], $0xffff  }
0x68: {  	v21 =	vor.u32 v5, v38;
	v63 =	vand.u32 $0x6F, v28;
	v28 =	vor.u32 v37, v48;
	v32 =	vld.idx.msk [tilespmem:v16+s14+$0x0], $0xffff  }
0x69: {  	v34 =	vor.u32 v62, v36;
	v30 =	vor.u32 v60, v35;
	v37 =	vand.u32 $0x7F80, v17;
	v40 =	vld.idx.msk [tilespmem:v46+s14+$0x0], $0xffff  }
0x6a: {  	[tilespmem:v25+s16+$0x0] =	vst.idx.msk $0xffff, v61;
	v16 =	vand.u32 $0x6F, v21;
	v31 =	vor.u32 v53, v37;
	v25 =	vor.u32 v47, v50  }
0x6b: {  	v39 =	vor.u32 v16, v35;
	v16 =	vand.u32 $0x7F, v43;
	v43 =	vor.u32 v7, v18;
	[tilespmem:v59+s16+$0x0] =	vst.idx.msk $0xffff, v54  }
0x6c: {  	v18 =	vor.u32 v47, v45;
	v38 =	vld.idx.msk [tilespmem:v41+s14+$0x0], $0xffff;
	[tilespmem:v57+s16+$0x0] =	vst.idx.msk $0xffff, v19;
	v41 =	vor.u32 v16, v36  }
0x6d: {  	v45 =	vand.u32 $0x6F, v51;
	v19 =	vor.u32 v63, v37;
	v16 =	vor.u32 v47, v48;
	[tilespmem:v20+s16+$0x0] =	vst.idx.msk $0xffff, v58  }
.LBB2_3:
0x6e: {  	s25 =	sadd.s32 $0x4, s25;
	v35 =	vor.u32 v42, v35;
	v33 =	vor.u32 v33, v36;
	v36 =	vor.u32 v45, v24;
	v20 =	vmovc v39  }
0x6f: {  	v39 =	vand.u32 $0x7F, v43;
	v21 =	vmov v41;
	s26 =	sand.u32 $0xC, s25;
	s28 =	sand.u32 $0x1F0, s25;
	p3 =	slt.u32 s25, $0x17C;
	v26 =	vld.idx.msk [tilespmem:v26+s14+$0x0], $0xffff;
	[tilespmem:v10+s16+$0x0] =	vst.idx.msk $0xffff, v32;
	v10 =	vor.u32 v14, v24  }
0x70: {  	v14 =	vadd.s32 s26, v0;
	v24 =	vmov s28;
	s29 =	sor.u32 $0x1, s26;
	s30 =	sor.u32 $0x2, s26;
	[tilespmem:v9+s16+$0x0] =	vst.idx.msk $0xffff, v29;
	v9 =	vor.u32 v39, v37  }
0x71: {  	s26 =	sor.u32 $0x3, s26;
	v29 =	vshll.u32 v24, $0x3;
	v32 =	vadd.s32 s29, v0;
	v37 =	vadd.s32 s30, v0;
	[tilespmem:v17+s16+$0x0] =	vst.idx.msk $0xffff, v44  }
0x72: {  	v14 =	vand.u32 $0xF, v14;
	v17 =	vand.u32 $0xF, v37;
	v37 =	vadd.s32 s26, v0;
	v12 =	vld.idx.msk [tilespmem:v12+s14+$0x0], $0xffff;
	[tilespmem:v34+s16+$0x0] =	vst.idx.msk $0xffff, v38  }
0x73: {  	v24 =	vand.u32 $0x70, v24;
	v29 =	vand.u32 $0xC00, v29;
	v34 =	vand.u32 $0xF, v37;
	v27 =	vld.idx.msk [tilespmem:v27+s14+$0x0], $0xffff;
	[tilespmem:v8+s16+$0x0] =	vst.idx.msk $0xffff, v40;
	v8 =	vmovc v35  }
0x74: {  	v35 =	vadd.s32 v1, v29;
	v46 =	vadd.s32 v6, v29;
	v40 =	vor.u32 v24, v34;
	v23 =	vld.idx.msk [tilespmem:v23+s14+$0x0], $0xffff  }
0x75: {  	v32 =	vand.u32 $0xF, v32;
	v37 =	vadd.s32 v4, v29;
	v38 =	vor.u32 v35, v40;
	[tilespmem:v22+s16+$0x0] =	vst.idx.msk $0xffff, v26  }
0x76: {  	s26 =	sshll.u32 s28, $0x6;
	v47 =	vor.u32 v24, v14;
	v45 =	vor.u32 v24, v17;
	v22 =	vadd.s32 v2, v29;
	v28 =	vld.idx.msk [tilespmem:v28+s14+$0x0], $0xffff  }
0x77: {  	v48 =	vor.u32 v24, v32;
	v24 =	vshll.u32 v34, $0x6;
	v26 =	vor.u32 v47, v35  }
0x78: {  	v32 =	vshll.u32 v32, $0x6;
	v34 =	vor.u32 v35, v48;
	v29 =	vor.u32 s26, v0;
	[tilespmem:v30+s16+$0x0] =	vst.idx.msk $0xffff, v12  }
0x79: {  	v39 =	vor.u32 v5, v32;
	v30 =	vshll.u32 v14, $0x6;
	v14 =	vor.u32 v7, v24;
	[tilespmem:v31+s16+$0x0] =	vst.idx.msk $0xffff, v27  }
0x7a: {  	v12 =	vor.u32 v47, v22;
	v31 =	vor.u32 v22, v48;
	v14 =	vand.u32 $0x7F, v14;
	v15 =	vld.idx.msk [tilespmem:v15+s14+$0x0], $0xffff  }
0x7b: {  	v43 =	vshll.u32 v17, $0x6;
	v41 =	vor.u32 v7, v32;
	v27 =	vor.u32 v3, v30;
	[tilespmem:v33+s16+$0x0] =	vst.idx.msk $0xffff, v23  }
0x7c: {  	v49 =	vor.u32 v5, v24;
	v44 =	vand.u32 $0x5F, v27;
	v23 =	vor.u32 v3, v43;
	v42 =	vld.idx.msk [tilespmem:v26+s14+$0x0], $0xffff  }
0x7d: {  	v17 =	vor.u32 v43, v29;
	v50 =	vor.u32 v7, v30;
	v52 =	vand.u32 $0x5F, v23;
	v51 =	vld.idx.msk [tilespmem:v34+s14+$0x0], $0xffff  }
0x7e: {  	v53 =	vor.u32 v35, v45;
	v23 =	vor.u32 v3, v32;
	v26 =	vor.u32 v22, v40;
	v54 =	vld.idx.msk [tilespmem:v11+s14+$0x0], $0xffff  }
0x7f: {  	v55 =	vor.u32 v24, v29;
	v34 =	vand.u32 $0x5F, v23;
	v11 =	vor.u32 v3, v24;
	v56 =	vld.idx.msk [tilespmem:v38+s14+$0x0], $0xffff  }
0x80: {  	v35 =	vor.u32 v30, v29;
	v24 =	vand.u32 $0x7F80, v55;
	v38 =	vand.u32 $0x5F, v11;
	v57 =	vld.idx.msk [tilespmem:v25+s14+$0x0], $0xffff;
	[tilespmem:v19+s16+$0x0] =	vst.idx.msk $0xffff, v15  }
0x81: {  	v27 =	vor.u32 v22, v45;
	v11 =	vor.u32 v47, v37;
	v19 =	vor.u32 v32, v29;
	v29 =	vld.idx.msk [tilespmem:v18+s14+$0x0], $0xffff  }
0x82: {  	v33 =	vand.u32 $0x6F, v39;
	v23 =	vor.u32 v37, v48;
	v22 =	vor.u32 v38, v24;
	[tilespmem:v36+s16+$0x0] =	vst.idx.msk $0xffff, v28  }
0x83: {  	v15 =	vor.u32 v37, v45;
	v18 =	vor.u32 v5, v43;
	v36 =	vand.u32 $0x7F80, v19;
	v32 =	vld.idx.msk [tilespmem:v16+s14+$0x0], $0xffff  }
0x84: {  	v18 =	vand.u32 $0x6F, v18;
	v28 =	vor.u32 v37, v40;
	v16 =	vor.u32 v5, v30  }
0x85: {  	v34 =	vor.u32 v34, v36;
	v16 =	vand.u32 $0x6F, v16;
	[tilespmem:v35+s16+$0x0] =	vst.idx.msk $0xffff, v42;
	v35 =	vand.u32 $0x7F80, v35  }
.Ltmp4:
0x86: {  	v42 =	vand.u32 $0x7F, v50;
	v30 =	vor.u32 v44, v35;
	v39 =	vor.u32 v16, v35;
	[tilespmem:v19+s16+$0x0] =	vst.idx.msk $0xffff, v51;
	(pc) =	sbr.rel @p3 .LBB2_3-.Ltmp4, $4  }
0x87: {  	v43 =	vor.u32 v7, v43;
	v37 =	vand.u32 $0x7F80, v17;
	v16 =	vand.u32 $0x7F, v41;
	v38 =	vld.idx.msk [tilespmem:v31+s14+$0x0], $0xffff;
	[tilespmem:v55+s16+$0x0] =	vst.idx.msk $0xffff, v56  }
0x88: {  	v19 =	vor.u32 v18, v37;
	v41 =	vor.u32 v16, v36;
	v31 =	vor.u32 v52, v37;
	v44 =	vld.idx.msk [tilespmem:v53+s14+$0x0], $0xffff  }
0x89: {  	v18 =	vor.u32 v46, v45;
	v45 =	vand.u32 $0x6F, v49;
	v16 =	vor.u32 v46, v40;
	[tilespmem:v20+s16+$0x0] =	vst.idx.msk $0xffff, v54  }
0x8a: {  	v25 =	vor.u32 v46, v48;
	v40 =	vld.idx.msk [tilespmem:v13+s14+$0x0], $0xffff;
	v13 =	vor.u32 v47, v46;
	[tilespmem:v21+s16+$0x0] =	vst.idx.msk $0xffff, v57  }
0x8b: {  	_ =	sdelay $0x3  }
0x8c: {  	v20 =	vld.idx.msk [tilespmem:v26+s14+$0x0], $0xffff  }
0x8d: {  	v12 =	vld.idx.msk [tilespmem:v12+s14+$0x0], $0xffff;
	[tilespmem:v17+s16+$0x0] =	vst.idx.msk $0xffff, v44  }
0x8e: {  	v17 =	vld.idx.msk [tilespmem:v27+s14+$0x0], $0xffff;
	_ =	sdelay $0x1  }
0x8f: {  	[tilespmem:v34+s16+$0x0] =	vst.idx.msk $0xffff, v38  }
0x90: {  	v21 =	vor.u32 v33, v36;
	v23 =	vld.idx.msk [tilespmem:v23+s14+$0x0], $0xffff;
	[tilespmem:v22+s16+$0x0] =	vst.idx.msk $0xffff, v20  }
0x91: {  	v56 =	vor.u32 v45, v24;
	[tilespmem:v30+s16+$0x0] =	vst.idx.msk $0xffff, v12;
	v22 =	vld.idx.msk [tilespmem:v28+s14+$0x0], $0xffff  }
0x92: {  	v11 =	vld.idx.msk [tilespmem:v11+s14+$0x0], $0xffff;
	[tilespmem:v31+s16+$0x0] =	vst.idx.msk $0xffff, v17  }
0x93: {  	v57 =	vld.idx.msk [tilespmem:v15+s14+$0x0], $0xffff  }
0x94: {  	[tilespmem:v10+s16+$0x0] =	vst.idx.msk $0xffff, v32  }
0x95: {  	[tilespmem:v21+s16+$0x0] =	vst.idx.msk $0xffff, v23  }
0x96: {  	v58 =	vld.idx.msk [tilespmem:v25+s14+$0x0], $0xffff;
	[tilespmem:v56+s16+$0x0] =	vst.idx.msk $0xffff, v22  }
0x97: {  	v14 =	vor.u32 v14, v24;
	[tilespmem:v39+s16+$0x0] =	vst.idx.msk $0xffff, v11;
	v60 =	vld.idx.msk [tilespmem:v16+s14+$0x0], $0xffff  }
0x98: {  	v59 =	vand.u32 $0x7F, v43;
	v62 =	vor.u32 v42, v35;
	v63 =	vld.idx.msk [tilespmem:v13+s14+$0x0], $0xffff;
	[tilespmem:v19+s16+$0x0] =	vst.idx.msk $0xffff, v57  }
0x99: {  	[tilespmem:v9+s16+$0x0] =	vst.idx.msk $0xffff, v29;
	v15 =	vor.u32 v59, v37;
	v61 =	vld.idx.msk [tilespmem:v18+s14+$0x0], $0xffff  }
0x9a: {  	s25 =	sshll.u32 s23, $0x6;
	[tilespmem:v8+s16+$0x0] =	vst.idx.msk $0xffff, v40  }
.Ltmp5:
0x9b: {  	s26 =	sor.u32 s6, s25;
	[tilespmem:v41+s16+$0x0] =	vst.idx.msk $0xffff, v58;
	(pc) =	sbr.rel @p2 .LBB2_8-.Ltmp5, $4  }
0x9c: {  	s26 =	smul.u32 $0xC00, s26;
	[tilespmem:v14+s16+$0x0] =	vst.idx.msk $0xffff, v60  }
0x9d: {  	[tilespmem:v62+s16+$0x0] =	vst.idx.msk $0xffff, v63  }
0x9e: {  	s26 =	sadd.s32 s5, s26;
	[tilespmem:v15+s16+$0x0] =	vst.idx.msk $0xffff, v61  }
0x9f: {  	[hbm4b:s26+s3] =	stream.linear.scatter [tilespmem:s16], [sflag:$0x3], $0x6000, $0x38;
	[tilespmem:$0x19000] =	vst v63  }
0xa0: {  	s26 =	simm.s32 $0x0  }
0xa1: {  	s28 =	sand.u32 $0x1F0, s26;
	s26 =	sand.u32 $0xC, s26  }
0xa2: {  	v8 =	vmov s28;
	s29 =	sor.u32 $0x1, s26  }
0xa3: {  	v9 =	vadd.s32 s26, v0;
	s30 =	sor.u32 $0x2, s26;
	s26 =	sor.u32 $0x3, s26;
	v10 =	vshll.u32 v8, $0x3;
	v11 =	vadd.s32 s29, v0  }
0xa4: {  	v12 =	vadd.s32 s30, v0;
	v9 =	vand.u32 $0xF, v9;
	v13 =	vadd.s32 s26, v0  }
0xa5: {  	v8 =	vand.u32 $0x70, v8;
	v12 =	vand.u32 $0xF, v12;
	v10 =	vand.u32 $0xC00, v10  }
0xa6: {  	s30 =	sshll.u32 s28, $0x6;
	v13 =	vand.u32 $0xF, v13;
	v11 =	vand.u32 $0xF, v11;
	v19 =	vor.u32 v8, v9  }
0xa7: {  	v22 =	vor.u32 s30, v0;
	v9 =	vshll.u32 v9, $0x6;
	v14 =	vadd.s32 v1, v10  }
0xa8: {  	v15 =	vadd.s32 v6, v10;
	v16 =	vor.u32 v8, v13;
	v17 =	vadd.s32 v4, v10  }
0xa9: {  	v10 =	vadd.s32 v2, v10;
	v21 =	vor.u32 v8, v12;
	v8 =	vor.u32 v8, v11  }
0xaa: {  	v13 =	vshll.u32 v13, $0x6;
	v11 =	vshll.u32 v11, $0x6;
	v28 =	vor.u32 v3, v9  }
0xab: {  	v12 =	vshll.u32 v12, $0x6;
	v32 =	vor.u32 v7, v9;
	v37 =	vor.u32 v9, v22  }
0xac: {  	v9 =	vor.u32 v5, v9;
	v18 =	vor.u32 v14, v16;
	v20 =	vor.u32 v19, v14  }
0xad: {  	s24 =	sadd.s32 $0x2, s24;
	v23 =	vor.u32 v14, v8;
	v24 =	vor.u32 v5, v11;
	v25 =	vor.u32 v7, v13  }
0xae: {  	p2 =	sgt.u32 s24, s8;
	v26 =	vor.u32 v19, v10;
	v27 =	vor.u32 v10, v8;
	v29 =	vor.u32 v7, v11  }
0xaf: {  	s24 =	sshll.u32 @!p2 s24, $0x5;
	v28 =	vand.u32 $0x5F, v28;
	v30 =	vor.u32 v3, v12;
	v31 =	vor.u32 v5, v13  }
0xb0: {  	s24 =	sor.u32 @!p2 s6, s24;
	v33 =	vor.u32 v12, v22;
	v34 =	vor.u32 v3, v11;
	v14 =	vor.u32 v14, v21  }
0xb1: {  	s24 =	smul.u32 @!p2 $0x180, s24;
	v35 =	vor.u32 v10, v16;
	v36 =	vor.u32 v13, v22;
	v13 =	vor.u32 v3, v13  }
0xb2: {  	s26 =	simm.s32 @!p2 $0xC00;
	v39 =	vor.u32 v19, v17;
	v11 =	vor.u32 v11, v22;
	v22 =	vor.u32 v10, v21  }
0xb3: {  	s28 =	simm.s32 @!p2 $0x7A1400;
	s29 =	simm.s32 @!p2 $0x1000;
	s24 =	sadd.s32 @!p2 s0, s24;
	v40 =	vor.u32 v17, v8;
	v42 =	vor.u32 v17, v21;
	v17 =	vor.u32 v17, v16  }
0xb4: {  	v44 =	vand.u32 $0x7F80, v37;
	v9 =	vand.u32 $0x6F, v9;
	v21 =	vor.u32 v15, v21;
	[tilespmem:s29], [sflag:$0x1] =	stream.strided.gather @!p2 [hbm4b:s24+s26], $0x6000, s28, s26, $0x38;
	[tilespmem:$0x19000] =	vst v63  }
0xb5: {  	v16 =	vor.u32 v15, v16;
	v46 =	vor.u32 v19, v15;
	v15 =	vor.u32 v15, v8;
	_ =	swait.ge [sflag:s17], $0x6000  }
0xb6: {  	v25 =	vand.u32 $0x7F, v25;
	v30 =	vand.u32 $0x5F, v30;
	v34 =	vand.u32 $0x5F, v34;
	[sflag:s17] =	ssyncset.done $0x0  }
0xb7: {  	v38 =	vand.u32 $0x7F80, v36;
	v13 =	vand.u32 $0x5F, v13;
	v10 =	vand.u32 $0x6F, v24;
	s24 =	simm.s32 @!p1 $0x4;
	[sflag:s17] =	ssyncadd.s32 $0xFFFFA000  }
0xb8: {  	v41 =	vand.u32 $0x7F80, v11;
	v28 =	vor.u32 v28, v44;
	v29 =	vand.u32 $0x7F, v29;
	_ =	swait.ge @!p1 [sflag:s24], $0x6000  }
0xb9: {  	v45 =	vand.u32 $0x7F80, v33;
	v31 =	vand.u32 $0x6F, v31;
	v24 =	vor.u32 v13, v38;
	[sflag:s24] =	ssyncset.done @!p1 $0x0  }
0xba: {  	v13 =	vor.u32 v5, v12;
	v34 =	vor.u32 v34, v41;
	v12 =	vor.u32 v7, v12;
	[sflag:s24] =	ssyncadd.s32 @!p1 $0xFFFFA000  }
0xbb: {  	v43 =	vand.u32 $0x6F, v13;
	v13 =	vor.u32 v9, v44;
	v9 =	vand.u32 $0x7F, v32;
	v23 =	vld.idx.msk [tilespmem:v23+s18+$0x0], $0xffff  }
0xbc: {  	v19 =	vor.u32 v10, v41;
	v8 =	vor.u32 v9, v44;
	v9 =	vand.u32 $0x7F, v12;
	s24 =	simm.s32 $0x4;
	v18 =	vld.idx.msk [tilespmem:v18+s18+$0x0], $0xffff  }
0xbd: {  	v31 =	vor.u32 v31, v38;
	v10 =	vor.u32 v25, v38;
	v9 =	vor.u32 v9, v45;
	v14 =	vld.idx.msk [tilespmem:v14+s18+$0x0], $0xffff;
	s26 =	sand.u32 $0xC, s24  }
0xbe: {  	v59 =	vld.idx.msk [tilespmem:v20+s18+$0x0], $0xffff;
	v20 =	vor.u32 v29, v41;
	v29 =	vor.u32 v30, v45;
	s28 =	sand.u32 $0x1F0, s24;
	v12 =	vadd.s32 s26, v0  }
0xbf: {  	v30 =	vor.u32 v43, v45;
	v25 =	vmov s28;
	s29 =	sor.u32 $0x1, s26;
	s31 =	sor.u32 $0x2, s26;
	s26 =	sor.u32 $0x3, s26;
	v12 =	vand.u32 $0xF, v12  }
0xc0: {  	v60 =	vadd.s32 s31, v0;
	v61 =	vadd.s32 s26, v0;
	v38 =	vshll.u32 v12, $0x6;
	[tilespmem:v11+s19+$0x0] =	vst.idx.msk $0xffff, v23  }
0xc1: {  	v52 =	vor.u32 v7, v38;
	v11 =	vshll.u32 v25, $0x3;
	v23 =	vadd.s32 s29, v0;
	[tilespmem:v36+s19+$0x0] =	vst.idx.msk $0xffff, v18  }
0xc2: {  	v18 =	vand.u32 $0xF, v60;
	[tilespmem:v33+s19+$0x0] =	vst.idx.msk $0xffff, v14;
	v14 =	vand.u32 $0x70, v25;
	v25 =	vand.u32 $0xF, v61  }
0xc3: {  	[tilespmem:v37+s19+$0x0] =	vst.idx.msk $0xffff, v59;
	v41 =	vand.u32 $0x7F, v52;
	v11 =	vand.u32 $0xC00, v11;
	v48 =	vor.u32 v14, v25  }
0xc4: {  	v27 =	vld.idx.msk [tilespmem:v27+s18+$0x0], $0xffff;
	v23 =	vand.u32 $0xF, v23;
	v49 =	vor.u32 v14, v12;
	v45 =	vor.u32 v14, v18  }
0xc5: {  	v35 =	vld.idx.msk [tilespmem:v35+s18+$0x0], $0xffff;
	v25 =	vshll.u32 v25, $0x6;
	v62 =	vadd.s32 v1, v11;
	v47 =	vadd.s32 v6, v11  }
0xc6: {  	v22 =	vld.idx.msk [tilespmem:v22+s18+$0x0], $0xffff;
	v37 =	vadd.s32 v4, v11;
	v36 =	vadd.s32 v2, v11;
	v50 =	vor.u32 v14, v23  }
0xc7: {  	v26 =	vld.idx.msk [tilespmem:v26+s18+$0x0], $0xffff;
	v23 =	vshll.u32 v23, $0x6;
	v14 =	vor.u32 v7, v25;
	v51 =	vor.u32 v5, v25  }
0xc8: {  	v33 =	vor.u32 v62, v48;
	v11 =	vor.u32 v49, v62;
	v63 =	vor.u32 v5, v23  }
0xc9: {  	v18 =	vshll.u32 v18, $0x6;
	v12 =	vor.u32 v49, v36;
	v43 =	vor.u32 v36, v50;
	[tilespmem:v34+s19+$0x0] =	vst.idx.msk $0xffff, v27  }
0xca: {  	s31 =	sshll.u32 s28, $0x6;
	v44 =	vor.u32 v7, v23;
	v55 =	vor.u32 v62, v45;
	[tilespmem:v24+s19+$0x0] =	vst.idx.msk $0xffff, v35;
	v27 =	vld.idx.msk [tilespmem:v40+s18+$0x0], $0xffff  }
0xcb: {  	v14 =	vand.u32 $0x7F, v14;
	v34 =	vor.u32 s31, v0;
	v24 =	vor.u32 v62, v50;
	[tilespmem:v29+s19+$0x0] =	vst.idx.msk $0xffff, v22;
	v35 =	vld.idx.msk [tilespmem:v17+s18+$0x0], $0xffff  }
0xcc: {  	[tilespmem:v28+s19+$0x0] =	vst.idx.msk $0xffff, v26;
	v26 =	vor.u32 v3, v18;
	v17 =	vor.u32 v3, v38;
	v22 =	vld.idx.msk [tilespmem:v42+s18+$0x0], $0xffff  }
0xcd: {  	v53 =	vand.u32 $0x5F, v26;
	v26 =	vor.u32 v36, v48;
	v56 =	vld.idx.msk [tilespmem:v39+s18+$0x0], $0xffff;
	v57 =	vor.u32 v25, v34  }
0xce: {  	v59 =	vor.u32 v23, v34;
	v60 =	vand.u32 $0x5F, v17;
	v61 =	vld.idx.msk [tilespmem:v11+s18+$0x0], $0xffff;
	v11 =	vor.u32 v3, v23  }
0xcf: {  	v17 =	vor.u32 v18, v34;
	v23 =	vor.u32 v37, v50;
	v62 =	vand.u32 $0x5F, v11  }
0xd0: {  	v11 =	vor.u32 v3, v25;
	v25 =	vor.u32 v38, v34;
	v54 =	vld.idx.msk [tilespmem:v24+s18+$0x0], $0xffff;
	[tilespmem:v19+s19+$0x0] =	vst.idx.msk $0xffff, v27  }
0xd1: {  	v28 =	vand.u32 $0x5F, v11;
	v11 =	vor.u32 v49, v37;
	v24 =	vand.u32 $0x7F80, v57;
	v19 =	vld.idx.msk [tilespmem:v33+s18+$0x0], $0xffff;
	[tilespmem:v30+s19+$0x0] =	vst.idx.msk $0xffff, v22  }
0xd2: {  	v27 =	vor.u32 v36, v45;
	v33 =	vand.u32 $0x6F, v63;
	v22 =	vor.u32 v28, v24;
	[tilespmem:v31+s19+$0x0] =	vst.idx.msk $0xffff, v35  }
0xd3: {  	v36 =	vand.u32 $0x7F80, v59;
	v28 =	vor.u32 v5, v18;
	v35 =	vand.u32 $0x7F80, v25;
	[tilespmem:v13+s19+$0x0] =	vst.idx.msk $0xffff, v56;
	v58 =	vld.idx.msk [tilespmem:v15+s18+$0x0], $0xffff  }
0xd4: {  	v13 =	vor.u32 v49, v47;
	v15 =	vor.u32 v37, v45;
	v29 =	vld.idx.msk [tilespmem:v21+s18+$0x0], $0xffff;
	v21 =	vor.u32 v5, v38  }
0xd5: {  	v63 =	vand.u32 $0x6F, v28;
	v28 =	vor.u32 v37, v48;
	v32 =	vld.idx.msk [tilespmem:v16+s18+$0x0], $0xffff;
	v34 =	vor.u32 v62, v36  }
0xd6: {  	v30 =	vor.u32 v60, v35;
	v37 =	vand.u32 $0x7F80, v17;
	v40 =	vld.idx.msk [tilespmem:v46+s18+$0x0], $0xffff;
	v16 =	vand.u32 $0x6F, v21  }
0xd7: {  	[tilespmem:v25+s19+$0x0] =	vst.idx.msk $0xffff, v61;
	v31 =	vor.u32 v53, v37;
	v39 =	vor.u32 v16, v35;
	v16 =	vand.u32 $0x7F, v44  }
0xd8: {  	v25 =	vor.u32 v47, v50;
	v44 =	vld.idx.msk [tilespmem:v55+s18+$0x0], $0xffff;
	[tilespmem:v59+s19+$0x0] =	vst.idx.msk $0xffff, v54;
	v42 =	vor.u32 v16, v36  }
0xd9: {  	v16 =	vor.u32 v47, v48;
	v38 =	vld.idx.msk [tilespmem:v43+s18+$0x0], $0xffff;
	v43 =	vor.u32 v7, v18;
	[tilespmem:v57+s19+$0x0] =	vst.idx.msk $0xffff, v19  }
0xda: {  	v19 =	vor.u32 v63, v37;
	v18 =	vor.u32 v47, v45;
	v45 =	vand.u32 $0x6F, v51;
	[tilespmem:v20+s19+$0x0] =	vst.idx.msk $0xffff, v58  }
.LBB2_6:
0xdb: {  	s24 =	sadd.s32 $0x4, s24;
	v35 =	vor.u32 v41, v35;
	v33 =	vor.u32 v33, v36;
	v36 =	vor.u32 v45, v24;
	v20 =	vmovc v39  }
0xdc: {  	v39 =	vand.u32 $0x7F, v43;
	v21 =	vmov v42;
	s26 =	sand.u32 $0xC, s24;
	s28 =	sand.u32 $0x1F0, s24;
	p1 =	slt.u32 s24, $0x17C;
	v26 =	vld.idx.msk [tilespmem:v26+s18+$0x0], $0xffff;
	[tilespmem:v10+s19+$0x0] =	vst.idx.msk $0xffff, v32;
	v10 =	vor.u32 v14, v24  }
0xdd: {  	v14 =	vadd.s32 s26, v0;
	v24 =	vmov s28;
	s29 =	sor.u32 $0x1, s26;
	s30 =	sor.u32 $0x2, s26;
	[tilespmem:v9+s19+$0x0] =	vst.idx.msk $0xffff, v29;
	v9 =	vor.u32 v39, v37  }
0xde: {  	s26 =	sor.u32 $0x3, s26;
	v29 =	vshll.u32 v24, $0x3;
	v32 =	vadd.s32 s29, v0;
	v37 =	vadd.s32 s30, v0;
	[tilespmem:v17+s19+$0x0] =	vst.idx.msk $0xffff, v44  }
0xdf: {  	v14 =	vand.u32 $0xF, v14;
	v17 =	vand.u32 $0xF, v37;
	v37 =	vadd.s32 s26, v0;
	v12 =	vld.idx.msk [tilespmem:v12+s18+$0x0], $0xffff;
	[tilespmem:v34+s19+$0x0] =	vst.idx.msk $0xffff, v38  }
0xe0: {  	v24 =	vand.u32 $0x70, v24;
	v29 =	vand.u32 $0xC00, v29;
	v34 =	vand.u32 $0xF, v37;
	v27 =	vld.idx.msk [tilespmem:v27+s18+$0x0], $0xffff;
	[tilespmem:v8+s19+$0x0] =	vst.idx.msk $0xffff, v40;
	v8 =	vmovc v35  }
0xe1: {  	v35 =	vadd.s32 v1, v29;
	v46 =	vadd.s32 v6, v29;
	v40 =	vor.u32 v24, v34;
	v23 =	vld.idx.msk [tilespmem:v23+s18+$0x0], $0xffff  }
0xe2: {  	v32 =	vand.u32 $0xF, v32;
	v37 =	vadd.s32 v4, v29;
	v38 =	vor.u32 v35, v40;
	[tilespmem:v22+s19+$0x0] =	vst.idx.msk $0xffff, v26  }
0xe3: {  	s26 =	sshll.u32 s28, $0x6;
	v47 =	vor.u32 v24, v14;
	v45 =	vor.u32 v24, v17;
	v22 =	vadd.s32 v2, v29;
	v28 =	vld.idx.msk [tilespmem:v28+s18+$0x0], $0xffff  }
0xe4: {  	v48 =	vor.u32 v24, v32;
	v24 =	vshll.u32 v34, $0x6;
	v26 =	vor.u32 v47, v35  }
0xe5: {  	v32 =	vshll.u32 v32, $0x6;
	v34 =	vor.u32 v35, v48;
	v29 =	vor.u32 s26, v0;
	[tilespmem:v30+s19+$0x0] =	vst.idx.msk $0xffff, v12  }
0xe6: {  	v39 =	vor.u32 v5, v32;
	v30 =	vshll.u32 v14, $0x6;
	v14 =	vor.u32 v7, v24;
	[tilespmem:v31+s19+$0x0] =	vst.idx.msk $0xffff, v27  }
0xe7: {  	v12 =	vor.u32 v47, v22;
	v31 =	vor.u32 v22, v48;
	v14 =	vand.u32 $0x7F, v14;
	v15 =	vld.idx.msk [tilespmem:v15+s18+$0x0], $0xffff  }
0xe8: {  	v43 =	vshll.u32 v17, $0x6;
	v42 =	vor.u32 v7, v32;
	v27 =	vor.u32 v3, v30;
	[tilespmem:v33+s19+$0x0] =	vst.idx.msk $0xffff, v23  }
0xe9: {  	v49 =	vor.u32 v5, v24;
	v44 =	vand.u32 $0x5F, v27;
	v23 =	vor.u32 v3, v43;
	v41 =	vld.idx.msk [tilespmem:v26+s18+$0x0], $0xffff  }
0xea: {  	v17 =	vor.u32 v43, v29;
	v50 =	vor.u32 v7, v30;
	v52 =	vand.u32 $0x5F, v23;
	v51 =	vld.idx.msk [tilespmem:v34+s18+$0x0], $0xffff  }
0xeb: {  	v53 =	vor.u32 v35, v45;
	v23 =	vor.u32 v3, v32;
	v26 =	vor.u32 v22, v40;
	v54 =	vld.idx.msk [tilespmem:v11+s18+$0x0], $0xffff  }
0xec: {  	v55 =	vor.u32 v24, v29;
	v34 =	vand.u32 $0x5F, v23;
	v11 =	vor.u32 v3, v24;
	v56 =	vld.idx.msk [tilespmem:v38+s18+$0x0], $0xffff  }
0xed: {  	v35 =	vor.u32 v30, v29;
	v24 =	vand.u32 $0x7F80, v55;
	v38 =	vand.u32 $0x5F, v11;
	v57 =	vld.idx.msk [tilespmem:v25+s18+$0x0], $0xffff;
	[tilespmem:v19+s19+$0x0] =	vst.idx.msk $0xffff, v15  }
0xee: {  	v27 =	vor.u32 v22, v45;
	v11 =	vor.u32 v47, v37;
	v19 =	vor.u32 v32, v29;
	v29 =	vld.idx.msk [tilespmem:v18+s18+$0x0], $0xffff  }
0xef: {  	v33 =	vand.u32 $0x6F, v39;
	v23 =	vor.u32 v37, v48;
	v22 =	vor.u32 v38, v24;
	[tilespmem:v36+s19+$0x0] =	vst.idx.msk $0xffff, v28  }
0xf0: {  	v15 =	vor.u32 v37, v45;
	v18 =	vor.u32 v5, v43;
	v36 =	vand.u32 $0x7F80, v19;
	v32 =	vld.idx.msk [tilespmem:v16+s18+$0x0], $0xffff  }
0xf1: {  	v18 =	vand.u32 $0x6F, v18;
	v28 =	vor.u32 v37, v40;
	v16 =	vor.u32 v5, v30  }
0xf2: {  	v34 =	vor.u32 v34, v36;
	v16 =	vand.u32 $0x6F, v16;
	[tilespmem:v35+s19+$0x0] =	vst.idx.msk $0xffff, v41;
	v35 =	vand.u32 $0x7F80, v35  }
.Ltmp6:
0xf3: {  	v41 =	vand.u32 $0x7F, v50;
	v30 =	vor.u32 v44, v35;
	v39 =	vor.u32 v16, v35;
	[tilespmem:v19+s19+$0x0] =	vst.idx.msk $0xffff, v51;
	(pc) =	sbr.rel @p1 .LBB2_6-.Ltmp6, $4  }
0xf4: {  	v43 =	vor.u32 v7, v43;
	v37 =	vand.u32 $0x7F80, v17;
	v16 =	vand.u32 $0x7F, v42;
	v38 =	vld.idx.msk [tilespmem:v31+s18+$0x0], $0xffff;
	[tilespmem:v55+s19+$0x0] =	vst.idx.msk $0xffff, v56  }
0xf5: {  	v19 =	vor.u32 v18, v37;
	v42 =	vor.u32 v16, v36;
	v31 =	vor.u32 v52, v37;
	v44 =	vld.idx.msk [tilespmem:v53+s18+$0x0], $0xffff  }
0xf6: {  	v18 =	vor.u32 v46, v45;
	v45 =	vand.u32 $0x6F, v49;
	v16 =	vor.u32 v46, v40;
	[tilespmem:v20+s19+$0x0] =	vst.idx.msk $0xffff, v54  }
0xf7: {  	v25 =	vor.u32 v46, v48;
	v40 =	vld.idx.msk [tilespmem:v13+s18+$0x0], $0xffff;
	v13 =	vor.u32 v47, v46;
	[tilespmem:v21+s19+$0x0] =	vst.idx.msk $0xffff, v57  }
0xf8: {  	_ =	sdelay $0x3  }
0xf9: {  	v20 =	vld.idx.msk [tilespmem:v26+s18+$0x0], $0xffff  }
0xfa: {  	v12 =	vld.idx.msk [tilespmem:v12+s18+$0x0], $0xffff;
	[tilespmem:v17+s19+$0x0] =	vst.idx.msk $0xffff, v44  }
0xfb: {  	v17 =	vld.idx.msk [tilespmem:v27+s18+$0x0], $0xffff;
	_ =	sdelay $0x1  }
0xfc: {  	[tilespmem:v34+s19+$0x0] =	vst.idx.msk $0xffff, v38  }
0xfd: {  	v21 =	vor.u32 v33, v36;
	v23 =	vld.idx.msk [tilespmem:v23+s18+$0x0], $0xffff;
	[tilespmem:v22+s19+$0x0] =	vst.idx.msk $0xffff, v20  }
0xfe: {  	v56 =	vor.u32 v45, v24;
	[tilespmem:v30+s19+$0x0] =	vst.idx.msk $0xffff, v12;
	v22 =	vld.idx.msk [tilespmem:v28+s18+$0x0], $0xffff  }
0xff: {  	v11 =	vld.idx.msk [tilespmem:v11+s18+$0x0], $0xffff;
	[tilespmem:v31+s19+$0x0] =	vst.idx.msk $0xffff, v17  }
0x100: {  	v57 =	vld.idx.msk [tilespmem:v15+s18+$0x0], $0xffff  }
0x101: {  	[tilespmem:v10+s19+$0x0] =	vst.idx.msk $0xffff, v32  }
0x102: {  	[tilespmem:v21+s19+$0x0] =	vst.idx.msk $0xffff, v23  }
0x103: {  	v58 =	vld.idx.msk [tilespmem:v25+s18+$0x0], $0xffff;
	[tilespmem:v56+s19+$0x0] =	vst.idx.msk $0xffff, v22  }
0x104: {  	v14 =	vor.u32 v14, v24;
	[tilespmem:v39+s19+$0x0] =	vst.idx.msk $0xffff, v11;
	v60 =	vld.idx.msk [tilespmem:v16+s18+$0x0], $0xffff  }
0x105: {  	v59 =	vand.u32 $0x7F, v43;
	v62 =	vor.u32 v41, v35;
	v63 =	vld.idx.msk [tilespmem:v13+s18+$0x0], $0xffff;
	[tilespmem:v19+s19+$0x0] =	vst.idx.msk $0xffff, v57  }
0x106: {  	[tilespmem:v9+s19+$0x0] =	vst.idx.msk $0xffff, v29;
	v15 =	vor.u32 v59, v37;
	v61 =	vld.idx.msk [tilespmem:v18+s18+$0x0], $0xffff  }
0x107: {  	[tilespmem:v8+s19+$0x0] =	vst.idx.msk $0xffff, v40  }
.Ltmp7:
0x108: {  	s24 =	sor.u32 s10, s25;
	[tilespmem:v42+s19+$0x0] =	vst.idx.msk $0xffff, v58;
	(pc) =	sbr.rel .LBB2_8-.Ltmp7, $4  }
0x109: {  	s24 =	smul.u32 $0xC00, s24;
	[tilespmem:v14+s19+$0x0] =	vst.idx.msk $0xffff, v60  }
0x10a: {  	[tilespmem:v62+s19+$0x0] =	vst.idx.msk $0xffff, v63  }
0x10b: {  	s24 =	sadd.s32 s5, s24;
	[tilespmem:v15+s19+$0x0] =	vst.idx.msk $0xffff, v61  }
0x10c: {  	[hbm4b:s24+s3] =	stream.linear.scatter [tilespmem:s19], [sflag:$0x4], $0x6000, $0x38;
	[tilespmem:$0x19000] =	vst v63  }
.LBB2_10:
0x10d: {  	_ =	sfence.sel $0x180000  }
0x10e: {  	[bflag:$0x0] =	sbarrier.arrive $0xFFFF  }
0x10f: {  	p0 =	sne.s32 s4, $0x0;
	_ =	strace $0x90000047  }
0x110: {  	s0 =	sadd.s32 @!p0 $0x100000, s2;
	[bflag:$0x2] =	sbarrier.arrive $0xFFFF  }
0x111: {  	[sflag:s0] =	ssyncadd.tile.s32 @!p0 $0x1;
	_ =	shalt  }
.Lfunc_end2:
_tile_overlayer_lowered:
.L_overlay_start_2:
0x112: {  	(tag) =	ssettag $0x2  }
0x113: {  	s0 =	rddreg [dreg:$0x0];
	s2 =	stileid.u32  }
0x114: {  	s1 =	rddreg [dreg:$0x1];
	p0 =	sne.s32 s2, $0x0  }
0x115: {  	s3 =	rddreg [dreg:$0x2];
	[bflag:$0x3] =	sbarrier.arrive $0xFFFF;
	s2 =	simm.s32 @!p0 $0x1C05  }
0x116: {  	[timem:s3], [sflag:s2] =	dma.local @!p0 [hbm:s0], s1  }
0x117: {  	s0 =	simm.s32 @!p0 $0x5  }
0x118: {  	_ =	swait.ge @!p0 [sflag:s0], s1  }
0x119: {  	s1 =	ssub.s32 @!p0 $0x0, s1;
	[sflag:s0] =	ssyncset.done @!p0 $0x0  }
0x11a: {  	[sflag:s0] =	ssyncadd.s32 @!p0 s1  }
0x11b: {  	[bflag:$0x3] =	sbarrier.arrive $0xFFFF  }
0x11c: {  	_ =	shalt  }

// kernel: _emb.7.cloned.1.call-start
scs
__scs_entry_jumppad:
0x0: {  	(pc) =	sbr.rel $0x88, $3  }
0x1: {  	(tag) =	ssettag $0x0;
	lr =	simm.s32 $0x1  }
0x2: {  	[smem:$0x3F9D] =	sst lr;
	_ =	strace $0xD0000000  }
0x3: {  	_ = 	snop  }
0x4: {  	_ = 	snop  }
0x5: {  	_ = 	snop  }
0x6: {  	_ = 	snop  }
0x7: {  	_ = 	snop  }
__scs_overlays_trampoline_lowered:
0x8: {  	[smem:$0x3FAC] =	sst s0  }
0x9: {  	[smem:$0x3FAD] =	sst s1  }
0xa: {  	[smem:$0x3FAE] =	sst s2  }
0xb: {  	[smem:$0x3FAF] =	sst s3  }
0xc: {  	[smem:$0x3FB0] =	sst s4  }
0xd: {  	[smem:$0x3FB1] =	sst s5  }
0xe: {  	[smem:$0x3FB2] =	sst s6  }
0xf: {  	[smem:$0x3FB3] =	sst s7  }
0x10: {  	[smem:$0x3FB4] =	sst s8  }
0x11: {  	[smem:$0x3FB5] =	sst s9;
	s0 =	simm.s32 @!p0 $0x0  }
0x12: {  	s1 =	sld [smem:$0x3F9B];
	s0 =	simm.s32 @p0 $0x1  }
0x13: {  	[smem:$0x3FB6] =	sst s0;
	s0 =	simm.s32 @!p1 $0x0  }
0x14: {  	s2 =	sld [smem:$0x3F9A];
	s0 =	simm.s32 @p1 $0x1  }
0x15: {  	[smem:$0x3FB7] =	sst s0;
	s0 =	simm.s32 @!p2 $0x0  }
0x16: {  	s3 =	sld [smem:$0x3FDB];
	s0 =	simm.s32 @p2 $0x1  }
0x17: {  	s4 =	simm.s32 $0x1BF5;
	[smem:$0x3FB9] =	sst s0  }
0x18: {  	s0 =	sld [smem:$0x3F9C];
	_ =	swait.ge [sflag:s4], $0x0  }
0x19: {  	s7 =	sld [smem:$0x3F9D]  }
0x1a: {  	s8 =	sadd.s32 $0xFFFFE003, lr  }
0x1b: {  	s9 =	sadd.s32 $0xFFFFFEF7, lr;
	s5 =	simm.s32 $0xFFFFFFFF;
	p2 =	slt.u32 s8, $0xFFFFF086  }
0x1c: {  	p1 =	slt.u32 s9, $0xF7A;
	s5 =	simm.s32 @!p2 $0x0  }
0x1d: {  	s5 =	simm.s32 @p1 $0x1;
	p0 =	seq.s32 s7, s2  }
0x1e: {  	s7 =	smul.u32 @!p0 $0xF7A, s2;
	p2 =	seq.s32 @!p0 s5, $0x0  }
0x1f: {  	s9 =	smul.u32 $0xF7A, s1;
	s8 =	simm.s32 @!p0 $0x1BF5;
	p2 =	por !p2, p0  }
0x20: {  	[sflag:s8] =	ssyncset.s32 @!p0 $0xFFFFF086;
	s6 =	sadd.s32 @!p0 s3, s7;
	s7 =	simm.s32 @!p0 $0x108  }
0x21: {  	s3 =	sadd.s32 s3, s9;
	s6 =	sadd.s32 @!p0 $0x88, s6;
	s7 =	simm.s32 @p2 $0x1082  }
0x22: {  	[simem:s7], [sflag:s8] =	dma.local @!p0 [hbm:s6], $0xF7A  }
0x23: {  	s9 =	sor.u32 $0xD0000000, s2;
	s6 =	simm.s32 $0x108;
	_ =	swait.ge @!p0 [sflag:s8], $0x0  }
0x24: {  	s3 =	sadd.s32 $0x88, s3;
	s6 =	simm.s32 @!p1 $0x1082;
	[sflag:s4] =	ssyncset.s32 $0xFFFFF086  }
0x25: {  	[simem:s6], [sflag:s4] =	dma.local [hbm:s3], $0xF7A  }
0x26: {  	[smem:$0x3F9D] =	sst s1;
	(tag) =	ssettag s2;
	_ =	strace s9  }
0x27: {  	s1 =	sld [smem:$0x3FAD]  }
0x28: {  	s2 =	sld [smem:$0x3FAE]  }
0x29: {  	s4 =	sld [smem:$0x3FB0]  }
0x2a: {  	p0 =	seq.s32 s5, $0x0;
	s5 =	sld [smem:$0x3FB1]  }
0x2b: {  	s6 =	sld [smem:$0x3FB2]  }
0x2c: {  	s7 =	sld [smem:$0x3FB3]  }
0x2d: {  	s3 =	simm.s32 $0x108;
	s8 =	sld [smem:$0x3FB4]  }
0x2e: {  	s3 =	simm.s32 @!p0 $0x1082;
	s9 =	sld [smem:$0x3FB5]  }
0x2f: {  	lr =	sadd.s32 s0, s3;
	s0 =	sld [smem:$0x3FAC]  }
0x30: {  	s3 =	sld [smem:$0x3FAF]  }
0x31: {  	[smem:$0x3FB8] =	sst s10  }
0x32: {  	s10 =	sld [smem:$0x3FB6];
	_ =	sdelay $0x3  }
0x33: {  	p0 =	seq.s32 s10, $0x1;
	s10 =	sld [smem:$0x3FB8];
	_ =	sdelay $0x3  }
0x34: {  	[smem:$0x3FB8] =	sst s10  }
0x35: {  	s10 =	sld [smem:$0x3FB7];
	_ =	sdelay $0x3  }
0x36: {  	p1 =	seq.s32 s10, $0x1;
	s10 =	sld [smem:$0x3FB8];
	_ =	sdelay $0x3  }
0x37: {  	[smem:$0x3FB8] =	sst s10  }
0x38: {  	s10 =	sld [smem:$0x3FB9]  }
0x39: {  	_ = 	snop;
	(pc) =	sbr.ind lr, $3  }
0x3a: {  	_ = 	snop  }
0x3b: {  	_ = 	snop  }
0x3c: {  	p2 =	seq.s32 s10, $0x1;
	s10 =	sld [smem:$0x3FB8]  }
0x3d: {  	_ =	shalt  }
0x3e: {  	_ =	shalt  }
0x3f: {  	_ =	shalt  }
0x40: {  	_ =	shalt  }
0x41: {  	_ =	shalt  }
0x42: {  	_ =	shalt  }
0x43: {  	_ =	shalt  }
0x44: {  	_ =	shalt  }
0x45: {  	_ =	shalt  }
0x46: {  	_ =	shalt  }
0x47: {  	_ =	shalt  }
0x48: {  	_ =	shalt  }
0x49: {  	_ =	shalt  }
0x4a: {  	_ =	shalt  }
0x4b: {  	_ =	shalt  }
0x4c: {  	_ =	shalt  }
0x4d: {  	_ =	shalt  }
0x4e: {  	_ =	shalt  }
0x4f: {  	_ =	shalt  }
0x50: {  	_ =	shalt  }
0x51: {  	_ =	shalt  }
0x52: {  	_ =	shalt  }
0x53: {  	_ =	shalt  }
0x54: {  	_ =	shalt  }
0x55: {  	_ =	shalt  }
0x56: {  	_ =	shalt  }
0x57: {  	_ =	shalt  }
0x58: {  	_ =	shalt  }
0x59: {  	_ =	shalt  }
0x5a: {  	_ =	shalt  }
0x5b: {  	_ =	shalt  }
0x5c: {  	_ =	shalt  }
0x5d: {  	_ =	shalt  }
0x5e: {  	_ =	shalt  }
0x5f: {  	_ =	shalt  }
0x60: {  	_ =	shalt  }
0x61: {  	_ =	shalt  }
0x62: {  	_ =	shalt  }
0x63: {  	_ =	shalt  }
0x64: {  	_ =	shalt  }
0x65: {  	_ =	shalt  }
0x66: {  	_ =	shalt  }
0x67: {  	_ =	shalt  }
0x68: {  	_ =	shalt  }
0x69: {  	_ =	shalt  }
0x6a: {  	_ =	shalt  }
0x6b: {  	_ =	shalt  }
0x6c: {  	_ =	shalt  }
0x6d: {  	_ =	shalt  }
0x6e: {  	_ =	shalt  }
0x6f: {  	_ =	shalt  }
0x70: {  	_ =	shalt  }
0x71: {  	_ =	shalt  }
0x72: {  	_ =	shalt  }
0x73: {  	_ =	shalt  }
0x74: {  	_ =	shalt  }
0x75: {  	_ =	shalt  }
0x76: {  	_ =	shalt  }
0x77: {  	_ =	shalt  }
0x78: {  	_ =	shalt  }
0x79: {  	_ =	shalt  }
0x7a: {  	_ =	shalt  }
0x7b: {  	_ =	shalt  }
0x7c: {  	_ =	shalt  }
0x7d: {  	_ =	shalt  }
0x7e: {  	_ =	shalt  }
0x7f: {  	_ =	shalt  }
0x80: {  	_ =	shalt  }
0x81: {  	_ =	shalt  }
0x82: {  	_ =	shalt  }
0x83: {  	_ =	shalt  }
0x84: {  	_ =	shalt  }
0x85: {  	_ =	shalt  }
0x86: {  	_ =	shalt  }
0x87: {  	_ =	shalt  }
.Lfunc_end0:
.L_simem_size_0:
called_computation.1_lowered:
.L_overlay_start_0:
0x88: {  	s2 =	sld [smem:$0x3FD9]  }
0x89: {  	s3 =	sld [smem:$0x3FFE];
	_ =	sdelay $0x1  }
0x8a: {  	s1 =	srdreg.scid  }
0x8b: {  	s0 =	sand.u32 $0x1, s1  }
0x8c: {  	s17 =	sshll.u32 s0, $0xA;
	s2 =	sadd.s32 s3, s2  }
0x8d: {  	s2 =	sadd.s32 s2, s17  }
0x8e: {  	[smem:$0x3FC4] =	sst s2  }
0x8f: {  	_ = 	snop  }
0x90: {  	s2 =	sld [smem:$0x3FD0];
	(tm) =	ssettm $0x1  }
0x91: {  	s18 =	sld [smem:$0x3FFB];
	_ =	sdelay $0x3  }
0x92: {  	_ =	strace s18  }
0x93: {  	s3 =	sld [smem:$0x3FFC];
	_ =	sdelay $0x3  }
0x94: {  	_ =	strace s3  }
0x95: {  	s3 =	sld [smem:$0x3FFD];
	_ =	sdelay $0x3  }
0x96: {  	_ =	strace s3  }
0x97: {  	_ =	strace $0x8FFFFFFF  }
0x98: {  	s19 =	sld [smem:$0x3FDB];
	_ =	sdelay $0x1  }
0x99: {  	s4 =	simm.s32 $_scs_section_size  }
0x9a: {  	s5 =	simm.s32 $_size__tile_overlayer_lowered;
	s6 =	simm.s32 $_tile_overlayer_lowered  }
0x9b: {  	s22 =	simm.s32 $0x1BFF;
	s21 =	sshll.u32 s6, $0x1;
	s3 =	sadd.s32 s4, s19  }
0x9c: {  	s7 =	simm.s32 $0x0;
	s20 =	sshll.u32 s5, $0x1;
	s5 =	sadd.s32 s21, s3  }
0x9d: {  	[timem:s7], [sflag:s22] =	dma.local [hbm:s5], s20  }
0x9e: {  	_ =	swait.ge [sflag:s22], s20  }
0x9f: {  	s4 =	ssub.s32 $0x0, s20;
	[sflag:s22] =	ssyncset.done $0x0  }
0xa0: {  	[sflag:s22] =	ssyncadd.s32 s4;
	_ =	sdelay $0x1  }
0xa1: {  	s23 =	simm.s32 $0x1B8B  }
0xa2: {  	_ =	swait.ge [sflag:s23], $0x1  }
0xa3: {  	[sflag:s23] =	ssyncset.done $0x0  }
0xa4: {  	s25 =	simm.s32 $0x1B8E;
	s24 =	sld [smem:$0x3FFE];
	[sflag:s23] =	ssyncadd.s32 $0xFFFFFFFF  }
0xa5: {  	s26 =	simm.s32 $execute0_lowered;
	[smem:$0x3FD2] =	sst s25  }
0xa6: {  	s5 =	sshll.u32 s26, $0x1;
	_ =	strace $0x80000049;
	[dreg:$0x1] =	wrdreg $0xFFFFFFFF  }
0xa7: {  	s28 =	simm.s32 $_size_execute0_lowered;
	s3 =	sadd.s32 s3, s5;
	[dreg:$0x0] =	wrdreg $0x0  }
0xa8: {  	s5 =	sshll.u32 s28, $0x1;
	[dreg:$0x2] =	wrdreg s3  }
0xa9: {  	[dreg:$0x3] =	wrdreg s5  }
0xaa: {  	[dreg:$0x4] =	wrdreg $0xC0  }
0xab: {  	_ =	task [dreg:s7], $0x5FFFF  }
0xac: {  	[dreg:$0x1] =	wrdreg $0xFFFFFFFF  }
0xad: {  	[dreg:$0x0] =	wrdreg $0x60  }
0xae: {  	[dreg:$0x2] =	wrdreg s2  }
0xaf: {  	[dreg:$0x3] =	wrdreg s24  }
0xb0: {  	[dreg:$0x4] =	wrdreg $0x9  }
0xb1: {  	_ =	task.clear_ibuf [dreg:s7], $0x5FFFF;
	_ =	strace $0x90000049  }
0xb2: {  	s29 =	simm.s32 $0x9;
	_ =	strace $0x8000004B  }
0xb3: {  	_ =	swait.ge [sflag:s29], $0x1  }
0xb4: {  	[sflag:s29] =	ssyncadd.s32 $0xFFFFFFFF  }
0xb5: {  	_ =	strace $0x9000004B  }
0xb6: {  	_ =	sfence  }
0xb7: {  	s30 =	sld [smem:$0x0];
	_ =	sdelay $0x2  }
0xb8: {  	s31 =	sshll.u32 s1, $0xD;
	s1 =	sshrl.u32 s1, $0x2  }
0xb9: {  	s3 =	sand.u32 $0x4000, s31;
	s1 =	sadd.s32 s1, s30  }
0xba: {  	s0 =	sor.u32 s3, s0;
	s1 =	sshll.u32 s1, $0x11  }
0xbb: {  	s0 =	sor.u32 s1, s0  }
0xbc: {  	s0 =	sadd.s32 $0x8F2B, s0  }
0xbd: {  	[sflag:s0] =	ssyncadd.remote.s32 $0x1  }
0xbe: {  	_ =	sfence.sel $0xFFFF  }
0xbf: {  	[dreg:$0x0] =	wrdreg $0xFFFFFFFF;
	(pc) =	sbr.abs _section_cstart, $3  }
0xc0: {  	[dreg:$0x1] =	wrdreg $0xFFFFFFFF  }
0xc1: {  	_ =	task.clear_ibuf [dreg:s7], $0x2FFFF;
	_ =	strace $0x9FFFFFFF  }
0xc2: {  	(tm) =	ssettm $0x7FFFFFFF  }
0xc3: {  	_ =	shalt  }
tec
execute0_lowered:
.L_overlay_start_1:
0x0: {  	(tag) =	ssettag $0x1  }
0x1: {  	s0 =	rddreg [dreg:$0x0]  }
0x2: {  	s2 =	rddreg [dreg:$0x1]  }
0x3: {  	s1 =	simm.s32 $0x0;
	s4 =	srdreg.scid;
	s5 =	stileid.u32  }
0x4: {  	s20 =	simm.s32 $0x9600;
	s21 =	simm.s32 $0xB600;
	s23 =	simm.s32 $0xD600  }
0x5: {  	s24 =	simm.s32 $0xF600;
	s25 =	simm.s32 $0x1;
	s26 =	simm.s32 $0x11600  }
0x6: {  	s30 =	simm.s32 $0x11A00;
	s19 =	simm.s32 $0x2;
	s22 =	simm.s32 $0x6  }
0x7: {  	s31 =	simm.s32 $0x3;
	[smem:$0x7FF] =	sst s1;
	s3 =	sadd.s32 $0xC00, s2  }
0x8: {  	s6 =	sadd.s32 $0x7A1E00, s2;
	s28 =	sshll.u32 s5, $0x1;
	s5 =	sadd.s32 $0x7A2600, s2  }
0x9: {  	s15 =	simm.s32 $0x0;
	s7 =	sadd.s32 $0x7A3600, s2;
	s10 =	sadd.s32 $0x7A6600, s2  }
0xa: {  	s4 =	sand.u32 $0x1, s4;
	s11 =	sadd.s32 $0x7A7600, s2;
	s13 =	sadd.s32 $0x7A8600, s2  }
0xb: {  	s14 =	sadd.s32 $0x7A9600, s2;
	_ =	strace $0x8000004A;
	s8 =	ssub.s32 $0x2, s4  }
0xc: {  	[dreg:$0x3] =	wrdreg s6;
	s4 =	sor.u32 s4, s28;
	s9 =	sshrl.u32 s8, $0x1  }
0xd: {  	v0 =	vlaneseq.u32;
	s6 =	sshll.u32 s4, $0xA;
	s4 =	sshll.u32 s4, $0x4;
	s12 =	ssub.s32 s8, s9  }
0xe: {  	v1 =	vmul.u32 $0x80, v0;
	s8 =	sadd.s32 $0x7A4600, s2;
	s9 =	sadd.s32 $0x7A5600, s2;
	s0 =	sadd.s32 s0, s4  }
0xf: {  	v2 =	vor.u32 $0x10, v0;
	v4 =	vor.u32 $0x20, v0;
	v6 =	vor.u32 $0x30, v0;
	s4 =	simm.s32 $0x13600;
	[dreg:$0x4] =	wrdreg s0;
	s29 =	smax.u32 s12, $0x1  }
0x10: {  	v3 =	vor.u32 $0x800, v1;
	v5 =	vor.u32 $0x1000, v1;
	v7 =	vor.u32 $0x1800, v1;
	s2 =	simm.s32 $0x4;
	s0 =	simm.s32 $0x5;
	[dreg:$0x5] =	wrdreg s29  }
.LBB2_1:
0x11: {  	[dreg:$0x6] =	wrdreg s15  }
0x12: {  	s12 =	rddreg [dreg:$0x4]  }
0x13: {  	s15 =	simm.s32 $0x80;
	s16 =	simm.s32 $0x1000;
	s18 =	simm.s32 $0x7  }
0x14: {  	[tilespmem:s1], [sflag:$0x7] =	stream.strided.gather [hbm4b:s12+s15], $0x6400, s16, s15, $0x38;
	[tilespmem:$0x15600] =	vst v63  }
0x15: {  	_ =	swait.ge [sflag:s18], $0x6400  }
0x16: {  	[sflag:s18] =	ssyncset.done $0x0  }
0x17: {  	s17 =	simm.s32 $0x6400;
	s28 =	rddreg [dreg:$0x3];
	[sflag:s18] =	ssyncadd.s32 $0xFFFF9C00  }
0x18: {  	[tilespmem:s17], [sflag:$0x7] =	stream.linear.gather [hbm4b:s28+s1], $0x3200, $0x38;
	[tilespmem:$0x15600] =	vst v63  }
0x19: {  	_ =	swait.ge [sflag:s18], $0x3200  }
0x1a: {  	[sflag:s18] =	ssyncset.done $0x0  }
0x1b: {  	[sflag:s18] =	ssyncadd.s32 $0xFFFFCE00  }
0x1c: {  	[tilespmem:s20], [sflag:$0x1] =	stream.indirect.gather [hbm4b:s3+s15], $0x40, s1, s15, $0xb8;
	[tilespmem:$0x15600] =	vst v63  }
0x1d: {  	_ = 	snop  }
0x1e: {  	[tilespmem:s21], [sflag:$0x2] =	stream.indirect.gather [hbm4b:s3+s15], $0x40, s15, s15, $0xb8;
	[tilespmem:$0x15600] =	vst v63  }
0x1f: {  	s29 =	simm.s32 $0x100;
	s17 =	simm.s32 $0x0  }
0x20: {  	[tilespmem:s23], [sflag:$0x3] =	stream.indirect.gather [hbm4b:s3+s15], $0x40, s29, s15, $0xb8;
	[tilespmem:$0x15600] =	vst v63  }
.LBB2_2:
0x21: {  	s12 =	sshll.u32 s17, $0x9  }
0x22: {  	s12 =	sand.u32 $0x3FFFFE00, s12  }
0x23: {  	s16 =	simm.s32 $0x80;
	s15 =	sor.u32 $0x180, s12  }
0x24: {  	[tilespmem:s24], [sflag:$0x4] =	stream.indirect.gather [hbm4b:s3+s16], $0x40, s15, s16, $0xb8;
	[tilespmem:$0x15600] =	vst v63  }
0x25: {  	_ =	swait.ge [sflag:s25], $0x2000  }
0x26: {  	p0 =	seq.s32 s17, $0x0;
	[sflag:s25] =	ssyncset.done $0x0  }
0x27: {  	s15 =	simm.s32 @!p0 $0x5;
	[sflag:s25] =	ssyncadd.s32 $0xFFFFE000  }
0x28: {  	_ =	swait.ge @!p0 [sflag:s15], $0x400  }
0x29: {  	[sflag:s15] =	ssyncset.done @!p0 $0x0  }
0x2a: {  	[sflag:s15] =	ssyncadd.s32 @!p0 $0xFFFFFC00  }
0x2b: {  	_ =	swait.ge @!p0 [sflag:s15], $0x400  }
0x2c: {  	[sflag:s15] =	ssyncset.done @!p0 $0x0  }
0x2d: {  	[sflag:s15] =	ssyncadd.s32 @!p0 $0xFFFFFC00  }
0x2e: {  	_ =	swait.ge @!p0 [sflag:s15], $0x400  }
0x2f: {  	s16 =	simm.s32 $0x0;
	[sflag:s15] =	ssyncset.done @!p0 $0x0  }
0x30: {  	s18 =	sand.u32 $0xC, s16;
	[sflag:s15] =	ssyncadd.s32 @!p0 $0xFFFFFC00  }
0x31: {  	s28 =	sor.u32 $0x1, s18;
	s29 =	sor.u32 $0x2, s18;
	_ =	swait.ge @!p0 [sflag:s15], $0x400  }
0x32: {  	v10 =	vadd.s32 s18, v0;
	v8 =	vadd.s32 s28, v0;
	v9 =	vadd.s32 s29, v0;
	[sflag:s15] =	ssyncset.done @!p0 $0x0  }
0x33: {  	s16 =	sand.u32 $0x70, s16;
	v25 =	vand.u32 $0x7, v10;
	v11 =	vand.u32 $0xF, v8;
	v12 =	vand.u32 $0xF, v9;
	[sflag:s15] =	ssyncadd.s32 @!p0 $0xFFFFFC00  }
0x34: {  	s18 =	sor.u32 $0x3, s18;
	v21 =	vand.u32 $0x7, v8;
	v23 =	vand.u32 $0x7, v9;
	v14 =	vor.u32 s16, v11;
	_ =	swait.ge @!p0 [sflag:s15], $0x400  }
0x35: {  	v15 =	vor.u32 s16, v12;
	v11 =	vadd.s32 s18, v0;
	v16 =	vshll.u32 v14, $0x6;
	[sflag:s15] =	ssyncset.done @!p0 $0x0  }
0x36: {  	v17 =	vshll.u32 v15, $0x6;
	v18 =	vand.u32 $0x7, v11;
	v13 =	vor.u32 v7, v14;
	[sflag:s15] =	ssyncadd.s32 @!p0 $0xFFFFFC00  }
0x37: {  	v20 =	vor.u32 v1, v14;
	v22 =	vor.u32 v3, v14;
	v9 =	vor.u32 v1, v15;
	_ =	swait.ge @!p0 [sflag:s15], $0x400  }
0x38: {  	v38 =	vor.u32 v5, v15;
	v42 =	vor.u32 v7, v15;
	v14 =	vor.u32 v5, v14;
	[sflag:s15] =	ssyncset.done @!p0 $0x0  }
0x39: {  	v15 =	vor.u32 v3, v15;
	v12 =	vor.u32 v0, v16;
	v19 =	vor.u32 v0, v17;
	[sflag:s15] =	ssyncadd.s32 @!p0 $0xFFFFFC00  }
0x3a: {  	v8 =	vand.u32 $0x1FF8, v13;
	v13 =	vand.u32 $0xF, v10;
	v10 =	vand.u32 $0xF, v11;
	_ =	swait.ge @!p0 [sflag:s15], $0x400  }
0x3b: {  	v9 =	vand.u32 $0x7F8, v9;
	v33 =	vor.u32 v2, v16;
	v40 =	vor.u32 v2, v17;
	[sflag:s15] =	ssyncset.done @!p0 $0x0  }
0x3c: {  	v22 =	vand.u32 $0xFF8, v22;
	v15 =	vand.u32 $0xFF8, v15;
	v27 =	vor.u32 s16, v10;
	[sflag:s15] =	ssyncadd.s32 @!p0 $0xFFFFFC00  }
0x3d: {  	v55 =	vor.u32 v4, v16;
	v10 =	vand.u32 $0x7F8, v20;
	v20 =	vshll.u32 v27, $0x6;
	_ =	swait.ge @!p0 [sflag:s15], $0x400  }
0x3e: {  	s29 =	sshll.u32 s17, $0x8;
	v14 =	vand.u32 $0x17F8, v14;
	v29 =	vor.u32 v21, v10;
	v10 =	vor.u32 v0, v20;
	[sflag:s15] =	ssyncset.done @!p0 $0x0  }
0x3f: {  	s28 =	sand.u32 $0x3FFFFF00, s29;
	v8 =	vor.u32 v21, v8;
	v24 =	vor.u32 s16, v13;
	v30 =	vor.u32 v23, v9;
	[sflag:s15] =	ssyncadd.s32 @!p0 $0xFFFFFC00  }
0x40: {  	v22 =	vor.u32 v21, v22;
	v15 =	vor.u32 v23, v15;
	v26 =	vshll.u32 v24, $0x6;
	v11 =	vld [tilespmem:s28+$0x6400]  }
0x41: {  	v13 =	vor.u32 v1, v24;
	v32 =	vor.u32 v3, v24;
	v31 =	vor.u32 v0, v26;
	v12 =	vld.idx.msk [tilespmem:v12+s20+$0x0], $0xffff  }
0x42: {  	v34 =	vor.u32 v1, v27;
	v35 =	vor.u32 v7, v27;
	v36 =	vor.u32 v3, v27;
	v9 =	vld.idx.msk [tilespmem:v19+s20+$0x0], $0xffff  }
0x43: {  	v28 =	vor.u32 v6, v20;
	v13 =	vand.u32 $0x7F8, v13;
	v32 =	vand.u32 $0xFF8, v32;
	v41 =	vld.idx.msk [tilespmem:v10+s20+$0x0], $0xffff  }
0x44: {  	v35 =	vand.u32 $0x1FF8, v35;
	v54 =	vor.u32 v2, v20;
	v57 =	vor.u32 v4, v26  }
0x45: {  	s16 =	simm.s32 $0x4;
	v45 =	vor.u32 v6, v26;
	v32 =	vor.u32 v25, v32;
	v37 =	vor.u32 v25, v13;
	v13 =	vld [tilespmem:s28+$0x6410]  }
0x46: {  	s15 =	sand.u32 $0xC, s16;
	v19 =	vor.u32 v2, v26;
	v10 =	vor.u32 v18, v35;
	v44 =	vld.idx.msk [tilespmem:v31+s20+$0x0], $0xffff;
	v53 =	vadd.f32 v12, v11  }
0x47: {  	v26 =	vadd.s32 s15, v0;
	s29 =	sor.u32 $0x2, s15;
	v39 =	vadd.f32 v9, v11;
	v9 =	vor.u32 v5, v24;
	v12 =	vld [tilespmem:s28+$0x6420]  }
0x48: {  	v58 =	vadd.s32 s29, v0;
	v56 =	vadd.f32 v41, v11;
	v43 =	vand.u32 $0x17F8, v9;
	v9 =	vld [tilespmem:s28+$0x6430];
	[tilespmem:v29+s26+$0x0] =	vst.idx.msk $0xffff, v53  }
0x49: {  	v29 =	vand.u32 $0x7F8, v34;
	[tilespmem:v30+s26+$0x0] =	vst.idx.msk $0xffff, v39;
	v39 =	vor.u32 v21, v14;
	v14 =	vand.u32 $0x1FF8, v42  }
0x4a: {  	v21 =	vand.u32 $0xFF8, v36;
	v41 =	vor.u32 v25, v43;
	v42 =	vor.u32 v6, v16;
	v30 =	vld.idx.msk [tilespmem:v33+s20+$0x0], $0xffff  }
0x4b: {  	v16 =	vadd.f32 v44, v11;
	v40 =	vld.idx.msk [tilespmem:v40+s20+$0x0], $0xffff;
	v31 =	vor.u32 v23, v14;
	v14 =	vor.u32 v5, v27  }
0x4c: {  	v43 =	vor.u32 v6, v17;
	v17 =	vor.u32 v4, v17;
	v14 =	vand.u32 $0x17F8, v14  }
0x4d: {  	v29 =	vor.u32 v18, v29;
	[tilespmem:v37+s26+$0x0] =	vst.idx.msk $0xffff, v16;
	v44 =	vor.u32 v18, v14;
	v14 =	vand.u32 $0x17F8, v38  }
0x4e: {  	v21 =	vor.u32 v18, v21;
	v19 =	vld.idx.msk [tilespmem:v19+s20+$0x0], $0xffff;
	v23 =	vor.u32 v23, v14;
	v14 =	vor.u32 v7, v24  }
0x4f: {  	s18 =	sor.u32 $0x1, s15;
	v18 =	vand.u32 $0xF, v58;
	v14 =	vand.u32 $0x1FF8, v14;
	v27 =	vadd.f32 v30, v13  }
0x50: {  	s29 =	sand.u32 $0x70, s16;
	v24 =	vadd.f32 v40, v13;
	v30 =	vor.u32 v4, v20;
	v20 =	vadd.s32 s18, v0  }
0x51: {  	v14 =	vor.u32 v25, v14;
	v40 =	vor.u32 s29, v18;
	v16 =	vand.u32 $0xF, v20  }
0x52: {  	s15 =	sor.u32 $0x3, s15;
	v18 =	vshll.u32 v40, $0x6;
	v50 =	vand.u32 $0x7, v20;
	v37 =	vor.u32 s29, v16  }
0x53: {  	[tilespmem:v29+s26+$0x0] =	vst.idx.msk $0xffff, v56;
	v16 =	vadd.s32 s15, v0;
	v49 =	vor.u32 v0, v18;
	v60 =	vadd.f32 v19, v13  }
0x54: {  	[tilespmem:v15+s26+$0x0] =	vst.idx.msk $0xffff, v24;
	v46 =	vshll.u32 v37, $0x6;
	v47 =	vand.u32 $0x7, v16;
	v25 =	vor.u32 v7, v37  }
0x55: {  	v29 =	vor.u32 v1, v37;
	v24 =	vor.u32 v3, v37;
	v59 =	vld.idx.msk [tilespmem:v17+s20+$0x0], $0xffff;
	v17 =	vand.u32 $0xF, v26  }
0x56: {  	v16 =	vand.u32 $0xF, v16;
	v37 =	vor.u32 v5, v37;
	v48 =	vor.u32 v0, v46  }
0x57: {  	v20 =	vand.u32 $0x1FF8, v25;
	v25 =	vor.u32 v1, v40;
	v19 =	vor.u32 s29, v17  }
0x58: {  	v17 =	vand.u32 $0x7, v26;
	v35 =	vor.u32 s29, v16;
	v16 =	vand.u32 $0x7F8, v29  }
0x59: {  	v53 =	vor.u32 v2, v46;
	v24 =	vand.u32 $0xFF8, v24;
	v37 =	vand.u32 $0x17F8, v37  }
0x5a: {  	v34 =	vld.idx.msk [tilespmem:v54+s20+$0x0], $0xffff;
	[tilespmem:v22+s26+$0x0] =	vst.idx.msk $0xffff, v27;
	v15 =	vor.u32 v50, v20;
	v20 =	vand.u32 $0x7, v58;
	v22 =	vshll.u32 v19, $0x6  }
0x5b: {  	[tilespmem:v32+s26+$0x0] =	vst.idx.msk $0xffff, v60;
	v27 =	vand.u32 $0x7F8, v25;
	v61 =	vor.u32 v1, v19;
	v25 =	vshll.u32 v35, $0x6  }
0x5c: {  	v62 =	vor.u32 v50, v16;
	v54 =	vor.u32 v3, v19;
	v63 =	vor.u32 v1, v35  }
0x5d: {  	v29 =	vld.idx.msk [tilespmem:v57+s20+$0x0], $0xffff;
	v56 =	vor.u32 v7, v35;
	v57 =	vor.u32 v3, v35;
	v35 =	vor.u32 v5, v35  }
0x5e: {  	v26 =	vld.idx.msk [tilespmem:v55+s20+$0x0], $0xffff;
	v38 =	vor.u32 v20, v27;
	v16 =	vor.u32 v6, v25;
	v51 =	vor.u32 v0, v22  }
0x5f: {  	v27 =	vor.u32 v2, v22;
	v52 =	vor.u32 v0, v25;
	v34 =	vadd.f32 v34, v13  }
0x60: {  	v32 =	vand.u32 $0x7F8, v61;
	v61 =	vor.u32 v7, v40;
	v35 =	vand.u32 $0x17F8, v35  }
0x61: {  	v58 =	vor.u32 v17, v32;
	v32 =	vor.u32 v6, v18;
	v33 =	vadd.f32 v59, v12;
	v48 =	vld.idx.msk [tilespmem:v48+s20+$0x0], $0xffff  }
0x62: {  	v49 =	vld.idx.msk [tilespmem:v49+s20+$0x0], $0xffff;
	[tilespmem:v21+s26+$0x0] =	vst.idx.msk $0xffff, v34;
	v59 =	vor.u32 v5, v40;
	v34 =	vor.u32 v50, v24  }
0x63: {  	v24 =	vand.u32 $0x7F8, v63;
	v55 =	vadd.f32 v26, v12;
	v26 =	vand.u32 $0xFF8, v54  }
0x64: {  	v21 =	vor.u32 v17, v26;
	v29 =	vadd.f32 v29, v12;
	[tilespmem:v23+s26+$0x0] =	vst.idx.msk $0xffff, v33;
	v23 =	vld.idx.msk [tilespmem:v30+s20+$0x0], $0xffff  }
0x65: {  	v26 =	vand.u32 $0x1FF8, v56;
	v30 =	vor.u32 v5, v19;
	v33 =	vor.u32 v2, v25;
	v52 =	vld.idx.msk [tilespmem:v52+s20+$0x0], $0xffff  }
0x66: {  	v26 =	vor.u32 v47, v26;
	v43 =	vld.idx.msk [tilespmem:v43+s20+$0x0], $0xffff;
	[tilespmem:v39+s26+$0x0] =	vst.idx.msk $0xffff, v55;
	v60 =	vadd.f32 v48, v11  }
0x67: {  	v56 =	vadd.f32 v49, v11;
	v49 =	vor.u32 v2, v18;
	[tilespmem:v41+s26+$0x0] =	vst.idx.msk $0xffff, v29;
	v29 =	vand.u32 $0x17F8, v30  }
0x68: {  	v30 =	vor.u32 v4, v46;
	[tilespmem:v62+s26+$0x0] =	vst.idx.msk $0xffff, v60;
	v62 =	vor.u32 v3, v40;
	v40 =	vld.idx.msk [tilespmem:v51+s20+$0x0], $0xffff  }
0x69: {  	v45 =	vld.idx.msk [tilespmem:v45+s20+$0x0], $0xffff;
	v29 =	vor.u32 v17, v29;
	v41 =	vadd.f32 v23, v12;
	v60 =	vor.u32 v47, v24  }
0x6a: {  	[tilespmem:v38+s26+$0x0] =	vst.idx.msk $0xffff, v56;
	v23 =	vor.u32 v50, v37;
	v37 =	vor.u32 v4, v22;
	v56 =	vld.idx.msk [tilespmem:v53+s20+$0x0], $0xffff  }
0x6b: {  	v24 =	vand.u32 $0x1FF8, v61;
	v63 =	vand.u32 $0xFF8, v62;
	[tilespmem:v44+s26+$0x0] =	vst.idx.msk $0xffff, v41;
	v41 =	vld.idx.msk [tilespmem:v42+s20+$0x0], $0xffff;
	v62 =	vadd.f32 v43, v9  }
0x6c: {  	v52 =	vadd.f32 v52, v11;
	v39 =	vor.u32 v20, v24;
	v44 =	vld.idx.msk [tilespmem:v49+s20+$0x0], $0xffff;
	v24 =	vor.u32 v6, v46  }
0x6d: {  	v61 =	vand.u32 $0xFF8, v57;
	v38 =	vor.u32 v20, v63;
	[tilespmem:v31+s26+$0x0] =	vst.idx.msk $0xffff, v62;
	v63 =	vadd.f32 v40, v11  }
0x6e: {  	v36 =	vor.u32 v47, v61;
	v43 =	vadd.f32 v45, v9;
	v40 =	vld.idx.msk [tilespmem:v28+s20+$0x0], $0xffff;
	[tilespmem:v60+s26+$0x0] =	vst.idx.msk $0xffff, v52  }
0x6f: {  	s15 =	sshll.u32 s17, $0x2;
	v31 =	vand.u32 $0x17F8, v59;
	v28 =	vor.u32 v47, v35;
	v42 =	vadd.f32 v56, v13;
	[tilespmem:v58+s26+$0x0] =	vst.idx.msk $0xffff, v63  }
.LBB2_3:
0x70: {  	s16 =	sadd.s32 $0x4, s16;
	v35 =	vor.u32 v6, v22;
	v45 =	vor.u32 v20, v31;
	v20 =	vadd.f32 v41, v9;
	v31 =	vmovc v39  }
0x71: {  	v19 =	vor.u32 v7, v19;
	v22 =	vadd.f32 v44, v13;
	v39 =	vor.u32 v4, v18;
	s18 =	sand.u32 $0xC, s16;
	p1 =	slt.u32 s16, $0x7C  }
0x72: {  	v44 =	vor.u32 v4, v25;
	v18 =	vand.u32 $0x1FF8, v19;
	v41 =	vadd.s32 s18, v0;
	s28 =	sor.u32 $0x1, s18;
	s29 =	sor.u32 $0x2, s18;
	s18 =	sor.u32 $0x3, s18;
	[tilespmem:v14+s26+$0x0] =	vst.idx.msk $0xffff, v43  }
0x73: {  	v19 =	vadd.s32 s28, v0;
	v25 =	vadd.s32 s29, v0;
	[tilespmem:v38+s26+$0x0] =	vst.idx.msk $0xffff, v22;
	v22 =	vadd.f32 v40, v9  }
0x74: {  	v14 =	vor.u32 v17, v18;
	s28 =	sand.u32 $0x70, s16;
	v38 =	vand.u32 $0xF, v19;
	v40 =	vand.u32 $0xF, v25;
	v27 =	vld.idx.msk [tilespmem:v27+s20+$0x0], $0xffff;
	[tilespmem:v8+s26+$0x0] =	vst.idx.msk $0xffff, v20  }
0x75: {  	v43 =	vadd.s32 s18, v0;
	v8 =	vmovc v15;
	v38 =	vor.u32 s28, v38;
	v40 =	vor.u32 s28, v40;
	[tilespmem:v10+s26+$0x0] =	vst.idx.msk $0xffff, v22;
	v10 =	vmovc v26  }
0x76: {  	v47 =	vand.u32 $0x7, v43;
	v46 =	vshll.u32 v38, $0x6;
	v18 =	vshll.u32 v40, $0x6;
	[tilespmem:v34+s26+$0x0] =	vst.idx.msk $0xffff, v42;
	v26 =	vld.idx.msk [tilespmem:v39+s20+$0x0], $0xffff  }
0x77: {  	v15 =	vor.u32 v7, v38;
	v34 =	vor.u32 v0, v46;
	v39 =	vor.u32 v0, v18  }
0x78: {  	v48 =	vand.u32 $0x7, v19;
	v42 =	vor.u32 v1, v38;
	v15 =	vand.u32 $0x1FF8, v15  }
0x79: {  	v20 =	vand.u32 $0x7, v25;
	v49 =	vor.u32 v3, v38;
	v15 =	vor.u32 v48, v15  }
0x7a: {  	v17 =	vand.u32 $0xF, v41;
	v25 =	vor.u32 v1, v40;
	v27 =	vadd.f32 v27, v13;
	v33 =	vld.idx.msk [tilespmem:v33+s20+$0x0], $0xffff  }
0x7b: {  	v19 =	vor.u32 s28, v17;
	v17 =	vand.u32 $0x7, v41;
	v41 =	vand.u32 $0xF, v43;
	v30 =	vld.idx.msk [tilespmem:v30+s20+$0x0], $0xffff  }
0x7c: {  	v22 =	vshll.u32 v19, $0x6;
	v50 =	vor.u32 s28, v41;
	v43 =	vand.u32 $0x7F8, v25;
	[tilespmem:v21+s26+$0x0] =	vst.idx.msk $0xffff, v27  }
0x7d: {  	v25 =	vshll.u32 v50, $0x6;
	v21 =	vor.u32 v1, v19;
	v27 =	vand.u32 $0x7F8, v42;
	v37 =	vld.idx.msk [tilespmem:v37+s20+$0x0], $0xffff  }
0x7e: {  	v42 =	vor.u32 v20, v43;
	v43 =	vor.u32 v6, v25;
	v41 =	vor.u32 v48, v27;
	v34 =	vld.idx.msk [tilespmem:v34+s20+$0x0], $0xffff  }
0x7f: {  	v51 =	vor.u32 v0, v22;
	v52 =	vor.u32 v0, v25;
	v27 =	vor.u32 v2, v22;
	v39 =	vld.idx.msk [tilespmem:v39+s20+$0x0], $0xffff  }
0x80: {  	v53 =	vor.u32 v2, v46;
	v26 =	vadd.f32 v26, v12;
	v33 =	vadd.f32 v33, v13  }
0x81: {  	v54 =	vand.u32 $0x7F8, v21;
	v21 =	vor.u32 v3, v19;
	v55 =	vadd.f32 v30, v12  }
0x82: {  	v56 =	vor.u32 v7, v50;
	v21 =	vand.u32 $0xFF8, v21;
	v30 =	vor.u32 v1, v50;
	[tilespmem:v36+s26+$0x0] =	vst.idx.msk $0xffff, v33  }
0x83: {  	v21 =	vor.u32 v17, v21;
	v36 =	vor.u32 v3, v50;
	v33 =	vadd.f32 v37, v12;
	v37 =	vld.idx.msk [tilespmem:v44+s20+$0x0], $0xffff  }
0x84: {  	v57 =	vor.u32 v5, v40;
	v54 =	vor.u32 v17, v54;
	v44 =	vand.u32 $0x1FF8, v56;
	[tilespmem:v45+s26+$0x0] =	vst.idx.msk $0xffff, v26  }
0x85: {  	v39 =	vadd.f32 v39, v11;
	v45 =	vor.u32 v2, v18;
	v26 =	vor.u32 v47, v44;
	v52 =	vld.idx.msk [tilespmem:v52+s20+$0x0], $0xffff  }
0x86: {  	v34 =	vadd.f32 v34, v11;
	v56 =	vor.u32 v7, v40;
	v44 =	vor.u32 v5, v19;
	v32 =	vld.idx.msk [tilespmem:v32+s20+$0x0], $0xffff  }
0x87: {  	v38 =	vor.u32 v5, v38;
	v58 =	vand.u32 $0x17F8, v44;
	v44 =	vand.u32 $0xFF8, v49;
	v51 =	vld.idx.msk [tilespmem:v51+s20+$0x0], $0xffff;
	[tilespmem:v29+s26+$0x0] =	vst.idx.msk $0xffff, v33  }
0x88: {  	v29 =	vand.u32 $0x7F8, v30;
	v33 =	vor.u32 v2, v25;
	[tilespmem:v41+s26+$0x0] =	vst.idx.msk $0xffff, v34;
	v34 =	vor.u32 v48, v44  }
0x89: {  	v40 =	vor.u32 v3, v40;
	v30 =	vor.u32 v4, v46;
	[tilespmem:v23+s26+$0x0] =	vst.idx.msk $0xffff, v55  }
0x8a: {  	v37 =	vadd.f32 v37, v12;
	v23 =	vand.u32 $0x17F8, v38;
	v38 =	vand.u32 $0xFF8, v40;
	v49 =	vld.idx.msk [tilespmem:v53+s20+$0x0], $0xffff;
	[tilespmem:v42+s26+$0x0] =	vst.idx.msk $0xffff, v39  }
0x8b: {  	v38 =	vor.u32 v20, v38;
	v42 =	vadd.f32 v52, v11;
	v52 =	vor.u32 v47, v29;
	v35 =	vld.idx.msk [tilespmem:v35+s20+$0x0], $0xffff  }
0x8c: {  	v36 =	vand.u32 $0xFF8, v36;
	v23 =	vor.u32 v48, v23;
	v29 =	vand.u32 $0x1FF8, v56;
	v41 =	vld.idx.msk [tilespmem:v24+s20+$0x0], $0xffff;
	[tilespmem:v28+s26+$0x0] =	vst.idx.msk $0xffff, v37  }
.Ltmp0:
0x8d: {  	v39 =	vor.u32 v20, v29;
	v37 =	vor.u32 v4, v22;
	v28 =	vadd.f32 v32, v9;
	v44 =	vld.idx.msk [tilespmem:v45+s20+$0x0], $0xffff;
	(pc) =	sbr.rel @p1 .LBB2_3-.Ltmp0, $4  }
0x8e: {  	v29 =	vor.u32 v17, v58;
	v24 =	vor.u32 v6, v46;
	v32 =	vor.u32 v5, v50;
	v40 =	vld.idx.msk [tilespmem:v16+s20+$0x0], $0xffff  }
0x8f: {  	v36 =	vor.u32 v47, v36;
	v45 =	vadd.f32 v51, v11;
	v46 =	vand.u32 $0x17F8, v32;
	[tilespmem:v31+s26+$0x0] =	vst.idx.msk $0xffff, v28  }
0x90: {  	v32 =	vor.u32 v6, v18;
	v16 =	vmov v43;
	v28 =	vor.u32 v47, v46;
	[tilespmem:v52+s26+$0x0] =	vst.idx.msk $0xffff, v42  }
0x91: {  	v31 =	vand.u32 $0x17F8, v57;
	v42 =	vadd.f32 v49, v13;
	v43 =	vadd.f32 v35, v9;
	[tilespmem:v54+s26+$0x0] =	vst.idx.msk $0xffff, v45  }
0x92: {  	_ =	sdelay $0x3  }
0x93: {  	v11 =	vld.idx.msk [tilespmem:v27+s20+$0x0], $0xffff;
	v18 =	vor.u32 v4, v18  }
0x94: {  	v53 =	vld.idx.msk [tilespmem:v33+s20+$0x0], $0xffff  }
0x95: {  	v54 =	vadd.f32 v44, v13;
	_ =	sdelay $0x1  }
0x96: {  	v25 =	vor.u32 v4, v25;
	[tilespmem:v38+s26+$0x0] =	vst.idx.msk $0xffff, v54  }
0x97: {  	v11 =	vadd.f32 v11, v13;
	v18 =	vld.idx.msk [tilespmem:v18+s20+$0x0], $0xffff  }
0x98: {  	[tilespmem:v34+s26+$0x0] =	vst.idx.msk $0xffff, v42;
	v55 =	vadd.f32 v53, v13  }
0x99: {  	v20 =	vor.u32 v20, v31;
	v57 =	vld.idx.msk [tilespmem:v30+s20+$0x0], $0xffff;
	[tilespmem:v21+s26+$0x0] =	vst.idx.msk $0xffff, v11  }
0x9a: {  	[tilespmem:v36+s26+$0x0] =	vst.idx.msk $0xffff, v55;
	v56 =	vld.idx.msk [tilespmem:v37+s20+$0x0], $0xffff  }
0x9b: {  	v11 =	vld.idx.msk [tilespmem:v25+s20+$0x0], $0xffff  }
0x9c: {  	v18 =	vadd.f32 v18, v12  }
0x9d: {  	v22 =	vor.u32 v6, v22  }
0x9e: {  	v21 =	vadd.f32 v57, v12;
	[tilespmem:v20+s26+$0x0] =	vst.idx.msk $0xffff, v18  }
0x9f: {  	v13 =	vadd.f32 v56, v12;
	v18 =	vld.idx.msk [tilespmem:v32+s20+$0x0], $0xffff  }
0xa0: {  	[tilespmem:v23+s26+$0x0] =	vst.idx.msk $0xffff, v21;
	v11 =	vadd.f32 v11, v12  }
0xa1: {  	v59 =	vld.idx.msk [tilespmem:v24+s20+$0x0], $0xffff;
	[tilespmem:v29+s26+$0x0] =	vst.idx.msk $0xffff, v13  }
0xa2: {  	v58 =	vor.u32 v7, v19;
	v60 =	vadd.f32 v41, v9;
	[tilespmem:v28+s26+$0x0] =	vst.idx.msk $0xffff, v11;
	v13 =	vld.idx.msk [tilespmem:v22+s20+$0x0], $0xffff  }
0xa3: {  	v12 =	vand.u32 $0x1FF8, v58;
	v16 =	vld.idx.msk [tilespmem:v16+s20+$0x0], $0xffff  }
0xa4: {  	[tilespmem:v8+s26+$0x0] =	vst.idx.msk $0xffff, v60;
	v12 =	vor.u32 v17, v12;
	v8 =	vadd.f32 v18, v9  }
0xa5: {  	[tilespmem:v14+s26+$0x0] =	vst.idx.msk $0xffff, v43;
	v61 =	vadd.f32 v40, v9  }
0xa6: {  	[tilespmem:v39+s26+$0x0] =	vst.idx.msk $0xffff, v8;
	v8 =	vadd.f32 v59, v9  }
0xa7: {  	s16 =	sshll.u32 s17, $0x14;
	[tilespmem:v10+s26+$0x0] =	vst.idx.msk $0xffff, v61;
	v62 =	vadd.f32 v13, v9  }
0xa8: {  	s16 =	sor.u32 s6, s16;
	v63 =	vadd.f32 v16, v9;
	[tilespmem:v15+s26+$0x0] =	vst.idx.msk $0xffff, v8  }
0xa9: {  	s16 =	sshrl.u32 s16, $0x3;
	[tilespmem:v12+s26+$0x0] =	vst.idx.msk $0xffff, v62  }
0xaa: {  	s18 =	sadd.s32 s5, s16;
	[tilespmem:v26+s26+$0x0] =	vst.idx.msk $0xffff, v63  }
0xab: {  	[hbm4b:s18+s1] =	stream.linear.scatter [tilespmem:s26], [sflag:$0x5], $0x400, $0x38;
	[tilespmem:$0x15600] =	vst v63  }
0xac: {  	s28 =	sadd.s32 s16, s7  }
0xad: {  	[hbm4b:s28+s1] =	stream.linear.scatter [tilespmem:s30], [sflag:$0x5], $0x400, $0x38;
	[tilespmem:$0x15600] =	vst v63  }
0xae: {  	s29 =	sadd.s32 s16, s8;
	s28 =	simm.s32 $0x11E00  }
0xaf: {  	[hbm4b:s29+s1] =	stream.linear.scatter [tilespmem:s28], [sflag:$0x5], $0x400, $0x38;
	[tilespmem:$0x15600] =	vst v63  }
0xb0: {  	s30 =	sadd.s32 s16, s9;
	s29 =	simm.s32 $0x12200  }
0xb1: {  	[hbm4b:s30+s1] =	stream.linear.scatter [tilespmem:s29], [sflag:$0x5], $0x400, $0x38;
	[tilespmem:$0x15600] =	vst v63  }
0xb2: {  	s30 =	sadd.s32 s16, s10;
	s29 =	simm.s32 $0x12600  }
0xb3: {  	[hbm4b:s30+s1] =	stream.linear.scatter [tilespmem:s29], [sflag:$0x5], $0x400, $0x38;
	[tilespmem:$0x15600] =	vst v63  }
0xb4: {  	p1 =	sne.s32 s17, $0x31;
	s30 =	sadd.s32 s16, s11;
	s29 =	simm.s32 $0x12A00  }
0xb5: {  	[hbm4b:s30+s1] =	stream.linear.scatter [tilespmem:s29], [sflag:$0x5], $0x400, $0x38;
	[tilespmem:$0x15600] =	vst v63  }
.Ltmp1:
0xb6: {  	_ = 	snop;
	(pc) =	sbr.rel @p1 .LBB2_6-.Ltmp1, $4  }
0xb7: {  	s30 =	sadd.s32 s16, s13;
	s29 =	simm.s32 $0x12E00  }
0xb8: {  	[hbm4b:s30+s1] =	stream.linear.scatter [tilespmem:s29], [sflag:$0x5], $0x400, $0x38;
	[tilespmem:$0x15600] =	vst v63  }
0xb9: {  	s16 =	sadd.s32 s16, s14;
	s30 =	simm.s32 $0x13200  }
0xba: {  	[hbm4b:s16+s1] =	stream.linear.scatter [tilespmem:s30], [sflag:$0x5], $0x400, $0x38;
	[tilespmem:$0x15600] =	vst v63  }
.Ltmp2:
0xbb: {  	(pc) =	sbr.rel .LBB2_7-.Ltmp2, $4  }
0xbc: {  	_ = 	snop  }
0xbd: {  	_ =	swait.ge [sflag:s19], $0x2000  }
0xbe: {  	[sflag:s19] =	ssyncset.done $0x0  }
0xbf: {  	[sflag:s19] =	ssyncadd.s32 $0xFFFFE000  }
.LBB2_6:
.Ltmp3:
0xc0: {  	s16 =	sadd.s32 $0x200, s12;
	s18 =	simm.s32 $0x80;
	(pc) =	sbr.rel @p0 .LBB2_8-.Ltmp3, $4  }
0xc1: {  	[tilespmem:s20], [sflag:$0x1] =	stream.indirect.gather [hbm4b:s3+s18], $0x40, s16, s18, $0xb8;
	[tilespmem:$0x15600] =	vst v63  }
0xc2: {  	_ =	swait.ge [sflag:s19], $0x2000  }
0xc3: {  	[sflag:s19] =	ssyncset.done $0x0  }
0xc4: {  	[sflag:s19] =	ssyncadd.s32 $0xFFFFE000  }
.LBB2_7:
0xc5: {  	_ =	swait.ge [sflag:s22], $0x400  }
0xc6: {  	[sflag:s22] =	ssyncset.done $0x0  }
0xc7: {  	[sflag:s22] =	ssyncadd.s32 $0xFFFFFC00  }
0xc8: {  	_ =	swait.ge [sflag:s22], $0x400  }
0xc9: {  	[sflag:s22] =	ssyncset.done $0x0  }
0xca: {  	[sflag:s22] =	ssyncadd.s32 $0xFFFFFC00  }
0xcb: {  	_ =	swait.ge [sflag:s22], $0x400  }
0xcc: {  	[sflag:s22] =	ssyncset.done $0x0  }
0xcd: {  	[sflag:s22] =	ssyncadd.s32 $0xFFFFFC00  }
0xce: {  	_ =	swait.ge [sflag:s22], $0x400  }
0xcf: {  	[sflag:s22] =	ssyncset.done $0x0  }
0xd0: {  	[sflag:s22] =	ssyncadd.s32 $0xFFFFFC00  }
0xd1: {  	_ =	swait.ge [sflag:s22], $0x400  }
0xd2: {  	[sflag:s22] =	ssyncset.done $0x0  }
0xd3: {  	[sflag:s22] =	ssyncadd.s32 $0xFFFFFC00  }
0xd4: {  	_ =	swait.ge [sflag:s22], $0x400  }
0xd5: {  	[sflag:s22] =	ssyncset.done $0x0  }
0xd6: {  	[sflag:s22] =	ssyncadd.s32 $0xFFFFFC00  }
0xd7: {  	_ =	swait.ge [sflag:s22], $0x400  }
0xd8: {  	[sflag:s22] =	ssyncset.done $0x0  }
0xd9: {  	[sflag:s22] =	ssyncadd.s32 $0xFFFFFC00  }
0xda: {  	_ =	swait.ge [sflag:s22], $0x400  }
0xdb: {  	[sflag:s22] =	ssyncset.done $0x0  }
0xdc: {  	[sflag:s22] =	ssyncadd.s32 $0xFFFFFC00  }
.LBB2_8:
0xdd: {  	s16 =	simm.s32 $0x0  }
0xde: {  	s18 =	sand.u32 $0xC, s16  }
0xdf: {  	s28 =	sor.u32 $0x1, s18;
	s29 =	sor.u32 $0x2, s18;
	v10 =	vadd.s32 s18, v0  }
0xe0: {  	v8 =	vadd.s32 s28, v0;
	v9 =	vadd.s32 s29, v0;
	v25 =	vand.u32 $0x7, v10  }
0xe1: {  	s16 =	sand.u32 $0x70, s16;
	v11 =	vand.u32 $0xF, v8;
	v12 =	vand.u32 $0xF, v9;
	v21 =	vand.u32 $0x7, v8  }
0xe2: {  	s18 =	sor.u32 $0x3, s18;
	v23 =	vand.u32 $0x7, v9;
	v14 =	vor.u32 s16, v11;
	v15 =	vor.u32 s16, v12  }
0xe3: {  	v11 =	vadd.s32 s18, v0;
	v16 =	vshll.u32 v14, $0x6;
	v17 =	vshll.u32 v15, $0x6  }
0xe4: {  	v18 =	vand.u32 $0x7, v11;
	v13 =	vor.u32 v7, v14;
	v20 =	vor.u32 v1, v14  }
0xe5: {  	v22 =	vor.u32 v3, v14;
	v9 =	vor.u32 v1, v15;
	v38 =	vor.u32 v5, v15  }
0xe6: {  	v42 =	vor.u32 v7, v15;
	v14 =	vor.u32 v5, v14;
	v15 =	vor.u32 v3, v15  }
0xe7: {  	v12 =	vor.u32 v0, v16;
	v19 =	vor.u32 v0, v17;
	v8 =	vand.u32 $0x1FF8, v13  }
0xe8: {  	v13 =	vand.u32 $0xF, v10;
	v10 =	vand.u32 $0xF, v11;
	v9 =	vand.u32 $0x7F8, v9  }
0xe9: {  	v33 =	vor.u32 v2, v16;
	v40 =	vor.u32 v2, v17;
	v22 =	vand.u32 $0xFF8, v22  }
0xea: {  	s18 =	sor.u32 $0x1, s15;
	v15 =	vand.u32 $0xFF8, v15;
	v55 =	vor.u32 v4, v16;
	v14 =	vand.u32 $0x17F8, v14  }
0xeb: {  	s29 =	sshll.u32 s18, $0x6;
	v8 =	vor.u32 v21, v8;
	v24 =	vor.u32 s16, v13;
	v27 =	vor.u32 s16, v10  }
0xec: {  	s28 =	sand.u32 $0x3FFFFFC0, s29;
	v10 =	vand.u32 $0x7F8, v20;
	v30 =	vor.u32 v23, v9;
	v20 =	vshll.u32 v27, $0x6  }
0xed: {  	v11 =	vld [tilespmem:s28+$0x6400];
	v26 =	vshll.u32 v24, $0x6;
	v29 =	vor.u32 v21, v10;
	v10 =	vor.u32 v0, v20  }
0xee: {  	v22 =	vor.u32 v21, v22;
	v15 =	vor.u32 v23, v15;
	v31 =	vor.u32 v0, v26;
	v12 =	vld.idx.msk [tilespmem:v12+s21+$0x0], $0xffff  }
0xef: {  	v13 =	vor.u32 v1, v24;
	v32 =	vor.u32 v3, v24;
	v34 =	vor.u32 v1, v27;
	v9 =	vld.idx.msk [tilespmem:v19+s21+$0x0], $0xffff  }
0xf0: {  	v35 =	vor.u32 v7, v27;
	v36 =	vor.u32 v3, v27;
	v13 =	vand.u32 $0x7F8, v13  }
0xf1: {  	v28 =	vor.u32 v6, v20;
	v32 =	vand.u32 $0xFF8, v32;
	v37 =	vor.u32 v25, v13;
	v13 =	vld [tilespmem:s28+$0x6410]  }
0xf2: {  	v35 =	vand.u32 $0x1FF8, v35;
	v54 =	vor.u32 v2, v20;
	v57 =	vor.u32 v4, v26;
	v41 =	vld.idx.msk [tilespmem:v10+s21+$0x0], $0xffff  }
0xf3: {  	v45 =	vor.u32 v6, v26;
	v32 =	vor.u32 v25, v32;
	v44 =	vld.idx.msk [tilespmem:v31+s21+$0x0], $0xffff;
	v53 =	vadd.f32 v12, v11  }
0xf4: {  	v19 =	vor.u32 v2, v26;
	v39 =	vadd.f32 v9, v11;
	v9 =	vor.u32 v5, v24;
	v12 =	vld [tilespmem:s28+$0x6420]  }
0xf5: {  	s16 =	simm.s32 $0x4;
	v10 =	vor.u32 v18, v35;
	v43 =	vand.u32 $0x17F8, v9;
	v9 =	vld [tilespmem:s28+$0x6430];
	[tilespmem:v29+s4+$0x0] =	vst.idx.msk $0xffff, v53;
	v29 =	vand.u32 $0x7F8, v34  }
0xf6: {  	s28 =	sand.u32 $0xC, s16;
	[tilespmem:v30+s4+$0x0] =	vst.idx.msk $0xffff, v39;
	v39 =	vor.u32 v21, v14;
	v14 =	vand.u32 $0x1FF8, v42;
	v21 =	vand.u32 $0xFF8, v36  }
0xf7: {  	v42 =	vor.u32 v6, v16;
	v26 =	vadd.s32 s28, v0;
	v30 =	vld.idx.msk [tilespmem:v33+s21+$0x0], $0xffff;
	v56 =	vadd.f32 v41, v11  }
0xf8: {  	v29 =	vor.u32 v18, v29;
	v40 =	vld.idx.msk [tilespmem:v40+s21+$0x0], $0xffff;
	v31 =	vor.u32 v23, v14;
	v41 =	vor.u32 v25, v43  }
0xf9: {  	v14 =	vor.u32 v5, v27;
	v16 =	vadd.f32 v44, v11;
	v21 =	vor.u32 v18, v21  }
0xfa: {  	s30 =	sor.u32 $0x2, s28;
	v43 =	vor.u32 v6, v17;
	v17 =	vor.u32 v4, v17;
	v14 =	vand.u32 $0x17F8, v14  }
0xfb: {  	v58 =	vadd.s32 s30, v0;
	v44 =	vor.u32 v18, v14;
	v14 =	vand.u32 $0x17F8, v38  }
0xfc: {  	v18 =	vand.u32 $0xF, v58;
	v23 =	vor.u32 v23, v14;
	v14 =	vor.u32 v7, v24  }
0xfd: {  	s29 =	sor.u32 $0x1, s28;
	s30 =	sand.u32 $0x70, s16;
	[tilespmem:v37+s4+$0x0] =	vst.idx.msk $0xffff, v16;
	v14 =	vand.u32 $0x1FF8, v14;
	v27 =	vadd.f32 v30, v13;
	v24 =	vadd.f32 v40, v13  }
0xfe: {  	v19 =	vld.idx.msk [tilespmem:v19+s21+$0x0], $0xffff;
	v30 =	vor.u32 v4, v20;
	v20 =	vadd.s32 s29, v0;
	v40 =	vor.u32 s30, v18  }
0xff: {  	s28 =	sor.u32 $0x3, s28;
	v14 =	vor.u32 v25, v14;
	v16 =	vand.u32 $0xF, v20;
	v18 =	vshll.u32 v40, $0x6  }
0x100: {  	[tilespmem:v29+s4+$0x0] =	vst.idx.msk $0xffff, v56;
	v50 =	vand.u32 $0x7, v20;
	v37 =	vor.u32 s30, v16;
	v16 =	vadd.s32 s28, v0  }
0x101: {  	v49 =	vor.u32 v0, v18;
	[tilespmem:v15+s4+$0x0] =	vst.idx.msk $0xffff, v24;
	v46 =	vshll.u32 v37, $0x6;
	v47 =	vand.u32 $0x7, v16  }
0x102: {  	v25 =	vor.u32 v7, v37;
	v29 =	vor.u32 v1, v37;
	v24 =	vor.u32 v3, v37  }
0x103: {  	v59 =	vld.idx.msk [tilespmem:v17+s21+$0x0], $0xffff;
	v17 =	vand.u32 $0xF, v26;
	v60 =	vadd.f32 v19, v13;
	v16 =	vand.u32 $0xF, v16  }
0x104: {  	v37 =	vor.u32 v5, v37;
	v48 =	vor.u32 v0, v46;
	v20 =	vand.u32 $0x1FF8, v25  }
0x105: {  	v25 =	vor.u32 v1, v40;
	v19 =	vor.u32 s30, v17;
	v17 =	vand.u32 $0x7, v26  }
0x106: {  	v35 =	vor.u32 s30, v16;
	v16 =	vand.u32 $0x7F8, v29;
	v53 =	vor.u32 v2, v46  }
0x107: {  	v34 =	vld.idx.msk [tilespmem:v54+s21+$0x0], $0xffff;
	v24 =	vand.u32 $0xFF8, v24;
	v37 =	vand.u32 $0x17F8, v37;
	v15 =	vor.u32 v50, v20  }
0x108: {  	[tilespmem:v22+s4+$0x0] =	vst.idx.msk $0xffff, v27;
	v20 =	vand.u32 $0x7, v58;
	v22 =	vshll.u32 v19, $0x6;
	v27 =	vand.u32 $0x7F8, v25  }
0x109: {  	[tilespmem:v32+s4+$0x0] =	vst.idx.msk $0xffff, v60;
	v61 =	vor.u32 v1, v19;
	v25 =	vshll.u32 v35, $0x6;
	v62 =	vor.u32 v50, v16  }
0x10a: {  	v54 =	vor.u32 v3, v19;
	v63 =	vor.u32 v1, v35;
	v56 =	vor.u32 v7, v35  }
0x10b: {  	v26 =	vld.idx.msk [tilespmem:v55+s21+$0x0], $0xffff;
	v38 =	vor.u32 v20, v27;
	v16 =	vor.u32 v6, v25;
	v51 =	vor.u32 v0, v22  }
0x10c: {  	v27 =	vor.u32 v2, v22;
	v52 =	vor.u32 v0, v25;
	v34 =	vadd.f32 v34, v13  }
0x10d: {  	v29 =	vld.idx.msk [tilespmem:v57+s21+$0x0], $0xffff;
	v32 =	vand.u32 $0x7F8, v61;
	v57 =	vor.u32 v3, v35;
	v35 =	vor.u32 v5, v35  }
0x10e: {  	v61 =	vor.u32 v7, v40;
	v58 =	vor.u32 v17, v32;
	v35 =	vand.u32 $0x17F8, v35;
	v48 =	vld.idx.msk [tilespmem:v48+s21+$0x0], $0xffff  }
0x10f: {  	v49 =	vld.idx.msk [tilespmem:v49+s21+$0x0], $0xffff;
	v32 =	vor.u32 v6, v18;
	v33 =	vadd.f32 v59, v12;
	v59 =	vor.u32 v5, v40  }
0x110: {  	[tilespmem:v21+s4+$0x0] =	vst.idx.msk $0xffff, v34;
	v34 =	vor.u32 v50, v24;
	v55 =	vadd.f32 v26, v12;
	v26 =	vand.u32 $0xFF8, v54  }
0x111: {  	v24 =	vand.u32 $0x7F8, v63;
	v21 =	vor.u32 v17, v26;
	v26 =	vand.u32 $0x1FF8, v56;
	[tilespmem:v23+s4+$0x0] =	vst.idx.msk $0xffff, v33;
	v23 =	vld.idx.msk [tilespmem:v30+s21+$0x0], $0xffff  }
0x112: {  	v30 =	vor.u32 v5, v19;
	v33 =	vor.u32 v2, v25;
	v29 =	vadd.f32 v29, v12;
	v52 =	vld.idx.msk [tilespmem:v52+s21+$0x0], $0xffff  }
0x113: {  	v26 =	vor.u32 v47, v26;
	v43 =	vld.idx.msk [tilespmem:v43+s21+$0x0], $0xffff;
	[tilespmem:v39+s4+$0x0] =	vst.idx.msk $0xffff, v55;
	v60 =	vadd.f32 v48, v11  }
0x114: {  	v56 =	vadd.f32 v49, v11;
	v49 =	vor.u32 v2, v18;
	[tilespmem:v41+s4+$0x0] =	vst.idx.msk $0xffff, v29;
	v29 =	vand.u32 $0x17F8, v30  }
0x115: {  	v30 =	vor.u32 v4, v46;
	[tilespmem:v62+s4+$0x0] =	vst.idx.msk $0xffff, v60;
	v62 =	vor.u32 v3, v40;
	v40 =	vld.idx.msk [tilespmem:v51+s21+$0x0], $0xffff  }
0x116: {  	[tilespmem:v38+s4+$0x0] =	vst.idx.msk $0xffff, v56;
	v45 =	vld.idx.msk [tilespmem:v45+s21+$0x0], $0xffff;
	v41 =	vadd.f32 v23, v12;
	v60 =	vor.u32 v47, v24  }
0x117: {  	v29 =	vor.u32 v17, v29;
	v23 =	vor.u32 v50, v37;
	v37 =	vor.u32 v4, v22;
	v56 =	vld.idx.msk [tilespmem:v53+s21+$0x0], $0xffff  }
0x118: {  	v24 =	vand.u32 $0x1FF8, v61;
	v63 =	vand.u32 $0xFF8, v62;
	[tilespmem:v44+s4+$0x0] =	vst.idx.msk $0xffff, v41;
	v41 =	vld.idx.msk [tilespmem:v42+s21+$0x0], $0xffff;
	v62 =	vadd.f32 v43, v9  }
0x119: {  	v52 =	vadd.f32 v52, v11;
	v39 =	vor.u32 v20, v24;
	v44 =	vld.idx.msk [tilespmem:v49+s21+$0x0], $0xffff;
	v24 =	vor.u32 v6, v46  }
0x11a: {  	v61 =	vand.u32 $0xFF8, v57;
	v38 =	vor.u32 v20, v63;
	[tilespmem:v31+s4+$0x0] =	vst.idx.msk $0xffff, v62;
	v63 =	vadd.f32 v40, v11  }
0x11b: {  	v36 =	vor.u32 v47, v61;
	v43 =	vadd.f32 v45, v9;
	v40 =	vld.idx.msk [tilespmem:v28+s21+$0x0], $0xffff;
	[tilespmem:v60+s4+$0x0] =	vst.idx.msk $0xffff, v52  }
0x11c: {  	v31 =	vand.u32 $0x17F8, v59;
	v28 =	vor.u32 v47, v35;
	v42 =	vadd.f32 v56, v13;
	[tilespmem:v58+s4+$0x0] =	vst.idx.msk $0xffff, v63  }
.LBB2_9:
0x11d: {  	s16 =	sadd.s32 $0x4, s16;
	v35 =	vor.u32 v6, v22;
	v45 =	vor.u32 v20, v31;
	v20 =	vadd.f32 v41, v9;
	v31 =	vmovc v39  }
0x11e: {  	v19 =	vor.u32 v7, v19;
	v22 =	vadd.f32 v44, v13;
	v39 =	vor.u32 v4, v18;
	s28 =	sand.u32 $0xC, s16;
	p0 =	slt.u32 s16, $0x7C  }
0x11f: {  	v44 =	vor.u32 v4, v25;
	v18 =	vand.u32 $0x1FF8, v19;
	v41 =	vadd.s32 s28, v0;
	s29 =	sor.u32 $0x1, s28;
	s30 =	sor.u32 $0x2, s28;
	s28 =	sor.u32 $0x3, s28;
	[tilespmem:v14+s4+$0x0] =	vst.idx.msk $0xffff, v43  }
0x120: {  	v19 =	vadd.s32 s29, v0;
	v25 =	vadd.s32 s30, v0;
	[tilespmem:v38+s4+$0x0] =	vst.idx.msk $0xffff, v22;
	v22 =	vadd.f32 v40, v9  }
0x121: {  	v14 =	vor.u32 v17, v18;
	s29 =	sand.u32 $0x70, s16;
	v38 =	vand.u32 $0xF, v19;
	v40 =	vand.u32 $0xF, v25;
	v27 =	vld.idx.msk [tilespmem:v27+s21+$0x0], $0xffff;
	[tilespmem:v8+s4+$0x0] =	vst.idx.msk $0xffff, v20  }
0x122: {  	v43 =	vadd.s32 s28, v0;
	v8 =	vmovc v15;
	v38 =	vor.u32 s29, v38;
	v40 =	vor.u32 s29, v40;
	[tilespmem:v10+s4+$0x0] =	vst.idx.msk $0xffff, v22;
	v10 =	vmovc v26  }
0x123: {  	v47 =	vand.u32 $0x7, v43;
	v46 =	vshll.u32 v38, $0x6;
	v18 =	vshll.u32 v40, $0x6;
	[tilespmem:v34+s4+$0x0] =	vst.idx.msk $0xffff, v42;
	v26 =	vld.idx.msk [tilespmem:v39+s21+$0x0], $0xffff  }
0x124: {  	v15 =	vor.u32 v7, v38;
	v34 =	vor.u32 v0, v46;
	v39 =	vor.u32 v0, v18  }
0x125: {  	v48 =	vand.u32 $0x7, v19;
	v42 =	vor.u32 v1, v38;
	v15 =	vand.u32 $0x1FF8, v15  }
0x126: {  	v20 =	vand.u32 $0x7, v25;
	v49 =	vor.u32 v3, v38;
	v15 =	vor.u32 v48, v15  }
0x127: {  	v17 =	vand.u32 $0xF, v41;
	v25 =	vor.u32 v1, v40;
	v27 =	vadd.f32 v27, v13;
	v33 =	vld.idx.msk [tilespmem:v33+s21+$0x0], $0xffff  }
0x128: {  	v19 =	vor.u32 s29, v17;
	v17 =	vand.u32 $0x7, v41;
	v41 =	vand.u32 $0xF, v43;
	v30 =	vld.idx.msk [tilespmem:v30+s21+$0x0], $0xffff  }
0x129: {  	v22 =	vshll.u32 v19, $0x6;
	v50 =	vor.u32 s29, v41;
	v43 =	vand.u32 $0x7F8, v25;
	[tilespmem:v21+s4+$0x0] =	vst.idx.msk $0xffff, v27  }
0x12a: {  	v25 =	vshll.u32 v50, $0x6;
	v21 =	vor.u32 v1, v19;
	v27 =	vand.u32 $0x7F8, v42;
	v37 =	vld.idx.msk [tilespmem:v37+s21+$0x0], $0xffff  }
0x12b: {  	v42 =	vor.u32 v20, v43;
	v43 =	vor.u32 v6, v25;
	v41 =	vor.u32 v48, v27;
	v34 =	vld.idx.msk [tilespmem:v34+s21+$0x0], $0xffff  }
0x12c: {  	v51 =	vor.u32 v0, v22;
	v52 =	vor.u32 v0, v25;
	v27 =	vor.u32 v2, v22;
	v39 =	vld.idx.msk [tilespmem:v39+s21+$0x0], $0xffff  }
0x12d: {  	v53 =	vor.u32 v2, v46;
	v26 =	vadd.f32 v26, v12;
	v33 =	vadd.f32 v33, v13  }
0x12e: {  	v54 =	vand.u32 $0x7F8, v21;
	v21 =	vor.u32 v3, v19;
	v55 =	vadd.f32 v30, v12  }
0x12f: {  	v56 =	vor.u32 v7, v50;
	v21 =	vand.u32 $0xFF8, v21;
	v30 =	vor.u32 v1, v50;
	[tilespmem:v36+s4+$0x0] =	vst.idx.msk $0xffff, v33  }
0x130: {  	v21 =	vor.u32 v17, v21;
	v36 =	vor.u32 v3, v50;
	v33 =	vadd.f32 v37, v12;
	v37 =	vld.idx.msk [tilespmem:v44+s21+$0x0], $0xffff  }
0x131: {  	v57 =	vor.u32 v5, v40;
	v54 =	vor.u32 v17, v54;
	v44 =	vand.u32 $0x1FF8, v56;
	[tilespmem:v45+s4+$0x0] =	vst.idx.msk $0xffff, v26  }
0x132: {  	v39 =	vadd.f32 v39, v11;
	v45 =	vor.u32 v2, v18;
	v26 =	vor.u32 v47, v44;
	v52 =	vld.idx.msk [tilespmem:v52+s21+$0x0], $0xffff  }
0x133: {  	v34 =	vadd.f32 v34, v11;
	v56 =	vor.u32 v7, v40;
	v44 =	vor.u32 v5, v19;
	v32 =	vld.idx.msk [tilespmem:v32+s21+$0x0], $0xffff  }
0x134: {  	v38 =	vor.u32 v5, v38;
	v58 =	vand.u32 $0x17F8, v44;
	v44 =	vand.u32 $0xFF8, v49;
	v51 =	vld.idx.msk [tilespmem:v51+s21+$0x0], $0xffff;
	[tilespmem:v29+s4+$0x0] =	vst.idx.msk $0xffff, v33  }
0x135: {  	v29 =	vand.u32 $0x7F8, v30;
	v33 =	vor.u32 v2, v25;
	[tilespmem:v41+s4+$0x0] =	vst.idx.msk $0xffff, v34;
	v34 =	vor.u32 v48, v44  }
0x136: {  	v40 =	vor.u32 v3, v40;
	v30 =	vor.u32 v4, v46;
	[tilespmem:v23+s4+$0x0] =	vst.idx.msk $0xffff, v55  }
0x137: {  	v37 =	vadd.f32 v37, v12;
	v23 =	vand.u32 $0x17F8, v38;
	v38 =	vand.u32 $0xFF8, v40;
	v49 =	vld.idx.msk [tilespmem:v53+s21+$0x0], $0xffff;
	[tilespmem:v42+s4+$0x0] =	vst.idx.msk $0xffff, v39  }
0x138: {  	v38 =	vor.u32 v20, v38;
	v42 =	vadd.f32 v52, v11;
	v52 =	vor.u32 v47, v29;
	v35 =	vld.idx.msk [tilespmem:v35+s21+$0x0], $0xffff  }
0x139: {  	v36 =	vand.u32 $0xFF8, v36;
	v23 =	vor.u32 v48, v23;
	v29 =	vand.u32 $0x1FF8, v56;
	v41 =	vld.idx.msk [tilespmem:v24+s21+$0x0], $0xffff;
	[tilespmem:v28+s4+$0x0] =	vst.idx.msk $0xffff, v37  }
.Ltmp4:
0x13a: {  	v39 =	vor.u32 v20, v29;
	v37 =	vor.u32 v4, v22;
	v28 =	vadd.f32 v32, v9;
	v44 =	vld.idx.msk [tilespmem:v45+s21+$0x0], $0xffff;
	(pc) =	sbr.rel @p0 .LBB2_9-.Ltmp4, $4  }
0x13b: {  	v29 =	vor.u32 v17, v58;
	v24 =	vor.u32 v6, v46;
	v32 =	vor.u32 v5, v50;
	v40 =	vld.idx.msk [tilespmem:v16+s21+$0x0], $0xffff  }
0x13c: {  	v36 =	vor.u32 v47, v36;
	v45 =	vadd.f32 v51, v11;
	v46 =	vand.u32 $0x17F8, v32;
	[tilespmem:v31+s4+$0x0] =	vst.idx.msk $0xffff, v28  }
0x13d: {  	v32 =	vor.u32 v6, v18;
	v16 =	vmov v43;
	v28 =	vor.u32 v47, v46;
	[tilespmem:v52+s4+$0x0] =	vst.idx.msk $0xffff, v42  }
0x13e: {  	v31 =	vand.u32 $0x17F8, v57;
	v42 =	vadd.f32 v49, v13;
	v43 =	vadd.f32 v35, v9;
	[tilespmem:v54+s4+$0x0] =	vst.idx.msk $0xffff, v45  }
0x13f: {  	_ =	sdelay $0x3  }
0x140: {  	v11 =	vld.idx.msk [tilespmem:v27+s21+$0x0], $0xffff;
	_ =	sdelay $0x1  }
0x141: {  	v18 =	vor.u32 v4, v18;
	v27 =	vld.idx.msk [tilespmem:v33+s21+$0x0], $0xffff;
	_ =	sdelay $0x1  }
0x142: {  	v62 =	vadd.f32 v44, v13  }
0x143: {  	v25 =	vor.u32 v4, v25;
	v11 =	vadd.f32 v11, v13  }
0x144: {  	[tilespmem:v38+s4+$0x0] =	vst.idx.msk $0xffff, v62  }
0x145: {  	v18 =	vld.idx.msk [tilespmem:v18+s21+$0x0], $0xffff;
	[tilespmem:v21+s4+$0x0] =	vst.idx.msk $0xffff, v11;
	v11 =	vadd.f32 v27, v13  }
0x146: {  	[tilespmem:v34+s4+$0x0] =	vst.idx.msk $0xffff, v42;
	v13 =	vld.idx.msk [tilespmem:v37+s21+$0x0], $0xffff  }
0x147: {  	v20 =	vor.u32 v20, v31;
	v21 =	vld.idx.msk [tilespmem:v30+s21+$0x0], $0xffff;
	[tilespmem:v36+s4+$0x0] =	vst.idx.msk $0xffff, v11  }
0x148: {  	v11 =	vld.idx.msk [tilespmem:v25+s21+$0x0], $0xffff  }
0x149: {  	v22 =	vor.u32 v6, v22  }
0x14a: {  	v18 =	vadd.f32 v18, v12  }
0x14b: {  	v13 =	vadd.f32 v13, v12  }
0x14c: {  	v21 =	vadd.f32 v21, v12;
	[tilespmem:v20+s4+$0x0] =	vst.idx.msk $0xffff, v18  }
0x14d: {  	v18 =	vld.idx.msk [tilespmem:v32+s21+$0x0], $0xffff;
	[tilespmem:v29+s4+$0x0] =	vst.idx.msk $0xffff, v13;
	v11 =	vadd.f32 v11, v12  }
0x14e: {  	[tilespmem:v23+s4+$0x0] =	vst.idx.msk $0xffff, v21;
	v12 =	vor.u32 v7, v19;
	v13 =	vld.idx.msk [tilespmem:v22+s21+$0x0], $0xffff  }
0x14f: {  	v19 =	vld.idx.msk [tilespmem:v24+s21+$0x0], $0xffff;
	v12 =	vand.u32 $0x1FF8, v12;
	[tilespmem:v28+s4+$0x0] =	vst.idx.msk $0xffff, v11  }
0x150: {  	v11 =	vadd.f32 v41, v9;
	v12 =	vor.u32 v17, v12;
	v16 =	vld.idx.msk [tilespmem:v16+s21+$0x0], $0xffff  }
0x151: {  	[tilespmem:v14+s4+$0x0] =	vst.idx.msk $0xffff, v43;
	v14 =	vadd.f32 v40, v9  }
0x152: {  	[tilespmem:v8+s4+$0x0] =	vst.idx.msk $0xffff, v11;
	v8 =	vadd.f32 v18, v9  }
0x153: {  	[tilespmem:v10+s4+$0x0] =	vst.idx.msk $0xffff, v14;
	v10 =	vadd.f32 v13, v9  }
0x154: {  	s16 =	sshll.u32 s18, $0x12;
	[tilespmem:v39+s4+$0x0] =	vst.idx.msk $0xffff, v8;
	v8 =	vadd.f32 v19, v9  }
0x155: {  	s16 =	sor.u32 s6, s16;
	[tilespmem:v12+s4+$0x0] =	vst.idx.msk $0xffff, v10;
	v9 =	vadd.f32 v16, v9  }
0x156: {  	s16 =	sshrl.u32 s16, $0x3;
	[tilespmem:v15+s4+$0x0] =	vst.idx.msk $0xffff, v8  }
0x157: {  	s29 =	sadd.s32 s5, s16;
	[tilespmem:v26+s4+$0x0] =	vst.idx.msk $0xffff, v9  }
0x158: {  	[hbm4b:s29+s1] =	stream.linear.scatter [tilespmem:s4], [sflag:$0x6], $0x400, $0x38;
	[tilespmem:$0x15600] =	vst v63  }
0x159: {  	s28 =	simm.s32 $0x13A00;
	s30 =	sadd.s32 s16, s7  }
0x15a: {  	[hbm4b:s30+s1] =	stream.linear.scatter [tilespmem:s28], [sflag:$0x6], $0x400, $0x38;
	[tilespmem:$0x15600] =	vst v63  }
0x15b: {  	s29 =	sadd.s32 s16, s8;
	s30 =	simm.s32 $0x13E00  }
0x15c: {  	[hbm4b:s29+s1] =	stream.linear.scatter [tilespmem:s30], [sflag:$0x6], $0x400, $0x38;
	[tilespmem:$0x15600] =	vst v63  }
0x15d: {  	s29 =	sadd.s32 s16, s9;
	s30 =	simm.s32 $0x14200  }
0x15e: {  	[hbm4b:s29+s1] =	stream.linear.scatter [tilespmem:s30], [sflag:$0x6], $0x400, $0x38;
	[tilespmem:$0x15600] =	vst v63  }
0x15f: {  	s29 =	sadd.s32 s16, s10;
	s30 =	simm.s32 $0x14600  }
0x160: {  	[hbm4b:s29+s1] =	stream.linear.scatter [tilespmem:s30], [sflag:$0x6], $0x400, $0x38;
	[tilespmem:$0x15600] =	vst v63  }
0x161: {  	s29 =	sadd.s32 s16, s11;
	s30 =	simm.s32 $0x14A00  }
0x162: {  	[hbm4b:s29+s1] =	stream.linear.scatter [tilespmem:s30], [sflag:$0x6], $0x400, $0x38;
	[tilespmem:$0x15600] =	vst v63  }
0x163: {  	s29 =	sadd.s32 s16, s13;
	s30 =	simm.s32 $0x14E00  }
0x164: {  	[hbm4b:s29+s1] =	stream.linear.scatter [tilespmem:s30], [sflag:$0x6], $0x400, $0x38;
	[tilespmem:$0x15600] =	vst v63  }
0x165: {  	p0 =	seq.s32 s17, $0x31;
	s16 =	sadd.s32 s16, s14;
	s29 =	simm.s32 $0x15200  }
0x166: {  	[hbm4b:s16+s1] =	stream.linear.scatter [tilespmem:s29], [sflag:$0x6], $0x400, $0x38;
	[tilespmem:$0x15600] =	vst v63  }
0x167: {  	s18 =	simm.s32 @!p0 $0x80;
	s28 =	simm.s32 @!p0 $0xB600;
	s16 =	sadd.s32 @!p0 $0x280, s12  }
0x168: {  	[tilespmem:s28], [sflag:$0x2] =	stream.indirect.gather @!p0 [hbm4b:s3+s18], $0x40, s16, s18, $0xb8;
	[tilespmem:$0x15600] =	vst v63  }
0x169: {  	_ =	swait.ge [sflag:s31], $0x2000  }
0x16a: {  	[sflag:s31] =	ssyncset.done $0x0  }
0x16b: {  	[sflag:s31] =	ssyncadd.s32 $0xFFFFE000  }
0x16c: {  	_ =	swait.ge [sflag:s0], $0x400  }
0x16d: {  	[sflag:s0] =	ssyncset.done $0x0  }
0x16e: {  	[sflag:s0] =	ssyncadd.s32 $0xFFFFFC00  }
0x16f: {  	_ =	swait.ge [sflag:s0], $0x400  }
0x170: {  	s16 =	simm.s32 $0x0;
	[sflag:s0] =	ssyncset.done $0x0  }
0x171: {  	s18 =	sand.u32 $0xC, s16;
	[sflag:s0] =	ssyncadd.s32 $0xFFFFFC00  }
0x172: {  	s30 =	sor.u32 $0x1, s18;
	s29 =	sor.u32 $0x2, s18;
	v10 =	vadd.s32 s18, v0;
	_ =	swait.ge [sflag:s0], $0x400  }
0x173: {  	v8 =	vadd.s32 s30, v0;
	v9 =	vadd.s32 s29, v0;
	v14 =	vand.u32 $0xF, v10;
	[sflag:s0] =	ssyncset.done $0x0  }
0x174: {  	s30 =	sand.u32 $0x70, s16;
	v35 =	vand.u32 $0x7, v10;
	v11 =	vand.u32 $0xF, v8;
	v12 =	vand.u32 $0xF, v9;
	[sflag:s0] =	ssyncadd.s32 $0xFFFFFC00  }
0x175: {  	s18 =	sor.u32 $0x3, s18;
	v22 =	vand.u32 $0x7, v8;
	v25 =	vor.u32 s30, v14;
	v34 =	vand.u32 $0x7, v9;
	_ =	swait.ge [sflag:s0], $0x400  }
0x176: {  	v15 =	vor.u32 s30, v11;
	v16 =	vor.u32 s30, v12;
	v11 =	vadd.s32 s18, v0;
	[sflag:s0] =	ssyncset.done $0x0  }
0x177: {  	v36 =	vshll.u32 v25, $0x6;
	v57 =	vor.u32 v3, v25;
	v17 =	vshll.u32 v15, $0x6;
	[sflag:s0] =	ssyncadd.s32 $0xFFFFFC00  }
0x178: {  	s16 =	simm.s32 $0x4;
	v18 =	vshll.u32 v16, $0x6;
	v19 =	vand.u32 $0x7, v11;
	v13 =	vor.u32 v7, v15;
	_ =	swait.ge [sflag:s0], $0x400  }
0x179: {  	s18 =	sand.u32 $0xC, s16;
	v21 =	vor.u32 v1, v15;
	v11 =	vand.u32 $0xF, v11;
	v27 =	vor.u32 v3, v15;
	[sflag:s0] =	ssyncset.done $0x0  }
0x17a: {  	v31 =	vadd.s32 s18, v0;
	v9 =	vor.u32 v1, v16;
	v56 =	vor.u32 v0, v36;
	[sflag:s0] =	ssyncadd.s32 $0xFFFFFC00  }
0x17b: {  	v40 =	vand.u32 $0xFF8, v57;
	v46 =	vor.u32 v5, v16;
	v50 =	vor.u32 v7, v16;
	_ =	swait.ge [sflag:s0], $0x400  }
0x17c: {  	v15 =	vor.u32 v5, v15;
	v16 =	vor.u32 v3, v16;
	v55 =	vor.u32 v4, v36;
	[sflag:s0] =	ssyncset.done $0x0  }
0x17d: {  	s29 =	sor.u32 $0x1, s18;
	v12 =	vor.u32 v0, v17;
	v20 =	vor.u32 v0, v18;
	v26 =	vor.u32 s30, v11;
	[sflag:s0] =	ssyncadd.s32 $0xFFFFFC00  }
0x17e: {  	v8 =	vand.u32 $0x1FF8, v13;
	v29 =	vadd.s32 s29, v0;
	v9 =	vand.u32 $0x7F8, v9;
	_ =	swait.ge [sflag:s0], $0x400  }
0x17f: {  	v10 =	vand.u32 $0x7F8, v21;
	v58 =	vor.u32 v2, v17;
	v40 =	vor.u32 v35, v40;
	[sflag:s0] =	ssyncset.done $0x0  }
0x180: {  	s30 =	sor.u32 $0x2, s18;
	s18 =	sor.u32 $0x3, s18;
	v48 =	vor.u32 v2, v18;
	v27 =	vand.u32 $0xFF8, v27;
	v16 =	vand.u32 $0xFF8, v16;
	[sflag:s0] =	ssyncadd.s32 $0xFFFFFC00  }
0x181: {  	v32 =	vadd.s32 s30, v0;
	v33 =	vadd.s32 s18, v0;
	s18 =	sor.u32 $0x2, s15;
	v21 =	vshll.u32 v26, $0x6;
	_ =	swait.ge [sflag:s0], $0x400  }
0x182: {  	s29 =	sand.u32 $0x70, s16;
	v11 =	vand.u32 $0xF, v29;
	v63 =	vor.u32 v22, v10;
	s30 =	sshll.u32 s18, $0x6;
	v10 =	vor.u32 v0, v21;
	[sflag:s0] =	ssyncset.done $0x0  }
0x183: {  	v15 =	vand.u32 $0x17F8, v15;
	v24 =	vor.u32 s29, v11;
	v11 =	vand.u32 $0xF, v31;
	s28 =	sand.u32 $0x3FFFFFC0, s30;
	[sflag:s0] =	ssyncadd.s32 $0xFFFFFC00  }
0x184: {  	v8 =	vor.u32 v22, v8;
	v38 =	vor.u32 v34, v9;
	v14 =	vor.u32 s29, v11;
	v11 =	vld [tilespmem:s28+$0x6400]  }
0x185: {  	v59 =	vor.u32 v1, v26;
	v60 =	vor.u32 v7, v26;
	v61 =	vor.u32 v3, v26;
	v9 =	vld.idx.msk [tilespmem:v20+s23+$0x0], $0xffff  }
0x186: {  	v27 =	vor.u32 v22, v27;
	v16 =	vor.u32 v34, v16;
	v29 =	vand.u32 $0x7, v29;
	v12 =	vld.idx.msk [tilespmem:v12+s23+$0x0], $0xffff  }
0x187: {  	v13 =	vand.u32 $0xF, v32;
	v28 =	vand.u32 $0xF, v33;
	v30 =	vor.u32 v6, v21;
	v49 =	vld.idx.msk [tilespmem:v10+s23+$0x0], $0xffff  }
0x188: {  	v43 =	vand.u32 $0x1FF8, v60;
	v23 =	vor.u32 s29, v13;
	v13 =	vor.u32 v1, v25  }
0x189: {  	v42 =	vand.u32 $0x7F8, v59;
	v52 =	vor.u32 v2, v21;
	v13 =	vand.u32 $0x7F8, v13  }
0x18a: {  	v42 =	vor.u32 v19, v42;
	v45 =	vor.u32 v35, v13;
	v20 =	vor.u32 v2, v36;
	v39 =	vld.idx.msk [tilespmem:v56+s23+$0x0], $0xffff  }
0x18b: {  	v13 =	vld [tilespmem:s28+$0x6410];
	v10 =	vor.u32 v19, v43;
	v36 =	vor.u32 v6, v36;
	v62 =	vadd.f32 v12, v11  }
0x18c: {  	v47 =	vadd.f32 v9, v11;
	v9 =	vor.u32 v5, v25;
	v12 =	vld [tilespmem:s28+$0x6420];
	v54 =	vadd.f32 v49, v11  }
0x18d: {  	v49 =	vor.u32 v22, v15;
	v15 =	vand.u32 $0x1FF8, v50;
	v51 =	vand.u32 $0x17F8, v9;
	v9 =	vld [tilespmem:s28+$0x6430];
	[tilespmem:v63+s26+$0x0] =	vst.idx.msk $0xffff, v62  }
0x18e: {  	v22 =	vand.u32 $0xFF8, v61;
	v50 =	vor.u32 v6, v17;
	v63 =	vor.u32 v4, v17;
	[tilespmem:v38+s26+$0x0] =	vst.idx.msk $0xffff, v47  }
0x18f: {  	v47 =	vor.u32 v34, v15;
	v15 =	vor.u32 v5, v26;
	v17 =	vadd.f32 v39, v11  }
0x190: {  	v26 =	vor.u32 v19, v22;
	v39 =	vor.u32 v6, v18;
	v18 =	vor.u32 v4, v18;
	v41 =	vld.idx.msk [tilespmem:v58+s23+$0x0], $0xffff  }
0x191: {  	v28 =	vor.u32 s29, v28;
	[tilespmem:v42+s26+$0x0] =	vst.idx.msk $0xffff, v54;
	v56 =	vld.idx.msk [tilespmem:v48+s23+$0x0], $0xffff;
	v48 =	vor.u32 v35, v51;
	v15 =	vand.u32 $0x17F8, v15  }
0x192: {  	v60 =	vld.idx.msk [tilespmem:v52+s23+$0x0], $0xffff;
	v51 =	vor.u32 v19, v15;
	[tilespmem:v45+s26+$0x0] =	vst.idx.msk $0xffff, v17;
	v15 =	vand.u32 $0x17F8, v46;
	v19 =	vshll.u32 v23, $0x6  }
0x193: {  	v45 =	vor.u32 v3, v24;
	v34 =	vor.u32 v34, v15;
	v15 =	vor.u32 v7, v25  }
0x194: {  	v58 =	vor.u32 v0, v19;
	v25 =	vor.u32 v1, v23;
	v15 =	vand.u32 $0x1FF8, v15  }
0x195: {  	v15 =	vor.u32 v35, v15;
	v35 =	vshll.u32 v24, $0x6;
	v17 =	vadd.f32 v41, v13  }
0x196: {  	v22 =	vadd.f32 v56, v13;
	v41 =	vor.u32 v4, v21;
	v57 =	vor.u32 v0, v35  }
0x197: {  	v21 =	vld.idx.msk [tilespmem:v20+s23+$0x0], $0xffff;
	v20 =	vand.u32 $0x7, v32;
	v53 =	vor.u32 v2, v35;
	v32 =	vadd.f32 v60, v13  }
0x198: {  	v42 =	vand.u32 $0x7, v33;
	v56 =	vor.u32 v7, v28;
	v60 =	vor.u32 v5, v14;
	[tilespmem:v16+s26+$0x0] =	vst.idx.msk $0xffff, v22  }
0x199: {  	v16 =	vor.u32 v7, v24;
	[tilespmem:v27+s26+$0x0] =	vst.idx.msk $0xffff, v17;
	v17 =	vor.u32 v1, v24;
	v22 =	vshll.u32 v14, $0x6  }
0x19a: {  	v27 =	vand.u32 $0x7F8, v25;
	v25 =	vshll.u32 v28, $0x6;
	[tilespmem:v26+s26+$0x0] =	vst.idx.msk $0xffff, v32;
	v32 =	vor.u32 v3, v28  }
0x19b: {  	v43 =	vld.idx.msk [tilespmem:v58+s23+$0x0], $0xffff;
	v26 =	vand.u32 $0x1FF8, v56;
	v56 =	vor.u32 v7, v23;
	v24 =	vor.u32 v5, v24  }
0x19c: {  	v16 =	vand.u32 $0x1FF8, v16;
	v59 =	vld.idx.msk [tilespmem:v18+s23+$0x0], $0xffff;
	v18 =	vand.u32 $0x7, v31;
	v17 =	vand.u32 $0x7F8, v17  }
0x19d: {  	v31 =	vld.idx.msk [tilespmem:v63+s23+$0x0], $0xffff;
	v46 =	vor.u32 v0, v22;
	v63 =	vor.u32 v0, v25;
	v26 =	vor.u32 v42, v26  }
0x19e: {  	v24 =	vand.u32 $0x17F8, v24;
	v16 =	vor.u32 v29, v16;
	v21 =	vadd.f32 v21, v13  }
0x19f: {  	v62 =	vor.u32 v29, v17;
	v33 =	vld.idx.msk [tilespmem:v57+s23+$0x0], $0xffff;
	v57 =	vor.u32 v5, v23;
	v23 =	vor.u32 v3, v23  }
0x1a0: {  	v17 =	vor.u32 v6, v25;
	v23 =	vand.u32 $0xFF8, v23;
	[tilespmem:v40+s26+$0x0] =	vst.idx.msk $0xffff, v21;
	v21 =	vor.u32 v1, v14  }
0x1a1: {  	v41 =	vld.idx.msk [tilespmem:v41+s23+$0x0], $0xffff;
	v40 =	vor.u32 v20, v27;
	v27 =	vor.u32 v2, v22;
	v43 =	vadd.f32 v43, v11  }
0x1a2: {  	v38 =	vor.u32 v20, v23;
	v23 =	vor.u32 v29, v24;
	v24 =	vand.u32 $0x1FF8, v56;
	v61 =	vld.idx.msk [tilespmem:v55+s23+$0x0], $0xffff  }
0x1a3: {  	v44 =	vadd.f32 v59, v12;
	v54 =	vand.u32 $0x7F8, v21;
	v21 =	vor.u32 v3, v14;
	v52 =	vld.idx.msk [tilespmem:v63+s23+$0x0], $0xffff  }
0x1a4: {  	v55 =	vadd.f32 v31, v12;
	v31 =	vor.u32 v1, v28;
	v46 =	vld.idx.msk [tilespmem:v46+s23+$0x0], $0xffff;
	v28 =	vor.u32 v5, v28  }
0x1a5: {  	v21 =	vand.u32 $0xFF8, v21;
	v54 =	vor.u32 v18, v54;
	[tilespmem:v34+s26+$0x0] =	vst.idx.msk $0xffff, v44;
	v33 =	vadd.f32 v33, v11  }
0x1a6: {  	v28 =	vand.u32 $0x17F8, v28;
	v21 =	vor.u32 v18, v21;
	v44 =	vor.u32 v2, v19;
	[tilespmem:v49+s26+$0x0] =	vst.idx.msk $0xffff, v55  }
0x1a7: {  	v63 =	vadd.f32 v41, v12;
	v58 =	vld.idx.msk [tilespmem:v39+s23+$0x0], $0xffff;
	[tilespmem:v62+s26+$0x0] =	vst.idx.msk $0xffff, v33;
	v37 =	vadd.f32 v61, v12  }
0x1a8: {  	v28 =	vor.u32 v42, v28;
	v39 =	vor.u32 v20, v24;
	[tilespmem:v40+s26+$0x0] =	vst.idx.msk $0xffff, v43  }
0x1a9: {  	v24 =	vor.u32 v6, v35;
	v62 =	vand.u32 $0x7F8, v31;
	v61 =	vand.u32 $0xFF8, v45;
	v43 =	vld.idx.msk [tilespmem:v53+s23+$0x0], $0xffff;
	[tilespmem:v48+s26+$0x0] =	vst.idx.msk $0xffff, v37  }
0x1aa: {  	v45 =	vand.u32 $0x17F8, v60;
	v60 =	vor.u32 v42, v62;
	v34 =	vor.u32 v29, v61;
	v61 =	vld.idx.msk [tilespmem:v36+s23+$0x0], $0xffff  }
0x1ab: {  	v41 =	vld.idx.msk [tilespmem:v50+s23+$0x0], $0xffff;
	v33 =	vor.u32 v2, v25;
	[tilespmem:v51+s26+$0x0] =	vst.idx.msk $0xffff, v63;
	v63 =	vadd.f32 v46, v11  }
0x1ac: {  	v31 =	vor.u32 v4, v35;
	v59 =	vadd.f32 v52, v11;
	v44 =	vld.idx.msk [tilespmem:v44+s23+$0x0], $0xffff;
	v62 =	vadd.f32 v58, v9  }
0x1ad: {  	v32 =	vand.u32 $0xFF8, v32;
	v29 =	vor.u32 v18, v45;
	v37 =	vor.u32 v4, v22;
	[tilespmem:v54+s26+$0x0] =	vst.idx.msk $0xffff, v63  }
0x1ae: {  	v40 =	vld.idx.msk [tilespmem:v30+s23+$0x0], $0xffff;
	v36 =	vor.u32 v42, v32;
	v32 =	vor.u32 v6, v19;
	[tilespmem:v47+s26+$0x0] =	vst.idx.msk $0xffff, v62  }
0x1af: {  	v30 =	vand.u32 $0x17F8, v57;
	[tilespmem:v60+s26+$0x0] =	vst.idx.msk $0xffff, v59;
	v42 =	vadd.f32 v43, v13;
	v43 =	vadd.f32 v61, v9  }
.LBB2_11:
0x1b0: {  	s16 =	sadd.s32 $0x4, s16;
	v35 =	vor.u32 v6, v22;
	v45 =	vor.u32 v20, v30;
	v20 =	vadd.f32 v41, v9;
	v30 =	vmovc v39  }
0x1b1: {  	v14 =	vor.u32 v7, v14;
	v22 =	vadd.f32 v44, v13;
	v39 =	vor.u32 v4, v19;
	s28 =	sand.u32 $0xC, s16;
	p1 =	slt.u32 s16, $0x7C  }
0x1b2: {  	v44 =	vor.u32 v4, v25;
	v14 =	vand.u32 $0x1FF8, v14;
	v41 =	vadd.s32 s28, v0;
	s29 =	sor.u32 $0x1, s28;
	s30 =	sor.u32 $0x2, s28;
	s28 =	sor.u32 $0x3, s28;
	[tilespmem:v15+s26+$0x0] =	vst.idx.msk $0xffff, v43  }
0x1b3: {  	v19 =	vadd.f32 v40, v9;
	v25 =	vadd.s32 s29, v0;
	v43 =	vadd.s32 s30, v0;
	[tilespmem:v38+s26+$0x0] =	vst.idx.msk $0xffff, v22  }
0x1b4: {  	v15 =	vor.u32 v18, v14;
	s29 =	sand.u32 $0x70, s16;
	v22 =	vand.u32 $0xF, v25;
	v38 =	vand.u32 $0xF, v43;
	v27 =	vld.idx.msk [tilespmem:v27+s23+$0x0], $0xffff;
	[tilespmem:v8+s26+$0x0] =	vst.idx.msk $0xffff, v20  }
0x1b5: {  	v8 =	vmovc v16;
	v40 =	vor.u32 s29, v22;
	v38 =	vor.u32 s29, v38;
	v22 =	vadd.s32 s28, v0;
	[tilespmem:v10+s26+$0x0] =	vst.idx.msk $0xffff, v19;
	v10 =	vmovc v26  }
0x1b6: {  	v46 =	vshll.u32 v40, $0x6;
	v19 =	vshll.u32 v38, $0x6;
	v47 =	vand.u32 $0x7, v22;
	[tilespmem:v34+s26+$0x0] =	vst.idx.msk $0xffff, v42;
	v26 =	vld.idx.msk [tilespmem:v39+s23+$0x0], $0xffff  }
0x1b7: {  	v14 =	vor.u32 v7, v40;
	v34 =	vor.u32 v0, v46;
	v39 =	vor.u32 v0, v19  }
0x1b8: {  	v48 =	vand.u32 $0x7, v25;
	v42 =	vor.u32 v1, v40;
	v14 =	vand.u32 $0x1FF8, v14  }
0x1b9: {  	v20 =	vand.u32 $0x7, v43;
	v49 =	vor.u32 v3, v40;
	v16 =	vor.u32 v48, v14  }
0x1ba: {  	v25 =	vor.u32 v1, v38;
	v14 =	vand.u32 $0xF, v41;
	v27 =	vadd.f32 v27, v13;
	v33 =	vld.idx.msk [tilespmem:v33+s23+$0x0], $0xffff  }
0x1bb: {  	v18 =	vand.u32 $0x7, v41;
	v41 =	vand.u32 $0xF, v22;
	v14 =	vor.u32 s29, v14;
	v31 =	vld.idx.msk [tilespmem:v31+s23+$0x0], $0xffff  }
0x1bc: {  	v43 =	vand.u32 $0x7F8, v25;
	v50 =	vor.u32 s29, v41;
	v22 =	vshll.u32 v14, $0x6;
	[tilespmem:v21+s26+$0x0] =	vst.idx.msk $0xffff, v27  }
0x1bd: {  	v25 =	vshll.u32 v50, $0x6;
	v21 =	vor.u32 v1, v14;
	v27 =	vand.u32 $0x7F8, v42;
	v37 =	vld.idx.msk [tilespmem:v37+s23+$0x0], $0xffff  }
0x1be: {  	v42 =	vor.u32 v20, v43;
	v43 =	vor.u32 v6, v25;
	v41 =	vor.u32 v48, v27;
	v34 =	vld.idx.msk [tilespmem:v34+s23+$0x0], $0xffff  }
0x1bf: {  	v51 =	vor.u32 v0, v22;
	v52 =	vor.u32 v0, v25;
	v27 =	vor.u32 v2, v22;
	v39 =	vld.idx.msk [tilespmem:v39+s23+$0x0], $0xffff  }
0x1c0: {  	v53 =	vor.u32 v2, v46;
	v26 =	vadd.f32 v26, v12;
	v33 =	vadd.f32 v33, v13  }
0x1c1: {  	v54 =	vand.u32 $0x7F8, v21;
	v21 =	vor.u32 v3, v14;
	v55 =	vadd.f32 v31, v12  }
0x1c2: {  	v56 =	vor.u32 v7, v50;
	v21 =	vand.u32 $0xFF8, v21;
	v31 =	vor.u32 v1, v50;
	[tilespmem:v36+s26+$0x0] =	vst.idx.msk $0xffff, v33  }
0x1c3: {  	v21 =	vor.u32 v18, v21;
	v36 =	vor.u32 v3, v50;
	v33 =	vadd.f32 v37, v12;
	v37 =	vld.idx.msk [tilespmem:v44+s23+$0x0], $0xffff  }
0x1c4: {  	v57 =	vor.u32 v5, v38;
	v54 =	vor.u32 v18, v54;
	v44 =	vand.u32 $0x1FF8, v56;
	[tilespmem:v45+s26+$0x0] =	vst.idx.msk $0xffff, v26  }
0x1c5: {  	v39 =	vadd.f32 v39, v11;
	v45 =	vor.u32 v2, v19;
	v26 =	vor.u32 v47, v44;
	v52 =	vld.idx.msk [tilespmem:v52+s23+$0x0], $0xffff  }
0x1c6: {  	v34 =	vadd.f32 v34, v11;
	v56 =	vor.u32 v7, v38;
	v44 =	vor.u32 v5, v14;
	v32 =	vld.idx.msk [tilespmem:v32+s23+$0x0], $0xffff  }
0x1c7: {  	v40 =	vor.u32 v5, v40;
	v58 =	vand.u32 $0x17F8, v44;
	v44 =	vand.u32 $0xFF8, v49;
	v51 =	vld.idx.msk [tilespmem:v51+s23+$0x0], $0xffff;
	[tilespmem:v29+s26+$0x0] =	vst.idx.msk $0xffff, v33  }
0x1c8: {  	v29 =	vand.u32 $0x7F8, v31;
	v33 =	vor.u32 v2, v25;
	[tilespmem:v41+s26+$0x0] =	vst.idx.msk $0xffff, v34;
	v34 =	vor.u32 v48, v44  }
0x1c9: {  	v38 =	vor.u32 v3, v38;
	v31 =	vor.u32 v4, v46;
	[tilespmem:v23+s26+$0x0] =	vst.idx.msk $0xffff, v55  }
0x1ca: {  	v38 =	vand.u32 $0xFF8, v38;
	v37 =	vadd.f32 v37, v12;
	v23 =	vand.u32 $0x17F8, v40;
	v49 =	vld.idx.msk [tilespmem:v53+s23+$0x0], $0xffff;
	[tilespmem:v42+s26+$0x0] =	vst.idx.msk $0xffff, v39  }
0x1cb: {  	v38 =	vor.u32 v20, v38;
	v42 =	vadd.f32 v52, v11;
	v52 =	vor.u32 v47, v29;
	v35 =	vld.idx.msk [tilespmem:v35+s23+$0x0], $0xffff  }
0x1cc: {  	v36 =	vand.u32 $0xFF8, v36;
	v23 =	vor.u32 v48, v23;
	v29 =	vand.u32 $0x1FF8, v56;
	v41 =	vld.idx.msk [tilespmem:v24+s23+$0x0], $0xffff;
	[tilespmem:v28+s26+$0x0] =	vst.idx.msk $0xffff, v37  }
.Ltmp5:
0x1cd: {  	v39 =	vor.u32 v20, v29;
	v37 =	vor.u32 v4, v22;
	v28 =	vadd.f32 v32, v9;
	v44 =	vld.idx.msk [tilespmem:v45+s23+$0x0], $0xffff;
	(pc) =	sbr.rel @p1 .LBB2_11-.Ltmp5, $4  }
0x1ce: {  	v29 =	vor.u32 v18, v58;
	v24 =	vor.u32 v6, v46;
	v32 =	vor.u32 v5, v50;
	v40 =	vld.idx.msk [tilespmem:v17+s23+$0x0], $0xffff  }
0x1cf: {  	v36 =	vor.u32 v47, v36;
	v45 =	vadd.f32 v51, v11;
	v46 =	vand.u32 $0x17F8, v32;
	[tilespmem:v30+s26+$0x0] =	vst.idx.msk $0xffff, v28  }
0x1d0: {  	v32 =	vor.u32 v6, v19;
	v17 =	vmov v43;
	v28 =	vor.u32 v47, v46;
	[tilespmem:v52+s26+$0x0] =	vst.idx.msk $0xffff, v42  }
0x1d1: {  	v30 =	vand.u32 $0x17F8, v57;
	v42 =	vadd.f32 v49, v13;
	v43 =	vadd.f32 v35, v9;
	[tilespmem:v54+s26+$0x0] =	vst.idx.msk $0xffff, v45  }
0x1d2: {  	_ =	sdelay $0x3  }
0x1d3: {  	v11 =	vld.idx.msk [tilespmem:v27+s23+$0x0], $0xffff;
	_ =	sdelay $0x1  }
0x1d4: {  	v19 =	vor.u32 v4, v19;
	v27 =	vld.idx.msk [tilespmem:v33+s23+$0x0], $0xffff;
	_ =	sdelay $0x1  }
0x1d5: {  	v55 =	vadd.f32 v44, v13  }
0x1d6: {  	v25 =	vor.u32 v4, v25;
	v11 =	vadd.f32 v11, v13  }
0x1d7: {  	[tilespmem:v38+s26+$0x0] =	vst.idx.msk $0xffff, v55  }
0x1d8: {  	v19 =	vld.idx.msk [tilespmem:v19+s23+$0x0], $0xffff;
	[tilespmem:v21+s26+$0x0] =	vst.idx.msk $0xffff, v11;
	v11 =	vadd.f32 v27, v13  }
0x1d9: {  	[tilespmem:v34+s26+$0x0] =	vst.idx.msk $0xffff, v42;
	v13 =	vld.idx.msk [tilespmem:v37+s23+$0x0], $0xffff  }
0x1da: {  	v20 =	vor.u32 v20, v30;
	v21 =	vld.idx.msk [tilespmem:v31+s23+$0x0], $0xffff;
	[tilespmem:v36+s26+$0x0] =	vst.idx.msk $0xffff, v11  }
0x1db: {  	v11 =	vld.idx.msk [tilespmem:v25+s23+$0x0], $0xffff  }
0x1dc: {  	v22 =	vor.u32 v6, v22  }
0x1dd: {  	v19 =	vadd.f32 v19, v12  }
0x1de: {  	v13 =	vadd.f32 v13, v12  }
0x1df: {  	v21 =	vadd.f32 v21, v12;
	[tilespmem:v20+s26+$0x0] =	vst.idx.msk $0xffff, v19  }
0x1e0: {  	v19 =	vld.idx.msk [tilespmem:v32+s23+$0x0], $0xffff;
	[tilespmem:v29+s26+$0x0] =	vst.idx.msk $0xffff, v13;
	v11 =	vadd.f32 v11, v12  }
0x1e1: {  	[tilespmem:v23+s26+$0x0] =	vst.idx.msk $0xffff, v21;
	v12 =	vor.u32 v7, v14;
	v13 =	vld.idx.msk [tilespmem:v22+s23+$0x0], $0xffff  }
0x1e2: {  	v14 =	vld.idx.msk [tilespmem:v24+s23+$0x0], $0xffff;
	v12 =	vand.u32 $0x1FF8, v12;
	[tilespmem:v28+s26+$0x0] =	vst.idx.msk $0xffff, v11  }
0x1e3: {  	v11 =	vadd.f32 v41, v9;
	v12 =	vor.u32 v18, v12;
	v17 =	vld.idx.msk [tilespmem:v17+s23+$0x0], $0xffff  }
0x1e4: {  	[tilespmem:v15+s26+$0x0] =	vst.idx.msk $0xffff, v43;
	v15 =	vadd.f32 v40, v9  }
0x1e5: {  	[tilespmem:v8+s26+$0x0] =	vst.idx.msk $0xffff, v11;
	v8 =	vadd.f32 v19, v9  }
0x1e6: {  	[tilespmem:v10+s26+$0x0] =	vst.idx.msk $0xffff, v15;
	v10 =	vadd.f32 v13, v9  }
0x1e7: {  	s16 =	sshll.u32 s18, $0x12;
	[tilespmem:v39+s26+$0x0] =	vst.idx.msk $0xffff, v8;
	v8 =	vadd.f32 v14, v9  }
0x1e8: {  	s16 =	sor.u32 s6, s16;
	[tilespmem:v12+s26+$0x0] =	vst.idx.msk $0xffff, v10;
	v9 =	vadd.f32 v17, v9  }
0x1e9: {  	s16 =	sshrl.u32 s16, $0x3;
	[tilespmem:v16+s26+$0x0] =	vst.idx.msk $0xffff, v8  }
0x1ea: {  	s29 =	sadd.s32 s5, s16;
	[tilespmem:v26+s26+$0x0] =	vst.idx.msk $0xffff, v9  }
0x1eb: {  	[hbm4b:s29+s1] =	stream.linear.scatter [tilespmem:s26], [sflag:$0x5], $0x400, $0x38;
	[tilespmem:$0x15600] =	vst v63  }
0x1ec: {  	s30 =	simm.s32 $0x11A00;
	s28 =	sadd.s32 s16, s7  }
0x1ed: {  	[hbm4b:s28+s1] =	stream.linear.scatter [tilespmem:s30], [sflag:$0x5], $0x400, $0x38;
	[tilespmem:$0x15600] =	vst v63  }
0x1ee: {  	s29 =	sadd.s32 s16, s8;
	s28 =	simm.s32 $0x11E00  }
0x1ef: {  	[hbm4b:s29+s1] =	stream.linear.scatter [tilespmem:s28], [sflag:$0x5], $0x400, $0x38;
	[tilespmem:$0x15600] =	vst v63  }
0x1f0: {  	s18 =	sadd.s32 s16, s9;
	s29 =	simm.s32 $0x12200  }
0x1f1: {  	[hbm4b:s18+s1] =	stream.linear.scatter [tilespmem:s29], [sflag:$0x5], $0x400, $0x38;
	[tilespmem:$0x15600] =	vst v63  }
0x1f2: {  	s18 =	sadd.s32 s16, s10;
	s29 =	simm.s32 $0x12600  }
0x1f3: {  	[hbm4b:s18+s1] =	stream.linear.scatter [tilespmem:s29], [sflag:$0x5], $0x400, $0x38;
	[tilespmem:$0x15600] =	vst v63  }
0x1f4: {  	s18 =	sadd.s32 s16, s11;
	s29 =	simm.s32 $0x12A00  }
0x1f5: {  	[hbm4b:s18+s1] =	stream.linear.scatter [tilespmem:s29], [sflag:$0x5], $0x400, $0x38;
	[tilespmem:$0x15600] =	vst v63  }
0x1f6: {  	s18 =	sadd.s32 s16, s13;
	s29 =	simm.s32 $0x12E00  }
0x1f7: {  	[hbm4b:s18+s1] =	stream.linear.scatter [tilespmem:s29], [sflag:$0x5], $0x400, $0x38;
	[tilespmem:$0x15600] =	vst v63  }
0x1f8: {  	s28 =	simm.s32 $0x13200;
	s16 =	sadd.s32 s16, s14  }
0x1f9: {  	[hbm4b:s16+s1] =	stream.linear.scatter [tilespmem:s28], [sflag:$0x5], $0x400, $0x38;
	[tilespmem:$0x15600] =	vst v63  }
0x1fa: {  	s12 =	sadd.s32 @!p0 $0x300, s12;
	s18 =	simm.s32 @!p0 $0xD600;
	s16 =	simm.s32 @!p0 $0x80  }
0x1fb: {  	[tilespmem:s18], [sflag:$0x3] =	stream.indirect.gather @!p0 [hbm4b:s3+s16], $0x40, s12, s16, $0xb8;
	[tilespmem:$0x15600] =	vst v63  }
0x1fc: {  	_ =	swait.ge [sflag:s2], $0x2000  }
0x1fd: {  	[sflag:s2] =	ssyncset.done $0x0  }
0x1fe: {  	[sflag:s2] =	ssyncadd.s32 $0xFFFFE000  }
0x1ff: {  	_ =	swait.ge [sflag:s22], $0x400  }
0x200: {  	[sflag:s22] =	ssyncset.done $0x0  }
0x201: {  	s12 =	simm.s32 $0x0;
	[sflag:s22] =	ssyncadd.s32 $0xFFFFFC00  }
0x202: {  	s16 =	sand.u32 $0xC, s12;
	_ =	swait.ge [sflag:s22], $0x400  }
0x203: {  	s18 =	sor.u32 $0x1, s16;
	s29 =	sor.u32 $0x2, s16;
	[sflag:s22] =	ssyncset.done $0x0  }
0x204: {  	v10 =	vadd.s32 s16, v0;
	v8 =	vadd.s32 s18, v0;
	v9 =	vadd.s32 s29, v0;
	[sflag:s22] =	ssyncadd.s32 $0xFFFFFC00  }
0x205: {  	s12 =	sand.u32 $0x70, s12;
	v13 =	vand.u32 $0xF, v10;
	v34 =	vand.u32 $0x7, v10;
	v11 =	vand.u32 $0xF, v8;
	_ =	swait.ge [sflag:s22], $0x400  }
0x206: {  	s16 =	sor.u32 $0x3, s16;
	v12 =	vand.u32 $0xF, v9;
	v18 =	vor.u32 s12, v13;
	v27 =	vand.u32 $0x7, v8;
	[sflag:s22] =	ssyncset.done $0x0  }
0x207: {  	v33 =	vand.u32 $0x7, v9;
	v15 =	vor.u32 s12, v11;
	v11 =	vadd.s32 s16, v0;
	[sflag:s22] =	ssyncadd.s32 $0xFFFFFC00  }
0x208: {  	v16 =	vor.u32 s12, v12;
	v35 =	vshll.u32 v18, $0x6;
	v12 =	vand.u32 $0xF, v11;
	_ =	swait.ge [sflag:s22], $0x400  }
0x209: {  	s18 =	simm.s32 $0x4;
	v21 =	vshll.u32 v15, $0x6;
	v22 =	vshll.u32 v16, $0x6;
	v25 =	vand.u32 $0x7, v11;
	[sflag:s22] =	ssyncset.done $0x0  }
0x20a: {  	s16 =	sand.u32 $0xC, s18;
	v11 =	vor.u32 v7, v15;
	v26 =	vor.u32 v1, v15;
	v29 =	vor.u32 v3, v15;
	[sflag:s22] =	ssyncadd.s32 $0xFFFFFC00  }
0x20b: {  	v31 =	vadd.s32 s16, v0;
	v9 =	vor.u32 v1, v16;
	v58 =	vor.u32 v0, v35;
	_ =	swait.ge [sflag:s22], $0x400  }
0x20c: {  	v40 =	vor.u32 v2, v35;
	v46 =	vor.u32 v5, v16;
	v50 =	vor.u32 v7, v16;
	[sflag:s22] =	ssyncset.done $0x0  }
0x20d: {  	s28 =	sor.u32 $0x1, s16;
	s29 =	sor.u32 $0x2, s16;
	v15 =	vor.u32 v5, v15;
	v16 =	vor.u32 v3, v16;
	v19 =	vor.u32 s12, v12;
	[sflag:s22] =	ssyncadd.s32 $0xFFFFFC00  }
0x20e: {  	v20 =	vadd.s32 s28, v0;
	v17 =	vadd.s32 s29, v0;
	v12 =	vor.u32 v0, v21;
	_ =	swait.ge [sflag:s22], $0x400  }
0x20f: {  	v13 =	vor.u32 v0, v22;
	v8 =	vand.u32 $0x1FF8, v11;
	v9 =	vand.u32 $0x7F8, v9;
	[sflag:s22] =	ssyncset.done $0x0  }
0x210: {  	v10 =	vand.u32 $0x7F8, v26;
	v26 =	vor.u32 v1, v18;
	v59 =	vor.u32 v2, v21;
	[sflag:s22] =	ssyncadd.s32 $0xFFFFFC00  }
0x211: {  	v48 =	vor.u32 v2, v22;
	v29 =	vand.u32 $0xFF8, v29;
	v16 =	vand.u32 $0xFF8, v16;
	_ =	swait.ge [sflag:s22], $0x400  }
0x212: {  	s28 =	sor.u32 $0x3, s16;
	v55 =	vor.u32 v4, v21;
	v15 =	vand.u32 $0x17F8, v15;
	v8 =	vor.u32 v27, v8;
	[sflag:s22] =	ssyncset.done $0x0  }
0x213: {  	v32 =	vadd.s32 s28, v0;
	v11 =	vand.u32 $0xF, v20;
	v14 =	vand.u32 $0xF, v17;
	[sflag:s22] =	ssyncadd.s32 $0xFFFFFC00  }
0x214: {  	s12 =	sor.u32 $0x3, s15;
	v36 =	vshll.u32 v19, $0x6;
	v56 =	vor.u32 v27, v10;
	v57 =	vor.u32 v33, v9;
	_ =	swait.ge [sflag:s22], $0x400  }
0x215: {  	s29 =	sand.u32 $0x70, s18;
	s15 =	sshll.u32 s12, $0x6;
	v26 =	vand.u32 $0x7F8, v26;
	v60 =	vor.u32 v1, v19;
	v10 =	vor.u32 v0, v36;
	[sflag:s22] =	ssyncset.done $0x0  }
0x216: {  	v61 =	vor.u32 v7, v19;
	v24 =	vor.u32 s29, v11;
	v11 =	vand.u32 $0xF, v31;
	s15 =	sand.u32 $0x3FFFFFC0, s15;
	[sflag:s22] =	ssyncadd.s32 $0xFFFFFC00  }
0x217: {  	v45 =	vor.u32 v3, v19;
	v23 =	vor.u32 s29, v14;
	v14 =	vor.u32 s29, v11;
	v11 =	vld [tilespmem:s15+$0x6400]  }
0x218: {  	v29 =	vor.u32 v27, v29;
	v16 =	vor.u32 v33, v16;
	v28 =	vand.u32 $0xF, v32;
	v12 =	vld.idx.msk [tilespmem:v12+s24+$0x0], $0xffff  }
0x219: {  	v30 =	vor.u32 v6, v36;
	v26 =	vor.u32 v34, v26;
	v43 =	vand.u32 $0x1FF8, v61;
	v9 =	vld.idx.msk [tilespmem:v13+s24+$0x0], $0xffff  }
0x21a: {  	v42 =	vand.u32 $0x7F8, v60;
	v52 =	vor.u32 v2, v36;
	v28 =	vor.u32 s29, v28;
	v49 =	vld.idx.msk [tilespmem:v10+s24+$0x0], $0xffff  }
0x21b: {  	v42 =	vor.u32 v25, v42;
	v61 =	vor.u32 v1, v14;
	v13 =	vor.u32 v3, v18  }
0x21c: {  	v54 =	vor.u32 v3, v14;
	v37 =	vand.u32 $0x7F8, v61;
	v39 =	vld.idx.msk [tilespmem:v58+s24+$0x0], $0xffff;
	v13 =	vand.u32 $0xFF8, v13  }
0x21d: {  	v61 =	vor.u32 v7, v23;
	v62 =	vor.u32 v34, v13;
	v13 =	vld [tilespmem:s15+$0x6410];
	v63 =	vadd.f32 v12, v11  }
0x21e: {  	v10 =	vor.u32 v25, v43;
	v47 =	vadd.f32 v9, v11;
	v9 =	vor.u32 v5, v18;
	v12 =	vld [tilespmem:s15+$0x6420]  }
0x21f: {  	v51 =	vand.u32 $0x17F8, v9;
	v9 =	vld [tilespmem:s15+$0x6430];
	[tilespmem:v56+s4+$0x0] =	vst.idx.msk $0xffff, v63;
	v56 =	vadd.f32 v49, v11;
	v49 =	vor.u32 v27, v15  }
0x220: {  	[tilespmem:v57+s4+$0x0] =	vst.idx.msk $0xffff, v47;
	v15 =	vand.u32 $0x1FF8, v50;
	v27 =	vand.u32 $0xFF8, v45;
	v57 =	vor.u32 v4, v35  }
0x221: {  	v50 =	vor.u32 v6, v21;
	v35 =	vor.u32 v6, v35;
	v47 =	vor.u32 v33, v15  }
0x222: {  	v58 =	vld.idx.msk [tilespmem:v48+s24+$0x0], $0xffff;
	v48 =	vor.u32 v34, v51;
	v15 =	vor.u32 v5, v19;
	v19 =	vadd.f32 v39, v11  }
0x223: {  	v21 =	vor.u32 v25, v27;
	v39 =	vor.u32 v6, v22;
	v15 =	vand.u32 $0x17F8, v15  }
0x224: {  	[tilespmem:v42+s4+$0x0] =	vst.idx.msk $0xffff, v56;
	v56 =	vor.u32 v7, v28;
	v51 =	vor.u32 v25, v15  }
0x225: {  	v41 =	vld.idx.msk [tilespmem:v59+s24+$0x0], $0xffff;
	[tilespmem:v26+s4+$0x0] =	vst.idx.msk $0xffff, v19;
	v15 =	vand.u32 $0x17F8, v46;
	v19 =	vshll.u32 v23, $0x6;
	v63 =	vand.u32 $0x1FF8, v56  }
0x226: {  	v26 =	vor.u32 v33, v15;
	v15 =	vor.u32 v7, v18;
	v18 =	vor.u32 v4, v22  }
0x227: {  	v33 =	vor.u32 v4, v36;
	v27 =	vld.idx.msk [tilespmem:v40+s24+$0x0], $0xffff;
	v36 =	vshll.u32 v24, $0x6;
	v40 =	vand.u32 $0x7, v20  }
0x228: {  	v20 =	vand.u32 $0x7, v17;
	v17 =	vor.u32 v1, v23;
	v56 =	vor.u32 v2, v19  }
0x229: {  	v15 =	vand.u32 $0x1FF8, v15;
	v59 =	vor.u32 v0, v36;
	v17 =	vand.u32 $0x7F8, v17  }
0x22a: {  	v43 =	vld.idx.msk [tilespmem:v52+s24+$0x0], $0xffff;
	v53 =	vor.u32 v2, v36;
	v25 =	vadd.f32 v41, v13;
	v22 =	vadd.f32 v58, v13  }
0x22b: {  	v15 =	vor.u32 v34, v15;
	v41 =	vor.u32 v3, v24;
	v45 =	vor.u32 v20, v17  }
0x22c: {  	v58 =	vor.u32 v5, v23;
	v23 =	vor.u32 v3, v23;
	[tilespmem:v16+s4+$0x0] =	vst.idx.msk $0xffff, v22  }
0x22d: {  	v42 =	vand.u32 $0x7, v32;
	v16 =	vor.u32 v7, v24;
	[tilespmem:v29+s4+$0x0] =	vst.idx.msk $0xffff, v25;
	v29 =	vor.u32 v0, v19  }
0x22e: {  	v25 =	vor.u32 v1, v24;
	v22 =	vshll.u32 v14, $0x6;
	v60 =	vld.idx.msk [tilespmem:v18+s24+$0x0], $0xffff;
	v27 =	vadd.f32 v27, v13  }
0x22f: {  	v43 =	vadd.f32 v43, v13;
	v24 =	vor.u32 v5, v24;
	v18 =	vand.u32 $0x7, v31;
	v31 =	vld.idx.msk [tilespmem:v55+s24+$0x0], $0xffff  }
0x230: {  	v23 =	vand.u32 $0xFF8, v23;
	v16 =	vand.u32 $0x1FF8, v16;
	v46 =	vor.u32 v0, v22;
	v32 =	vld.idx.msk [tilespmem:v59+s24+$0x0], $0xffff;
	[tilespmem:v62+s4+$0x0] =	vst.idx.msk $0xffff, v27  }
0x231: {  	v16 =	vor.u32 v40, v16;
	[tilespmem:v21+s4+$0x0] =	vst.idx.msk $0xffff, v43;
	v27 =	vand.u32 $0x7F8, v25;
	v25 =	vshll.u32 v28, $0x6;
	v38 =	vld.idx.msk [tilespmem:v57+s24+$0x0], $0xffff  }
0x232: {  	v43 =	vor.u32 v3, v28;
	v44 =	vor.u32 v40, v27;
	v62 =	vor.u32 v0, v25  }
0x233: {  	v17 =	vor.u32 v6, v25;
	v27 =	vor.u32 v2, v22;
	v57 =	vor.u32 v18, v37  }
0x234: {  	v29 =	vld.idx.msk [tilespmem:v29+s24+$0x0], $0xffff;
	v34 =	vadd.f32 v60, v12;
	v55 =	vadd.f32 v31, v12;
	v31 =	vand.u32 $0xFF8, v54  }
0x235: {  	v54 =	vor.u32 v1, v28;
	v60 =	vor.u32 v5, v14;
	v28 =	vor.u32 v5, v28  }
0x236: {  	v21 =	vor.u32 v18, v31;
	v32 =	vadd.f32 v32, v11;
	v31 =	vadd.f32 v38, v12;
	v38 =	vld.idx.msk [tilespmem:v33+s24+$0x0], $0xffff  }
0x237: {  	v24 =	vand.u32 $0x17F8, v24;
	v54 =	vand.u32 $0x7F8, v54;
	[tilespmem:v26+s4+$0x0] =	vst.idx.msk $0xffff, v34;
	v26 =	vor.u32 v42, v63;
	v37 =	vld.idx.msk [tilespmem:v62+s24+$0x0], $0xffff  }
0x238: {  	v28 =	vand.u32 $0x17F8, v28;
	v63 =	vand.u32 $0x17F8, v60;
	[tilespmem:v49+s4+$0x0] =	vst.idx.msk $0xffff, v55;
	v60 =	vor.u32 v42, v54;
	v59 =	vld.idx.msk [tilespmem:v39+s24+$0x0], $0xffff  }
0x239: {  	v46 =	vld.idx.msk [tilespmem:v46+s24+$0x0], $0xffff;
	v28 =	vor.u32 v42, v28;
	[tilespmem:v44+s4+$0x0] =	vst.idx.msk $0xffff, v32;
	v29 =	vadd.f32 v29, v11  }
0x23a: {  	v62 =	vand.u32 $0xFF8, v41;
	v33 =	vor.u32 v2, v25;
	v32 =	vor.u32 v6, v19;
	[tilespmem:v48+s4+$0x0] =	vst.idx.msk $0xffff, v31  }
0x23b: {  	v34 =	vor.u32 v40, v62;
	v31 =	vor.u32 v4, v36;
	[tilespmem:v45+s4+$0x0] =	vst.idx.msk $0xffff, v29;
	v45 =	vld.idx.msk [tilespmem:v53+s24+$0x0], $0xffff  }
0x23c: {  	v35 =	vld.idx.msk [tilespmem:v35+s24+$0x0], $0xffff;
	v29 =	vadd.f32 v38, v12;
	v38 =	vor.u32 v20, v23;
	v49 =	vadd.f32 v37, v11  }
0x23d: {  	v41 =	vld.idx.msk [tilespmem:v50+s24+$0x0], $0xffff;
	v23 =	vor.u32 v40, v24;
	v24 =	vand.u32 $0x1FF8, v61;
	v62 =	vadd.f32 v59, v9  }
0x23e: {  	v44 =	vld.idx.msk [tilespmem:v56+s24+$0x0], $0xffff;
	v37 =	vor.u32 v4, v22;
	v39 =	vor.u32 v20, v24;
	[tilespmem:v51+s4+$0x0] =	vst.idx.msk $0xffff, v29  }
0x23f: {  	v61 =	vand.u32 $0xFF8, v43;
	v29 =	vor.u32 v18, v63;
	v63 =	vadd.f32 v46, v11;
	[tilespmem:v47+s4+$0x0] =	vst.idx.msk $0xffff, v62  }
0x240: {  	v24 =	vor.u32 v6, v36;
	v36 =	vor.u32 v42, v61;
	[tilespmem:v60+s4+$0x0] =	vst.idx.msk $0xffff, v49;
	v40 =	vld.idx.msk [tilespmem:v30+s24+$0x0], $0xffff  }
0x241: {  	v42 =	vadd.f32 v45, v13;
	v30 =	vand.u32 $0x17F8, v58;
	v43 =	vadd.f32 v35, v9;
	[tilespmem:v57+s4+$0x0] =	vst.idx.msk $0xffff, v63  }
.LBB2_13:
0x242: {  	s18 =	sadd.s32 $0x4, s18;
	v35 =	vor.u32 v6, v22;
	v45 =	vor.u32 v20, v30;
	v20 =	vadd.f32 v41, v9;
	v30 =	vmovc v39  }
0x243: {  	v14 =	vor.u32 v7, v14;
	v22 =	vadd.f32 v44, v13;
	v39 =	vor.u32 v4, v19;
	s15 =	sand.u32 $0xC, s18;
	p0 =	slt.u32 s18, $0x7C  }
0x244: {  	v44 =	vor.u32 v4, v25;
	v14 =	vand.u32 $0x1FF8, v14;
	v41 =	vadd.s32 s15, v0;
	s16 =	sor.u32 $0x1, s15;
	s28 =	sor.u32 $0x2, s15;
	s15 =	sor.u32 $0x3, s15;
	[tilespmem:v15+s4+$0x0] =	vst.idx.msk $0xffff, v43  }
0x245: {  	v19 =	vadd.f32 v40, v9;
	v25 =	vadd.s32 s16, v0;
	v43 =	vadd.s32 s28, v0;
	[tilespmem:v38+s4+$0x0] =	vst.idx.msk $0xffff, v22  }
0x246: {  	v15 =	vor.u32 v18, v14;
	s16 =	sand.u32 $0x70, s18;
	v22 =	vand.u32 $0xF, v25;
	v38 =	vand.u32 $0xF, v43;
	v27 =	vld.idx.msk [tilespmem:v27+s24+$0x0], $0xffff;
	[tilespmem:v8+s4+$0x0] =	vst.idx.msk $0xffff, v20  }
0x247: {  	v8 =	vmovc v16;
	v40 =	vor.u32 s16, v22;
	v38 =	vor.u32 s16, v38;
	v22 =	vadd.s32 s15, v0;
	[tilespmem:v10+s4+$0x0] =	vst.idx.msk $0xffff, v19;
	v10 =	vmovc v26  }
0x248: {  	v46 =	vshll.u32 v40, $0x6;
	v19 =	vshll.u32 v38, $0x6;
	v47 =	vand.u32 $0x7, v22;
	[tilespmem:v34+s4+$0x0] =	vst.idx.msk $0xffff, v42;
	v26 =	vld.idx.msk [tilespmem:v39+s24+$0x0], $0xffff  }
0x249: {  	v14 =	vor.u32 v7, v40;
	v34 =	vor.u32 v0, v46;
	v39 =	vor.u32 v0, v19  }
0x24a: {  	v48 =	vand.u32 $0x7, v25;
	v42 =	vor.u32 v1, v40;
	v14 =	vand.u32 $0x1FF8, v14  }
0x24b: {  	v20 =	vand.u32 $0x7, v43;
	v49 =	vor.u32 v3, v40;
	v16 =	vor.u32 v48, v14  }
0x24c: {  	v25 =	vor.u32 v1, v38;
	v14 =	vand.u32 $0xF, v41;
	v27 =	vadd.f32 v27, v13;
	v33 =	vld.idx.msk [tilespmem:v33+s24+$0x0], $0xffff  }
0x24d: {  	v18 =	vand.u32 $0x7, v41;
	v41 =	vand.u32 $0xF, v22;
	v14 =	vor.u32 s16, v14;
	v31 =	vld.idx.msk [tilespmem:v31+s24+$0x0], $0xffff  }
0x24e: {  	v43 =	vand.u32 $0x7F8, v25;
	v50 =	vor.u32 s16, v41;
	v22 =	vshll.u32 v14, $0x6;
	[tilespmem:v21+s4+$0x0] =	vst.idx.msk $0xffff, v27  }
0x24f: {  	v25 =	vshll.u32 v50, $0x6;
	v21 =	vor.u32 v1, v14;
	v27 =	vand.u32 $0x7F8, v42;
	v37 =	vld.idx.msk [tilespmem:v37+s24+$0x0], $0xffff  }
0x250: {  	v42 =	vor.u32 v20, v43;
	v43 =	vor.u32 v6, v25;
	v41 =	vor.u32 v48, v27;
	v34 =	vld.idx.msk [tilespmem:v34+s24+$0x0], $0xffff  }
0x251: {  	v51 =	vor.u32 v0, v22;
	v52 =	vor.u32 v0, v25;
	v27 =	vor.u32 v2, v22;
	v39 =	vld.idx.msk [tilespmem:v39+s24+$0x0], $0xffff  }
0x252: {  	v53 =	vor.u32 v2, v46;
	v26 =	vadd.f32 v26, v12;
	v33 =	vadd.f32 v33, v13  }
0x253: {  	v54 =	vand.u32 $0x7F8, v21;
	v21 =	vor.u32 v3, v14;
	v55 =	vadd.f32 v31, v12  }
0x254: {  	v56 =	vor.u32 v7, v50;
	v21 =	vand.u32 $0xFF8, v21;
	v31 =	vor.u32 v1, v50;
	[tilespmem:v36+s4+$0x0] =	vst.idx.msk $0xffff, v33  }
0x255: {  	v21 =	vor.u32 v18, v21;
	v36 =	vor.u32 v3, v50;
	v33 =	vadd.f32 v37, v12;
	v37 =	vld.idx.msk [tilespmem:v44+s24+$0x0], $0xffff  }
0x256: {  	v57 =	vor.u32 v5, v38;
	v54 =	vor.u32 v18, v54;
	v44 =	vand.u32 $0x1FF8, v56;
	[tilespmem:v45+s4+$0x0] =	vst.idx.msk $0xffff, v26  }
0x257: {  	v39 =	vadd.f32 v39, v11;
	v45 =	vor.u32 v2, v19;
	v26 =	vor.u32 v47, v44;
	v52 =	vld.idx.msk [tilespmem:v52+s24+$0x0], $0xffff  }
0x258: {  	v34 =	vadd.f32 v34, v11;
	v56 =	vor.u32 v7, v38;
	v44 =	vor.u32 v5, v14;
	v32 =	vld.idx.msk [tilespmem:v32+s24+$0x0], $0xffff  }
0x259: {  	v40 =	vor.u32 v5, v40;
	v58 =	vand.u32 $0x17F8, v44;
	v44 =	vand.u32 $0xFF8, v49;
	v51 =	vld.idx.msk [tilespmem:v51+s24+$0x0], $0xffff;
	[tilespmem:v29+s4+$0x0] =	vst.idx.msk $0xffff, v33  }
0x25a: {  	v29 =	vand.u32 $0x7F8, v31;
	v33 =	vor.u32 v2, v25;
	[tilespmem:v41+s4+$0x0] =	vst.idx.msk $0xffff, v34;
	v34 =	vor.u32 v48, v44  }
0x25b: {  	v38 =	vor.u32 v3, v38;
	v31 =	vor.u32 v4, v46;
	[tilespmem:v23+s4+$0x0] =	vst.idx.msk $0xffff, v55  }
0x25c: {  	v38 =	vand.u32 $0xFF8, v38;
	v37 =	vadd.f32 v37, v12;
	v23 =	vand.u32 $0x17F8, v40;
	v49 =	vld.idx.msk [tilespmem:v53+s24+$0x0], $0xffff;
	[tilespmem:v42+s4+$0x0] =	vst.idx.msk $0xffff, v39  }
0x25d: {  	v38 =	vor.u32 v20, v38;
	v42 =	vadd.f32 v52, v11;
	v52 =	vor.u32 v47, v29;
	v35 =	vld.idx.msk [tilespmem:v35+s24+$0x0], $0xffff  }
0x25e: {  	v36 =	vand.u32 $0xFF8, v36;
	v23 =	vor.u32 v48, v23;
	v29 =	vand.u32 $0x1FF8, v56;
	v41 =	vld.idx.msk [tilespmem:v24+s24+$0x0], $0xffff;
	[tilespmem:v28+s4+$0x0] =	vst.idx.msk $0xffff, v37  }
.Ltmp6:
0x25f: {  	v39 =	vor.u32 v20, v29;
	v37 =	vor.u32 v4, v22;
	v28 =	vadd.f32 v32, v9;
	v44 =	vld.idx.msk [tilespmem:v45+s24+$0x0], $0xffff;
	(pc) =	sbr.rel @p0 .LBB2_13-.Ltmp6, $4  }
0x260: {  	v29 =	vor.u32 v18, v58;
	v24 =	vor.u32 v6, v46;
	v32 =	vor.u32 v5, v50;
	v40 =	vld.idx.msk [tilespmem:v17+s24+$0x0], $0xffff  }
0x261: {  	v36 =	vor.u32 v47, v36;
	v45 =	vadd.f32 v51, v11;
	v46 =	vand.u32 $0x17F8, v32;
	[tilespmem:v30+s4+$0x0] =	vst.idx.msk $0xffff, v28  }
0x262: {  	v32 =	vor.u32 v6, v19;
	v17 =	vmov v43;
	v28 =	vor.u32 v47, v46;
	[tilespmem:v52+s4+$0x0] =	vst.idx.msk $0xffff, v42  }
0x263: {  	v30 =	vand.u32 $0x17F8, v57;
	v42 =	vadd.f32 v49, v13;
	v43 =	vadd.f32 v35, v9;
	[tilespmem:v54+s4+$0x0] =	vst.idx.msk $0xffff, v45  }
0x264: {  	_ =	sdelay $0x3  }
0x265: {  	v11 =	vld.idx.msk [tilespmem:v27+s24+$0x0], $0xffff;
	v19 =	vor.u32 v4, v19  }
0x266: {  	v53 =	vld.idx.msk [tilespmem:v33+s24+$0x0], $0xffff  }
0x267: {  	v54 =	vadd.f32 v44, v13;
	_ =	sdelay $0x1  }
0x268: {  	v25 =	vor.u32 v4, v25;
	[tilespmem:v38+s4+$0x0] =	vst.idx.msk $0xffff, v54  }
0x269: {  	v11 =	vadd.f32 v11, v13;
	v19 =	vld.idx.msk [tilespmem:v19+s24+$0x0], $0xffff  }
0x26a: {  	[tilespmem:v34+s4+$0x0] =	vst.idx.msk $0xffff, v42;
	v55 =	vadd.f32 v53, v13  }
0x26b: {  	v20 =	vor.u32 v20, v30;
	v57 =	vld.idx.msk [tilespmem:v31+s24+$0x0], $0xffff;
	[tilespmem:v21+s4+$0x0] =	vst.idx.msk $0xffff, v11  }
0x26c: {  	[tilespmem:v36+s4+$0x0] =	vst.idx.msk $0xffff, v55;
	v56 =	vld.idx.msk [tilespmem:v37+s24+$0x0], $0xffff  }
0x26d: {  	v11 =	vld.idx.msk [tilespmem:v25+s24+$0x0], $0xffff  }
0x26e: {  	v19 =	vadd.f32 v19, v12  }
0x26f: {  	v22 =	vor.u32 v6, v22  }
0x270: {  	v21 =	vadd.f32 v57, v12;
	[tilespmem:v20+s4+$0x0] =	vst.idx.msk $0xffff, v19  }
0x271: {  	v13 =	vadd.f32 v56, v12;
	v19 =	vld.idx.msk [tilespmem:v32+s24+$0x0], $0xffff  }
0x272: {  	[tilespmem:v23+s4+$0x0] =	vst.idx.msk $0xffff, v21;
	v11 =	vadd.f32 v11, v12  }
0x273: {  	v59 =	vld.idx.msk [tilespmem:v24+s24+$0x0], $0xffff;
	[tilespmem:v29+s4+$0x0] =	vst.idx.msk $0xffff, v13  }
0x274: {  	v58 =	vor.u32 v7, v14;
	v60 =	vadd.f32 v41, v9;
	[tilespmem:v28+s4+$0x0] =	vst.idx.msk $0xffff, v11;
	v13 =	vld.idx.msk [tilespmem:v22+s24+$0x0], $0xffff  }
0x275: {  	v12 =	vand.u32 $0x1FF8, v58;
	v17 =	vld.idx.msk [tilespmem:v17+s24+$0x0], $0xffff  }
0x276: {  	[tilespmem:v8+s4+$0x0] =	vst.idx.msk $0xffff, v60;
	v12 =	vor.u32 v18, v12;
	v8 =	vadd.f32 v19, v9  }
0x277: {  	[tilespmem:v15+s4+$0x0] =	vst.idx.msk $0xffff, v43;
	v61 =	vadd.f32 v40, v9  }
0x278: {  	[tilespmem:v39+s4+$0x0] =	vst.idx.msk $0xffff, v8;
	v8 =	vadd.f32 v59, v9  }
0x279: {  	s12 =	sshll.u32 s12, $0x12;
	[tilespmem:v10+s4+$0x0] =	vst.idx.msk $0xffff, v61;
	v62 =	vadd.f32 v13, v9  }
0x27a: {  	s12 =	sor.u32 s6, s12;
	v63 =	vadd.f32 v17, v9;
	[tilespmem:v16+s4+$0x0] =	vst.idx.msk $0xffff, v8  }
0x27b: {  	s12 =	sshrl.u32 s12, $0x3;
	[tilespmem:v12+s4+$0x0] =	vst.idx.msk $0xffff, v62  }
0x27c: {  	s15 =	sadd.s32 s5, s12;
	[tilespmem:v26+s4+$0x0] =	vst.idx.msk $0xffff, v63  }
0x27d: {  	[hbm4b:s15+s1] =	stream.linear.scatter [tilespmem:s4], [sflag:$0x6], $0x400, $0x38;
	[tilespmem:$0x15600] =	vst v63  }
0x27e: {  	s16 =	simm.s32 $0x13A00;
	s29 =	sadd.s32 s12, s7  }
0x27f: {  	[hbm4b:s29+s1] =	stream.linear.scatter [tilespmem:s16], [sflag:$0x6], $0x400, $0x38;
	[tilespmem:$0x15600] =	vst v63  }
0x280: {  	s18 =	simm.s32 $0x13E00;
	s16 =	sadd.s32 s12, s8  }
0x281: {  	[hbm4b:s16+s1] =	stream.linear.scatter [tilespmem:s18], [sflag:$0x6], $0x400, $0x38;
	[tilespmem:$0x15600] =	vst v63  }
0x282: {  	s28 =	sadd.s32 s12, s9;
	s29 =	simm.s32 $0x14200  }
0x283: {  	[hbm4b:s28+s1] =	stream.linear.scatter [tilespmem:s29], [sflag:$0x6], $0x400, $0x38;
	[tilespmem:$0x15600] =	vst v63  }
0x284: {  	s17 =	sadd.s32 $0x1, s17;
	s16 =	sadd.s32 s12, s10;
	s18 =	simm.s32 $0x14600  }
0x285: {  	[hbm4b:s16+s1] =	stream.linear.scatter [tilespmem:s18], [sflag:$0x6], $0x400, $0x38;
	[tilespmem:$0x15600] =	vst v63  }
0x286: {  	p0 =	sne.s32 s17, $0x32;
	s28 =	sadd.s32 s12, s11;
	s29 =	simm.s32 $0x14A00  }
0x287: {  	[hbm4b:s28+s1] =	stream.linear.scatter [tilespmem:s29], [sflag:$0x6], $0x400, $0x38;
	[tilespmem:$0x15600] =	vst v63  }
.Ltmp7:
0x288: {  	_ = 	snop;
	(pc) =	sbr.rel @p0 .LBB2_2-.Ltmp7, $4  }
0x289: {  	s18 =	sadd.s32 s12, s13;
	s28 =	simm.s32 $0x14E00  }
0x28a: {  	[hbm4b:s18+s1] =	stream.linear.scatter [tilespmem:s28], [sflag:$0x6], $0x400, $0x38;
	[tilespmem:$0x15600] =	vst v63  }
0x28b: {  	s12 =	sadd.s32 s12, s14;
	s29 =	simm.s32 $0x15200  }
0x28c: {  	[hbm4b:s12+s1] =	stream.linear.scatter [tilespmem:s29], [sflag:$0x6], $0x400, $0x38;
	[tilespmem:$0x15600] =	vst v63  }
0x28d: {  	_ =	swait.ge [sflag:s0], $0x400  }
0x28e: {  	[sflag:s0] =	ssyncset.done $0x0  }
0x28f: {  	[sflag:s0] =	ssyncadd.s32 $0xFFFFFC00  }
0x290: {  	_ =	swait.ge [sflag:s0], $0x400  }
0x291: {  	[sflag:s0] =	ssyncset.done $0x0  }
0x292: {  	[sflag:s0] =	ssyncadd.s32 $0xFFFFFC00  }
0x293: {  	_ =	swait.ge [sflag:s0], $0x400  }
0x294: {  	[sflag:s0] =	ssyncset.done $0x0  }
0x295: {  	[sflag:s0] =	ssyncadd.s32 $0xFFFFFC00  }
0x296: {  	_ =	swait.ge [sflag:s0], $0x400  }
0x297: {  	[sflag:s0] =	ssyncset.done $0x0  }
0x298: {  	[sflag:s0] =	ssyncadd.s32 $0xFFFFFC00  }
0x299: {  	_ =	swait.ge [sflag:s0], $0x400  }
0x29a: {  	[sflag:s0] =	ssyncset.done $0x0  }
0x29b: {  	[sflag:s0] =	ssyncadd.s32 $0xFFFFFC00  }
0x29c: {  	_ =	swait.ge [sflag:s0], $0x400  }
0x29d: {  	[sflag:s0] =	ssyncset.done $0x0  }
0x29e: {  	[sflag:s0] =	ssyncadd.s32 $0xFFFFFC00  }
0x29f: {  	_ =	swait.ge [sflag:s0], $0x400  }
0x2a0: {  	[sflag:s0] =	ssyncset.done $0x0  }
0x2a1: {  	[sflag:s0] =	ssyncadd.s32 $0xFFFFFC00  }
0x2a2: {  	_ =	swait.ge [sflag:s0], $0x400  }
0x2a3: {  	[sflag:s0] =	ssyncset.done $0x0  }
0x2a4: {  	[sflag:s0] =	ssyncadd.s32 $0xFFFFFC00  }
0x2a5: {  	_ =	swait.ge [sflag:s22], $0x400  }
0x2a6: {  	[sflag:s22] =	ssyncset.done $0x0  }
0x2a7: {  	[sflag:s22] =	ssyncadd.s32 $0xFFFFFC00  }
0x2a8: {  	_ =	swait.ge [sflag:s22], $0x400  }
0x2a9: {  	[sflag:s22] =	ssyncset.done $0x0  }
0x2aa: {  	[sflag:s22] =	ssyncadd.s32 $0xFFFFFC00  }
0x2ab: {  	_ =	swait.ge [sflag:s22], $0x400  }
0x2ac: {  	[sflag:s22] =	ssyncset.done $0x0  }
0x2ad: {  	[sflag:s22] =	ssyncadd.s32 $0xFFFFFC00  }
0x2ae: {  	_ =	swait.ge [sflag:s22], $0x400  }
0x2af: {  	[sflag:s22] =	ssyncset.done $0x0  }
0x2b0: {  	[sflag:s22] =	ssyncadd.s32 $0xFFFFFC00  }
0x2b1: {  	_ =	swait.ge [sflag:s22], $0x400  }
0x2b2: {  	[sflag:s22] =	ssyncset.done $0x0  }
0x2b3: {  	[sflag:s22] =	ssyncadd.s32 $0xFFFFFC00  }
0x2b4: {  	_ =	swait.ge [sflag:s22], $0x400  }
0x2b5: {  	[sflag:s22] =	ssyncset.done $0x0  }
0x2b6: {  	[sflag:s22] =	ssyncadd.s32 $0xFFFFFC00  }
0x2b7: {  	_ =	swait.ge [sflag:s22], $0x400  }
0x2b8: {  	[sflag:s22] =	ssyncset.done $0x0  }
0x2b9: {  	[sflag:s22] =	ssyncadd.s32 $0xFFFFFC00  }
0x2ba: {  	_ =	swait.ge [sflag:s22], $0x400  }
0x2bb: {  	s15 =	rddreg [dreg:$0x6]  }
0x2bc: {  	s12 =	rddreg [dreg:$0x5];
	s15 =	sadd.s32 $0x1, s15  }
0x2bd: {  	p0 =	sne.s32 s15, s12  }
.Ltmp8:
0x2be: {  	_ = 	snop;
	(pc) =	sbr.rel @p0 .LBB2_1-.Ltmp8, $3  }
0x2bf: {  	_ =	sdelay $0x1  }
0x2c0: {  	[sflag:s22] =	ssyncset.done $0x0  }
0x2c1: {  	[sflag:s22] =	ssyncadd.s32 $0xFFFFFC00  }
0x2c2: {  	_ =	sfence.sel $0x180000  }
0x2c3: {  	[bflag:$0x0] =	sbarrier.arrive $0xFFFF  }
0x2c4: {  	_ =	strace $0x9000004A  }
0x2c5: {  	s0 =	stileid.u32;
	[bflag:$0x2] =	sbarrier.arrive $0xFFFF  }
0x2c6: {  	p0 =	sne.s32 s0, $0x0;
	s0 =	rddreg [dreg:$0x2]  }
0x2c7: {  	s0 =	sadd.s32 @!p0 $0x100000, s0  }
0x2c8: {  	[sflag:s0] =	ssyncadd.tile.s32 @!p0 $0x1;
	_ =	shalt  }
.Lfunc_end2:
_tile_overlayer_lowered:
.L_overlay_start_2:
0x2c9: {  	(tag) =	ssettag $0x2  }
0x2ca: {  	s0 =	rddreg [dreg:$0x0];
	s2 =	stileid.u32  }
0x2cb: {  	s1 =	rddreg [dreg:$0x1];
	p0 =	sne.s32 s2, $0x0  }
0x2cc: {  	s3 =	rddreg [dreg:$0x2];
	[bflag:$0x3] =	sbarrier.arrive $0xFFFF;
	s2 =	simm.s32 @!p0 $0x1C07  }
0x2cd: {  	[timem:s3], [sflag:s2] =	dma.local @!p0 [hbm:s0], s1  }
0x2ce: {  	s0 =	simm.s32 @!p0 $0x7  }
0x2cf: {  	_ =	swait.ge @!p0 [sflag:s0], s1  }
0x2d0: {  	s1 =	ssub.s32 @!p0 $0x0, s1;
	[sflag:s0] =	ssyncset.done @!p0 $0x0  }
0x2d1: {  	[sflag:s0] =	ssyncadd.s32 @!p0 s1  }
0x2d2: {  	[bflag:$0x3] =	sbarrier.arrive $0xFFFF  }
0x2d3: {  	_ =	shalt  }

</sc_bundles>
